<compile_context>
chip_gen: v7x
topology: tpu7x:2x2x1
jax: 0.10.2.dev20260603
libtpu: 0.0.44.dev20260713+nightly
codegen_flags: <defaults>
</compile_context>

<pallas_src>
import jax
import jax.numpy as jnp
from jax import lax
from jax.experimental import pallas as pl
from jax.experimental.pallas import tpu as pltpu
from jax.experimental.pallas import tpu_sc as plsc

N = 10000
E = 160000
D = 256
ROW_BLK = 400

NC = 2
NS = 16
L = 16
NW = NC * NS
E_PAD = 163840
EPW = E_PAD // NW
G = 128
NCHUNK = EPW // G


DW = D // 2


def _s1_body(a_hbm, b_hbm, sd_hbm, w2e_hbm, w2o_hbm, b2_hbm,
             temp_hbm,
             masks_hbm, cnt_hbm,
             idx0, arow0, brow0, idx1, arow1, brow1,
             w2e_v, w2o_v, b2_v, temp_v, mask_v, cnt_v,
             sem_a0, sem_b0, sem_a1, sem_b1):
    wid = lax.axis_index("c") * NS + lax.axis_index("s")
    base = wid * EPW
    pltpu.sync_copy(w2e_hbm, w2e_v)
    pltpu.sync_copy(w2o_hbm, w2o_v)
    pltpu.sync_copy(b2_hbm, b2_v)
    pltpu.sync_copy(temp_hbm, temp_v)
    b2 = b2_v[...]
    et = jnp.exp(temp_v[...])
    ngrp = G // L
    eids = [lax.iota(jnp.int32, L) + (g * L) for g in range(ngrp)]

    def issue(c, idx, arow, brow, sem_a, sem_b):
        off = 2 * (base + c * G)
        pltpu.sync_copy(sd_hbm.at[pl.ds(off, 2 * G)], idx)
        pltpu.async_copy(a_hbm.at[idx.at[pl.ds(0, G)]], arow, sem_a)
        pltpu.async_copy(b_hbm.at[idx.at[pl.ds(G, G)]], brow, sem_b)

    def wait(idx, arow, brow, sem_a, sem_b):
        pltpu.make_async_copy(a_hbm.at[idx.at[pl.ds(0, G)]], arow,
                              sem_a).wait()
        pltpu.make_async_copy(b_hbm.at[idx.at[pl.ds(G, G)]], brow,
                              sem_b).wait()

    def compute(c, arow, brow, cnt):
        off = base + c * G

        init = (tuple(jnp.zeros((L,), jnp.float32) for _ in range(ngrp)),
                jnp.zeros((L,), jnp.int32))

        @plsc.parallel_loop(0, DW, unroll=2, carry=init)
        def accs(k, carry):
            acc, kv = carry
            w2e = plsc.load_gather(w2e_v, [kv >> 4, kv & 15])
            w2o = plsc.load_gather(w2o_v, [kv >> 4, kv & 15])
            nacc = []
            for g in range(ngrp):
                a0, a1 = plsc.unpack(
                    plsc.bitcast(plsc.load_gather(arow, [eids[g], kv]),
                                 jnp.bfloat16),
                    format=plsc.PackFormat.INTERLEAVED)
                b0, b1 = plsc.unpack(
                    plsc.bitcast(plsc.load_gather(brow, [eids[g], kv]),
                                 jnp.bfloat16),
                    format=plsc.PackFormat.INTERLEAVED)
                nacc.append(acc[g]
                            + jnp.maximum(a0 + b0, 0.0) * w2e
                            + jnp.maximum(a1 + b1, 0.0) * w2o)
            return (tuple(nacc), kv + 1)

        accs = accs[0]

        for g in range(ngrp):
            logit = accs[g] + b2
            imp = 1.0 / (1.0 + jnp.exp(-logit))
            m = 1.0 / (1.0 + jnp.exp(-(imp - 0.5) * et))
            gid = off + g * L + lax.iota(jnp.int32, L)
            valid = gid < E
            m = jnp.where(valid, m, 0.0)
            mask_v[pl.ds(g * L, L)] = m
            cnt = cnt + jnp.where(valid & (m < 0.5), 1.0, 0.0)
        pltpu.sync_copy(mask_v, masks_hbm.at[pl.ds(off, G)])
        return cnt

    issue(0, idx0, arow0, brow0, sem_a0, sem_b0)

    def pair(i, cnt):
        c0 = 2 * i
        issue(c0 + 1, idx1, arow1, brow1, sem_a1, sem_b1)
        wait(idx0, arow0, brow0, sem_a0, sem_b0)
        cnt = compute(c0, arow0, brow0, cnt)

        @pl.when(c0 + 2 < NCHUNK)
        def _():
            issue(c0 + 2, idx0, arow0, brow0, sem_a0, sem_b0)

        wait(idx1, arow1, brow1, sem_a1, sem_b1)
        return compute(c0 + 1, arow1, brow1, cnt)

    cnt = lax.fori_loop(0, NCHUNK // 2, pair,
                        jnp.zeros((L,), jnp.float32))
    cnt_v[...] = cnt
    pltpu.sync_copy(cnt_v, cnt_hbm.at[wid])


def _s1(Au, Bu, sd, w2e, w2o, b2v, tempv):
    mesh = plsc.VectorSubcoreMesh(core_axis_name="c", subcore_axis_name="s",
                                  num_cores=NC, num_subcores=NS)
    return pl.kernel(
        _s1_body,
        out_type=[jax.ShapeDtypeStruct((E_PAD,), jnp.float32),
                  jax.ShapeDtypeStruct((NW, L), jnp.float32)],
        mesh=mesh,
        compiler_params=pltpu.CompilerParams(needs_layout_passes=False,
                                             use_tc_tiling_on_sc=False),
        scratch_types=[
            pltpu.VMEM((2 * G,), jnp.int32),
            pltpu.VMEM((G, DW), jnp.int32),
            pltpu.VMEM((G, DW), jnp.int32),
            pltpu.VMEM((2 * G,), jnp.int32),
            pltpu.VMEM((G, DW), jnp.int32),
            pltpu.VMEM((G, DW), jnp.int32),
            pltpu.VMEM((DW // L, L), jnp.float32),
            pltpu.VMEM((DW // L, L), jnp.float32),
            pltpu.VMEM((L,), jnp.float32),
            pltpu.VMEM((L,), jnp.float32),
            pltpu.VMEM((G,), jnp.float32),
            pltpu.VMEM((L,), jnp.float32),
            pltpu.SemaphoreType.DMA,
            pltpu.SemaphoreType.DMA,
            pltpu.SemaphoreType.DMA,
            pltpu.SemaphoreType.DMA,
        ],
    )(Au, Bu, sd, w2e, w2o, b2v, tempv)


DH = 128
NP = 10240
RPT = NP // NS
EPT = E_PAD // NS
G2 = 128
NCHUNK2 = EPT // G2


DWH = DH // 2


def _s2_body(hs_hbm, src2_hbm, dst_hbm, masks2_hbm, z_hbm,
             agg_hbm,
             spmem, idx_s0, idx_d0, mrow0, urow0,
             idx_s1, idx_d1, mrow1, urow1, frow, sem0, sem1):
    c = lax.axis_index("c")
    s = lax.axis_index("s")
    pltpu.sync_copy(z_hbm, spmem.at[pl.ds(s * RPT, RPT)])
    plsc.subcore_barrier()
    ebase = s * EPT
    kcs = [lax.iota(jnp.int32, L) + (16 * j) for j in range(DWH // L)]
    sev = [lax.iota(jnp.int32, L) * 2 + (32 * j) for j in range(DWH // L)]

    def issue(ch, idx_s, idx_d, mrow, urow, sem):
        off = ebase + ch * G2
        pltpu.sync_copy(src2_hbm.at[c, pl.ds(off, G2)], idx_s)
        pltpu.sync_copy(dst_hbm.at[pl.ds(off, G2)], idx_d)
        pltpu.sync_copy(masks2_hbm.at[pl.ds(off // L, G2 // L)], mrow)
        pltpu.async_copy(hs_hbm.at[idx_s], urow, sem)

    def wait(idx_s, urow, sem):
        pltpu.make_async_copy(hs_hbm.at[idx_s], urow, sem).wait()

    def compute(idx_d, mrow, urow):
        @plsc.parallel_loop(0, G2, unroll=2,
                            carry=jnp.zeros((L,), jnp.int32))
        def _(e, ev):
            m = plsc.load_gather(mrow, [ev >> 4, ev & 15])
            for j in range(DWH // L):
                lo, hi = plsc.unpack(
                    plsc.bitcast(plsc.load_gather(urow, [ev, kcs[j]]),
                                 jnp.bfloat16),
                    format=plsc.PackFormat.INTERLEAVED)
                plsc.store_scatter(frow, [ev, sev[j]], lo * m)
                plsc.store_scatter(frow, [ev, sev[j] + 1], hi * m)
            return ev + 1

        pltpu.sync_copy(frow, spmem.at[idx_d], add=True)

    issue(0, idx_s0, idx_d0, mrow0, urow0, sem0)

    def pair(i, carry):
        c0 = 2 * i
        issue(c0 + 1, idx_s1, idx_d1, mrow1, urow1, sem1)
        wait(idx_s0, urow0, sem0)
        compute(idx_d0, mrow0, urow0)

        @pl.when(c0 + 2 < NCHUNK2)
        def _():
            issue(c0 + 2, idx_s0, idx_d0, mrow0, urow0, sem0)

        wait(idx_s1, urow1, sem1)
        compute(idx_d1, mrow1, urow1)
        return carry

    lax.fori_loop(0, NCHUNK2 // 2, pair, jnp.int32(0))
    plsc.subcore_barrier()
    pltpu.sync_copy(spmem.at[pl.ds(s * RPT, RPT)],
                    agg_hbm.at[c, pl.ds(s * RPT, RPT)])


def _s2(hflat, src2, dstp, masks2, zrows):
    mesh = plsc.VectorSubcoreMesh(core_axis_name="c", subcore_axis_name="s",
                                  num_cores=NC, num_subcores=NS)
    return pl.kernel(
        _s2_body,
        out_type=jax.ShapeDtypeStruct((NC, NP, DH), jnp.float32),
        mesh=mesh,
        compiler_params=pltpu.CompilerParams(needs_layout_passes=False,
                                             use_tc_tiling_on_sc=False),
        scratch_types=[
            pltpu.VMEM_SHARED((NP, DH), jnp.float32),
            pltpu.VMEM((G2,), jnp.int32),
            pltpu.VMEM((G2,), jnp.int32),
            pltpu.VMEM((G2 // L, L), jnp.float32),
            pltpu.VMEM((G2, DWH), jnp.int32),
            pltpu.VMEM((G2,), jnp.int32),
            pltpu.VMEM((G2,), jnp.int32),
            pltpu.VMEM((G2 // L, L), jnp.float32),
            pltpu.VMEM((G2, DWH), jnp.int32),
            pltpu.VMEM((G2, DH), jnp.float32),
            pltpu.SemaphoreType.DMA,
            pltpu.SemaphoreType.DMA,
        ],
    )(hflat, src2, dstp, masks2, zrows)


def _t1_body(x_ref, wc_ref, bc_ref, w1a_ref, b1_ref, w1b_ref,
             hs_ref, a_ref, bm_ref):
    h = jax.nn.relu(
        jnp.dot(x_ref[...], wc_ref[...], preferred_element_type=jnp.float32)
        + bc_ref[...][None, :])
    hb = h.astype(jnp.bfloat16)
    hs_ref[0] = hb[:, :DH]
    hs_ref[1] = hb[:, DH:]
    a_ref[...] = (jnp.dot(h, w1a_ref[...], preferred_element_type=jnp.float32)
                  + b1_ref[...][None, :]).astype(jnp.bfloat16)
    bm_ref[...] = jnp.dot(
        h, w1b_ref[...],
        preferred_element_type=jnp.float32).astype(jnp.bfloat16)


def _t1(x, wc, bc, w1a, b1, w1b):
    grid = (N // ROW_BLK,)
    blk = pl.BlockSpec((ROW_BLK, D), lambda i: (i, 0))
    full = pl.BlockSpec((D, D), lambda i: (0, 0))
    vec = pl.BlockSpec((D,), lambda i: (0,))
    return pl.pallas_call(
        _t1_body,
        grid=grid,
        in_specs=[blk, full, vec, full, vec, full],
        out_specs=[pl.BlockSpec((NC, ROW_BLK, DH), lambda i: (0, i, 0)),
                   blk, blk],
        out_shape=[jax.ShapeDtypeStruct((NC, N, DH), jnp.bfloat16),
                   jax.ShapeDtypeStruct((N, D), jnp.bfloat16),
                   jax.ShapeDtypeStruct((N, D), jnp.bfloat16)],
    )(x, wc, bc, w1a, b1, w1b)


def _mid_matmul(a0_ref, a1_ref, w_ref, b_ref):
    return jax.nn.relu(
        jnp.dot(a0_ref[0], w_ref[...][:DH, :],
                preferred_element_type=jnp.float32)
        + jnp.dot(a1_ref[0], w_ref[...][DH:, :],
                  preferred_element_type=jnp.float32)
        + b_ref[...][None, :])


def _t2_body(a0_ref, a1_ref, w_ref, b_ref, hs_ref):
    x = _mid_matmul(a0_ref, a1_ref, w_ref, b_ref).astype(jnp.bfloat16)
    hs_ref[0] = x[:, :DH]
    hs_ref[1] = x[:, DH:]


def _t2(agg, w, b):
    grid = (N // ROW_BLK,)
    return pl.pallas_call(
        _t2_body,
        grid=grid,
        in_specs=[pl.BlockSpec((1, ROW_BLK, DH), lambda i: (0, i, 0)),
                  pl.BlockSpec((1, ROW_BLK, DH), lambda i: (1, i, 0)),
                  pl.BlockSpec((D, D), lambda i: (0, 0)),
                  pl.BlockSpec((D,), lambda i: (0,))],
        out_specs=pl.BlockSpec((NC, ROW_BLK, DH), lambda i: (0, i, 0)),
        out_shape=jax.ShapeDtypeStruct((NC, N, DH), jnp.bfloat16),
    )(agg, agg, w, b)


def _t3_body(a0_ref, a1_ref, w_ref, b_ref, cnt_ref, h_ref, sp_ref):
    h_ref[...] = _mid_matmul(a0_ref, a1_ref, w_ref, b_ref)

    @pl.when(pl.program_id(0) == 0)
    def _():
        sp_ref[0, 0] = jnp.sum(cnt_ref[...]) * (1.0 / E)


def _t3(agg, w, b, cnt):
    grid = (N // ROW_BLK,)
    return pl.pallas_call(
        _t3_body,
        grid=grid,
        in_specs=[pl.BlockSpec((1, ROW_BLK, DH), lambda i: (0, i, 0)),
                  pl.BlockSpec((1, ROW_BLK, DH), lambda i: (1, i, 0)),
                  pl.BlockSpec((D, D), lambda i: (0, 0)),
                  pl.BlockSpec((D,), lambda i: (0,)),
                  pl.BlockSpec((NW, L), lambda i: (0, 0))],
        out_specs=[pl.BlockSpec((ROW_BLK, D), lambda i: (i, 0)),
                   pl.BlockSpec(memory_space=pltpu.MemorySpace.SMEM)],
        out_shape=[jax.ShapeDtypeStruct((N, D), jnp.float32),
                   jax.ShapeDtypeStruct((1, 1), jnp.float32)],
    )(agg, agg, w, b, cnt)


def kernel(node_feats, edge_index, W_ctx, b_ctx, W_imp1, b_imp1, W_imp2,
           b_imp2, mask_temp, W_l0, b_l0, W_l1, b_l1):
    src = edge_index[0]
    dst = edge_index[1]
    w1a = W_imp1[:D, :]
    w1b = W_imp1[D:, :]
    hs, A, B = _t1(node_feats, W_ctx, b_ctx, w1a, b_imp1, w1b)

    pad = jnp.zeros((E_PAD - E,), jnp.int32)
    srcp = jnp.concatenate([src, pad])
    dstp = jnp.concatenate([dst, pad])
    b2v = jnp.broadcast_to(b_imp2, (L,))
    tempv = jnp.broadcast_to(mask_temp, (L,))
    Au = lax.bitcast_convert_type(A.reshape(N, DW, 2), jnp.int32)
    Bu = lax.bitcast_convert_type(B.reshape(N, DW, 2), jnp.int32)
    w2 = W_imp2[:, 0]
    w2e = w2[0::2].reshape(DW // L, L)
    w2o = w2[1::2].reshape(DW // L, L)
    sd = jnp.stack([srcp.reshape(-1, G), dstp.reshape(-1, G)],
                   axis=1).reshape(-1)
    masksP, cnt = _s1(Au, Bu, sd, w2e, w2o, b2v, tempv)
    masks = masksP[:E]

    src2 = jnp.stack([srcp, srcp + N])
    masks2 = masksP.reshape(-1, L)
    zrows = jnp.zeros((RPT, DH), jnp.float32)

    def _pack(hsx):
        return lax.bitcast_convert_type(
            hsx.reshape(NC * N, DWH, 2), jnp.int32)

    agg = _s2(_pack(hs), src2, dstp, masks2, zrows)
    hs1 = _t2(agg, W_l0, b_l0)
    agg2 = _s2(_pack(hs1), src2, dstp, masks2, zrows)
    h2, sp = _t3(agg2, W_l1, b_l1, cnt)
    return h2, masks, sp[0, 0]

# --- scband reference (transcript-rebuilt; emitter-appended) ---
"""Pipeline reference for scband-soft-mask-gnn-1400159339041 (READ-ONLY COPY).

The authoritative reference and input builder live on the scoring server;
editing this copy changes nothing except your own understanding.
"""

import jax, jax.numpy as jnp
import numpy as np

N = 10000
E = 160000
IN_DIM = 256
HID = 256


def setup_inputs(seed: int = 0) -> dict:
    key = jax.random.key(seed)
    ks = jax.random.split(key, 16)
    s = 0.02
    inp = {}
    inp['node_feats'] = jax.random.normal(ks[0], (N, IN_DIM), dtype=jnp.float32)
    inp['edge_index'] = jax.random.randint(ks[1], (2, E), 0, N, dtype=jnp.int32)
    # context_transform Linear(in_dim, hidden_dim)
    inp['W_ctx'] = jax.random.normal(ks[2], (IN_DIM, HID), dtype=jnp.float32) * s
    inp['b_ctx'] = jnp.zeros((HID,), dtype=jnp.float32)
    # edge_importance: Linear(2*hid, hid) -> ReLU -> Linear(hid, 1) -> Sigmoid
    inp['W_imp1'] = jax.random.normal(ks[3], (2 * HID, HID), dtype=jnp.float32) * s
    inp['b_imp1'] = jnp.zeros((HID,), dtype=jnp.float32)
    inp['W_imp2'] = jax.random.normal(ks[4], (HID, 1), dtype=jnp.float32) * s
    inp['b_imp2'] = jnp.zeros((1,), dtype=jnp.float32)
    # learnable mask temperature (initialized to 1.0 as in final assignment)
    inp['mask_temp'] = jnp.array(1.0, dtype=jnp.float32)
    # message-passing layers: Linear(hid, hid) x num_layers
    inp['W_l0'] = jax.random.normal(ks[5], (HID, HID), dtype=jnp.float32) * s
    inp['b_l0'] = jnp.zeros((HID,), dtype=jnp.float32)
    inp['W_l1'] = jax.random.normal(ks[6], (HID, HID), dtype=jnp.float32) * s
    inp['b_l1'] = jnp.zeros((HID,), dtype=jnp.float32)
    return inp


def reference(node_feats, edge_index, W_ctx, b_ctx, W_imp1, b_imp1, W_imp2, b_imp2, mask_temp, W_l0, b_l0, W_l1, b_l1):
    # No role metadata on a plain graph -> context_transform branch
    h = jax.nn.relu(node_feats @ W_ctx + b_ctx)
    src = edge_index[0]
    dst = edge_index[1]
    # per-edge feature: concat(h[src], h[dst])  (vectorized form of the python loop)
    ef = jnp.concatenate([jnp.take(h, src, axis=0), jnp.take(h, dst, axis=0)], axis=1)
    hid = jax.nn.relu(ef @ W_imp1 + b_imp1)
    edge_importances = jax.nn.sigmoid(hid @ W_imp2 + b_imp2)[:, 0]
    # eval mode: no training noise, edge_weights=None
    edge_masks = jax.nn.sigmoid((edge_importances - 0.5) * jnp.exp(mask_temp))
    # masked message passing (scatter-add of masked source messages) per layer
    for W, b in ((W_l0, b_l0), (W_l1, b_l1)):
        msg = jnp.take(h, src, axis=0) * edge_masks[:, None]
        agg = jax.ops.segment_sum(msg, dst, num_segments=h.shape[0])
        h = jax.nn.relu(agg @ W + b)
    sparsity = jnp.mean((edge_masks < 0.5).astype(jnp.float32))
    return h, edge_masks, sparsity

if __name__ == "__main__":
    import jax
    _d = setup_inputs()
    print(jax.jit(kernel)(*tuple(_d.values())))

</pallas_src>

<mosaic_0001>
#map = affine_map<(d0, d1) -> (0, 0)>
#map1 = affine_map<(d0, d1) -> (0)>
#map2 = affine_map<(d0, d1) -> (0, 0, 0)>
module attributes {stable_mosaic.version = 14 : i64} {
  func.func @_s2_body(%arg0: i32, %arg1: i32, %arg2: memref<20000x64xi32, #tpu.memory_space<hbm>>, %arg3: memref<2x163840xi32, #tpu.memory_space<hbm>>, %arg4: memref<163840xi32, #tpu.memory_space<hbm>>, %arg5: memref<10240x16xf32, #tpu.memory_space<hbm>>, %arg6: memref<640x128xf32, #tpu.memory_space<hbm>>, %arg7: memref<2x10240x128xf32, #tpu.memory_space<hbm>>, %arg8: memref<10240x128xf32, #tpu.memory_space<vmem_shared>>, %arg9: memref<128xi32, #tpu.memory_space<vmem>>, %arg10: memref<128xi32, #tpu.memory_space<vmem>>, %arg11: memref<8x16xf32, #tpu.memory_space<vmem>>, %arg12: memref<128x64xi32, #tpu.memory_space<vmem>>, %arg13: memref<128xi32, #tpu.memory_space<vmem>>, %arg14: memref<128xi32, #tpu.memory_space<vmem>>, %arg15: memref<8x16xf32, #tpu.memory_space<vmem>>, %arg16: memref<128x64xi32, #tpu.memory_space<vmem>>, %arg17: memref<128x128xf32, #tpu.memory_space<vmem>>, %arg18: memref<!tpu.dma_semaphore, #tpu.memory_space<semaphore_mem>>, %arg19: memref<!tpu.dma_semaphore, #tpu.memory_space<semaphore_mem>>) attributes {dimension_semantics = [#tpu.dimension_semantics<core_parallel>, #tpu.dimension_semantics<subcore_parallel>], iteration_bounds = array<i64: 2, 16>, scalar_prefetch = 0 : i64, scratch_operands = 12 : i64, tpu.core_type = #tpu.core_type<sc_vector_subcore>, window_params = [{transform_indices = #map}, {transform_indices = #map}, {transform_indices = #map1}, {transform_indices = #map}, {transform_indices = #map}, {transform_indices = #map2}]} {
    %mul3A = arith.constant 640 : i32
    %mul3A_0 = arith.muli %arg1, %mul3A : i32
    "tpu.region"() ({
      %run_scoped3A = tpu.sem_alloc : memref<!tpu.dma_semaphore, #tpu.memory_space<semaphore_mem>>
      %dma_start3A_75 = arith.constant 0 : i32
      %dma_start3A_76 = tpu.memref_slice %arg8[%mul3A_0, %dma_start3A_75] : memref<10240x128xf32, #tpu.memory_space<vmem_shared>> -> memref<640x128xf32, #tpu.memory_space<vmem_shared>>
      tpu.enqueue_dma source(%arg6 : memref<640x128xf32, #tpu.memory_space<hbm>>) target(%dma_start3A_76 : memref<640x128xf32, #tpu.memory_space<vmem_shared>>) target_semaphore(%run_scoped3A : memref<!tpu.dma_semaphore, #tpu.memory_space<semaphore_mem>>)
      %dma_wait3A = arith.constant 0 : i32
      %dma_wait3A_77 = tpu.memref_slice %arg8[%mul3A_0, %dma_wait3A] : memref<10240x128xf32, #tpu.memory_space<vmem_shared>> -> memref<640x128xf32, #tpu.memory_space<vmem_shared>>
      tpu.wait_dma2 semaphore(%run_scoped3A : memref<!tpu.dma_semaphore, #tpu.memory_space<semaphore_mem>>) src(%arg6 : memref<640x128xf32, #tpu.memory_space<hbm>>) dst(%dma_wait3A_77 : memref<640x128xf32, #tpu.memory_space<vmem_shared>>)
      tpu.yield
    }) : () -> ()
    %barrier3A = arith.constant 0 : index
    tpu.barrier barrier_id(%barrier3A)
    %mul3A_1 = arith.constant 10240 : i32
    %mul3A_2 = arith.muli %arg1, %mul3A_1 : i32
    %iota3A = tpu.iota {dimensions = array<i32: 0>} : vector<16xi32>
    %add3A = arith.constant 0 : i32
    %add3A_3 = vector.broadcast %add3A : i32 to vector<16xi32>
    %add3A_4 = arith.addi %iota3A, %add3A_3 : vector<16xi32>
    %iota3A_5 = tpu.iota {dimensions = array<i32: 0>} : vector<16xi32>
    %add3A_6 = arith.constant 16 : i32
    %add3A_7 = vector.broadcast %add3A_6 : i32 to vector<16xi32>
    %add3A_8 = arith.addi %iota3A_5, %add3A_7 : vector<16xi32>
    %iota3A_9 = tpu.iota {dimensions = array<i32: 0>} : vector<16xi32>
    %add3A_10 = arith.constant 32 : i32
    %add3A_11 = vector.broadcast %add3A_10 : i32 to vector<16xi32>
    %add3A_12 = arith.addi %iota3A_9, %add3A_11 : vector<16xi32>
    %iota3A_13 = tpu.iota {dimensions = array<i32: 0>} : vector<16xi32>
    %add3A_14 = arith.constant 48 : i32
    %add3A_15 = vector.broadcast %add3A_14 : i32 to vector<16xi32>
    %add3A_16 = arith.addi %iota3A_13, %add3A_15 : vector<16xi32>
    %iota3A_17 = tpu.iota {dimensions = array<i32: 0>} : vector<16xi32>
    %mul3A_18 = arith.constant 2 : i32
    %mul3A_19 = vector.broadcast %mul3A_18 : i32 to vector<16xi32>
    %mul3A_20 = arith.muli %iota3A_17, %mul3A_19 : vector<16xi32>
    %add3A_21 = arith.constant 0 : i32
    %add3A_22 = vector.broadcast %add3A_21 : i32 to vector<16xi32>
    %add3A_23 = arith.addi %mul3A_20, %add3A_22 : vector<16xi32>
    %iota3A_24 = tpu.iota {dimensions = array<i32: 0>} : vector<16xi32>
    %mul3A_25 = arith.constant 2 : i32
    %mul3A_26 = vector.broadcast %mul3A_25 : i32 to vector<16xi32>
    %mul3A_27 = arith.muli %iota3A_24, %mul3A_26 : vector<16xi32>
    %add3A_28 = arith.constant 32 : i32
    %add3A_29 = vector.broadcast %add3A_28 : i32 to vector<16xi32>
    %add3A_30 = arith.addi %mul3A_27, %add3A_29 : vector<16xi32>
    %iota3A_31 = tpu.iota {dimensions = array<i32: 0>} : vector<16xi32>
    %mul3A_32 = arith.constant 2 : i32
    %mul3A_33 = vector.broadcast %mul3A_32 : i32 to vector<16xi32>
    %mul3A_34 = arith.muli %iota3A_31, %mul3A_33 : vector<16xi32>
    %add3A_35 = arith.constant 64 : i32
    %add3A_36 = vector.broadcast %add3A_35 : i32 to vector<16xi32>
    %add3A_37 = arith.addi %mul3A_34, %add3A_36 : vector<16xi32>
    %iota3A_38 = tpu.iota {dimensions = array<i32: 0>} : vector<16xi32>
    %mul3A_39 = arith.constant 2 : i32
    %mul3A_40 = vector.broadcast %mul3A_39 : i32 to vector<16xi32>
    %mul3A_41 = arith.muli %iota3A_38, %mul3A_40 : vector<16xi32>
    %add3A_42 = arith.constant 96 : i32
    %add3A_43 = vector.broadcast %add3A_42 : i32 to vector<16xi32>
    %add3A_44 = arith.addi %mul3A_41, %add3A_43 : vector<16xi32>
    %add3A_45 = arith.constant 0 : i32
    %add3A_46 = arith.addi %mul3A_2, %add3A_45 : i32
    "tpu.region"() ({
      %run_scoped3A = tpu.sem_alloc : memref<!tpu.dma_semaphore, #tpu.memory_space<semaphore_mem>>
      %dma_start3A_75 = tpu.memref_slice %arg3[%arg0, %add3A_46] : memref<2x163840xi32, #tpu.memory_space<hbm>> -> memref<1x128xi32, #tpu.memory_space<hbm>>
      %dma_start3A_76 = tpu.memref_squeeze %dma_start3A_75 : memref<1x128xi32, #tpu.memory_space<hbm>> -> memref<128xi32, #tpu.memory_space<hbm>>
      %dma_start3A_77 = tpu.memref_slice %arg3[%arg0, %add3A_46] : memref<2x163840xi32, #tpu.memory_space<hbm>> -> memref<1x128xi32, #tpu.memory_space<hbm>>
      %dma_start3A_78 = tpu.memref_squeeze %dma_start3A_77 : memref<1x128xi32, #tpu.memory_space<hbm>> -> memref<128xi32, #tpu.memory_space<hbm>>
      tpu.enqueue_dma source(%dma_start3A_78 : memref<128xi32, #tpu.memory_space<hbm>>) target(%arg9 : memref<128xi32, #tpu.memory_space<vmem>>) target_semaphore(%run_scoped3A : memref<!tpu.dma_semaphore, #tpu.memory_space<semaphore_mem>>)
      %dma_wait3A = tpu.memref_slice %arg3[%arg0, %add3A_46] : memref<2x163840xi32, #tpu.memory_space<hbm>> -> memref<1x128xi32, #tpu.memory_space<hbm>>
      %dma_wait3A_79 = tpu.memref_squeeze %dma_wait3A : memref<1x128xi32, #tpu.memory_space<hbm>> -> memref<128xi32, #tpu.memory_space<hbm>>
      %dma_wait3A_80 = tpu.memref_slice %arg3[%arg0, %add3A_46] : memref<2x163840xi32, #tpu.memory_space<hbm>> -> memref<1x128xi32, #tpu.memory_space<hbm>>
      %dma_wait3A_81 = tpu.memref_squeeze %dma_wait3A_80 : memref<1x128xi32, #tpu.memory_space<hbm>> -> memref<128xi32, #tpu.memory_space<hbm>>
      tpu.wait_dma2 semaphore(%run_scoped3A : memref<!tpu.dma_semaphore, #tpu.memory_space<semaphore_mem>>) src(%dma_wait3A_81 : memref<128xi32, #tpu.memory_space<hbm>>) dst(%arg9 : memref<128xi32, #tpu.memory_space<vmem>>)
      tpu.yield
    }) : () -> ()
    "tpu.region"() ({
      %run_scoped3A = tpu.sem_alloc : memref<!tpu.dma_semaphore, #tpu.memory_space<semaphore_mem>>
      %dma_start3A_75 = tpu.memref_slice %arg4[%add3A_46] : memref<163840xi32, #tpu.memory_space<hbm>> -> memref<128xi32, #tpu.memory_space<hbm>>
      %dma_start3A_76 = tpu.memref_slice %arg4[%add3A_46] : memref<163840xi32, #tpu.memory_space<hbm>> -> memref<128xi32, #tpu.memory_space<hbm>>
      tpu.enqueue_dma source(%dma_start3A_76 : memref<128xi32, #tpu.memory_space<hbm>>) target(%arg10 : memref<128xi32, #tpu.memory_space<vmem>>) target_semaphore(%run_scoped3A : memref<!tpu.dma_semaphore, #tpu.memory_space<semaphore_mem>>)
      %dma_wait3A = tpu.memref_slice %arg4[%add3A_46] : memref<163840xi32, #tpu.memory_space<hbm>> -> memref<128xi32, #tpu.memory_space<hbm>>
      %dma_wait3A_77 = tpu.memref_slice %arg4[%add3A_46] : memref<163840xi32, #tpu.memory_space<hbm>> -> memref<128xi32, #tpu.memory_space<hbm>>
      tpu.wait_dma2 semaphore(%run_scoped3A : memref<!tpu.dma_semaphore, #tpu.memory_space<semaphore_mem>>) src(%dma_wait3A_77 : memref<128xi32, #tpu.memory_space<hbm>>) dst(%arg10 : memref<128xi32, #tpu.memory_space<vmem>>)
      tpu.yield
    }) : () -> ()
    %jit3A = arith.constant 16 : i32
    %div3A = arith.divsi %add3A_46, %jit3A : i32
    %sign3A = arith.constant 0 : i32
    %sign3A_47 = arith.cmpi sgt, %add3A_46, %sign3A : i32
    %sign3A_48 = arith.extui %sign3A_47 : i1 to i32
    %sign3A_49 = arith.constant 0 : i32
    %sign3A_50 = arith.cmpi slt, %add3A_46, %sign3A_49 : i32
    %sign3A_51 = arith.extui %sign3A_50 : i1 to i32
    %sign3A_52 = arith.subi %sign3A_48, %sign3A_51 : i32
    %sign3A_53 = arith.constant 0 : i32
    %sign3A_54 = arith.cmpi sgt, %jit3A, %sign3A_53 : i32
    %sign3A_55 = arith.extui %sign3A_54 : i1 to i32
    %sign3A_56 = arith.constant 0 : i32
    %sign3A_57 = arith.cmpi slt, %jit3A, %sign3A_56 : i32
    %sign3A_58 = arith.extui %sign3A_57 : i1 to i32
    %sign3A_59 = arith.subi %sign3A_55, %sign3A_58 : i32
    %ne3A = arith.cmpi ne, %sign3A_52, %sign3A_59 : i32
    %rem3A = arith.remsi %add3A_46, %jit3A : i32
    %ne3A_60 = arith.constant 0 : i32
    %ne3A_61 = arith.cmpi ne, %rem3A, %ne3A_60 : i32
    %and3A = arith.andi %ne3A, %ne3A_61 : i1
    %sub3A = arith.constant 1 : i32
    %sub3A_62 = arith.subi %div3A, %sub3A : i32
    %select_n3A = arith.select %and3A, %sub3A_62, %div3A : i32
    "tpu.region"() ({
      %run_scoped3A = tpu.sem_alloc : memref<!tpu.dma_semaphore, #tpu.memory_space<semaphore_mem>>
      %dma_start3A_75 = arith.constant 0 : i32
      %dma_start3A_76 = tpu.memref_slice %arg5[%select_n3A, %dma_start3A_75] : memref<10240x16xf32, #tpu.memory_space<hbm>> -> memref<8x16xf32, #tpu.memory_space<hbm>>
      %dma_start3A_77 = arith.constant 0 : i32
      %dma_start3A_78 = tpu.memref_slice %arg5[%select_n3A, %dma_start3A_77] : memref<10240x16xf32, #tpu.memory_space<hbm>> -> memref<8x16xf32, #tpu.memory_space<hbm>>
      tpu.enqueue_dma source(%dma_start3A_78 : memref<8x16xf32, #tpu.memory_space<hbm>>) target(%arg11 : memref<8x16xf32, #tpu.memory_space<vmem>>) target_semaphore(%run_scoped3A : memref<!tpu.dma_semaphore, #tpu.memory_space<semaphore_mem>>)
      %dma_wait3A = arith.constant 0 : i32
      %dma_wait3A_79 = tpu.memref_slice %arg5[%select_n3A, %dma_wait3A] : memref<10240x16xf32, #tpu.memory_space<hbm>> -> memref<8x16xf32, #tpu.memory_space<hbm>>
      %dma_wait3A_80 = arith.constant 0 : i32
      %dma_wait3A_81 = tpu.memref_slice %arg5[%select_n3A, %dma_wait3A_80] : memref<10240x16xf32, #tpu.memory_space<hbm>> -> memref<8x16xf32, #tpu.memory_space<hbm>>
      tpu.wait_dma2 semaphore(%run_scoped3A : memref<!tpu.dma_semaphore, #tpu.memory_space<semaphore_mem>>) src(%dma_wait3A_81 : memref<8x16xf32, #tpu.memory_space<hbm>>) dst(%arg11 : memref<8x16xf32, #tpu.memory_space<vmem>>)
      tpu.yield
    }) : () -> ()
    %dma_start3A = arith.constant 0 : i32
    %dma_start3A_63 = arith.constant 0 : i32
    %dma_start3A_64 = tpu.memref_slice %arg2[%dma_start3A, %dma_start3A_63] : memref<20000x64xi32, #tpu.memory_space<hbm>> -> memref<20000x64xi32, #tpu.memory_space<hbm>>
    tpu.enqueue_indirect_dma source(%dma_start3A_64 : memref<20000x64xi32, #tpu.memory_space<hbm>>) target(%arg12 : memref<128x64xi32, #tpu.memory_space<vmem>>) offsets(%arg9 : memref<128xi32, #tpu.memory_space<vmem>>) semaphore(%arg18 : memref<!tpu.dma_semaphore, #tpu.memory_space<semaphore_mem>>)
    %scan3A = arith.constant 0 : i32
    %scan3A_65 = arith.constant 0 : i32
    %scan3A_66 = arith.constant 40 : i32
    %scan3A_67 = arith.addi %scan3A_65, %scan3A_66 : i32
    %scan3A_68 = arith.constant 1 : i32
    scf.for %scan3A_75 = %scan3A_65 to %scan3A_67 step %scan3A_68  : i32 {
      %mul3A_76 = arith.constant 2 : i32
      %mul3A_77 = arith.muli %mul3A_76, %scan3A_75 : i32
      %add3A_78 = arith.constant 1 : i32
      %add3A_79 = arith.addi %mul3A_77, %add3A_78 : i32
      %mul3A_80 = arith.constant 128 : i32
      %mul3A_81 = arith.muli %add3A_79, %mul3A_80 : i32
      %add3A_82 = arith.addi %mul3A_2, %mul3A_81 : i32
      "tpu.region"() ({
        %run_scoped3A = tpu.sem_alloc : memref<!tpu.dma_semaphore, #tpu.memory_space<semaphore_mem>>
        %dma_start3A_129 = tpu.memref_slice %arg3[%arg0, %add3A_82] : memref<2x163840xi32, #tpu.memory_space<hbm>> -> memref<1x128xi32, #tpu.memory_space<hbm>>
        %dma_start3A_130 = tpu.memref_squeeze %dma_start3A_129 : memref<1x128xi32, #tpu.memory_space<hbm>> -> memref<128xi32, #tpu.memory_space<hbm>>
        %dma_start3A_131 = tpu.memref_slice %arg3[%arg0, %add3A_82] : memref<2x163840xi32, #tpu.memory_space<hbm>> -> memref<1x128xi32, #tpu.memory_space<hbm>>
        %dma_start3A_132 = tpu.memref_squeeze %dma_start3A_131 : memref<1x128xi32, #tpu.memory_space<hbm>> -> memref<128xi32, #tpu.memory_space<hbm>>
        tpu.enqueue_dma source(%dma_start3A_132 : memref<128xi32, #tpu.memory_space<hbm>>) target(%arg13 : memref<128xi32, #tpu.memory_space<vmem>>) target_semaphore(%run_scoped3A : memref<!tpu.dma_semaphore, #tpu.memory_space<semaphore_mem>>)
        %dma_wait3A_133 = tpu.memref_slice %arg3[%arg0, %add3A_82] : memref<2x163840xi32, #tpu.memory_space<hbm>> -> memref<1x128xi32, #tpu.memory_space<hbm>>
        %dma_wait3A_134 = tpu.memref_squeeze %dma_wait3A_133 : memref<1x128xi32, #tpu.memory_space<hbm>> -> memref<128xi32, #tpu.memory_space<hbm>>
        %dma_wait3A_135 = tpu.memref_slice %arg3[%arg0, %add3A_82] : memref<2x163840xi32, #tpu.memory_space<hbm>> -> memref<1x128xi32, #tpu.memory_space<hbm>>
        %dma_wait3A_136 = tpu.memref_squeeze %dma_wait3A_135 : memref<1x128xi32, #tpu.memory_space<hbm>> -> memref<128xi32, #tpu.memory_space<hbm>>
        tpu.wait_dma2 semaphore(%run_scoped3A : memref<!tpu.dma_semaphore, #tpu.memory_space<semaphore_mem>>) src(%dma_wait3A_136 : memref<128xi32, #tpu.memory_space<hbm>>) dst(%arg13 : memref<128xi32, #tpu.memory_space<vmem>>)
        tpu.yield
      }) : () -> ()
      "tpu.region"() ({
        %run_scoped3A = tpu.sem_alloc : memref<!tpu.dma_semaphore, #tpu.memory_space<semaphore_mem>>
        %dma_start3A_129 = tpu.memref_slice %arg4[%add3A_82] : memref<163840xi32, #tpu.memory_space<hbm>> -> memref<128xi32, #tpu.memory_space<hbm>>
        %dma_start3A_130 = tpu.memref_slice %arg4[%add3A_82] : memref<163840xi32, #tpu.memory_space<hbm>> -> memref<128xi32, #tpu.memory_space<hbm>>
        tpu.enqueue_dma source(%dma_start3A_130 : memref<128xi32, #tpu.memory_space<hbm>>) target(%arg14 : memref<128xi32, #tpu.memory_space<vmem>>) target_semaphore(%run_scoped3A : memref<!tpu.dma_semaphore, #tpu.memory_space<semaphore_mem>>)
        %dma_wait3A_131 = tpu.memref_slice %arg4[%add3A_82] : memref<163840xi32, #tpu.memory_space<hbm>> -> memref<128xi32, #tpu.memory_space<hbm>>
        %dma_wait3A_132 = tpu.memref_slice %arg4[%add3A_82] : memref<163840xi32, #tpu.memory_space<hbm>> -> memref<128xi32, #tpu.memory_space<hbm>>
        tpu.wait_dma2 semaphore(%run_scoped3A : memref<!tpu.dma_semaphore, #tpu.memory_space<semaphore_mem>>) src(%dma_wait3A_132 : memref<128xi32, #tpu.memory_space<hbm>>) dst(%arg14 : memref<128xi32, #tpu.memory_space<vmem>>)
        tpu.yield
      }) : () -> ()
      %jit3A_83 = arith.constant 16 : i32
      %div3A_84 = arith.divsi %add3A_82, %jit3A_83 : i32
      %sign3A_85 = arith.constant 0 : i32
      %sign3A_86 = arith.cmpi sgt, %add3A_82, %sign3A_85 : i32
      %sign3A_87 = arith.extui %sign3A_86 : i1 to i32
      %sign3A_88 = arith.constant 0 : i32
      %sign3A_89 = arith.cmpi slt, %add3A_82, %sign3A_88 : i32
      %sign3A_90 = arith.extui %sign3A_89 : i1 to i32
      %sign3A_91 = arith.subi %sign3A_87, %sign3A_90 : i32
      %sign3A_92 = arith.constant 0 : i32
      %sign3A_93 = arith.cmpi sgt, %jit3A_83, %sign3A_92 : i32
      %sign3A_94 = arith.extui %sign3A_93 : i1 to i32
      %sign3A_95 = arith.constant 0 : i32
      %sign3A_96 = arith.cmpi slt, %jit3A_83, %sign3A_95 : i32
      %sign3A_97 = arith.extui %sign3A_96 : i1 to i32
      %sign3A_98 = arith.subi %sign3A_94, %sign3A_97 : i32
      %ne3A_99 = arith.cmpi ne, %sign3A_91, %sign3A_98 : i32
      %rem3A_100 = arith.remsi %add3A_82, %jit3A_83 : i32
      %ne3A_101 = arith.constant 0 : i32
      %ne3A_102 = arith.cmpi ne, %rem3A_100, %ne3A_101 : i32
      %and3A_103 = arith.andi %ne3A_99, %ne3A_102 : i1
      %sub3A_104 = arith.constant 1 : i32
      %sub3A_105 = arith.subi %div3A_84, %sub3A_104 : i32
      %select_n3A_106 = arith.select %and3A_103, %sub3A_105, %div3A_84 : i32
      "tpu.region"() ({
        %run_scoped3A = tpu.sem_alloc : memref<!tpu.dma_semaphore, #tpu.memory_space<semaphore_mem>>
        %dma_start3A_129 = arith.constant 0 : i32
        %dma_start3A_130 = tpu.memref_slice %arg5[%select_n3A_106, %dma_start3A_129] : memref<10240x16xf32, #tpu.memory_space<hbm>> -> memref<8x16xf32, #tpu.memory_space<hbm>>
        %dma_start3A_131 = arith.constant 0 : i32
        %dma_start3A_132 = tpu.memref_slice %arg5[%select_n3A_106, %dma_start3A_131] : memref<10240x16xf32, #tpu.memory_space<hbm>> -> memref<8x16xf32, #tpu.memory_space<hbm>>
        tpu.enqueue_dma source(%dma_start3A_132 : memref<8x16xf32, #tpu.memory_space<hbm>>) target(%arg15 : memref<8x16xf32, #tpu.memory_space<vmem>>) target_semaphore(%run_scoped3A : memref<!tpu.dma_semaphore, #tpu.memory_space<semaphore_mem>>)
        %dma_wait3A_133 = arith.constant 0 : i32
        %dma_wait3A_134 = tpu.memref_slice %arg5[%select_n3A_106, %dma_wait3A_133] : memref<10240x16xf32, #tpu.memory_space<hbm>> -> memref<8x16xf32, #tpu.memory_space<hbm>>
        %dma_wait3A_135 = arith.constant 0 : i32
        %dma_wait3A_136 = tpu.memref_slice %arg5[%select_n3A_106, %dma_wait3A_135] : memref<10240x16xf32, #tpu.memory_space<hbm>> -> memref<8x16xf32, #tpu.memory_space<hbm>>
        tpu.wait_dma2 semaphore(%run_scoped3A : memref<!tpu.dma_semaphore, #tpu.memory_space<semaphore_mem>>) src(%dma_wait3A_136 : memref<8x16xf32, #tpu.memory_space<hbm>>) dst(%arg15 : memref<8x16xf32, #tpu.memory_space<vmem>>)
        tpu.yield
      }) : () -> ()
      %dma_start3A_107 = arith.constant 0 : i32
      %dma_start3A_108 = arith.constant 0 : i32
      %dma_start3A_109 = tpu.memref_slice %arg2[%dma_start3A_107, %dma_start3A_108] : memref<20000x64xi32, #tpu.memory_space<hbm>> -> memref<20000x64xi32, #tpu.memory_space<hbm>>
      tpu.enqueue_indirect_dma source(%dma_start3A_109 : memref<20000x64xi32, #tpu.memory_space<hbm>>) target(%arg16 : memref<128x64xi32, #tpu.memory_space<vmem>>) offsets(%arg13 : memref<128xi32, #tpu.memory_space<vmem>>) semaphore(%arg19 : memref<!tpu.dma_semaphore, #tpu.memory_space<semaphore_mem>>)
      %dma_wait3A = arith.constant 0 : i32
      %dma_wait3A_110 = arith.constant 0 : i32
      %dma_wait3A_111 = tpu.memref_slice %arg2[%dma_wait3A, %dma_wait3A_110] : memref<20000x64xi32, #tpu.memory_space<hbm>> -> memref<20000x64xi32, #tpu.memory_space<hbm>>
      tpu.wait_indirect_dma semaphore(%arg18 : memref<!tpu.dma_semaphore, #tpu.memory_space<semaphore_mem>>) src(%dma_wait3A_111 : memref<20000x64xi32, #tpu.memory_space<hbm>>) dst(%arg12 : memref<128x64xi32, #tpu.memory_space<vmem>>)
      %broadcast_in_dim3A = arith.constant 0 : i32
      %broadcast_in_dim3A_112 = vector.broadcast %broadcast_in_dim3A : i32 to vector<16xi32>
      %parallel_loop3A = arith.constant 0 : i32
      %parallel_loop3A_113 = arith.constant 128 : i32
      %parallel_loop3A_114 = arith.constant 1 : i32
      %parallel_loop3A_115 = scf.for %parallel_loop3A_129 = %parallel_loop3A to %parallel_loop3A_113 step %parallel_loop3A_114 iter_args(%parallel_loop3A_130 = %broadcast_in_dim3A_112) -> (vector<16xi32>)  : i32 {
        %parallel_loop3A_131 = arith.constant 4 : i32
        %parallel_loop3A_132 = vector.broadcast %parallel_loop3A_131 : i32 to vector<16xi32>
        %parallel_loop3A_133 = arith.shrsi %parallel_loop3A_130, %parallel_loop3A_132 : vector<16xi32>
        %parallel_loop3A_134 = arith.constant 15 : i32
        %parallel_loop3A_135 = vector.broadcast %parallel_loop3A_134 : i32 to vector<16xi32>
        %parallel_loop3A_136 = arith.andi %parallel_loop3A_130, %parallel_loop3A_135 : vector<16xi32>
        %parallel_loop3A_137 = tpu.vector_load_idx %arg11[%parallel_loop3A_133, %parallel_loop3A_136] : memref<8x16xf32, #tpu.memory_space<vmem>>[vector<16xi32>, vector<16xi32>], vector<16xf32>,
        %parallel_loop3A_138 = tpu.vector_load_idx %arg12[%parallel_loop3A_130, %add3A_4] : memref<128x64xi32, #tpu.memory_space<vmem>>[vector<16xi32>, vector<16xi32>], vector<16xi32>,
        %parallel_loop3A_139 = vector.bitcast %parallel_loop3A_138 : vector<16xi32> to vector<32xbf16>
        %parallel_loop3A_140 = tpu.unpack_subelements %parallel_loop3A_139, 0 {pack_format = #tpu.pack_format<interleaved>} : vector<32xbf16> -> vector<16xf32>
        %parallel_loop3A_141 = tpu.unpack_subelements %parallel_loop3A_139, 1 {pack_format = #tpu.pack_format<interleaved>} : vector<32xbf16> -> vector<16xf32>
        %parallel_loop3A_142 = arith.mulf %parallel_loop3A_140, %parallel_loop3A_137 : vector<16xf32>
        tpu.vector_store_idx %arg17[%parallel_loop3A_130, %add3A_23], %parallel_loop3A_142 : memref<128x128xf32, #tpu.memory_space<vmem>>[vector<16xi32>, vector<16xi32>], vector<16xf32>,
        %parallel_loop3A_143 = arith.constant 1 : i32
        %parallel_loop3A_144 = vector.broadcast %parallel_loop3A_143 : i32 to vector<16xi32>
        %parallel_loop3A_145 = arith.addi %add3A_23, %parallel_loop3A_144 : vector<16xi32>
        %parallel_loop3A_146 = arith.mulf %parallel_loop3A_141, %parallel_loop3A_137 : vector<16xf32>
        tpu.vector_store_idx %arg17[%parallel_loop3A_130, %parallel_loop3A_145], %parallel_loop3A_146 : memref<128x128xf32, #tpu.memory_space<vmem>>[vector<16xi32>, vector<16xi32>], vector<16xf32>,
        %parallel_loop3A_147 = tpu.vector_load_idx %arg12[%parallel_loop3A_130, %add3A_8] : memref<128x64xi32, #tpu.memory_space<vmem>>[vector<16xi32>, vector<16xi32>], vector<16xi32>,
        %parallel_loop3A_148 = vector.bitcast %parallel_loop3A_147 : vector<16xi32> to vector<32xbf16>
        %parallel_loop3A_149 = tpu.unpack_subelements %parallel_loop3A_148, 0 {pack_format = #tpu.pack_format<interleaved>} : vector<32xbf16> -> vector<16xf32>
        %parallel_loop3A_150 = tpu.unpack_subelements %parallel_loop3A_148, 1 {pack_format = #tpu.pack_format<interleaved>} : vector<32xbf16> -> vector<16xf32>
        %parallel_loop3A_151 = arith.mulf %parallel_loop3A_149, %parallel_loop3A_137 : vector<16xf32>
        tpu.vector_store_idx %arg17[%parallel_loop3A_130, %add3A_30], %parallel_loop3A_151 : memref<128x128xf32, #tpu.memory_space<vmem>>[vector<16xi32>, vector<16xi32>], vector<16xf32>,
        %parallel_loop3A_152 = arith.constant 1 : i32
        %parallel_loop3A_153 = vector.broadcast %parallel_loop3A_152 : i32 to vector<16xi32>
        %parallel_loop3A_154 = arith.addi %add3A_30, %parallel_loop3A_153 : vector<16xi32>
        %parallel_loop3A_155 = arith.mulf %parallel_loop3A_150, %parallel_loop3A_137 : vector<16xf32>
        tpu.vector_store_idx %arg17[%parallel_loop3A_130, %parallel_loop3A_154], %parallel_loop3A_155 : memref<128x128xf32, #tpu.memory_space<vmem>>[vector<16xi32>, vector<16xi32>], vector<16xf32>,
        %parallel_loop3A_156 = tpu.vector_load_idx %arg12[%parallel_loop3A_130, %add3A_12] : memref<128x64xi32, #tpu.memory_space<vmem>>[vector<16xi32>, vector<16xi32>], vector<16xi32>,
        %parallel_loop3A_157 = vector.bitcast %parallel_loop3A_156 : vector<16xi32> to vector<32xbf16>
        %parallel_loop3A_158 = tpu.unpack_subelements %parallel_loop3A_157, 0 {pack_format = #tpu.pack_format<interleaved>} : vector<32xbf16> -> vector<16xf32>
        %parallel_loop3A_159 = tpu.unpack_subelements %parallel_loop3A_157, 1 {pack_format = #tpu.pack_format<interleaved>} : vector<32xbf16> -> vector<16xf32>
        %parallel_loop3A_160 = arith.mulf %parallel_loop3A_158, %parallel_loop3A_137 : vector<16xf32>
        tpu.vector_store_idx %arg17[%parallel_loop3A_130, %add3A_37], %parallel_loop3A_160 : memref<128x128xf32, #tpu.memory_space<vmem>>[vector<16xi32>, vector<16xi32>], vector<16xf32>,
        %parallel_loop3A_161 = arith.constant 1 : i32
        %parallel_loop3A_162 = vector.broadcast %parallel_loop3A_161 : i32 to vector<16xi32>
        %parallel_loop3A_163 = arith.addi %add3A_37, %parallel_loop3A_162 : vector<16xi32>
        %parallel_loop3A_164 = arith.mulf %parallel_loop3A_159, %parallel_loop3A_137 : vector<16xf32>
        tpu.vector_store_idx %arg17[%parallel_loop3A_130, %parallel_loop3A_163], %parallel_loop3A_164 : memref<128x128xf32, #tpu.memory_space<vmem>>[vector<16xi32>, vector<16xi32>], vector<16xf32>,
        %parallel_loop3A_165 = tpu.vector_load_idx %arg12[%parallel_loop3A_130, %add3A_16] : memref<128x64xi32, #tpu.memory_space<vmem>>[vector<16xi32>, vector<16xi32>], vector<16xi32>,
        %parallel_loop3A_166 = vector.bitcast %parallel_loop3A_165 : vector<16xi32> to vector<32xbf16>
        %parallel_loop3A_167 = tpu.unpack_subelements %parallel_loop3A_166, 0 {pack_format = #tpu.pack_format<interleaved>} : vector<32xbf16> -> vector<16xf32>
        %parallel_loop3A_168 = tpu.unpack_subelements %parallel_loop3A_166, 1 {pack_format = #tpu.pack_format<interleaved>} : vector<32xbf16> -> vector<16xf32>
        %parallel_loop3A_169 = arith.mulf %parallel_loop3A_167, %parallel_loop3A_137 : vector<16xf32>
        tpu.vector_store_idx %arg17[%parallel_loop3A_130, %add3A_44], %parallel_loop3A_169 : memref<128x128xf32, #tpu.memory_space<vmem>>[vector<16xi32>, vector<16xi32>], vector<16xf32>,
        %parallel_loop3A_170 = arith.constant 1 : i32
        %parallel_loop3A_171 = vector.broadcast %parallel_loop3A_170 : i32 to vector<16xi32>
        %parallel_loop3A_172 = arith.addi %add3A_44, %parallel_loop3A_171 : vector<16xi32>
        %parallel_loop3A_173 = arith.mulf %parallel_loop3A_168, %parallel_loop3A_137 : vector<16xf32>
        tpu.vector_store_idx %arg17[%parallel_loop3A_130, %parallel_loop3A_172], %parallel_loop3A_173 : memref<128x128xf32, #tpu.memory_space<vmem>>[vector<16xi32>, vector<16xi32>], vector<16xf32>,
        %parallel_loop3A_174 = arith.constant 1 : i32
        %parallel_loop3A_175 = vector.broadcast %parallel_loop3A_174 : i32 to vector<16xi32>
        %parallel_loop3A_176 = arith.addi %parallel_loop3A_130, %parallel_loop3A_175 : vector<16xi32>
        scf.yield %parallel_loop3A_176 : vector<16xi32>
      } {sc.loop_unroll_factor = 2 : i64, sc.parallel_access}
      "tpu.region"() ({
        %run_scoped3A = tpu.sem_alloc : memref<!tpu.dma_semaphore, #tpu.memory_space<semaphore_mem>>
        %dma_start3A_129 = arith.constant 0 : i32
        %dma_start3A_130 = arith.constant 0 : i32
        %dma_start3A_131 = tpu.memref_slice %arg8[%dma_start3A_129, %dma_start3A_130] : memref<10240x128xf32, #tpu.memory_space<vmem_shared>> -> memref<10240x128xf32, #tpu.memory_space<vmem_shared>>
        tpu.enqueue_indirect_dma source(%arg17 : memref<128x128xf32, #tpu.memory_space<vmem>>) target(%dma_start3A_131 : memref<10240x128xf32, #tpu.memory_space<vmem_shared>>) offsets(%arg10 : memref<128xi32, #tpu.memory_space<vmem>>) semaphore(%run_scoped3A : memref<!tpu.dma_semaphore, #tpu.memory_space<semaphore_mem>>) {add = true}
        %dma_wait3A_132 = arith.constant 0 : i32
        %dma_wait3A_133 = arith.constant 0 : i32
        %dma_wait3A_134 = tpu.memref_slice %arg8[%dma_wait3A_132, %dma_wait3A_133] : memref<10240x128xf32, #tpu.memory_space<vmem_shared>> -> memref<10240x128xf32, #tpu.memory_space<vmem_shared>>
        tpu.wait_indirect_dma semaphore(%run_scoped3A : memref<!tpu.dma_semaphore, #tpu.memory_space<semaphore_mem>>) src(%arg17 : memref<128x128xf32, #tpu.memory_space<vmem>>) dst(%dma_wait3A_134 : memref<10240x128xf32, #tpu.memory_space<vmem_shared>>)
        tpu.yield
      }) : () -> ()
      %add3A_116 = arith.constant 2 : i32
      %add3A_117 = arith.addi %mul3A_77, %add3A_116 : i32
      %lt3A = arith.constant 80 : i32
      %lt3A_118 = arith.cmpi slt, %add3A_117, %lt3A : i32
      %convert_element_type3A = arith.extui %lt3A_118 : i1 to i32
      %cond3A = arith.constant 0 : i32
      %cond3A_119 = arith.cmpi ne, %convert_element_type3A, %cond3A : i32
      scf.if %cond3A_119 {
        %add3A_129 = arith.constant 2 : i32
        %add3A_130 = arith.addi %mul3A_77, %add3A_129 : i32
        %mul3A_131 = arith.constant 128 : i32
        %mul3A_132 = arith.muli %add3A_130, %mul3A_131 : i32
        %add3A_133 = arith.addi %mul3A_2, %mul3A_132 : i32
        "tpu.region"() ({
          %run_scoped3A = tpu.sem_alloc : memref<!tpu.dma_semaphore, #tpu.memory_space<semaphore_mem>>
          %dma_start3A_161 = tpu.memref_slice %arg3[%arg0, %add3A_133] : memref<2x163840xi32, #tpu.memory_space<hbm>> -> memref<1x128xi32, #tpu.memory_space<hbm>>
          %dma_start3A_162 = tpu.memref_squeeze %dma_start3A_161 : memref<1x128xi32, #tpu.memory_space<hbm>> -> memref<128xi32, #tpu.memory_space<hbm>>
          %dma_start3A_163 = tpu.memref_slice %arg3[%arg0, %add3A_133] : memref<2x163840xi32, #tpu.memory_space<hbm>> -> memref<1x128xi32, #tpu.memory_space<hbm>>
          %dma_start3A_164 = tpu.memref_squeeze %dma_start3A_163 : memref<1x128xi32, #tpu.memory_space<hbm>> -> memref<128xi32, #tpu.memory_space<hbm>>
          tpu.enqueue_dma source(%dma_start3A_164 : memref<128xi32, #tpu.memory_space<hbm>>) target(%arg9 : memref<128xi32, #tpu.memory_space<vmem>>) target_semaphore(%run_scoped3A : memref<!tpu.dma_semaphore, #tpu.memory_space<semaphore_mem>>)
          %dma_wait3A_165 = tpu.memref_slice %arg3[%arg0, %add3A_133] : memref<2x163840xi32, #tpu.memory_space<hbm>> -> memref<1x128xi32, #tpu.memory_space<hbm>>
          %dma_wait3A_166 = tpu.memref_squeeze %dma_wait3A_165 : memref<1x128xi32, #tpu.memory_space<hbm>> -> memref<128xi32, #tpu.memory_space<hbm>>
          %dma_wait3A_167 = tpu.memref_slice %arg3[%arg0, %add3A_133] : memref<2x163840xi32, #tpu.memory_space<hbm>> -> memref<1x128xi32, #tpu.memory_space<hbm>>
          %dma_wait3A_168 = tpu.memref_squeeze %dma_wait3A_167 : memref<1x128xi32, #tpu.memory_space<hbm>> -> memref<128xi32, #tpu.memory_space<hbm>>
          tpu.wait_dma2 semaphore(%run_scoped3A : memref<!tpu.dma_semaphore, #tpu.memory_space<semaphore_mem>>) src(%dma_wait3A_168 : memref<128xi32, #tpu.memory_space<hbm>>) dst(%arg9 : memref<128xi32, #tpu.memory_space<vmem>>)
          tpu.yield
        }) : () -> ()
        "tpu.region"() ({
          %run_scoped3A = tpu.sem_alloc : memref<!tpu.dma_semaphore, #tpu.memory_space<semaphore_mem>>
          %dma_start3A_161 = tpu.memref_slice %arg4[%add3A_133] : memref<163840xi32, #tpu.memory_space<hbm>> -> memref<128xi32, #tpu.memory_space<hbm>>
          %dma_start3A_162 = tpu.memref_slice %arg4[%add3A_133] : memref<163840xi32, #tpu.memory_space<hbm>> -> memref<128xi32, #tpu.memory_space<hbm>>
          tpu.enqueue_dma source(%dma_start3A_162 : memref<128xi32, #tpu.memory_space<hbm>>) target(%arg10 : memref<128xi32, #tpu.memory_space<vmem>>) target_semaphore(%run_scoped3A : memref<!tpu.dma_semaphore, #tpu.memory_space<semaphore_mem>>)
          %dma_wait3A_163 = tpu.memref_slice %arg4[%add3A_133] : memref<163840xi32, #tpu.memory_space<hbm>> -> memref<128xi32, #tpu.memory_space<hbm>>
          %dma_wait3A_164 = tpu.memref_slice %arg4[%add3A_133] : memref<163840xi32, #tpu.memory_space<hbm>> -> memref<128xi32, #tpu.memory_space<hbm>>
          tpu.wait_dma2 semaphore(%run_scoped3A : memref<!tpu.dma_semaphore, #tpu.memory_space<semaphore_mem>>) src(%dma_wait3A_164 : memref<128xi32, #tpu.memory_space<hbm>>) dst(%arg10 : memref<128xi32, #tpu.memory_space<vmem>>)
          tpu.yield
        }) : () -> ()
        %jit3A_134 = arith.constant 16 : i32
        %div3A_135 = arith.divsi %add3A_133, %jit3A_134 : i32
        %sign3A_136 = arith.constant 0 : i32
        %sign3A_137 = arith.cmpi sgt, %add3A_133, %sign3A_136 : i32
        %sign3A_138 = arith.extui %sign3A_137 : i1 to i32
        %sign3A_139 = arith.constant 0 : i32
        %sign3A_140 = arith.cmpi slt, %add3A_133, %sign3A_139 : i32
        %sign3A_141 = arith.extui %sign3A_140 : i1 to i32
        %sign3A_142 = arith.subi %sign3A_138, %sign3A_141 : i32
        %sign3A_143 = arith.constant 0 : i32
        %sign3A_144 = arith.cmpi sgt, %jit3A_134, %sign3A_143 : i32
        %sign3A_145 = arith.extui %sign3A_144 : i1 to i32
        %sign3A_146 = arith.constant 0 : i32
        %sign3A_147 = arith.cmpi slt, %jit3A_134, %sign3A_146 : i32
        %sign3A_148 = arith.extui %sign3A_147 : i1 to i32
        %sign3A_149 = arith.subi %sign3A_145, %sign3A_148 : i32
        %ne3A_150 = arith.cmpi ne, %sign3A_142, %sign3A_149 : i32
        %rem3A_151 = arith.remsi %add3A_133, %jit3A_134 : i32
        %ne3A_152 = arith.constant 0 : i32
        %ne3A_153 = arith.cmpi ne, %rem3A_151, %ne3A_152 : i32
        %and3A_154 = arith.andi %ne3A_150, %ne3A_153 : i1
        %sub3A_155 = arith.constant 1 : i32
        %sub3A_156 = arith.subi %div3A_135, %sub3A_155 : i32
        %select_n3A_157 = arith.select %and3A_154, %sub3A_156, %div3A_135 : i32
        "tpu.region"() ({
          %run_scoped3A = tpu.sem_alloc : memref<!tpu.dma_semaphore, #tpu.memory_space<semaphore_mem>>
          %dma_start3A_161 = arith.constant 0 : i32
          %dma_start3A_162 = tpu.memref_slice %arg5[%select_n3A_157, %dma_start3A_161] : memref<10240x16xf32, #tpu.memory_space<hbm>> -> memref<8x16xf32, #tpu.memory_space<hbm>>
          %dma_start3A_163 = arith.constant 0 : i32
          %dma_start3A_164 = tpu.memref_slice %arg5[%select_n3A_157, %dma_start3A_163] : memref<10240x16xf32, #tpu.memory_space<hbm>> -> memref<8x16xf32, #tpu.memory_space<hbm>>
          tpu.enqueue_dma source(%dma_start3A_164 : memref<8x16xf32, #tpu.memory_space<hbm>>) target(%arg11 : memref<8x16xf32, #tpu.memory_space<vmem>>) target_semaphore(%run_scoped3A : memref<!tpu.dma_semaphore, #tpu.memory_space<semaphore_mem>>)
          %dma_wait3A_165 = arith.constant 0 : i32
          %dma_wait3A_166 = tpu.memref_slice %arg5[%select_n3A_157, %dma_wait3A_165] : memref<10240x16xf32, #tpu.memory_space<hbm>> -> memref<8x16xf32, #tpu.memory_space<hbm>>
          %dma_wait3A_167 = arith.constant 0 : i32
          %dma_wait3A_168 = tpu.memref_slice %arg5[%select_n3A_157, %dma_wait3A_167] : memref<10240x16xf32, #tpu.memory_space<hbm>> -> memref<8x16xf32, #tpu.memory_space<hbm>>
          tpu.wait_dma2 semaphore(%run_scoped3A : memref<!tpu.dma_semaphore, #tpu.memory_space<semaphore_mem>>) src(%dma_wait3A_168 : memref<8x16xf32, #tpu.memory_space<hbm>>) dst(%arg11 : memref<8x16xf32, #tpu.memory_space<vmem>>)
          tpu.yield
        }) : () -> ()
        %dma_start3A_158 = arith.constant 0 : i32
        %dma_start3A_159 = arith.constant 0 : i32
        %dma_start3A_160 = tpu.memref_slice %arg2[%dma_start3A_158, %dma_start3A_159] : memref<20000x64xi32, #tpu.memory_space<hbm>> -> memref<20000x64xi32, #tpu.memory_space<hbm>>
        tpu.enqueue_indirect_dma source(%dma_start3A_160 : memref<20000x64xi32, #tpu.memory_space<hbm>>) target(%arg12 : memref<128x64xi32, #tpu.memory_space<vmem>>) offsets(%arg9 : memref<128xi32, #tpu.memory_space<vmem>>) semaphore(%arg18 : memref<!tpu.dma_semaphore, #tpu.memory_space<semaphore_mem>>)
      } else {
      }
      %dma_wait3A_120 = arith.constant 0 : i32
      %dma_wait3A_121 = arith.constant 0 : i32
      %dma_wait3A_122 = tpu.memref_slice %arg2[%dma_wait3A_120, %dma_wait3A_121] : memref<20000x64xi32, #tpu.memory_space<hbm>> -> memref<20000x64xi32, #tpu.memory_space<hbm>>
      tpu.wait_indirect_dma semaphore(%arg19 : memref<!tpu.dma_semaphore, #tpu.memory_space<semaphore_mem>>) src(%dma_wait3A_122 : memref<20000x64xi32, #tpu.memory_space<hbm>>) dst(%arg16 : memref<128x64xi32, #tpu.memory_space<vmem>>)
      %broadcast_in_dim3A_123 = arith.constant 0 : i32
      %broadcast_in_dim3A_124 = vector.broadcast %broadcast_in_dim3A_123 : i32 to vector<16xi32>
      %parallel_loop3A_125 = arith.constant 0 : i32
      %parallel_loop3A_126 = arith.constant 128 : i32
      %parallel_loop3A_127 = arith.constant 1 : i32
      %parallel_loop3A_128 = scf.for %parallel_loop3A_129 = %parallel_loop3A_125 to %parallel_loop3A_126 step %parallel_loop3A_127 iter_args(%parallel_loop3A_130 = %broadcast_in_dim3A_124) -> (vector<16xi32>)  : i32 {
        %parallel_loop3A_131 = arith.constant 4 : i32
        %parallel_loop3A_132 = vector.broadcast %parallel_loop3A_131 : i32 to vector<16xi32>
        %parallel_loop3A_133 = arith.shrsi %parallel_loop3A_130, %parallel_loop3A_132 : vector<16xi32>
        %parallel_loop3A_134 = arith.constant 15 : i32
        %parallel_loop3A_135 = vector.broadcast %parallel_loop3A_134 : i32 to vector<16xi32>
        %parallel_loop3A_136 = arith.andi %parallel_loop3A_130, %parallel_loop3A_135 : vector<16xi32>
        %parallel_loop3A_137 = tpu.vector_load_idx %arg15[%parallel_loop3A_133, %parallel_loop3A_136] : memref<8x16xf32, #tpu.memory_space<vmem>>[vector<16xi32>, vector<16xi32>], vector<16xf32>,
        %parallel_loop3A_138 = tpu.vector_load_idx %arg16[%parallel_loop3A_130, %add3A_4] : memref<128x64xi32, #tpu.memory_space<vmem>>[vector<16xi32>, vector<16xi32>], vector<16xi32>,
        %parallel_loop3A_139 = vector.bitcast %parallel_loop3A_138 : vector<16xi32> to vector<32xbf16>
        %parallel_loop3A_140 = tpu.unpack_subelements %parallel_loop3A_139, 0 {pack_format = #tpu.pack_format<interleaved>} : vector<32xbf16> -> vector<16xf32>
        %parallel_loop3A_141 = tpu.unpack_subelements %parallel_loop3A_139, 1 {pack_format = #tpu.pack_format<interleaved>} : vector<32xbf16> -> vector<16xf32>
        %parallel_loop3A_142 = arith.mulf %parallel_loop3A_140, %parallel_loop3A_137 : vector<16xf32>
        tpu.vector_store_idx %arg17[%parallel_loop3A_130, %add3A_23], %parallel_loop3A_142 : memref<128x128xf32, #tpu.memory_space<vmem>>[vector<16xi32>, vector<16xi32>], vector<16xf32>,
        %parallel_loop3A_143 = arith.constant 1 : i32
        %parallel_loop3A_144 = vector.broadcast %parallel_loop3A_143 : i32 to vector<16xi32>
        %parallel_loop3A_145 = arith.addi %add3A_23, %parallel_loop3A_144 : vector<16xi32>
        %parallel_loop3A_146 = arith.mulf %parallel_loop3A_141, %parallel_loop3A_137 : vector<16xf32>
        tpu.vector_store_idx %arg17[%parallel_loop3A_130, %parallel_loop3A_145], %parallel_loop3A_146 : memref<128x128xf32, #tpu.memory_space<vmem>>[vector<16xi32>, vector<16xi32>], vector<16xf32>,
        %parallel_loop3A_147 = tpu.vector_load_idx %arg16[%parallel_loop3A_130, %add3A_8] : memref<128x64xi32, #tpu.memory_space<vmem>>[vector<16xi32>, vector<16xi32>], vector<16xi32>,
        %parallel_loop3A_148 = vector.bitcast %parallel_loop3A_147 : vector<16xi32> to vector<32xbf16>
        %parallel_loop3A_149 = tpu.unpack_subelements %parallel_loop3A_148, 0 {pack_format = #tpu.pack_format<interleaved>} : vector<32xbf16> -> vector<16xf32>
        %parallel_loop3A_150 = tpu.unpack_subelements %parallel_loop3A_148, 1 {pack_format = #tpu.pack_format<interleaved>} : vector<32xbf16> -> vector<16xf32>
        %parallel_loop3A_151 = arith.mulf %parallel_loop3A_149, %parallel_loop3A_137 : vector<16xf32>
        tpu.vector_store_idx %arg17[%parallel_loop3A_130, %add3A_30], %parallel_loop3A_151 : memref<128x128xf32, #tpu.memory_space<vmem>>[vector<16xi32>, vector<16xi32>], vector<16xf32>,
        %parallel_loop3A_152 = arith.constant 1 : i32
        %parallel_loop3A_153 = vector.broadcast %parallel_loop3A_152 : i32 to vector<16xi32>
        %parallel_loop3A_154 = arith.addi %add3A_30, %parallel_loop3A_153 : vector<16xi32>
        %parallel_loop3A_155 = arith.mulf %parallel_loop3A_150, %parallel_loop3A_137 : vector<16xf32>
        tpu.vector_store_idx %arg17[%parallel_loop3A_130, %parallel_loop3A_154], %parallel_loop3A_155 : memref<128x128xf32, #tpu.memory_space<vmem>>[vector<16xi32>, vector<16xi32>], vector<16xf32>,
        %parallel_loop3A_156 = tpu.vector_load_idx %arg16[%parallel_loop3A_130, %add3A_12] : memref<128x64xi32, #tpu.memory_space<vmem>>[vector<16xi32>, vector<16xi32>], vector<16xi32>,
        %parallel_loop3A_157 = vector.bitcast %parallel_loop3A_156 : vector<16xi32> to vector<32xbf16>
        %parallel_loop3A_158 = tpu.unpack_subelements %parallel_loop3A_157, 0 {pack_format = #tpu.pack_format<interleaved>} : vector<32xbf16> -> vector<16xf32>
        %parallel_loop3A_159 = tpu.unpack_subelements %parallel_loop3A_157, 1 {pack_format = #tpu.pack_format<interleaved>} : vector<32xbf16> -> vector<16xf32>
        %parallel_loop3A_160 = arith.mulf %parallel_loop3A_158, %parallel_loop3A_137 : vector<16xf32>
        tpu.vector_store_idx %arg17[%parallel_loop3A_130, %add3A_37], %parallel_loop3A_160 : memref<128x128xf32, #tpu.memory_space<vmem>>[vector<16xi32>, vector<16xi32>], vector<16xf32>,
        %parallel_loop3A_161 = arith.constant 1 : i32
        %parallel_loop3A_162 = vector.broadcast %parallel_loop3A_161 : i32 to vector<16xi32>
        %parallel_loop3A_163 = arith.addi %add3A_37, %parallel_loop3A_162 : vector<16xi32>
        %parallel_loop3A_164 = arith.mulf %parallel_loop3A_159, %parallel_loop3A_137 : vector<16xf32>
        tpu.vector_store_idx %arg17[%parallel_loop3A_130, %parallel_loop3A_163], %parallel_loop3A_164 : memref<128x128xf32, #tpu.memory_space<vmem>>[vector<16xi32>, vector<16xi32>], vector<16xf32>,
        %parallel_loop3A_165 = tpu.vector_load_idx %arg16[%parallel_loop3A_130, %add3A_16] : memref<128x64xi32, #tpu.memory_space<vmem>>[vector<16xi32>, vector<16xi32>], vector<16xi32>,
        %parallel_loop3A_166 = vector.bitcast %parallel_loop3A_165 : vector<16xi32> to vector<32xbf16>
        %parallel_loop3A_167 = tpu.unpack_subelements %parallel_loop3A_166, 0 {pack_format = #tpu.pack_format<interleaved>} : vector<32xbf16> -> vector<16xf32>
        %parallel_loop3A_168 = tpu.unpack_subelements %parallel_loop3A_166, 1 {pack_format = #tpu.pack_format<interleaved>} : vector<32xbf16> -> vector<16xf32>
        %parallel_loop3A_169 = arith.mulf %parallel_loop3A_167, %parallel_loop3A_137 : vector<16xf32>
        tpu.vector_store_idx %arg17[%parallel_loop3A_130, %add3A_44], %parallel_loop3A_169 : memref<128x128xf32, #tpu.memory_space<vmem>>[vector<16xi32>, vector<16xi32>], vector<16xf32>,
        %parallel_loop3A_170 = arith.constant 1 : i32
        %parallel_loop3A_171 = vector.broadcast %parallel_loop3A_170 : i32 to vector<16xi32>
        %parallel_loop3A_172 = arith.addi %add3A_44, %parallel_loop3A_171 : vector<16xi32>
        %parallel_loop3A_173 = arith.mulf %parallel_loop3A_168, %parallel_loop3A_137 : vector<16xf32>
        tpu.vector_store_idx %arg17[%parallel_loop3A_130, %parallel_loop3A_172], %parallel_loop3A_173 : memref<128x128xf32, #tpu.memory_space<vmem>>[vector<16xi32>, vector<16xi32>], vector<16xf32>,
        %parallel_loop3A_174 = arith.constant 1 : i32
        %parallel_loop3A_175 = vector.broadcast %parallel_loop3A_174 : i32 to vector<16xi32>
        %parallel_loop3A_176 = arith.addi %parallel_loop3A_130, %parallel_loop3A_175 : vector<16xi32>
        scf.yield %parallel_loop3A_176 : vector<16xi32>
      } {sc.loop_unroll_factor = 2 : i64, sc.parallel_access}
      "tpu.region"() ({
        %run_scoped3A = tpu.sem_alloc : memref<!tpu.dma_semaphore, #tpu.memory_space<semaphore_mem>>
        %dma_start3A_129 = arith.constant 0 : i32
        %dma_start3A_130 = arith.constant 0 : i32
        %dma_start3A_131 = tpu.memref_slice %arg8[%dma_start3A_129, %dma_start3A_130] : memref<10240x128xf32, #tpu.memory_space<vmem_shared>> -> memref<10240x128xf32, #tpu.memory_space<vmem_shared>>
        tpu.enqueue_indirect_dma source(%arg17 : memref<128x128xf32, #tpu.memory_space<vmem>>) target(%dma_start3A_131 : memref<10240x128xf32, #tpu.memory_space<vmem_shared>>) offsets(%arg14 : memref<128xi32, #tpu.memory_space<vmem>>) semaphore(%run_scoped3A : memref<!tpu.dma_semaphore, #tpu.memory_space<semaphore_mem>>) {add = true}
        %dma_wait3A_132 = arith.constant 0 : i32
        %dma_wait3A_133 = arith.constant 0 : i32
        %dma_wait3A_134 = tpu.memref_slice %arg8[%dma_wait3A_132, %dma_wait3A_133] : memref<10240x128xf32, #tpu.memory_space<vmem_shared>> -> memref<10240x128xf32, #tpu.memory_space<vmem_shared>>
        tpu.wait_indirect_dma semaphore(%run_scoped3A : memref<!tpu.dma_semaphore, #tpu.memory_space<semaphore_mem>>) src(%arg17 : memref<128x128xf32, #tpu.memory_space<vmem>>) dst(%dma_wait3A_134 : memref<10240x128xf32, #tpu.memory_space<vmem_shared>>)
        tpu.yield
      }) : () -> ()
    }
    %scan3A_69 = arith.constant 40 : i32
    %barrier3A_70 = arith.constant 0 : index
    tpu.barrier barrier_id(%barrier3A_70)
    %mul3A_71 = arith.constant 640 : i32
    %mul3A_72 = arith.muli %arg1, %mul3A_71 : i32
    %mul3A_73 = arith.constant 640 : i32
    %mul3A_74 = arith.muli %arg1, %mul3A_73 : i32
    "tpu.region"() ({
      %run_scoped3A = tpu.sem_alloc : memref<!tpu.dma_semaphore, #tpu.memory_space<semaphore_mem>>
      %dma_start3A_75 = arith.constant 0 : i32
      %dma_start3A_76 = tpu.memref_slice %arg7[%arg0, %mul3A_74, %dma_start3A_75] : memref<2x10240x128xf32, #tpu.memory_space<hbm>> -> memref<1x640x128xf32, #tpu.memory_space<hbm>>
      %dma_start3A_77 = tpu.memref_squeeze %dma_start3A_76 : memref<1x640x128xf32, #tpu.memory_space<hbm>> -> memref<640x128xf32, #tpu.memory_space<hbm>>
      %dma_start3A_78 = arith.constant 0 : i32
      %dma_start3A_79 = tpu.memref_slice %arg8[%mul3A_72, %dma_start3A_78] : memref<10240x128xf32, #tpu.memory_space<vmem_shared>> -> memref<640x128xf32, #tpu.memory_space<vmem_shared>>
      tpu.enqueue_dma source(%dma_start3A_79 : memref<640x128xf32, #tpu.memory_space<vmem_shared>>) target(%dma_start3A_77 : memref<640x128xf32, #tpu.memory_space<hbm>>) target_semaphore(%run_scoped3A : memref<!tpu.dma_semaphore, #tpu.memory_space<semaphore_mem>>)
      %dma_wait3A = arith.constant 0 : i32
      %dma_wait3A_80 = tpu.memref_slice %arg7[%arg0, %mul3A_74, %dma_wait3A] : memref<2x10240x128xf32, #tpu.memory_space<hbm>> -> memref<1x640x128xf32, #tpu.memory_space<hbm>>
      %dma_wait3A_81 = tpu.memref_squeeze %dma_wait3A_80 : memref<1x640x128xf32, #tpu.memory_space<hbm>> -> memref<640x128xf32, #tpu.memory_space<hbm>>
      %dma_wait3A_82 = arith.constant 0 : i32
      %dma_wait3A_83 = tpu.memref_slice %arg8[%mul3A_72, %dma_wait3A_82] : memref<10240x128xf32, #tpu.memory_space<vmem_shared>> -> memref<640x128xf32, #tpu.memory_space<vmem_shared>>
      tpu.wait_dma2 semaphore(%run_scoped3A : memref<!tpu.dma_semaphore, #tpu.memory_space<semaphore_mem>>) src(%dma_wait3A_83 : memref<640x128xf32, #tpu.memory_space<vmem_shared>>) dst(%dma_wait3A_81 : memref<640x128xf32, #tpu.memory_space<hbm>>)
      tpu.yield
    }) : () -> ()
    return
  }
}

#map = affine_map<(d0, d1) -> (0, 0)>
#map1 = affine_map<(d0, d1) -> (0)>
module attributes {stable_mosaic.version = 14 : i64} {
  func.func @_s1_body(%arg0: i32, %arg1: i32, %arg2: memref<10000x128xi32, #tpu.memory_space<hbm>>, %arg3: memref<10000x128xi32, #tpu.memory_space<hbm>>, %arg4: memref<327680xi32, #tpu.memory_space<hbm>>, %arg5: memref<8x16xf32, #tpu.memory_space<hbm>>, %arg6: memref<8x16xf32, #tpu.memory_space<hbm>>, %arg7: memref<16xf32, #tpu.memory_space<hbm>>, %arg8: memref<16xf32, #tpu.memory_space<hbm>>, %arg9: memref<163840xf32, #tpu.memory_space<hbm>>, %arg10: memref<32x16xf32, #tpu.memory_space<hbm>>, %arg11: memref<256xi32, #tpu.memory_space<vmem>>, %arg12: memref<128x128xi32, #tpu.memory_space<vmem>>, %arg13: memref<128x128xi32, #tpu.memory_space<vmem>>, %arg14: memref<256xi32, #tpu.memory_space<vmem>>, %arg15: memref<128x128xi32, #tpu.memory_space<vmem>>, %arg16: memref<128x128xi32, #tpu.memory_space<vmem>>, %arg17: memref<8x16xf32, #tpu.memory_space<vmem>>, %arg18: memref<8x16xf32, #tpu.memory_space<vmem>>, %arg19: memref<16xf32, #tpu.memory_space<vmem>>, %arg20: memref<16xf32, #tpu.memory_space<vmem>>, %arg21: memref<128xf32, #tpu.memory_space<vmem>>, %arg22: memref<16xf32, #tpu.memory_space<vmem>>, %arg23: memref<!tpu.dma_semaphore, #tpu.memory_space<semaphore_mem>>, %arg24: memref<!tpu.dma_semaphore, #tpu.memory_space<semaphore_mem>>, %arg25: memref<!tpu.dma_semaphore, #tpu.memory_space<semaphore_mem>>, %arg26: memref<!tpu.dma_semaphore, #tpu.memory_space<semaphore_mem>>) attributes {dimension_semantics = [#tpu.dimension_semantics<core_parallel>, #tpu.dimension_semantics<subcore_parallel>], iteration_bounds = array<i64: 2, 16>, scalar_prefetch = 0 : i64, scratch_operands = 16 : i64, tpu.core_type = #tpu.core_type<sc_vector_subcore>, window_params = [{transform_indices = #map}, {transform_indices = #map}, {transform_indices = #map1}, {transform_indices = #map}, {transform_indices = #map}, {transform_indices = #map1}, {transform_indices = #map1}, {transform_indices = #map1}, {transform_indices = #map}]} {
    %mul3A = arith.constant 16 : i32
    %mul3A_0 = arith.muli %arg0, %mul3A : i32
    %add3A = arith.addi %mul3A_0, %arg1 : i32
    %mul3A_1 = arith.constant 5120 : i32
    %mul3A_2 = arith.muli %add3A, %mul3A_1 : i32
    "tpu.region"() ({
      %run_scoped3A = tpu.sem_alloc : memref<!tpu.dma_semaphore, #tpu.memory_space<semaphore_mem>>
      tpu.enqueue_dma source(%arg5 : memref<8x16xf32, #tpu.memory_space<hbm>>) target(%arg17 : memref<8x16xf32, #tpu.memory_space<vmem>>) target_semaphore(%run_scoped3A : memref<!tpu.dma_semaphore, #tpu.memory_space<semaphore_mem>>)
      tpu.wait_dma2 semaphore(%run_scoped3A : memref<!tpu.dma_semaphore, #tpu.memory_space<semaphore_mem>>) src(%arg5 : memref<8x16xf32, #tpu.memory_space<hbm>>) dst(%arg17 : memref<8x16xf32, #tpu.memory_space<vmem>>)
      tpu.yield
    }) : () -> ()
    "tpu.region"() ({
      %run_scoped3A = tpu.sem_alloc : memref<!tpu.dma_semaphore, #tpu.memory_space<semaphore_mem>>
      tpu.enqueue_dma source(%arg6 : memref<8x16xf32, #tpu.memory_space<hbm>>) target(%arg18 : memref<8x16xf32, #tpu.memory_space<vmem>>) target_semaphore(%run_scoped3A : memref<!tpu.dma_semaphore, #tpu.memory_space<semaphore_mem>>)
      tpu.wait_dma2 semaphore(%run_scoped3A : memref<!tpu.dma_semaphore, #tpu.memory_space<semaphore_mem>>) src(%arg6 : memref<8x16xf32, #tpu.memory_space<hbm>>) dst(%arg18 : memref<8x16xf32, #tpu.memory_space<vmem>>)
      tpu.yield
    }) : () -> ()
    "tpu.region"() ({
      %run_scoped3A = tpu.sem_alloc : memref<!tpu.dma_semaphore, #tpu.memory_space<semaphore_mem>>
      tpu.enqueue_dma source(%arg7 : memref<16xf32, #tpu.memory_space<hbm>>) target(%arg19 : memref<16xf32, #tpu.memory_space<vmem>>) target_semaphore(%run_scoped3A : memref<!tpu.dma_semaphore, #tpu.memory_space<semaphore_mem>>)
      tpu.wait_dma2 semaphore(%run_scoped3A : memref<!tpu.dma_semaphore, #tpu.memory_space<semaphore_mem>>) src(%arg7 : memref<16xf32, #tpu.memory_space<hbm>>) dst(%arg19 : memref<16xf32, #tpu.memory_space<vmem>>)
      tpu.yield
    }) : () -> ()
    "tpu.region"() ({
      %run_scoped3A = tpu.sem_alloc : memref<!tpu.dma_semaphore, #tpu.memory_space<semaphore_mem>>
      tpu.enqueue_dma source(%arg8 : memref<16xf32, #tpu.memory_space<hbm>>) target(%arg20 : memref<16xf32, #tpu.memory_space<vmem>>) target_semaphore(%run_scoped3A : memref<!tpu.dma_semaphore, #tpu.memory_space<semaphore_mem>>)
      tpu.wait_dma2 semaphore(%run_scoped3A : memref<!tpu.dma_semaphore, #tpu.memory_space<semaphore_mem>>) src(%arg8 : memref<16xf32, #tpu.memory_space<hbm>>) dst(%arg20 : memref<16xf32, #tpu.memory_space<vmem>>)
      tpu.yield
    }) : () -> ()
    %get3A = arith.constant 0 : index
    %get3A_3 = tpu.vector_load %arg19[%get3A] {strides = array<i32>} : memref<16xf32, #tpu.memory_space<vmem>>, vector<16xf32>,
    %get3A_4 = arith.constant 0 : index
    %get3A_5 = tpu.vector_load %arg20[%get3A_4] {strides = array<i32>} : memref<16xf32, #tpu.memory_space<vmem>>, vector<16xf32>,
    %exp3A = math.exp %get3A_5 : vector<16xf32>
    %iota3A = tpu.iota {dimensions = array<i32: 0>} : vector<16xi32>
    %add3A_6 = arith.constant 0 : i32
    %add3A_7 = vector.broadcast %add3A_6 : i32 to vector<16xi32>
    %add3A_8 = arith.addi %iota3A, %add3A_7 : vector<16xi32>
    %iota3A_9 = tpu.iota {dimensions = array<i32: 0>} : vector<16xi32>
    %add3A_10 = arith.constant 16 : i32
    %add3A_11 = vector.broadcast %add3A_10 : i32 to vector<16xi32>
    %add3A_12 = arith.addi %iota3A_9, %add3A_11 : vector<16xi32>
    %iota3A_13 = tpu.iota {dimensions = array<i32: 0>} : vector<16xi32>
    %add3A_14 = arith.constant 32 : i32
    %add3A_15 = vector.broadcast %add3A_14 : i32 to vector<16xi32>
    %add3A_16 = arith.addi %iota3A_13, %add3A_15 : vector<16xi32>
    %iota3A_17 = tpu.iota {dimensions = array<i32: 0>} : vector<16xi32>
    %add3A_18 = arith.constant 48 : i32
    %add3A_19 = vector.broadcast %add3A_18 : i32 to vector<16xi32>
    %add3A_20 = arith.addi %iota3A_17, %add3A_19 : vector<16xi32>
    %iota3A_21 = tpu.iota {dimensions = array<i32: 0>} : vector<16xi32>
    %add3A_22 = arith.constant 64 : i32
    %add3A_23 = vector.broadcast %add3A_22 : i32 to vector<16xi32>
    %add3A_24 = arith.addi %iota3A_21, %add3A_23 : vector<16xi32>
    %iota3A_25 = tpu.iota {dimensions = array<i32: 0>} : vector<16xi32>
    %add3A_26 = arith.constant 80 : i32
    %add3A_27 = vector.broadcast %add3A_26 : i32 to vector<16xi32>
    %add3A_28 = arith.addi %iota3A_25, %add3A_27 : vector<16xi32>
    %iota3A_29 = tpu.iota {dimensions = array<i32: 0>} : vector<16xi32>
    %add3A_30 = arith.constant 96 : i32
    %add3A_31 = vector.broadcast %add3A_30 : i32 to vector<16xi32>
    %add3A_32 = arith.addi %iota3A_29, %add3A_31 : vector<16xi32>
    %iota3A_33 = tpu.iota {dimensions = array<i32: 0>} : vector<16xi32>
    %add3A_34 = arith.constant 112 : i32
    %add3A_35 = vector.broadcast %add3A_34 : i32 to vector<16xi32>
    %add3A_36 = arith.addi %iota3A_33, %add3A_35 : vector<16xi32>
    %add3A_37 = arith.constant 0 : i32
    %add3A_38 = arith.addi %mul3A_2, %add3A_37 : i32
    %mul3A_39 = arith.constant 2 : i32
    %mul3A_40 = arith.muli %mul3A_39, %add3A_38 : i32
    "tpu.region"() ({
      %run_scoped3A = tpu.sem_alloc : memref<!tpu.dma_semaphore, #tpu.memory_space<semaphore_mem>>
      %dma_start3A_57 = tpu.memref_slice %arg4[%mul3A_40] : memref<327680xi32, #tpu.memory_space<hbm>> -> memref<256xi32, #tpu.memory_space<hbm>>
      %dma_start3A_58 = tpu.memref_slice %arg4[%mul3A_40] : memref<327680xi32, #tpu.memory_space<hbm>> -> memref<256xi32, #tpu.memory_space<hbm>>
      tpu.enqueue_dma source(%dma_start3A_58 : memref<256xi32, #tpu.memory_space<hbm>>) target(%arg11 : memref<256xi32, #tpu.memory_space<vmem>>) target_semaphore(%run_scoped3A : memref<!tpu.dma_semaphore, #tpu.memory_space<semaphore_mem>>)
      %dma_wait3A = tpu.memref_slice %arg4[%mul3A_40] : memref<327680xi32, #tpu.memory_space<hbm>> -> memref<256xi32, #tpu.memory_space<hbm>>
      %dma_wait3A_59 = tpu.memref_slice %arg4[%mul3A_40] : memref<327680xi32, #tpu.memory_space<hbm>> -> memref<256xi32, #tpu.memory_space<hbm>>
      tpu.wait_dma2 semaphore(%run_scoped3A : memref<!tpu.dma_semaphore, #tpu.memory_space<semaphore_mem>>) src(%dma_wait3A_59 : memref<256xi32, #tpu.memory_space<hbm>>) dst(%arg11 : memref<256xi32, #tpu.memory_space<vmem>>)
      tpu.yield
    }) : () -> ()
    %dma_start3A = arith.constant 0 : i32
    %dma_start3A_41 = tpu.memref_slice %arg11[%dma_start3A] : memref<256xi32, #tpu.memory_space<vmem>> -> memref<128xi32, #tpu.memory_space<vmem>>
    %dma_start3A_42 = arith.constant 0 : i32
    %dma_start3A_43 = arith.constant 0 : i32
    %dma_start3A_44 = tpu.memref_slice %arg2[%dma_start3A_42, %dma_start3A_43] : memref<10000x128xi32, #tpu.memory_space<hbm>> -> memref<10000x128xi32, #tpu.memory_space<hbm>>
    tpu.enqueue_indirect_dma source(%dma_start3A_44 : memref<10000x128xi32, #tpu.memory_space<hbm>>) target(%arg12 : memref<128x128xi32, #tpu.memory_space<vmem>>) offsets(%dma_start3A_41 : memref<128xi32, #tpu.memory_space<vmem>>) semaphore(%arg23 : memref<!tpu.dma_semaphore, #tpu.memory_space<semaphore_mem>>)
    %dma_start3A_45 = arith.constant 128 : i32
    %dma_start3A_46 = tpu.memref_slice %arg11[%dma_start3A_45] : memref<256xi32, #tpu.memory_space<vmem>> -> memref<128xi32, #tpu.memory_space<vmem>>
    %dma_start3A_47 = arith.constant 0 : i32
    %dma_start3A_48 = arith.constant 0 : i32
    %dma_start3A_49 = tpu.memref_slice %arg3[%dma_start3A_47, %dma_start3A_48] : memref<10000x128xi32, #tpu.memory_space<hbm>> -> memref<10000x128xi32, #tpu.memory_space<hbm>>
    tpu.enqueue_indirect_dma source(%dma_start3A_49 : memref<10000x128xi32, #tpu.memory_space<hbm>>) target(%arg13 : memref<128x128xi32, #tpu.memory_space<vmem>>) offsets(%dma_start3A_46 : memref<128xi32, #tpu.memory_space<vmem>>) semaphore(%arg24 : memref<!tpu.dma_semaphore, #tpu.memory_space<semaphore_mem>>)
    %broadcast_in_dim3A = arith.constant 0.000000e+00 : f32
    %broadcast_in_dim3A_50 = vector.broadcast %broadcast_in_dim3A : f32 to vector<16xf32>
    %scan3A = arith.constant 0 : i32
    %scan3A_51 = arith.constant 20 : i32
    %scan3A_52 = arith.addi %scan3A, %scan3A_51 : i32
    %scan3A_53 = arith.constant 1 : i32
    %scan3A_54 = scf.for %scan3A_57 = %scan3A to %scan3A_52 step %scan3A_53 iter_args(%scan3A_58 = %broadcast_in_dim3A_50) -> (vector<16xf32>)  : i32 {
      %mul3A_59 = arith.constant 2 : i32
      %mul3A_60 = arith.muli %mul3A_59, %scan3A_57 : i32
      %add3A_61 = arith.constant 1 : i32
      %add3A_62 = arith.addi %mul3A_60, %add3A_61 : i32
      %mul3A_63 = arith.constant 128 : i32
      %mul3A_64 = arith.muli %add3A_62, %mul3A_63 : i32
      %add3A_65 = arith.addi %mul3A_2, %mul3A_64 : i32
      %mul3A_66 = arith.constant 2 : i32
      %mul3A_67 = arith.muli %mul3A_66, %add3A_65 : i32
      "tpu.region"() ({
        %run_scoped3A = tpu.sem_alloc : memref<!tpu.dma_semaphore, #tpu.memory_space<semaphore_mem>>
        %dma_start3A_914 = tpu.memref_slice %arg4[%mul3A_67] : memref<327680xi32, #tpu.memory_space<hbm>> -> memref<256xi32, #tpu.memory_space<hbm>>
        %dma_start3A_915 = tpu.memref_slice %arg4[%mul3A_67] : memref<327680xi32, #tpu.memory_space<hbm>> -> memref<256xi32, #tpu.memory_space<hbm>>
        tpu.enqueue_dma source(%dma_start3A_915 : memref<256xi32, #tpu.memory_space<hbm>>) target(%arg14 : memref<256xi32, #tpu.memory_space<vmem>>) target_semaphore(%run_scoped3A : memref<!tpu.dma_semaphore, #tpu.memory_space<semaphore_mem>>)
        %dma_wait3A_916 = tpu.memref_slice %arg4[%mul3A_67] : memref<327680xi32, #tpu.memory_space<hbm>> -> memref<256xi32, #tpu.memory_space<hbm>>
        %dma_wait3A_917 = tpu.memref_slice %arg4[%mul3A_67] : memref<327680xi32, #tpu.memory_space<hbm>> -> memref<256xi32, #tpu.memory_space<hbm>>
        tpu.wait_dma2 semaphore(%run_scoped3A : memref<!tpu.dma_semaphore, #tpu.memory_space<semaphore_mem>>) src(%dma_wait3A_917 : memref<256xi32, #tpu.memory_space<hbm>>) dst(%arg14 : memref<256xi32, #tpu.memory_space<vmem>>)
        tpu.yield
      }) : () -> ()
      %dma_start3A_68 = arith.constant 0 : i32
      %dma_start3A_69 = tpu.memref_slice %arg14[%dma_start3A_68] : memref<256xi32, #tpu.memory_space<vmem>> -> memref<128xi32, #tpu.memory_space<vmem>>
      %dma_start3A_70 = arith.constant 0 : i32
      %dma_start3A_71 = arith.constant 0 : i32
      %dma_start3A_72 = tpu.memref_slice %arg2[%dma_start3A_70, %dma_start3A_71] : memref<10000x128xi32, #tpu.memory_space<hbm>> -> memref<10000x128xi32, #tpu.memory_space<hbm>>
      tpu.enqueue_indirect_dma source(%dma_start3A_72 : memref<10000x128xi32, #tpu.memory_space<hbm>>) target(%arg15 : memref<128x128xi32, #tpu.memory_space<vmem>>) offsets(%dma_start3A_69 : memref<128xi32, #tpu.memory_space<vmem>>) semaphore(%arg25 : memref<!tpu.dma_semaphore, #tpu.memory_space<semaphore_mem>>)
      %dma_start3A_73 = arith.constant 128 : i32
      %dma_start3A_74 = tpu.memref_slice %arg14[%dma_start3A_73] : memref<256xi32, #tpu.memory_space<vmem>> -> memref<128xi32, #tpu.memory_space<vmem>>
      %dma_start3A_75 = arith.constant 0 : i32
      %dma_start3A_76 = arith.constant 0 : i32
      %dma_start3A_77 = tpu.memref_slice %arg3[%dma_start3A_75, %dma_start3A_76] : memref<10000x128xi32, #tpu.memory_space<hbm>> -> memref<10000x128xi32, #tpu.memory_space<hbm>>
      tpu.enqueue_indirect_dma source(%dma_start3A_77 : memref<10000x128xi32, #tpu.memory_space<hbm>>) target(%arg16 : memref<128x128xi32, #tpu.memory_space<vmem>>) offsets(%dma_start3A_74 : memref<128xi32, #tpu.memory_space<vmem>>) semaphore(%arg26 : memref<!tpu.dma_semaphore, #tpu.memory_space<semaphore_mem>>)
      %dma_wait3A = arith.constant 0 : i32
      %dma_wait3A_78 = tpu.memref_slice %arg11[%dma_wait3A] : memref<256xi32, #tpu.memory_space<vmem>> -> memref<128xi32, #tpu.memory_space<vmem>>
      %dma_wait3A_79 = arith.constant 0 : i32
      %dma_wait3A_80 = arith.constant 0 : i32
      %dma_wait3A_81 = tpu.memref_slice %arg2[%dma_wait3A_79, %dma_wait3A_80] : memref<10000x128xi32, #tpu.memory_space<hbm>> -> memref<10000x128xi32, #tpu.memory_space<hbm>>
      tpu.wait_indirect_dma semaphore(%arg23 : memref<!tpu.dma_semaphore, #tpu.memory_space<semaphore_mem>>) src(%dma_wait3A_81 : memref<10000x128xi32, #tpu.memory_space<hbm>>) dst(%arg12 : memref<128x128xi32, #tpu.memory_space<vmem>>)
      %dma_wait3A_82 = arith.constant 128 : i32
      %dma_wait3A_83 = tpu.memref_slice %arg11[%dma_wait3A_82] : memref<256xi32, #tpu.memory_space<vmem>> -> memref<128xi32, #tpu.memory_space<vmem>>
      %dma_wait3A_84 = arith.constant 0 : i32
      %dma_wait3A_85 = arith.constant 0 : i32
      %dma_wait3A_86 = tpu.memref_slice %arg3[%dma_wait3A_84, %dma_wait3A_85] : memref<10000x128xi32, #tpu.memory_space<hbm>> -> memref<10000x128xi32, #tpu.memory_space<hbm>>
      tpu.wait_indirect_dma semaphore(%arg24 : memref<!tpu.dma_semaphore, #tpu.memory_space<semaphore_mem>>) src(%dma_wait3A_86 : memref<10000x128xi32, #tpu.memory_space<hbm>>) dst(%arg13 : memref<128x128xi32, #tpu.memory_space<vmem>>)
      %mul3A_87 = arith.constant 128 : i32
      %mul3A_88 = arith.muli %mul3A_60, %mul3A_87 : i32
      %add3A_89 = arith.addi %mul3A_2, %mul3A_88 : i32
      %broadcast_in_dim3A_90 = arith.constant 0.000000e+00 : f32
      %broadcast_in_dim3A_91 = vector.broadcast %broadcast_in_dim3A_90 : f32 to vector<16xf32>
      %broadcast_in_dim3A_92 = arith.constant 0.000000e+00 : f32
      %broadcast_in_dim3A_93 = vector.broadcast %broadcast_in_dim3A_92 : f32 to vector<16xf32>
      %broadcast_in_dim3A_94 = arith.constant 0.000000e+00 : f32
      %broadcast_in_dim3A_95 = vector.broadcast %broadcast_in_dim3A_94 : f32 to vector<16xf32>
      %broadcast_in_dim3A_96 = arith.constant 0.000000e+00 : f32
      %broadcast_in_dim3A_97 = vector.broadcast %broadcast_in_dim3A_96 : f32 to vector<16xf32>
      %broadcast_in_dim3A_98 = arith.constant 0.000000e+00 : f32
      %broadcast_in_dim3A_99 = vector.broadcast %broadcast_in_dim3A_98 : f32 to vector<16xf32>
      %broadcast_in_dim3A_100 = arith.constant 0.000000e+00 : f32
      %broadcast_in_dim3A_101 = vector.broadcast %broadcast_in_dim3A_100 : f32 to vector<16xf32>
      %broadcast_in_dim3A_102 = arith.constant 0.000000e+00 : f32
      %broadcast_in_dim3A_103 = vector.broadcast %broadcast_in_dim3A_102 : f32 to vector<16xf32>
      %broadcast_in_dim3A_104 = arith.constant 0.000000e+00 : f32
      %broadcast_in_dim3A_105 = vector.broadcast %broadcast_in_dim3A_104 : f32 to vector<16xf32>
      %broadcast_in_dim3A_106 = arith.constant 0 : i32
      %broadcast_in_dim3A_107 = vector.broadcast %broadcast_in_dim3A_106 : i32 to vector<16xi32>
      %parallel_loop3A = arith.constant 0 : i32
      %parallel_loop3A_108 = arith.constant 128 : i32
      %parallel_loop3A_109 = arith.constant 1 : i32
      %parallel_loop3A_110:9 = scf.for %parallel_loop3A_914 = %parallel_loop3A to %parallel_loop3A_108 step %parallel_loop3A_109 iter_args(%parallel_loop3A_915 = %broadcast_in_dim3A_91, %parallel_loop3A_916 = %broadcast_in_dim3A_93, %parallel_loop3A_917 = %broadcast_in_dim3A_95, %parallel_loop3A_918 = %broadcast_in_dim3A_97, %parallel_loop3A_919 = %broadcast_in_dim3A_99, %parallel_loop3A_920 = %broadcast_in_dim3A_101, %parallel_loop3A_921 = %broadcast_in_dim3A_103, %parallel_loop3A_922 = %broadcast_in_dim3A_105, %parallel_loop3A_923 = %broadcast_in_dim3A_107) -> (vector<16xf32>, vector<16xf32>, vector<16xf32>, vector<16xf32>, vector<16xf32>, vector<16xf32>, vector<16xf32>, vector<16xf32>, vector<16xi32>)  : i32 {
        %parallel_loop3A_924 = arith.constant 4 : i32
        %parallel_loop3A_925 = vector.broadcast %parallel_loop3A_924 : i32 to vector<16xi32>
        %parallel_loop3A_926 = arith.shrsi %parallel_loop3A_923, %parallel_loop3A_925 : vector<16xi32>
        %parallel_loop3A_927 = arith.constant 15 : i32
        %parallel_loop3A_928 = vector.broadcast %parallel_loop3A_927 : i32 to vector<16xi32>
        %parallel_loop3A_929 = arith.andi %parallel_loop3A_923, %parallel_loop3A_928 : vector<16xi32>
        %parallel_loop3A_930 = tpu.vector_load_idx %arg17[%parallel_loop3A_926, %parallel_loop3A_929] : memref<8x16xf32, #tpu.memory_space<vmem>>[vector<16xi32>, vector<16xi32>], vector<16xf32>,
        %parallel_loop3A_931 = arith.constant 4 : i32
        %parallel_loop3A_932 = vector.broadcast %parallel_loop3A_931 : i32 to vector<16xi32>
        %parallel_loop3A_933 = arith.shrsi %parallel_loop3A_923, %parallel_loop3A_932 : vector<16xi32>
        %parallel_loop3A_934 = arith.constant 15 : i32
        %parallel_loop3A_935 = vector.broadcast %parallel_loop3A_934 : i32 to vector<16xi32>
        %parallel_loop3A_936 = arith.andi %parallel_loop3A_923, %parallel_loop3A_935 : vector<16xi32>
        %parallel_loop3A_937 = tpu.vector_load_idx %arg18[%parallel_loop3A_933, %parallel_loop3A_936] : memref<8x16xf32, #tpu.memory_space<vmem>>[vector<16xi32>, vector<16xi32>], vector<16xf32>,
        %parallel_loop3A_938 = tpu.vector_load_idx %arg12[%add3A_8, %parallel_loop3A_923] : memref<128x128xi32, #tpu.memory_space<vmem>>[vector<16xi32>, vector<16xi32>], vector<16xi32>,
        %parallel_loop3A_939 = vector.bitcast %parallel_loop3A_938 : vector<16xi32> to vector<32xbf16>
        %parallel_loop3A_940 = tpu.unpack_subelements %parallel_loop3A_939, 0 {pack_format = #tpu.pack_format<interleaved>} : vector<32xbf16> -> vector<16xf32>
        %parallel_loop3A_941 = tpu.unpack_subelements %parallel_loop3A_939, 1 {pack_format = #tpu.pack_format<interleaved>} : vector<32xbf16> -> vector<16xf32>
        %parallel_loop3A_942 = tpu.vector_load_idx %arg13[%add3A_8, %parallel_loop3A_923] : memref<128x128xi32, #tpu.memory_space<vmem>>[vector<16xi32>, vector<16xi32>], vector<16xi32>,
        %parallel_loop3A_943 = vector.bitcast %parallel_loop3A_942 : vector<16xi32> to vector<32xbf16>
        %parallel_loop3A_944 = tpu.unpack_subelements %parallel_loop3A_943, 0 {pack_format = #tpu.pack_format<interleaved>} : vector<32xbf16> -> vector<16xf32>
        %parallel_loop3A_945 = tpu.unpack_subelements %parallel_loop3A_943, 1 {pack_format = #tpu.pack_format<interleaved>} : vector<32xbf16> -> vector<16xf32>
        %parallel_loop3A_946 = arith.addf %parallel_loop3A_940, %parallel_loop3A_944 : vector<16xf32>
        %parallel_loop3A_947 = arith.constant 0.000000e+00 : f32
        %parallel_loop3A_948 = vector.broadcast %parallel_loop3A_947 : f32 to vector<16xf32>
        %parallel_loop3A_949 = arith.maximumf %parallel_loop3A_946, %parallel_loop3A_948 : vector<16xf32>
        %parallel_loop3A_950 = arith.mulf %parallel_loop3A_949, %parallel_loop3A_930 : vector<16xf32>
        %parallel_loop3A_951 = arith.addf %parallel_loop3A_915, %parallel_loop3A_950 : vector<16xf32>
        %parallel_loop3A_952 = arith.addf %parallel_loop3A_941, %parallel_loop3A_945 : vector<16xf32>
        %parallel_loop3A_953 = arith.constant 0.000000e+00 : f32
        %parallel_loop3A_954 = vector.broadcast %parallel_loop3A_953 : f32 to vector<16xf32>
        %parallel_loop3A_955 = arith.maximumf %parallel_loop3A_952, %parallel_loop3A_954 : vector<16xf32>
        %parallel_loop3A_956 = arith.mulf %parallel_loop3A_955, %parallel_loop3A_937 : vector<16xf32>
        %parallel_loop3A_957 = arith.addf %parallel_loop3A_951, %parallel_loop3A_956 : vector<16xf32>
        %parallel_loop3A_958 = tpu.vector_load_idx %arg12[%add3A_12, %parallel_loop3A_923] : memref<128x128xi32, #tpu.memory_space<vmem>>[vector<16xi32>, vector<16xi32>], vector<16xi32>,
        %parallel_loop3A_959 = vector.bitcast %parallel_loop3A_958 : vector<16xi32> to vector<32xbf16>
        %parallel_loop3A_960 = tpu.unpack_subelements %parallel_loop3A_959, 0 {pack_format = #tpu.pack_format<interleaved>} : vector<32xbf16> -> vector<16xf32>
        %parallel_loop3A_961 = tpu.unpack_subelements %parallel_loop3A_959, 1 {pack_format = #tpu.pack_format<interleaved>} : vector<32xbf16> -> vector<16xf32>
        %parallel_loop3A_962 = tpu.vector_load_idx %arg13[%add3A_12, %parallel_loop3A_923] : memref<128x128xi32, #tpu.memory_space<vmem>>[vector<16xi32>, vector<16xi32>], vector<16xi32>,
        %parallel_loop3A_963 = vector.bitcast %parallel_loop3A_962 : vector<16xi32> to vector<32xbf16>
        %parallel_loop3A_964 = tpu.unpack_subelements %parallel_loop3A_963, 0 {pack_format = #tpu.pack_format<interleaved>} : vector<32xbf16> -> vector<16xf32>
        %parallel_loop3A_965 = tpu.unpack_subelements %parallel_loop3A_963, 1 {pack_format = #tpu.pack_format<interleaved>} : vector<32xbf16> -> vector<16xf32>
        %parallel_loop3A_966 = arith.addf %parallel_loop3A_960, %parallel_loop3A_964 : vector<16xf32>
        %parallel_loop3A_967 = arith.constant 0.000000e+00 : f32
        %parallel_loop3A_968 = vector.broadcast %parallel_loop3A_967 : f32 to vector<16xf32>
        %parallel_loop3A_969 = arith.maximumf %parallel_loop3A_966, %parallel_loop3A_968 : vector<16xf32>
        %parallel_loop3A_970 = arith.mulf %parallel_loop3A_969, %parallel_loop3A_930 : vector<16xf32>
        %parallel_loop3A_971 = arith.addf %parallel_loop3A_916, %parallel_loop3A_970 : vector<16xf32>
        %parallel_loop3A_972 = arith.addf %parallel_loop3A_961, %parallel_loop3A_965 : vector<16xf32>
        %parallel_loop3A_973 = arith.constant 0.000000e+00 : f32
        %parallel_loop3A_974 = vector.broadcast %parallel_loop3A_973 : f32 to vector<16xf32>
        %parallel_loop3A_975 = arith.maximumf %parallel_loop3A_972, %parallel_loop3A_974 : vector<16xf32>
        %parallel_loop3A_976 = arith.mulf %parallel_loop3A_975, %parallel_loop3A_937 : vector<16xf32>
        %parallel_loop3A_977 = arith.addf %parallel_loop3A_971, %parallel_loop3A_976 : vector<16xf32>
        %parallel_loop3A_978 = tpu.vector_load_idx %arg12[%add3A_16, %parallel_loop3A_923] : memref<128x128xi32, #tpu.memory_space<vmem>>[vector<16xi32>, vector<16xi32>], vector<16xi32>,
        %parallel_loop3A_979 = vector.bitcast %parallel_loop3A_978 : vector<16xi32> to vector<32xbf16>
        %parallel_loop3A_980 = tpu.unpack_subelements %parallel_loop3A_979, 0 {pack_format = #tpu.pack_format<interleaved>} : vector<32xbf16> -> vector<16xf32>
        %parallel_loop3A_981 = tpu.unpack_subelements %parallel_loop3A_979, 1 {pack_format = #tpu.pack_format<interleaved>} : vector<32xbf16> -> vector<16xf32>
        %parallel_loop3A_982 = tpu.vector_load_idx %arg13[%add3A_16, %parallel_loop3A_923] : memref<128x128xi32, #tpu.memory_space<vmem>>[vector<16xi32>, vector<16xi32>], vector<16xi32>,
        %parallel_loop3A_983 = vector.bitcast %parallel_loop3A_982 : vector<16xi32> to vector<32xbf16>
        %parallel_loop3A_984 = tpu.unpack_subelements %parallel_loop3A_983, 0 {pack_format = #tpu.pack_format<interleaved>} : vector<32xbf16> -> vector<16xf32>
        %parallel_loop3A_985 = tpu.unpack_subelements %parallel_loop3A_983, 1 {pack_format = #tpu.pack_format<interleaved>} : vector<32xbf16> -> vector<16xf32>
        %parallel_loop3A_986 = arith.addf %parallel_loop3A_980, %parallel_loop3A_984 : vector<16xf32>
        %parallel_loop3A_987 = arith.constant 0.000000e+00 : f32
        %parallel_loop3A_988 = vector.broadcast %parallel_loop3A_987 : f32 to vector<16xf32>
        %parallel_loop3A_989 = arith.maximumf %parallel_loop3A_986, %parallel_loop3A_988 : vector<16xf32>
        %parallel_loop3A_990 = arith.mulf %parallel_loop3A_989, %parallel_loop3A_930 : vector<16xf32>
        %parallel_loop3A_991 = arith.addf %parallel_loop3A_917, %parallel_loop3A_990 : vector<16xf32>
        %parallel_loop3A_992 = arith.addf %parallel_loop3A_981, %parallel_loop3A_985 : vector<16xf32>
        %parallel_loop3A_993 = arith.constant 0.000000e+00 : f32
        %parallel_loop3A_994 = vector.broadcast %parallel_loop3A_993 : f32 to vector<16xf32>
        %parallel_loop3A_995 = arith.maximumf %parallel_loop3A_992, %parallel_loop3A_994 : vector<16xf32>
        %parallel_loop3A_996 = arith.mulf %parallel_loop3A_995, %parallel_loop3A_937 : vector<16xf32>
        %parallel_loop3A_997 = arith.addf %parallel_loop3A_991, %parallel_loop3A_996 : vector<16xf32>
        %parallel_loop3A_998 = tpu.vector_load_idx %arg12[%add3A_20, %parallel_loop3A_923] : memref<128x128xi32, #tpu.memory_space<vmem>>[vector<16xi32>, vector<16xi32>], vector<16xi32>,
        %parallel_loop3A_999 = vector.bitcast %parallel_loop3A_998 : vector<16xi32> to vector<32xbf16>
        %parallel_loop3A_1000 = tpu.unpack_subelements %parallel_loop3A_999, 0 {pack_format = #tpu.pack_format<interleaved>} : vector<32xbf16> -> vector<16xf32>
        %parallel_loop3A_1001 = tpu.unpack_subelements %parallel_loop3A_999, 1 {pack_format = #tpu.pack_format<interleaved>} : vector<32xbf16> -> vector<16xf32>
        %parallel_loop3A_1002 = tpu.vector_load_idx %arg13[%add3A_20, %parallel_loop3A_923] : memref<128x128xi32, #tpu.memory_space<vmem>>[vector<16xi32>, vector<16xi32>], vector<16xi32>,
        %parallel_loop3A_1003 = vector.bitcast %parallel_loop3A_1002 : vector<16xi32> to vector<32xbf16>
        %parallel_loop3A_1004 = tpu.unpack_subelements %parallel_loop3A_1003, 0 {pack_format = #tpu.pack_format<interleaved>} : vector<32xbf16> -> vector<16xf32>
        %parallel_loop3A_1005 = tpu.unpack_subelements %parallel_loop3A_1003, 1 {pack_format = #tpu.pack_format<interleaved>} : vector<32xbf16> -> vector<16xf32>
        %parallel_loop3A_1006 = arith.addf %parallel_loop3A_1000, %parallel_loop3A_1004 : vector<16xf32>
        %parallel_loop3A_1007 = arith.constant 0.000000e+00 : f32
        %parallel_loop3A_1008 = vector.broadcast %parallel_loop3A_1007 : f32 to vector<16xf32>
        %parallel_loop3A_1009 = arith.maximumf %parallel_loop3A_1006, %parallel_loop3A_1008 : vector<16xf32>
        %parallel_loop3A_1010 = arith.mulf %parallel_loop3A_1009, %parallel_loop3A_930 : vector<16xf32>
        %parallel_loop3A_1011 = arith.addf %parallel_loop3A_918, %parallel_loop3A_1010 : vector<16xf32>
        %parallel_loop3A_1012 = arith.addf %parallel_loop3A_1001, %parallel_loop3A_1005 : vector<16xf32>
        %parallel_loop3A_1013 = arith.constant 0.000000e+00 : f32
        %parallel_loop3A_1014 = vector.broadcast %parallel_loop3A_1013 : f32 to vector<16xf32>
        %parallel_loop3A_1015 = arith.maximumf %parallel_loop3A_1012, %parallel_loop3A_1014 : vector<16xf32>
        %parallel_loop3A_1016 = arith.mulf %parallel_loop3A_1015, %parallel_loop3A_937 : vector<16xf32>
        %parallel_loop3A_1017 = arith.addf %parallel_loop3A_1011, %parallel_loop3A_1016 : vector<16xf32>
        %parallel_loop3A_1018 = tpu.vector_load_idx %arg12[%add3A_24, %parallel_loop3A_923] : memref<128x128xi32, #tpu.memory_space<vmem>>[vector<16xi32>, vector<16xi32>], vector<16xi32>,
        %parallel_loop3A_1019 = vector.bitcast %parallel_loop3A_1018 : vector<16xi32> to vector<32xbf16>
        %parallel_loop3A_1020 = tpu.unpack_subelements %parallel_loop3A_1019, 0 {pack_format = #tpu.pack_format<interleaved>} : vector<32xbf16> -> vector<16xf32>
        %parallel_loop3A_1021 = tpu.unpack_subelements %parallel_loop3A_1019, 1 {pack_format = #tpu.pack_format<interleaved>} : vector<32xbf16> -> vector<16xf32>
        %parallel_loop3A_1022 = tpu.vector_load_idx %arg13[%add3A_24, %parallel_loop3A_923] : memref<128x128xi32, #tpu.memory_space<vmem>>[vector<16xi32>, vector<16xi32>], vector<16xi32>,
        %parallel_loop3A_1023 = vector.bitcast %parallel_loop3A_1022 : vector<16xi32> to vector<32xbf16>
        %parallel_loop3A_1024 = tpu.unpack_subelements %parallel_loop3A_1023, 0 {pack_format = #tpu.pack_format<interleaved>} : vector<32xbf16> -> vector<16xf32>
        %parallel_loop3A_1025 = tpu.unpack_subelements %parallel_loop3A_1023, 1 {pack_format = #tpu.pack_format<interleaved>} : vector<32xbf16> -> vector<16xf32>
        %parallel_loop3A_1026 = arith.addf %parallel_loop3A_1020, %parallel_loop3A_1024 : vector<16xf32>
        %parallel_loop3A_1027 = arith.constant 0.000000e+00 : f32
        %parallel_loop3A_1028 = vector.broadcast %parallel_loop3A_1027 : f32 to vector<16xf32>
        %parallel_loop3A_1029 = arith.maximumf %parallel_loop3A_1026, %parallel_loop3A_1028 : vector<16xf32>
        %parallel_loop3A_1030 = arith.mulf %parallel_loop3A_1029, %parallel_loop3A_930 : vector<16xf32>
        %parallel_loop3A_1031 = arith.addf %parallel_loop3A_919, %parallel_loop3A_1030 : vector<16xf32>
        %parallel_loop3A_1032 = arith.addf %parallel_loop3A_1021, %parallel_loop3A_1025 : vector<16xf32>
        %parallel_loop3A_1033 = arith.constant 0.000000e+00 : f32
        %parallel_loop3A_1034 = vector.broadcast %parallel_loop3A_1033 : f32 to vector<16xf32>
        %parallel_loop3A_1035 = arith.maximumf %parallel_loop3A_1032, %parallel_loop3A_1034 : vector<16xf32>
        %parallel_loop3A_1036 = arith.mulf %parallel_loop3A_1035, %parallel_loop3A_937 : vector<16xf32>
        %parallel_loop3A_1037 = arith.addf %parallel_loop3A_1031, %parallel_loop3A_1036 : vector<16xf32>
        %parallel_loop3A_1038 = tpu.vector_load_idx %arg12[%add3A_28, %parallel_loop3A_923] : memref<128x128xi32, #tpu.memory_space<vmem>>[vector<16xi32>, vector<16xi32>], vector<16xi32>,
        %parallel_loop3A_1039 = vector.bitcast %parallel_loop3A_1038 : vector<16xi32> to vector<32xbf16>
        %parallel_loop3A_1040 = tpu.unpack_subelements %parallel_loop3A_1039, 0 {pack_format = #tpu.pack_format<interleaved>} : vector<32xbf16> -> vector<16xf32>
        %parallel_loop3A_1041 = tpu.unpack_subelements %parallel_loop3A_1039, 1 {pack_format = #tpu.pack_format<interleaved>} : vector<32xbf16> -> vector<16xf32>
        %parallel_loop3A_1042 = tpu.vector_load_idx %arg13[%add3A_28, %parallel_loop3A_923] : memref<128x128xi32, #tpu.memory_space<vmem>>[vector<16xi32>, vector<16xi32>], vector<16xi32>,
        %parallel_loop3A_1043 = vector.bitcast %parallel_loop3A_1042 : vector<16xi32> to vector<32xbf16>
        %parallel_loop3A_1044 = tpu.unpack_subelements %parallel_loop3A_1043, 0 {pack_format = #tpu.pack_format<interleaved>} : vector<32xbf16> -> vector<16xf32>
        %parallel_loop3A_1045 = tpu.unpack_subelements %parallel_loop3A_1043, 1 {pack_format = #tpu.pack_format<interleaved>} : vector<32xbf16> -> vector<16xf32>
        %parallel_loop3A_1046 = arith.addf %parallel_loop3A_1040, %parallel_loop3A_1044 : vector<16xf32>
        %parallel_loop3A_1047 = arith.constant 0.000000e+00 : f32
        %parallel_loop3A_1048 = vector.broadcast %parallel_loop3A_1047 : f32 to vector<16xf32>
        %parallel_loop3A_1049 = arith.maximumf %parallel_loop3A_1046, %parallel_loop3A_1048 : vector<16xf32>
        %parallel_loop3A_1050 = arith.mulf %parallel_loop3A_1049, %parallel_loop3A_930 : vector<16xf32>
        %parallel_loop3A_1051 = arith.addf %parallel_loop3A_920, %parallel_loop3A_1050 : vector<16xf32>
        %parallel_loop3A_1052 = arith.addf %parallel_loop3A_1041, %parallel_loop3A_1045 : vector<16xf32>
        %parallel_loop3A_1053 = arith.constant 0.000000e+00 : f32
        %parallel_loop3A_1054 = vector.broadcast %parallel_loop3A_1053 : f32 to vector<16xf32>
        %parallel_loop3A_1055 = arith.maximumf %parallel_loop3A_1052, %parallel_loop3A_1054 : vector<16xf32>
        %parallel_loop3A_1056 = arith.mulf %parallel_loop3A_1055, %parallel_loop3A_937 : vector<16xf32>
        %parallel_loop3A_1057 = arith.addf %parallel_loop3A_1051, %parallel_loop3A_1056 : vector<16xf32>
        %parallel_loop3A_1058 = tpu.vector_load_idx %arg12[%add3A_32, %parallel_loop3A_923] : memref<128x128xi32, #tpu.memory_space<vmem>>[vector<16xi32>, vector<16xi32>], vector<16xi32>,
        %parallel_loop3A_1059 = vector.bitcast %parallel_loop3A_1058 : vector<16xi32> to vector<32xbf16>
        %parallel_loop3A_1060 = tpu.unpack_subelements %parallel_loop3A_1059, 0 {pack_format = #tpu.pack_format<interleaved>} : vector<32xbf16> -> vector<16xf32>
        %parallel_loop3A_1061 = tpu.unpack_subelements %parallel_loop3A_1059, 1 {pack_format = #tpu.pack_format<interleaved>} : vector<32xbf16> -> vector<16xf32>
        %parallel_loop3A_1062 = tpu.vector_load_idx %arg13[%add3A_32, %parallel_loop3A_923] : memref<128x128xi32, #tpu.memory_space<vmem>>[vector<16xi32>, vector<16xi32>], vector<16xi32>,
        %parallel_loop3A_1063 = vector.bitcast %parallel_loop3A_1062 : vector<16xi32> to vector<32xbf16>
        %parallel_loop3A_1064 = tpu.unpack_subelements %parallel_loop3A_1063, 0 {pack_format = #tpu.pack_format<interleaved>} : vector<32xbf16> -> vector<16xf32>
        %parallel_loop3A_1065 = tpu.unpack_subelements %parallel_loop3A_1063, 1 {pack_format = #tpu.pack_format<interleaved>} : vector<32xbf16> -> vector<16xf32>
        %parallel_loop3A_1066 = arith.addf %parallel_loop3A_1060, %parallel_loop3A_1064 : vector<16xf32>
        %parallel_loop3A_1067 = arith.constant 0.000000e+00 : f32
        %parallel_loop3A_1068 = vector.broadcast %parallel_loop3A_1067 : f32 to vector<16xf32>
        %parallel_loop3A_1069 = arith.maximumf %parallel_loop3A_1066, %parallel_loop3A_1068 : vector<16xf32>
        %parallel_loop3A_1070 = arith.mulf %parallel_loop3A_1069, %parallel_loop3A_930 : vector<16xf32>
        %parallel_loop3A_1071 = arith.addf %parallel_loop3A_921, %parallel_loop3A_1070 : vector<16xf32>
        %parallel_loop3A_1072 = arith.addf %parallel_loop3A_1061, %parallel_loop3A_1065 : vector<16xf32>
        %parallel_loop3A_1073 = arith.constant 0.000000e+00 : f32
        %parallel_loop3A_1074 = vector.broadcast %parallel_loop3A_1073 : f32 to vector<16xf32>
        %parallel_loop3A_1075 = arith.maximumf %parallel_loop3A_1072, %parallel_loop3A_1074 : vector<16xf32>
        %parallel_loop3A_1076 = arith.mulf %parallel_loop3A_1075, %parallel_loop3A_937 : vector<16xf32>
        %parallel_loop3A_1077 = arith.addf %parallel_loop3A_1071, %parallel_loop3A_1076 : vector<16xf32>
        %parallel_loop3A_1078 = tpu.vector_load_idx %arg12[%add3A_36, %parallel_loop3A_923] : memref<128x128xi32, #tpu.memory_space<vmem>>[vector<16xi32>, vector<16xi32>], vector<16xi32>,
        %parallel_loop3A_1079 = vector.bitcast %parallel_loop3A_1078 : vector<16xi32> to vector<32xbf16>
        %parallel_loop3A_1080 = tpu.unpack_subelements %parallel_loop3A_1079, 0 {pack_format = #tpu.pack_format<interleaved>} : vector<32xbf16> -> vector<16xf32>
        %parallel_loop3A_1081 = tpu.unpack_subelements %parallel_loop3A_1079, 1 {pack_format = #tpu.pack_format<interleaved>} : vector<32xbf16> -> vector<16xf32>
        %parallel_loop3A_1082 = tpu.vector_load_idx %arg13[%add3A_36, %parallel_loop3A_923] : memref<128x128xi32, #tpu.memory_space<vmem>>[vector<16xi32>, vector<16xi32>], vector<16xi32>,
        %parallel_loop3A_1083 = vector.bitcast %parallel_loop3A_1082 : vector<16xi32> to vector<32xbf16>
        %parallel_loop3A_1084 = tpu.unpack_subelements %parallel_loop3A_1083, 0 {pack_format = #tpu.pack_format<interleaved>} : vector<32xbf16> -> vector<16xf32>
        %parallel_loop3A_1085 = tpu.unpack_subelements %parallel_loop3A_1083, 1 {pack_format = #tpu.pack_format<interleaved>} : vector<32xbf16> -> vector<16xf32>
        %parallel_loop3A_1086 = arith.addf %parallel_loop3A_1080, %parallel_loop3A_1084 : vector<16xf32>
        %parallel_loop3A_1087 = arith.constant 0.000000e+00 : f32
        %parallel_loop3A_1088 = vector.broadcast %parallel_loop3A_1087 : f32 to vector<16xf32>
        %parallel_loop3A_1089 = arith.maximumf %parallel_loop3A_1086, %parallel_loop3A_1088 : vector<16xf32>
        %parallel_loop3A_1090 = arith.mulf %parallel_loop3A_1089, %parallel_loop3A_930 : vector<16xf32>
        %parallel_loop3A_1091 = arith.addf %parallel_loop3A_922, %parallel_loop3A_1090 : vector<16xf32>
        %parallel_loop3A_1092 = arith.addf %parallel_loop3A_1081, %parallel_loop3A_1085 : vector<16xf32>
        %parallel_loop3A_1093 = arith.constant 0.000000e+00 : f32
        %parallel_loop3A_1094 = vector.broadcast %parallel_loop3A_1093 : f32 to vector<16xf32>
        %parallel_loop3A_1095 = arith.maximumf %parallel_loop3A_1092, %parallel_loop3A_1094 : vector<16xf32>
        %parallel_loop3A_1096 = arith.mulf %parallel_loop3A_1095, %parallel_loop3A_937 : vector<16xf32>
        %parallel_loop3A_1097 = arith.addf %parallel_loop3A_1091, %parallel_loop3A_1096 : vector<16xf32>
        %parallel_loop3A_1098 = arith.constant 1 : i32
        %parallel_loop3A_1099 = vector.broadcast %parallel_loop3A_1098 : i32 to vector<16xi32>
        %parallel_loop3A_1100 = arith.addi %parallel_loop3A_923, %parallel_loop3A_1099 : vector<16xi32>
        scf.yield %parallel_loop3A_957, %parallel_loop3A_977, %parallel_loop3A_997, %parallel_loop3A_1017, %parallel_loop3A_1037, %parallel_loop3A_1057, %parallel_loop3A_1077, %parallel_loop3A_1097, %parallel_loop3A_1100 : vector<16xf32>, vector<16xf32>, vector<16xf32>, vector<16xf32>, vector<16xf32>, vector<16xf32>, vector<16xf32>, vector<16xf32>, vector<16xi32>
      } {sc.loop_unroll_factor = 2 : i64, sc.parallel_access}
      %add3A_111 = arith.addf %parallel_loop3A_110#0, %get3A_3 : vector<16xf32>
      %neg3A = arith.constant 0.000000e+00 : f32
      %neg3A_112 = vector.broadcast %neg3A : f32 to vector<16xf32>
      %neg3A_113 = arith.subf %neg3A_112, %add3A_111 : vector<16xf32>
      %exp3A_114 = math.exp %neg3A_113 : vector<16xf32>
      %add3A_115 = arith.constant 1.000000e+00 : f32
      %add3A_116 = vector.broadcast %add3A_115 : f32 to vector<16xf32>
      %add3A_117 = arith.addf %add3A_116, %exp3A_114 : vector<16xf32>
      %div3A = arith.constant 1.000000e+00 : f32
      %div3A_118 = vector.broadcast %div3A : f32 to vector<16xf32>
      %div3A_119 = arith.divf %div3A_118, %add3A_117 : vector<16xf32>
      %sub3A = arith.constant 5.000000e-01 : f32
      %sub3A_120 = vector.broadcast %sub3A : f32 to vector<16xf32>
      %sub3A_121 = arith.subf %div3A_119, %sub3A_120 : vector<16xf32>
      %neg3A_122 = arith.constant 0.000000e+00 : f32
      %neg3A_123 = vector.broadcast %neg3A_122 : f32 to vector<16xf32>
      %neg3A_124 = arith.subf %neg3A_123, %sub3A_121 : vector<16xf32>
      %mul3A_125 = arith.mulf %neg3A_124, %exp3A : vector<16xf32>
      %exp3A_126 = math.exp %mul3A_125 : vector<16xf32>
      %add3A_127 = arith.constant 1.000000e+00 : f32
      %add3A_128 = vector.broadcast %add3A_127 : f32 to vector<16xf32>
      %add3A_129 = arith.addf %add3A_128, %exp3A_126 : vector<16xf32>
      %div3A_130 = arith.constant 1.000000e+00 : f32
      %div3A_131 = vector.broadcast %div3A_130 : f32 to vector<16xf32>
      %div3A_132 = arith.divf %div3A_131, %add3A_129 : vector<16xf32>
      %add3A_133 = arith.constant 0 : i32
      %add3A_134 = arith.addi %add3A_89, %add3A_133 : i32
      %iota3A_135 = tpu.iota {dimensions = array<i32: 0>} : vector<16xi32>
      %add3A_136 = vector.broadcast %add3A_134 : i32 to vector<16xi32>
      %add3A_137 = arith.addi %add3A_136, %iota3A_135 : vector<16xi32>
      %lt3A = arith.constant 160000 : i32
      %lt3A_138 = vector.broadcast %lt3A : i32 to vector<16xi32>
      %lt3A_139 = arith.cmpi slt, %add3A_137, %lt3A_138 : vector<16xi32>
      %jit3A = arith.constant 0.000000e+00 : f32
      %broadcast_in_dim3A_140 = vector.broadcast %jit3A : f32 to vector<16xf32>
      %select_n3A = arith.select %lt3A_139, %div3A_132, %broadcast_in_dim3A_140 : vector<16xi1>, vector<16xf32>
      %swap3A_141 = arith.constant 0 : index
      %swap3A_142 = tpu.vector_load %arg21[%swap3A_141] {strides = array<i32>} : memref<128xf32, #tpu.memory_space<vmem>>, vector<16xf32>,
      tpu.vector_store %arg21[%swap3A_141], %select_n3A {strides = array<i32>} : memref<128xf32, #tpu.memory_space<vmem>>, vector<16xf32>,
      %lt3A_143 = arith.constant 5.000000e-01 : f32
      %lt3A_144 = vector.broadcast %lt3A_143 : f32 to vector<16xf32>
      %lt3A_145 = arith.cmpf olt, %select_n3A, %lt3A_144 : vector<16xf32>
      %and3A = arith.andi %lt3A_139, %lt3A_145 : vector<16xi1>
      %jit3A_146 = arith.constant 1.000000e+00 : f32
      %jit3A_147 = arith.constant 0.000000e+00 : f32
      %broadcast_in_dim3A_148 = vector.broadcast %jit3A_146 : f32 to vector<16xf32>
      %broadcast_in_dim3A_149 = vector.broadcast %jit3A_147 : f32 to vector<16xf32>
      %select_n3A_150 = arith.select %and3A, %broadcast_in_dim3A_148, %broadcast_in_dim3A_149 : vector<16xi1>, vector<16xf32>
      %add3A_151 = arith.addf %scan3A_58, %select_n3A_150 : vector<16xf32>
      %add3A_152 = arith.addf %parallel_loop3A_110#1, %get3A_3 : vector<16xf32>
      %neg3A_153 = arith.constant 0.000000e+00 : f32
      %neg3A_154 = vector.broadcast %neg3A_153 : f32 to vector<16xf32>
      %neg3A_155 = arith.subf %neg3A_154, %add3A_152 : vector<16xf32>
      %exp3A_156 = math.exp %neg3A_155 : vector<16xf32>
      %add3A_157 = arith.constant 1.000000e+00 : f32
      %add3A_158 = vector.broadcast %add3A_157 : f32 to vector<16xf32>
      %add3A_159 = arith.addf %add3A_158, %exp3A_156 : vector<16xf32>
      %div3A_160 = arith.constant 1.000000e+00 : f32
      %div3A_161 = vector.broadcast %div3A_160 : f32 to vector<16xf32>
      %div3A_162 = arith.divf %div3A_161, %add3A_159 : vector<16xf32>
      %sub3A_163 = arith.constant 5.000000e-01 : f32
      %sub3A_164 = vector.broadcast %sub3A_163 : f32 to vector<16xf32>
      %sub3A_165 = arith.subf %div3A_162, %sub3A_164 : vector<16xf32>
      %neg3A_166 = arith.constant 0.000000e+00 : f32
      %neg3A_167 = vector.broadcast %neg3A_166 : f32 to vector<16xf32>
      %neg3A_168 = arith.subf %neg3A_167, %sub3A_165 : vector<16xf32>
      %mul3A_169 = arith.mulf %neg3A_168, %exp3A : vector<16xf32>
      %exp3A_170 = math.exp %mul3A_169 : vector<16xf32>
      %add3A_171 = arith.constant 1.000000e+00 : f32
      %add3A_172 = vector.broadcast %add3A_171 : f32 to vector<16xf32>
      %add3A_173 = arith.addf %add3A_172, %exp3A_170 : vector<16xf32>
      %div3A_174 = arith.constant 1.000000e+00 : f32
      %div3A_175 = vector.broadcast %div3A_174 : f32 to vector<16xf32>
      %div3A_176 = arith.divf %div3A_175, %add3A_173 : vector<16xf32>
      %add3A_177 = arith.constant 16 : i32
      %add3A_178 = arith.addi %add3A_89, %add3A_177 : i32
      %iota3A_179 = tpu.iota {dimensions = array<i32: 0>} : vector<16xi32>
      %add3A_180 = vector.broadcast %add3A_178 : i32 to vector<16xi32>
      %add3A_181 = arith.addi %add3A_180, %iota3A_179 : vector<16xi32>
      %lt3A_182 = arith.constant 160000 : i32
      %lt3A_183 = vector.broadcast %lt3A_182 : i32 to vector<16xi32>
      %lt3A_184 = arith.cmpi slt, %add3A_181, %lt3A_183 : vector<16xi32>
      %jit3A_185 = arith.constant 0.000000e+00 : f32
      %broadcast_in_dim3A_186 = vector.broadcast %jit3A_185 : f32 to vector<16xf32>
      %select_n3A_187 = arith.select %lt3A_184, %div3A_176, %broadcast_in_dim3A_186 : vector<16xi1>, vector<16xf32>
      %swap3A_188 = arith.constant 16 : index
      %swap3A_189 = tpu.vector_load %arg21[%swap3A_188] {strides = array<i32>} : memref<128xf32, #tpu.memory_space<vmem>>, vector<16xf32>,
      tpu.vector_store %arg21[%swap3A_188], %select_n3A_187 {strides = array<i32>} : memref<128xf32, #tpu.memory_space<vmem>>, vector<16xf32>,
      %lt3A_190 = arith.constant 5.000000e-01 : f32
      %lt3A_191 = vector.broadcast %lt3A_190 : f32 to vector<16xf32>
      %lt3A_192 = arith.cmpf olt, %select_n3A_187, %lt3A_191 : vector<16xf32>
      %and3A_193 = arith.andi %lt3A_184, %lt3A_192 : vector<16xi1>
      %jit3A_194 = arith.constant 1.000000e+00 : f32
      %jit3A_195 = arith.constant 0.000000e+00 : f32
      %broadcast_in_dim3A_196 = vector.broadcast %jit3A_194 : f32 to vector<16xf32>
      %broadcast_in_dim3A_197 = vector.broadcast %jit3A_195 : f32 to vector<16xf32>
      %select_n3A_198 = arith.select %and3A_193, %broadcast_in_dim3A_196, %broadcast_in_dim3A_197 : vector<16xi1>, vector<16xf32>
      %add3A_199 = arith.addf %add3A_151, %select_n3A_198 : vector<16xf32>
      %add3A_200 = arith.addf %parallel_loop3A_110#2, %get3A_3 : vector<16xf32>
      %neg3A_201 = arith.constant 0.000000e+00 : f32
      %neg3A_202 = vector.broadcast %neg3A_201 : f32 to vector<16xf32>
      %neg3A_203 = arith.subf %neg3A_202, %add3A_200 : vector<16xf32>
      %exp3A_204 = math.exp %neg3A_203 : vector<16xf32>
      %add3A_205 = arith.constant 1.000000e+00 : f32
      %add3A_206 = vector.broadcast %add3A_205 : f32 to vector<16xf32>
      %add3A_207 = arith.addf %add3A_206, %exp3A_204 : vector<16xf32>
      %div3A_208 = arith.constant 1.000000e+00 : f32
      %div3A_209 = vector.broadcast %div3A_208 : f32 to vector<16xf32>
      %div3A_210 = arith.divf %div3A_209, %add3A_207 : vector<16xf32>
      %sub3A_211 = arith.constant 5.000000e-01 : f32
      %sub3A_212 = vector.broadcast %sub3A_211 : f32 to vector<16xf32>
      %sub3A_213 = arith.subf %div3A_210, %sub3A_212 : vector<16xf32>
      %neg3A_214 = arith.constant 0.000000e+00 : f32
      %neg3A_215 = vector.broadcast %neg3A_214 : f32 to vector<16xf32>
      %neg3A_216 = arith.subf %neg3A_215, %sub3A_213 : vector<16xf32>
      %mul3A_217 = arith.mulf %neg3A_216, %exp3A : vector<16xf32>
      %exp3A_218 = math.exp %mul3A_217 : vector<16xf32>
      %add3A_219 = arith.constant 1.000000e+00 : f32
      %add3A_220 = vector.broadcast %add3A_219 : f32 to vector<16xf32>
      %add3A_221 = arith.addf %add3A_220, %exp3A_218 : vector<16xf32>
      %div3A_222 = arith.constant 1.000000e+00 : f32
      %div3A_223 = vector.broadcast %div3A_222 : f32 to vector<16xf32>
      %div3A_224 = arith.divf %div3A_223, %add3A_221 : vector<16xf32>
      %add3A_225 = arith.constant 32 : i32
      %add3A_226 = arith.addi %add3A_89, %add3A_225 : i32
      %iota3A_227 = tpu.iota {dimensions = array<i32: 0>} : vector<16xi32>
      %add3A_228 = vector.broadcast %add3A_226 : i32 to vector<16xi32>
      %add3A_229 = arith.addi %add3A_228, %iota3A_227 : vector<16xi32>
      %lt3A_230 = arith.constant 160000 : i32
      %lt3A_231 = vector.broadcast %lt3A_230 : i32 to vector<16xi32>
      %lt3A_232 = arith.cmpi slt, %add3A_229, %lt3A_231 : vector<16xi32>
      %jit3A_233 = arith.constant 0.000000e+00 : f32
      %broadcast_in_dim3A_234 = vector.broadcast %jit3A_233 : f32 to vector<16xf32>
      %select_n3A_235 = arith.select %lt3A_232, %div3A_224, %broadcast_in_dim3A_234 : vector<16xi1>, vector<16xf32>
      %swap3A_236 = arith.constant 32 : index
      %swap3A_237 = tpu.vector_load %arg21[%swap3A_236] {strides = array<i32>} : memref<128xf32, #tpu.memory_space<vmem>>, vector<16xf32>,
      tpu.vector_store %arg21[%swap3A_236], %select_n3A_235 {strides = array<i32>} : memref<128xf32, #tpu.memory_space<vmem>>, vector<16xf32>,
      %lt3A_238 = arith.constant 5.000000e-01 : f32
      %lt3A_239 = vector.broadcast %lt3A_238 : f32 to vector<16xf32>
      %lt3A_240 = arith.cmpf olt, %select_n3A_235, %lt3A_239 : vector<16xf32>
      %and3A_241 = arith.andi %lt3A_232, %lt3A_240 : vector<16xi1>
      %jit3A_242 = arith.constant 1.000000e+00 : f32
      %jit3A_243 = arith.constant 0.000000e+00 : f32
      %broadcast_in_dim3A_244 = vector.broadcast %jit3A_242 : f32 to vector<16xf32>
      %broadcast_in_dim3A_245 = vector.broadcast %jit3A_243 : f32 to vector<16xf32>
      %select_n3A_246 = arith.select %and3A_241, %broadcast_in_dim3A_244, %broadcast_in_dim3A_245 : vector<16xi1>, vector<16xf32>
      %add3A_247 = arith.addf %add3A_199, %select_n3A_246 : vector<16xf32>
      %add3A_248 = arith.addf %parallel_loop3A_110#3, %get3A_3 : vector<16xf32>
      %neg3A_249 = arith.constant 0.000000e+00 : f32
      %neg3A_250 = vector.broadcast %neg3A_249 : f32 to vector<16xf32>
      %neg3A_251 = arith.subf %neg3A_250, %add3A_248 : vector<16xf32>
      %exp3A_252 = math.exp %neg3A_251 : vector<16xf32>
      %add3A_253 = arith.constant 1.000000e+00 : f32
      %add3A_254 = vector.broadcast %add3A_253 : f32 to vector<16xf32>
      %add3A_255 = arith.addf %add3A_254, %exp3A_252 : vector<16xf32>
      %div3A_256 = arith.constant 1.000000e+00 : f32
      %div3A_257 = vector.broadcast %div3A_256 : f32 to vector<16xf32>
      %div3A_258 = arith.divf %div3A_257, %add3A_255 : vector<16xf32>
      %sub3A_259 = arith.constant 5.000000e-01 : f32
      %sub3A_260 = vector.broadcast %sub3A_259 : f32 to vector<16xf32>
      %sub3A_261 = arith.subf %div3A_258, %sub3A_260 : vector<16xf32>
      %neg3A_262 = arith.constant 0.000000e+00 : f32
      %neg3A_263 = vector.broadcast %neg3A_262 : f32 to vector<16xf32>
      %neg3A_264 = arith.subf %neg3A_263, %sub3A_261 : vector<16xf32>
      %mul3A_265 = arith.mulf %neg3A_264, %exp3A : vector<16xf32>
      %exp3A_266 = math.exp %mul3A_265 : vector<16xf32>
      %add3A_267 = arith.constant 1.000000e+00 : f32
      %add3A_268 = vector.broadcast %add3A_267 : f32 to vector<16xf32>
      %add3A_269 = arith.addf %add3A_268, %exp3A_266 : vector<16xf32>
      %div3A_270 = arith.constant 1.000000e+00 : f32
      %div3A_271 = vector.broadcast %div3A_270 : f32 to vector<16xf32>
      %div3A_272 = arith.divf %div3A_271, %add3A_269 : vector<16xf32>
      %add3A_273 = arith.constant 48 : i32
      %add3A_274 = arith.addi %add3A_89, %add3A_273 : i32
      %iota3A_275 = tpu.iota {dimensions = array<i32: 0>} : vector<16xi32>
      %add3A_276 = vector.broadcast %add3A_274 : i32 to vector<16xi32>
      %add3A_277 = arith.addi %add3A_276, %iota3A_275 : vector<16xi32>
      %lt3A_278 = arith.constant 160000 : i32
      %lt3A_279 = vector.broadcast %lt3A_278 : i32 to vector<16xi32>
      %lt3A_280 = arith.cmpi slt, %add3A_277, %lt3A_279 : vector<16xi32>
      %jit3A_281 = arith.constant 0.000000e+00 : f32
      %broadcast_in_dim3A_282 = vector.broadcast %jit3A_281 : f32 to vector<16xf32>
      %select_n3A_283 = arith.select %lt3A_280, %div3A_272, %broadcast_in_dim3A_282 : vector<16xi1>, vector<16xf32>
      %swap3A_284 = arith.constant 48 : index
      %swap3A_285 = tpu.vector_load %arg21[%swap3A_284] {strides = array<i32>} : memref<128xf32, #tpu.memory_space<vmem>>, vector<16xf32>,
      tpu.vector_store %arg21[%swap3A_284], %select_n3A_283 {strides = array<i32>} : memref<128xf32, #tpu.memory_space<vmem>>, vector<16xf32>,
      %lt3A_286 = arith.constant 5.000000e-01 : f32
      %lt3A_287 = vector.broadcast %lt3A_286 : f32 to vector<16xf32>
      %lt3A_288 = arith.cmpf olt, %select_n3A_283, %lt3A_287 : vector<16xf32>
      %and3A_289 = arith.andi %lt3A_280, %lt3A_288 : vector<16xi1>
      %jit3A_290 = arith.constant 1.000000e+00 : f32
      %jit3A_291 = arith.constant 0.000000e+00 : f32
      %broadcast_in_dim3A_292 = vector.broadcast %jit3A_290 : f32 to vector<16xf32>
      %broadcast_in_dim3A_293 = vector.broadcast %jit3A_291 : f32 to vector<16xf32>
      %select_n3A_294 = arith.select %and3A_289, %broadcast_in_dim3A_292, %broadcast_in_dim3A_293 : vector<16xi1>, vector<16xf32>
      %add3A_295 = arith.addf %add3A_247, %select_n3A_294 : vector<16xf32>
      %add3A_296 = arith.addf %parallel_loop3A_110#4, %get3A_3 : vector<16xf32>
      %neg3A_297 = arith.constant 0.000000e+00 : f32
      %neg3A_298 = vector.broadcast %neg3A_297 : f32 to vector<16xf32>
      %neg3A_299 = arith.subf %neg3A_298, %add3A_296 : vector<16xf32>
      %exp3A_300 = math.exp %neg3A_299 : vector<16xf32>
      %add3A_301 = arith.constant 1.000000e+00 : f32
      %add3A_302 = vector.broadcast %add3A_301 : f32 to vector<16xf32>
      %add3A_303 = arith.addf %add3A_302, %exp3A_300 : vector<16xf32>
      %div3A_304 = arith.constant 1.000000e+00 : f32
      %div3A_305 = vector.broadcast %div3A_304 : f32 to vector<16xf32>
      %div3A_306 = arith.divf %div3A_305, %add3A_303 : vector<16xf32>
      %sub3A_307 = arith.constant 5.000000e-01 : f32
      %sub3A_308 = vector.broadcast %sub3A_307 : f32 to vector<16xf32>
      %sub3A_309 = arith.subf %div3A_306, %sub3A_308 : vector<16xf32>
      %neg3A_310 = arith.constant 0.000000e+00 : f32
      %neg3A_311 = vector.broadcast %neg3A_310 : f32 to vector<16xf32>
      %neg3A_312 = arith.subf %neg3A_311, %sub3A_309 : vector<16xf32>
      %mul3A_313 = arith.mulf %neg3A_312, %exp3A : vector<16xf32>
      %exp3A_314 = math.exp %mul3A_313 : vector<16xf32>
      %add3A_315 = arith.constant 1.000000e+00 : f32
      %add3A_316 = vector.broadcast %add3A_315 : f32 to vector<16xf32>
      %add3A_317 = arith.addf %add3A_316, %exp3A_314 : vector<16xf32>
      %div3A_318 = arith.constant 1.000000e+00 : f32
      %div3A_319 = vector.broadcast %div3A_318 : f32 to vector<16xf32>
      %div3A_320 = arith.divf %div3A_319, %add3A_317 : vector<16xf32>
      %add3A_321 = arith.constant 64 : i32
      %add3A_322 = arith.addi %add3A_89, %add3A_321 : i32
      %iota3A_323 = tpu.iota {dimensions = array<i32: 0>} : vector<16xi32>
      %add3A_324 = vector.broadcast %add3A_322 : i32 to vector<16xi32>
      %add3A_325 = arith.addi %add3A_324, %iota3A_323 : vector<16xi32>
      %lt3A_326 = arith.constant 160000 : i32
      %lt3A_327 = vector.broadcast %lt3A_326 : i32 to vector<16xi32>
      %lt3A_328 = arith.cmpi slt, %add3A_325, %lt3A_327 : vector<16xi32>
      %jit3A_329 = arith.constant 0.000000e+00 : f32
      %broadcast_in_dim3A_330 = vector.broadcast %jit3A_329 : f32 to vector<16xf32>
      %select_n3A_331 = arith.select %lt3A_328, %div3A_320, %broadcast_in_dim3A_330 : vector<16xi1>, vector<16xf32>
      %swap3A_332 = arith.constant 64 : index
      %swap3A_333 = tpu.vector_load %arg21[%swap3A_332] {strides = array<i32>} : memref<128xf32, #tpu.memory_space<vmem>>, vector<16xf32>,
      tpu.vector_store %arg21[%swap3A_332], %select_n3A_331 {strides = array<i32>} : memref<128xf32, #tpu.memory_space<vmem>>, vector<16xf32>,
      %lt3A_334 = arith.constant 5.000000e-01 : f32
      %lt3A_335 = vector.broadcast %lt3A_334 : f32 to vector<16xf32>
      %lt3A_336 = arith.cmpf olt, %select_n3A_331, %lt3A_335 : vector<16xf32>
      %and3A_337 = arith.andi %lt3A_328, %lt3A_336 : vector<16xi1>
      %jit3A_338 = arith.constant 1.000000e+00 : f32
      %jit3A_339 = arith.constant 0.000000e+00 : f32
      %broadcast_in_dim3A_340 = vector.broadcast %jit3A_338 : f32 to vector<16xf32>
      %broadcast_in_dim3A_341 = vector.broadcast %jit3A_339 : f32 to vector<16xf32>
      %select_n3A_342 = arith.select %and3A_337, %broadcast_in_dim3A_340, %broadcast_in_dim3A_341 : vector<16xi1>, vector<16xf32>
      %add3A_343 = arith.addf %add3A_295, %select_n3A_342 : vector<16xf32>
      %add3A_344 = arith.addf %parallel_loop3A_110#5, %get3A_3 : vector<16xf32>
      %neg3A_345 = arith.constant 0.000000e+00 : f32
      %neg3A_346 = vector.broadcast %neg3A_345 : f32 to vector<16xf32>
      %neg3A_347 = arith.subf %neg3A_346, %add3A_344 : vector<16xf32>
      %exp3A_348 = math.exp %neg3A_347 : vector<16xf32>
      %add3A_349 = arith.constant 1.000000e+00 : f32
      %add3A_350 = vector.broadcast %add3A_349 : f32 to vector<16xf32>
      %add3A_351 = arith.addf %add3A_350, %exp3A_348 : vector<16xf32>
      %div3A_352 = arith.constant 1.000000e+00 : f32
      %div3A_353 = vector.broadcast %div3A_352 : f32 to vector<16xf32>
      %div3A_354 = arith.divf %div3A_353, %add3A_351 : vector<16xf32>
      %sub3A_355 = arith.constant 5.000000e-01 : f32
      %sub3A_356 = vector.broadcast %sub3A_355 : f32 to vector<16xf32>
      %sub3A_357 = arith.subf %div3A_354, %sub3A_356 : vector<16xf32>
      %neg3A_358 = arith.constant 0.000000e+00 : f32
      %neg3A_359 = vector.broadcast %neg3A_358 : f32 to vector<16xf32>
      %neg3A_360 = arith.subf %neg3A_359, %sub3A_357 : vector<16xf32>
      %mul3A_361 = arith.mulf %neg3A_360, %exp3A : vector<16xf32>
      %exp3A_362 = math.exp %mul3A_361 : vector<16xf32>
      %add3A_363 = arith.constant 1.000000e+00 : f32
      %add3A_364 = vector.broadcast %add3A_363 : f32 to vector<16xf32>
      %add3A_365 = arith.addf %add3A_364, %exp3A_362 : vector<16xf32>
      %div3A_366 = arith.constant 1.000000e+00 : f32
      %div3A_367 = vector.broadcast %div3A_366 : f32 to vector<16xf32>
      %div3A_368 = arith.divf %div3A_367, %add3A_365 : vector<16xf32>
      %add3A_369 = arith.constant 80 : i32
      %add3A_370 = arith.addi %add3A_89, %add3A_369 : i32
      %iota3A_371 = tpu.iota {dimensions = array<i32: 0>} : vector<16xi32>
      %add3A_372 = vector.broadcast %add3A_370 : i32 to vector<16xi32>
      %add3A_373 = arith.addi %add3A_372, %iota3A_371 : vector<16xi32>
      %lt3A_374 = arith.constant 160000 : i32
      %lt3A_375 = vector.broadcast %lt3A_374 : i32 to vector<16xi32>
      %lt3A_376 = arith.cmpi slt, %add3A_373, %lt3A_375 : vector<16xi32>
      %jit3A_377 = arith.constant 0.000000e+00 : f32
      %broadcast_in_dim3A_378 = vector.broadcast %jit3A_377 : f32 to vector<16xf32>
      %select_n3A_379 = arith.select %lt3A_376, %div3A_368, %broadcast_in_dim3A_378 : vector<16xi1>, vector<16xf32>
      %swap3A_380 = arith.constant 80 : index
      %swap3A_381 = tpu.vector_load %arg21[%swap3A_380] {strides = array<i32>} : memref<128xf32, #tpu.memory_space<vmem>>, vector<16xf32>,
      tpu.vector_store %arg21[%swap3A_380], %select_n3A_379 {strides = array<i32>} : memref<128xf32, #tpu.memory_space<vmem>>, vector<16xf32>,
      %lt3A_382 = arith.constant 5.000000e-01 : f32
      %lt3A_383 = vector.broadcast %lt3A_382 : f32 to vector<16xf32>
      %lt3A_384 = arith.cmpf olt, %select_n3A_379, %lt3A_383 : vector<16xf32>
      %and3A_385 = arith.andi %lt3A_376, %lt3A_384 : vector<16xi1>
      %jit3A_386 = arith.constant 1.000000e+00 : f32
      %jit3A_387 = arith.constant 0.000000e+00 : f32
      %broadcast_in_dim3A_388 = vector.broadcast %jit3A_386 : f32 to vector<16xf32>
      %broadcast_in_dim3A_389 = vector.broadcast %jit3A_387 : f32 to vector<16xf32>
      %select_n3A_390 = arith.select %and3A_385, %broadcast_in_dim3A_388, %broadcast_in_dim3A_389 : vector<16xi1>, vector<16xf32>
      %add3A_391 = arith.addf %add3A_343, %select_n3A_390 : vector<16xf32>
      %add3A_392 = arith.addf %parallel_loop3A_110#6, %get3A_3 : vector<16xf32>
      %neg3A_393 = arith.constant 0.000000e+00 : f32
      %neg3A_394 = vector.broadcast %neg3A_393 : f32 to vector<16xf32>
      %neg3A_395 = arith.subf %neg3A_394, %add3A_392 : vector<16xf32>
      %exp3A_396 = math.exp %neg3A_395 : vector<16xf32>
      %add3A_397 = arith.constant 1.000000e+00 : f32
      %add3A_398 = vector.broadcast %add3A_397 : f32 to vector<16xf32>
      %add3A_399 = arith.addf %add3A_398, %exp3A_396 : vector<16xf32>
      %div3A_400 = arith.constant 1.000000e+00 : f32
      %div3A_401 = vector.broadcast %div3A_400 : f32 to vector<16xf32>
      %div3A_402 = arith.divf %div3A_401, %add3A_399 : vector<16xf32>
      %sub3A_403 = arith.constant 5.000000e-01 : f32
      %sub3A_404 = vector.broadcast %sub3A_403 : f32 to vector<16xf32>
      %sub3A_405 = arith.subf %div3A_402, %sub3A_404 : vector<16xf32>
      %neg3A_406 = arith.constant 0.000000e+00 : f32
      %neg3A_407 = vector.broadcast %neg3A_406 : f32 to vector<16xf32>
      %neg3A_408 = arith.subf %neg3A_407, %sub3A_405 : vector<16xf32>
      %mul3A_409 = arith.mulf %neg3A_408, %exp3A : vector<16xf32>
      %exp3A_410 = math.exp %mul3A_409 : vector<16xf32>
      %add3A_411 = arith.constant 1.000000e+00 : f32
      %add3A_412 = vector.broadcast %add3A_411 : f32 to vector<16xf32>
      %add3A_413 = arith.addf %add3A_412, %exp3A_410 : vector<16xf32>
      %div3A_414 = arith.constant 1.000000e+00 : f32
      %div3A_415 = vector.broadcast %div3A_414 : f32 to vector<16xf32>
      %div3A_416 = arith.divf %div3A_415, %add3A_413 : vector<16xf32>
      %add3A_417 = arith.constant 96 : i32
      %add3A_418 = arith.addi %add3A_89, %add3A_417 : i32
      %iota3A_419 = tpu.iota {dimensions = array<i32: 0>} : vector<16xi32>
      %add3A_420 = vector.broadcast %add3A_418 : i32 to vector<16xi32>
      %add3A_421 = arith.addi %add3A_420, %iota3A_419 : vector<16xi32>
      %lt3A_422 = arith.constant 160000 : i32
      %lt3A_423 = vector.broadcast %lt3A_422 : i32 to vector<16xi32>
      %lt3A_424 = arith.cmpi slt, %add3A_421, %lt3A_423 : vector<16xi32>
      %jit3A_425 = arith.constant 0.000000e+00 : f32
      %broadcast_in_dim3A_426 = vector.broadcast %jit3A_425 : f32 to vector<16xf32>
      %select_n3A_427 = arith.select %lt3A_424, %div3A_416, %broadcast_in_dim3A_426 : vector<16xi1>, vector<16xf32>
      %swap3A_428 = arith.constant 96 : index
      %swap3A_429 = tpu.vector_load %arg21[%swap3A_428] {strides = array<i32>} : memref<128xf32, #tpu.memory_space<vmem>>, vector<16xf32>,
      tpu.vector_store %arg21[%swap3A_428], %select_n3A_427 {strides = array<i32>} : memref<128xf32, #tpu.memory_space<vmem>>, vector<16xf32>,
      %lt3A_430 = arith.constant 5.000000e-01 : f32
      %lt3A_431 = vector.broadcast %lt3A_430 : f32 to vector<16xf32>
      %lt3A_432 = arith.cmpf olt, %select_n3A_427, %lt3A_431 : vector<16xf32>
      %and3A_433 = arith.andi %lt3A_424, %lt3A_432 : vector<16xi1>
      %jit3A_434 = arith.constant 1.000000e+00 : f32
      %jit3A_435 = arith.constant 0.000000e+00 : f32
      %broadcast_in_dim3A_436 = vector.broadcast %jit3A_434 : f32 to vector<16xf32>
      %broadcast_in_dim3A_437 = vector.broadcast %jit3A_435 : f32 to vector<16xf32>
      %select_n3A_438 = arith.select %and3A_433, %broadcast_in_dim3A_436, %broadcast_in_dim3A_437 : vector<16xi1>, vector<16xf32>
      %add3A_439 = arith.addf %add3A_391, %select_n3A_438 : vector<16xf32>
      %add3A_440 = arith.addf %parallel_loop3A_110#7, %get3A_3 : vector<16xf32>
      %neg3A_441 = arith.constant 0.000000e+00 : f32
      %neg3A_442 = vector.broadcast %neg3A_441 : f32 to vector<16xf32>
      %neg3A_443 = arith.subf %neg3A_442, %add3A_440 : vector<16xf32>
      %exp3A_444 = math.exp %neg3A_443 : vector<16xf32>
      %add3A_445 = arith.constant 1.000000e+00 : f32
      %add3A_446 = vector.broadcast %add3A_445 : f32 to vector<16xf32>
      %add3A_447 = arith.addf %add3A_446, %exp3A_444 : vector<16xf32>
      %div3A_448 = arith.constant 1.000000e+00 : f32
      %div3A_449 = vector.broadcast %div3A_448 : f32 to vector<16xf32>
      %div3A_450 = arith.divf %div3A_449, %add3A_447 : vector<16xf32>
      %sub3A_451 = arith.constant 5.000000e-01 : f32
      %sub3A_452 = vector.broadcast %sub3A_451 : f32 to vector<16xf32>
      %sub3A_453 = arith.subf %div3A_450, %sub3A_452 : vector<16xf32>
      %neg3A_454 = arith.constant 0.000000e+00 : f32
      %neg3A_455 = vector.broadcast %neg3A_454 : f32 to vector<16xf32>
      %neg3A_456 = arith.subf %neg3A_455, %sub3A_453 : vector<16xf32>
      %mul3A_457 = arith.mulf %neg3A_456, %exp3A : vector<16xf32>
      %exp3A_458 = math.exp %mul3A_457 : vector<16xf32>
      %add3A_459 = arith.constant 1.000000e+00 : f32
      %add3A_460 = vector.broadcast %add3A_459 : f32 to vector<16xf32>
      %add3A_461 = arith.addf %add3A_460, %exp3A_458 : vector<16xf32>
      %div3A_462 = arith.constant 1.000000e+00 : f32
      %div3A_463 = vector.broadcast %div3A_462 : f32 to vector<16xf32>
      %div3A_464 = arith.divf %div3A_463, %add3A_461 : vector<16xf32>
      %add3A_465 = arith.constant 112 : i32
      %add3A_466 = arith.addi %add3A_89, %add3A_465 : i32
      %iota3A_467 = tpu.iota {dimensions = array<i32: 0>} : vector<16xi32>
      %add3A_468 = vector.broadcast %add3A_466 : i32 to vector<16xi32>
      %add3A_469 = arith.addi %add3A_468, %iota3A_467 : vector<16xi32>
      %lt3A_470 = arith.constant 160000 : i32
      %lt3A_471 = vector.broadcast %lt3A_470 : i32 to vector<16xi32>
      %lt3A_472 = arith.cmpi slt, %add3A_469, %lt3A_471 : vector<16xi32>
      %jit3A_473 = arith.constant 0.000000e+00 : f32
      %broadcast_in_dim3A_474 = vector.broadcast %jit3A_473 : f32 to vector<16xf32>
      %select_n3A_475 = arith.select %lt3A_472, %div3A_464, %broadcast_in_dim3A_474 : vector<16xi1>, vector<16xf32>
      %swap3A_476 = arith.constant 112 : index
      %swap3A_477 = tpu.vector_load %arg21[%swap3A_476] {strides = array<i32>} : memref<128xf32, #tpu.memory_space<vmem>>, vector<16xf32>,
      tpu.vector_store %arg21[%swap3A_476], %select_n3A_475 {strides = array<i32>} : memref<128xf32, #tpu.memory_space<vmem>>, vector<16xf32>,
      %lt3A_478 = arith.constant 5.000000e-01 : f32
      %lt3A_479 = vector.broadcast %lt3A_478 : f32 to vector<16xf32>
      %lt3A_480 = arith.cmpf olt, %select_n3A_475, %lt3A_479 : vector<16xf32>
      %and3A_481 = arith.andi %lt3A_472, %lt3A_480 : vector<16xi1>
      %jit3A_482 = arith.constant 1.000000e+00 : f32
      %jit3A_483 = arith.constant 0.000000e+00 : f32
      %broadcast_in_dim3A_484 = vector.broadcast %jit3A_482 : f32 to vector<16xf32>
      %broadcast_in_dim3A_485 = vector.broadcast %jit3A_483 : f32 to vector<16xf32>
      %select_n3A_486 = arith.select %and3A_481, %broadcast_in_dim3A_484, %broadcast_in_dim3A_485 : vector<16xi1>, vector<16xf32>
      %add3A_487 = arith.addf %add3A_439, %select_n3A_486 : vector<16xf32>
      "tpu.region"() ({
        %run_scoped3A = tpu.sem_alloc : memref<!tpu.dma_semaphore, #tpu.memory_space<semaphore_mem>>
        %dma_start3A_914 = tpu.memref_slice %arg9[%add3A_89] : memref<163840xf32, #tpu.memory_space<hbm>> -> memref<128xf32, #tpu.memory_space<hbm>>
        %dma_start3A_915 = tpu.memref_slice %arg9[%add3A_89] : memref<163840xf32, #tpu.memory_space<hbm>> -> memref<128xf32, #tpu.memory_space<hbm>>
        tpu.enqueue_dma source(%arg21 : memref<128xf32, #tpu.memory_space<vmem>>) target(%dma_start3A_915 : memref<128xf32, #tpu.memory_space<hbm>>) target_semaphore(%run_scoped3A : memref<!tpu.dma_semaphore, #tpu.memory_space<semaphore_mem>>)
        %dma_wait3A_916 = tpu.memref_slice %arg9[%add3A_89] : memref<163840xf32, #tpu.memory_space<hbm>> -> memref<128xf32, #tpu.memory_space<hbm>>
        %dma_wait3A_917 = tpu.memref_slice %arg9[%add3A_89] : memref<163840xf32, #tpu.memory_space<hbm>> -> memref<128xf32, #tpu.memory_space<hbm>>
        tpu.wait_dma2 semaphore(%run_scoped3A : memref<!tpu.dma_semaphore, #tpu.memory_space<semaphore_mem>>) src(%arg21 : memref<128xf32, #tpu.memory_space<vmem>>) dst(%dma_wait3A_917 : memref<128xf32, #tpu.memory_space<hbm>>)
        tpu.yield
      }) : () -> ()
      %add3A_488 = arith.constant 2 : i32
      %add3A_489 = arith.addi %mul3A_60, %add3A_488 : i32
      %lt3A_490 = arith.constant 40 : i32
      %lt3A_491 = arith.cmpi slt, %add3A_489, %lt3A_490 : i32
      %convert_element_type3A = arith.extui %lt3A_491 : i1 to i32
      %cond3A = arith.constant 0 : i32
      %cond3A_492 = arith.cmpi ne, %convert_element_type3A, %cond3A : i32
      scf.if %cond3A_492 {
        %add3A_914 = arith.constant 2 : i32
        %add3A_915 = arith.addi %mul3A_60, %add3A_914 : i32
        %mul3A_916 = arith.constant 128 : i32
        %mul3A_917 = arith.muli %add3A_915, %mul3A_916 : i32
        %add3A_918 = arith.addi %mul3A_2, %mul3A_917 : i32
        %mul3A_919 = arith.constant 2 : i32
        %mul3A_920 = arith.muli %mul3A_919, %add3A_918 : i32
        "tpu.region"() ({
          %run_scoped3A = tpu.sem_alloc : memref<!tpu.dma_semaphore, #tpu.memory_space<semaphore_mem>>
          %dma_start3A_931 = tpu.memref_slice %arg4[%mul3A_920] : memref<327680xi32, #tpu.memory_space<hbm>> -> memref<256xi32, #tpu.memory_space<hbm>>
          %dma_start3A_932 = tpu.memref_slice %arg4[%mul3A_920] : memref<327680xi32, #tpu.memory_space<hbm>> -> memref<256xi32, #tpu.memory_space<hbm>>
          tpu.enqueue_dma source(%dma_start3A_932 : memref<256xi32, #tpu.memory_space<hbm>>) target(%arg11 : memref<256xi32, #tpu.memory_space<vmem>>) target_semaphore(%run_scoped3A : memref<!tpu.dma_semaphore, #tpu.memory_space<semaphore_mem>>)
          %dma_wait3A_933 = tpu.memref_slice %arg4[%mul3A_920] : memref<327680xi32, #tpu.memory_space<hbm>> -> memref<256xi32, #tpu.memory_space<hbm>>
          %dma_wait3A_934 = tpu.memref_slice %arg4[%mul3A_920] : memref<327680xi32, #tpu.memory_space<hbm>> -> memref<256xi32, #tpu.memory_space<hbm>>
          tpu.wait_dma2 semaphore(%run_scoped3A : memref<!tpu.dma_semaphore, #tpu.memory_space<semaphore_mem>>) src(%dma_wait3A_934 : memref<256xi32, #tpu.memory_space<hbm>>) dst(%arg11 : memref<256xi32, #tpu.memory_space<vmem>>)
          tpu.yield
        }) : () -> ()
        %dma_start3A_921 = arith.constant 0 : i32
        %dma_start3A_922 = tpu.memref_slice %arg11[%dma_start3A_921] : memref<256xi32, #tpu.memory_space<vmem>> -> memref<128xi32, #tpu.memory_space<vmem>>
        %dma_start3A_923 = arith.constant 0 : i32
        %dma_start3A_924 = arith.constant 0 : i32
        %dma_start3A_925 = tpu.memref_slice %arg2[%dma_start3A_923, %dma_start3A_924] : memref<10000x128xi32, #tpu.memory_space<hbm>> -> memref<10000x128xi32, #tpu.memory_space<hbm>>
        tpu.enqueue_indirect_dma source(%dma_start3A_925 : memref<10000x128xi32, #tpu.memory_space<hbm>>) target(%arg12 : memref<128x128xi32, #tpu.memory_space<vmem>>) offsets(%dma_start3A_922 : memref<128xi32, #tpu.memory_space<vmem>>) semaphore(%arg23 : memref<!tpu.dma_semaphore, #tpu.memory_space<semaphore_mem>>)
        %dma_start3A_926 = arith.constant 128 : i32
        %dma_start3A_927 = tpu.memref_slice %arg11[%dma_start3A_926] : memref<256xi32, #tpu.memory_space<vmem>> -> memref<128xi32, #tpu.memory_space<vmem>>
        %dma_start3A_928 = arith.constant 0 : i32
        %dma_start3A_929 = arith.constant 0 : i32
        %dma_start3A_930 = tpu.memref_slice %arg3[%dma_start3A_928, %dma_start3A_929] : memref<10000x128xi32, #tpu.memory_space<hbm>> -> memref<10000x128xi32, #tpu.memory_space<hbm>>
        tpu.enqueue_indirect_dma source(%dma_start3A_930 : memref<10000x128xi32, #tpu.memory_space<hbm>>) target(%arg13 : memref<128x128xi32, #tpu.memory_space<vmem>>) offsets(%dma_start3A_927 : memref<128xi32, #tpu.memory_space<vmem>>) semaphore(%arg24 : memref<!tpu.dma_semaphore, #tpu.memory_space<semaphore_mem>>)
      } else {
      }
      %dma_wait3A_493 = arith.constant 0 : i32
      %dma_wait3A_494 = tpu.memref_slice %arg14[%dma_wait3A_493] : memref<256xi32, #tpu.memory_space<vmem>> -> memref<128xi32, #tpu.memory_space<vmem>>
      %dma_wait3A_495 = arith.constant 0 : i32
      %dma_wait3A_496 = arith.constant 0 : i32
      %dma_wait3A_497 = tpu.memref_slice %arg2[%dma_wait3A_495, %dma_wait3A_496] : memref<10000x128xi32, #tpu.memory_space<hbm>> -> memref<10000x128xi32, #tpu.memory_space<hbm>>
      tpu.wait_indirect_dma semaphore(%arg25 : memref<!tpu.dma_semaphore, #tpu.memory_space<semaphore_mem>>) src(%dma_wait3A_497 : memref<10000x128xi32, #tpu.memory_space<hbm>>) dst(%arg15 : memref<128x128xi32, #tpu.memory_space<vmem>>)
      %dma_wait3A_498 = arith.constant 128 : i32
      %dma_wait3A_499 = tpu.memref_slice %arg14[%dma_wait3A_498] : memref<256xi32, #tpu.memory_space<vmem>> -> memref<128xi32, #tpu.memory_space<vmem>>
      %dma_wait3A_500 = arith.constant 0 : i32
      %dma_wait3A_501 = arith.constant 0 : i32
      %dma_wait3A_502 = tpu.memref_slice %arg3[%dma_wait3A_500, %dma_wait3A_501] : memref<10000x128xi32, #tpu.memory_space<hbm>> -> memref<10000x128xi32, #tpu.memory_space<hbm>>
      tpu.wait_indirect_dma semaphore(%arg26 : memref<!tpu.dma_semaphore, #tpu.memory_space<semaphore_mem>>) src(%dma_wait3A_502 : memref<10000x128xi32, #tpu.memory_space<hbm>>) dst(%arg16 : memref<128x128xi32, #tpu.memory_space<vmem>>)
      %add3A_503 = arith.constant 1 : i32
      %add3A_504 = arith.addi %mul3A_60, %add3A_503 : i32
      %mul3A_505 = arith.constant 128 : i32
      %mul3A_506 = arith.muli %add3A_504, %mul3A_505 : i32
      %add3A_507 = arith.addi %mul3A_2, %mul3A_506 : i32
      %broadcast_in_dim3A_508 = arith.constant 0.000000e+00 : f32
      %broadcast_in_dim3A_509 = vector.broadcast %broadcast_in_dim3A_508 : f32 to vector<16xf32>
      %broadcast_in_dim3A_510 = arith.constant 0.000000e+00 : f32
      %broadcast_in_dim3A_511 = vector.broadcast %broadcast_in_dim3A_510 : f32 to vector<16xf32>
      %broadcast_in_dim3A_512 = arith.constant 0.000000e+00 : f32
      %broadcast_in_dim3A_513 = vector.broadcast %broadcast_in_dim3A_512 : f32 to vector<16xf32>
      %broadcast_in_dim3A_514 = arith.constant 0.000000e+00 : f32
      %broadcast_in_dim3A_515 = vector.broadcast %broadcast_in_dim3A_514 : f32 to vector<16xf32>
      %broadcast_in_dim3A_516 = arith.constant 0.000000e+00 : f32
      %broadcast_in_dim3A_517 = vector.broadcast %broadcast_in_dim3A_516 : f32 to vector<16xf32>
      %broadcast_in_dim3A_518 = arith.constant 0.000000e+00 : f32
      %broadcast_in_dim3A_519 = vector.broadcast %broadcast_in_dim3A_518 : f32 to vector<16xf32>
      %broadcast_in_dim3A_520 = arith.constant 0.000000e+00 : f32
      %broadcast_in_dim3A_521 = vector.broadcast %broadcast_in_dim3A_520 : f32 to vector<16xf32>
      %broadcast_in_dim3A_522 = arith.constant 0.000000e+00 : f32
      %broadcast_in_dim3A_523 = vector.broadcast %broadcast_in_dim3A_522 : f32 to vector<16xf32>
      %broadcast_in_dim3A_524 = arith.constant 0 : i32
      %broadcast_in_dim3A_525 = vector.broadcast %broadcast_in_dim3A_524 : i32 to vector<16xi32>
      %parallel_loop3A_526 = arith.constant 0 : i32
      %parallel_loop3A_527 = arith.constant 128 : i32
      %parallel_loop3A_528 = arith.constant 1 : i32
      %parallel_loop3A_529:9 = scf.for %parallel_loop3A_914 = %parallel_loop3A_526 to %parallel_loop3A_527 step %parallel_loop3A_528 iter_args(%parallel_loop3A_915 = %broadcast_in_dim3A_509, %parallel_loop3A_916 = %broadcast_in_dim3A_511, %parallel_loop3A_917 = %broadcast_in_dim3A_513, %parallel_loop3A_918 = %broadcast_in_dim3A_515, %parallel_loop3A_919 = %broadcast_in_dim3A_517, %parallel_loop3A_920 = %broadcast_in_dim3A_519, %parallel_loop3A_921 = %broadcast_in_dim3A_521, %parallel_loop3A_922 = %broadcast_in_dim3A_523, %parallel_loop3A_923 = %broadcast_in_dim3A_525) -> (vector<16xf32>, vector<16xf32>, vector<16xf32>, vector<16xf32>, vector<16xf32>, vector<16xf32>, vector<16xf32>, vector<16xf32>, vector<16xi32>)  : i32 {
        %parallel_loop3A_924 = arith.constant 4 : i32
        %parallel_loop3A_925 = vector.broadcast %parallel_loop3A_924 : i32 to vector<16xi32>
        %parallel_loop3A_926 = arith.shrsi %parallel_loop3A_923, %parallel_loop3A_925 : vector<16xi32>
        %parallel_loop3A_927 = arith.constant 15 : i32
        %parallel_loop3A_928 = vector.broadcast %parallel_loop3A_927 : i32 to vector<16xi32>
        %parallel_loop3A_929 = arith.andi %parallel_loop3A_923, %parallel_loop3A_928 : vector<16xi32>
        %parallel_loop3A_930 = tpu.vector_load_idx %arg17[%parallel_loop3A_926, %parallel_loop3A_929] : memref<8x16xf32, #tpu.memory_space<vmem>>[vector<16xi32>, vector<16xi32>], vector<16xf32>,
        %parallel_loop3A_931 = arith.constant 4 : i32
        %parallel_loop3A_932 = vector.broadcast %parallel_loop3A_931 : i32 to vector<16xi32>
        %parallel_loop3A_933 = arith.shrsi %parallel_loop3A_923, %parallel_loop3A_932 : vector<16xi32>
        %parallel_loop3A_934 = arith.constant 15 : i32
        %parallel_loop3A_935 = vector.broadcast %parallel_loop3A_934 : i32 to vector<16xi32>
        %parallel_loop3A_936 = arith.andi %parallel_loop3A_923, %parallel_loop3A_935 : vector<16xi32>
        %parallel_loop3A_937 = tpu.vector_load_idx %arg18[%parallel_loop3A_933, %parallel_loop3A_936] : memref<8x16xf32, #tpu.memory_space<vmem>>[vector<16xi32>, vector<16xi32>], vector<16xf32>,
        %parallel_loop3A_938 = tpu.vector_load_idx %arg15[%add3A_8, %parallel_loop3A_923] : memref<128x128xi32, #tpu.memory_space<vmem>>[vector<16xi32>, vector<16xi32>], vector<16xi32>,
        %parallel_loop3A_939 = vector.bitcast %parallel_loop3A_938 : vector<16xi32> to vector<32xbf16>
        %parallel_loop3A_940 = tpu.unpack_subelements %parallel_loop3A_939, 0 {pack_format = #tpu.pack_format<interleaved>} : vector<32xbf16> -> vector<16xf32>
        %parallel_loop3A_941 = tpu.unpack_subelements %parallel_loop3A_939, 1 {pack_format = #tpu.pack_format<interleaved>} : vector<32xbf16> -> vector<16xf32>
        %parallel_loop3A_942 = tpu.vector_load_idx %arg16[%add3A_8, %parallel_loop3A_923] : memref<128x128xi32, #tpu.memory_space<vmem>>[vector<16xi32>, vector<16xi32>], vector<16xi32>,
        %parallel_loop3A_943 = vector.bitcast %parallel_loop3A_942 : vector<16xi32> to vector<32xbf16>
        %parallel_loop3A_944 = tpu.unpack_subelements %parallel_loop3A_943, 0 {pack_format = #tpu.pack_format<interleaved>} : vector<32xbf16> -> vector<16xf32>
        %parallel_loop3A_945 = tpu.unpack_subelements %parallel_loop3A_943, 1 {pack_format = #tpu.pack_format<interleaved>} : vector<32xbf16> -> vector<16xf32>
        %parallel_loop3A_946 = arith.addf %parallel_loop3A_940, %parallel_loop3A_944 : vector<16xf32>
        %parallel_loop3A_947 = arith.constant 0.000000e+00 : f32
        %parallel_loop3A_948 = vector.broadcast %parallel_loop3A_947 : f32 to vector<16xf32>
        %parallel_loop3A_949 = arith.maximumf %parallel_loop3A_946, %parallel_loop3A_948 : vector<16xf32>
        %parallel_loop3A_950 = arith.mulf %parallel_loop3A_949, %parallel_loop3A_930 : vector<16xf32>
        %parallel_loop3A_951 = arith.addf %parallel_loop3A_915, %parallel_loop3A_950 : vector<16xf32>
        %parallel_loop3A_952 = arith.addf %parallel_loop3A_941, %parallel_loop3A_945 : vector<16xf32>
        %parallel_loop3A_953 = arith.constant 0.000000e+00 : f32
        %parallel_loop3A_954 = vector.broadcast %parallel_loop3A_953 : f32 to vector<16xf32>
        %parallel_loop3A_955 = arith.maximumf %parallel_loop3A_952, %parallel_loop3A_954 : vector<16xf32>
        %parallel_loop3A_956 = arith.mulf %parallel_loop3A_955, %parallel_loop3A_937 : vector<16xf32>
        %parallel_loop3A_957 = arith.addf %parallel_loop3A_951, %parallel_loop3A_956 : vector<16xf32>
        %parallel_loop3A_958 = tpu.vector_load_idx %arg15[%add3A_12, %parallel_loop3A_923] : memref<128x128xi32, #tpu.memory_space<vmem>>[vector<16xi32>, vector<16xi32>], vector<16xi32>,
        %parallel_loop3A_959 = vector.bitcast %parallel_loop3A_958 : vector<16xi32> to vector<32xbf16>
        %parallel_loop3A_960 = tpu.unpack_subelements %parallel_loop3A_959, 0 {pack_format = #tpu.pack_format<interleaved>} : vector<32xbf16> -> vector<16xf32>
        %parallel_loop3A_961 = tpu.unpack_subelements %parallel_loop3A_959, 1 {pack_format = #tpu.pack_format<interleaved>} : vector<32xbf16> -> vector<16xf32>
        %parallel_loop3A_962 = tpu.vector_load_idx %arg16[%add3A_12, %parallel_loop3A_923] : memref<128x128xi32, #tpu.memory_space<vmem>>[vector<16xi32>, vector<16xi32>], vector<16xi32>,
        %parallel_loop3A_963 = vector.bitcast %parallel_loop3A_962 : vector<16xi32> to vector<32xbf16>
        %parallel_loop3A_964 = tpu.unpack_subelements %parallel_loop3A_963, 0 {pack_format = #tpu.pack_format<interleaved>} : vector<32xbf16> -> vector<16xf32>
        %parallel_loop3A_965 = tpu.unpack_subelements %parallel_loop3A_963, 1 {pack_format = #tpu.pack_format<interleaved>} : vector<32xbf16> -> vector<16xf32>
        %parallel_loop3A_966 = arith.addf %parallel_loop3A_960, %parallel_loop3A_964 : vector<16xf32>
        %parallel_loop3A_967 = arith.constant 0.000000e+00 : f32
        %parallel_loop3A_968 = vector.broadcast %parallel_loop3A_967 : f32 to vector<16xf32>
        %parallel_loop3A_969 = arith.maximumf %parallel_loop3A_966, %parallel_loop3A_968 : vector<16xf32>
        %parallel_loop3A_970 = arith.mulf %parallel_loop3A_969, %parallel_loop3A_930 : vector<16xf32>
        %parallel_loop3A_971 = arith.addf %parallel_loop3A_916, %parallel_loop3A_970 : vector<16xf32>
        %parallel_loop3A_972 = arith.addf %parallel_loop3A_961, %parallel_loop3A_965 : vector<16xf32>
        %parallel_loop3A_973 = arith.constant 0.000000e+00 : f32
        %parallel_loop3A_974 = vector.broadcast %parallel_loop3A_973 : f32 to vector<16xf32>
        %parallel_loop3A_975 = arith.maximumf %parallel_loop3A_972, %parallel_loop3A_974 : vector<16xf32>
        %parallel_loop3A_976 = arith.mulf %parallel_loop3A_975, %parallel_loop3A_937 : vector<16xf32>
        %parallel_loop3A_977 = arith.addf %parallel_loop3A_971, %parallel_loop3A_976 : vector<16xf32>
        %parallel_loop3A_978 = tpu.vector_load_idx %arg15[%add3A_16, %parallel_loop3A_923] : memref<128x128xi32, #tpu.memory_space<vmem>>[vector<16xi32>, vector<16xi32>], vector<16xi32>,
        %parallel_loop3A_979 = vector.bitcast %parallel_loop3A_978 : vector<16xi32> to vector<32xbf16>
        %parallel_loop3A_980 = tpu.unpack_subelements %parallel_loop3A_979, 0 {pack_format = #tpu.pack_format<interleaved>} : vector<32xbf16> -> vector<16xf32>
        %parallel_loop3A_981 = tpu.unpack_subelements %parallel_loop3A_979, 1 {pack_format = #tpu.pack_format<interleaved>} : vector<32xbf16> -> vector<16xf32>
        %parallel_loop3A_982 = tpu.vector_load_idx %arg16[%add3A_16, %parallel_loop3A_923] : memref<128x128xi32, #tpu.memory_space<vmem>>[vector<16xi32>, vector<16xi32>], vector<16xi32>,
        %parallel_loop3A_983 = vector.bitcast %parallel_loop3A_982 : vector<16xi32> to vector<32xbf16>
        %parallel_loop3A_984 = tpu.unpack_subelements %parallel_loop3A_983, 0 {pack_format = #tpu.pack_format<interleaved>} : vector<32xbf16> -> vector<16xf32>
        %parallel_loop3A_985 = tpu.unpack_subelements %parallel_loop3A_983, 1 {pack_format = #tpu.pack_format<interleaved>} : vector<32xbf16> -> vector<16xf32>
        %parallel_loop3A_986 = arith.addf %parallel_loop3A_980, %parallel_loop3A_984 : vector<16xf32>
        %parallel_loop3A_987 = arith.constant 0.000000e+00 : f32
        %parallel_loop3A_988 = vector.broadcast %parallel_loop3A_987 : f32 to vector<16xf32>
        %parallel_loop3A_989 = arith.maximumf %parallel_loop3A_986, %parallel_loop3A_988 : vector<16xf32>
        %parallel_loop3A_990 = arith.mulf %parallel_loop3A_989, %parallel_loop3A_930 : vector<16xf32>
        %parallel_loop3A_991 = arith.addf %parallel_loop3A_917, %parallel_loop3A_990 : vector<16xf32>
        %parallel_loop3A_992 = arith.addf %parallel_loop3A_981, %parallel_loop3A_985 : vector<16xf32>
        %parallel_loop3A_993 = arith.constant 0.000000e+00 : f32
        %parallel_loop3A_994 = vector.broadcast %parallel_loop3A_993 : f32 to vector<16xf32>
        %parallel_loop3A_995 = arith.maximumf %parallel_loop3A_992, %parallel_loop3A_994 : vector<16xf32>
        %parallel_loop3A_996 = arith.mulf %parallel_loop3A_995, %parallel_loop3A_937 : vector<16xf32>
        %parallel_loop3A_997 = arith.addf %parallel_loop3A_991, %parallel_loop3A_996 : vector<16xf32>
        %parallel_loop3A_998 = tpu.vector_load_idx %arg15[%add3A_20, %parallel_loop3A_923] : memref<128x128xi32, #tpu.memory_space<vmem>>[vector<16xi32>, vector<16xi32>], vector<16xi32>,
        %parallel_loop3A_999 = vector.bitcast %parallel_loop3A_998 : vector<16xi32> to vector<32xbf16>
        %parallel_loop3A_1000 = tpu.unpack_subelements %parallel_loop3A_999, 0 {pack_format = #tpu.pack_format<interleaved>} : vector<32xbf16> -> vector<16xf32>
        %parallel_loop3A_1001 = tpu.unpack_subelements %parallel_loop3A_999, 1 {pack_format = #tpu.pack_format<interleaved>} : vector<32xbf16> -> vector<16xf32>
        %parallel_loop3A_1002 = tpu.vector_load_idx %arg16[%add3A_20, %parallel_loop3A_923] : memref<128x128xi32, #tpu.memory_space<vmem>>[vector<16xi32>, vector<16xi32>], vector<16xi32>,
        %parallel_loop3A_1003 = vector.bitcast %parallel_loop3A_1002 : vector<16xi32> to vector<32xbf16>
        %parallel_loop3A_1004 = tpu.unpack_subelements %parallel_loop3A_1003, 0 {pack_format = #tpu.pack_format<interleaved>} : vector<32xbf16> -> vector<16xf32>
        %parallel_loop3A_1005 = tpu.unpack_subelements %parallel_loop3A_1003, 1 {pack_format = #tpu.pack_format<interleaved>} : vector<32xbf16> -> vector<16xf32>
        %parallel_loop3A_1006 = arith.addf %parallel_loop3A_1000, %parallel_loop3A_1004 : vector<16xf32>
        %parallel_loop3A_1007 = arith.constant 0.000000e+00 : f32
        %parallel_loop3A_1008 = vector.broadcast %parallel_loop3A_1007 : f32 to vector<16xf32>
        %parallel_loop3A_1009 = arith.maximumf %parallel_loop3A_1006, %parallel_loop3A_1008 : vector<16xf32>
        %parallel_loop3A_1010 = arith.mulf %parallel_loop3A_1009, %parallel_loop3A_930 : vector<16xf32>
        %parallel_loop3A_1011 = arith.addf %parallel_loop3A_918, %parallel_loop3A_1010 : vector<16xf32>
        %parallel_loop3A_1012 = arith.addf %parallel_loop3A_1001, %parallel_loop3A_1005 : vector<16xf32>
        %parallel_loop3A_1013 = arith.constant 0.000000e+00 : f32
        %parallel_loop3A_1014 = vector.broadcast %parallel_loop3A_1013 : f32 to vector<16xf32>
        %parallel_loop3A_1015 = arith.maximumf %parallel_loop3A_1012, %parallel_loop3A_1014 : vector<16xf32>
        %parallel_loop3A_1016 = arith.mulf %parallel_loop3A_1015, %parallel_loop3A_937 : vector<16xf32>
        %parallel_loop3A_1017 = arith.addf %parallel_loop3A_1011, %parallel_loop3A_1016 : vector<16xf32>
        %parallel_loop3A_1018 = tpu.vector_load_idx %arg15[%add3A_24, %parallel_loop3A_923] : memref<128x128xi32, #tpu.memory_space<vmem>>[vector<16xi32>, vector<16xi32>], vector<16xi32>,
        %parallel_loop3A_1019 = vector.bitcast %parallel_loop3A_1018 : vector<16xi32> to vector<32xbf16>
        %parallel_loop3A_1020 = tpu.unpack_subelements %parallel_loop3A_1019, 0 {pack_format = #tpu.pack_format<interleaved>} : vector<32xbf16> -> vector<16xf32>
        %parallel_loop3A_1021 = tpu.unpack_subelements %parallel_loop3A_1019, 1 {pack_format = #tpu.pack_format<interleaved>} : vector<32xbf16> -> vector<16xf32>
        %parallel_loop3A_1022 = tpu.vector_load_idx %arg16[%add3A_24, %parallel_loop3A_923] : memref<128x128xi32, #tpu.memory_space<vmem>>[vector<16xi32>, vector<16xi32>], vector<16xi32>,
        %parallel_loop3A_1023 = vector.bitcast %parallel_loop3A_1022 : vector<16xi32> to vector<32xbf16>
        %parallel_loop3A_1024 = tpu.unpack_subelements %parallel_loop3A_1023, 0 {pack_format = #tpu.pack_format<interleaved>} : vector<32xbf16> -> vector<16xf32>
        %parallel_loop3A_1025 = tpu.unpack_subelements %parallel_loop3A_1023, 1 {pack_format = #tpu.pack_format<interleaved>} : vector<32xbf16> -> vector<16xf32>
        %parallel_loop3A_1026 = arith.addf %parallel_loop3A_1020, %parallel_loop3A_1024 : vector<16xf32>
        %parallel_loop3A_1027 = arith.constant 0.000000e+00 : f32
        %parallel_loop3A_1028 = vector.broadcast %parallel_loop3A_1027 : f32 to vector<16xf32>
        %parallel_loop3A_1029 = arith.maximumf %parallel_loop3A_1026, %parallel_loop3A_1028 : vector<16xf32>
        %parallel_loop3A_1030 = arith.mulf %parallel_loop3A_1029, %parallel_loop3A_930 : vector<16xf32>
        %parallel_loop3A_1031 = arith.addf %parallel_loop3A_919, %parallel_loop3A_1030 : vector<16xf32>
        %parallel_loop3A_1032 = arith.addf %parallel_loop3A_1021, %parallel_loop3A_1025 : vector<16xf32>
        %parallel_loop3A_1033 = arith.constant 0.000000e+00 : f32
        %parallel_loop3A_1034 = vector.broadcast %parallel_loop3A_1033 : f32 to vector<16xf32>
        %parallel_loop3A_1035 = arith.maximumf %parallel_loop3A_1032, %parallel_loop3A_1034 : vector<16xf32>
        %parallel_loop3A_1036 = arith.mulf %parallel_loop3A_1035, %parallel_loop3A_937 : vector<16xf32>
        %parallel_loop3A_1037 = arith.addf %parallel_loop3A_1031, %parallel_loop3A_1036 : vector<16xf32>
        %parallel_loop3A_1038 = tpu.vector_load_idx %arg15[%add3A_28, %parallel_loop3A_923] : memref<128x128xi32, #tpu.memory_space<vmem>>[vector<16xi32>, vector<16xi32>], vector<16xi32>,
        %parallel_loop3A_1039 = vector.bitcast %parallel_loop3A_1038 : vector<16xi32> to vector<32xbf16>
        %parallel_loop3A_1040 = tpu.unpack_subelements %parallel_loop3A_1039, 0 {pack_format = #tpu.pack_format<interleaved>} : vector<32xbf16> -> vector<16xf32>
        %parallel_loop3A_1041 = tpu.unpack_subelements %parallel_loop3A_1039, 1 {pack_format = #tpu.pack_format<interleaved>} : vector<32xbf16> -> vector<16xf32>
        %parallel_loop3A_1042 = tpu.vector_load_idx %arg16[%add3A_28, %parallel_loop3A_923] : memref<128x128xi32, #tpu.memory_space<vmem>>[vector<16xi32>, vector<16xi32>], vector<16xi32>,
        %parallel_loop3A_1043 = vector.bitcast %parallel_loop3A_1042 : vector<16xi32> to vector<32xbf16>
        %parallel_loop3A_1044 = tpu.unpack_subelements %parallel_loop3A_1043, 0 {pack_format = #tpu.pack_format<interleaved>} : vector<32xbf16> -> vector<16xf32>
        %parallel_loop3A_1045 = tpu.unpack_subelements %parallel_loop3A_1043, 1 {pack_format = #tpu.pack_format<interleaved>} : vector<32xbf16> -> vector<16xf32>
        %parallel_loop3A_1046 = arith.addf %parallel_loop3A_1040, %parallel_loop3A_1044 : vector<16xf32>
        %parallel_loop3A_1047 = arith.constant 0.000000e+00 : f32
        %parallel_loop3A_1048 = vector.broadcast %parallel_loop3A_1047 : f32 to vector<16xf32>
        %parallel_loop3A_1049 = arith.maximumf %parallel_loop3A_1046, %parallel_loop3A_1048 : vector<16xf32>
        %parallel_loop3A_1050 = arith.mulf %parallel_loop3A_1049, %parallel_loop3A_930 : vector<16xf32>
        %parallel_loop3A_1051 = arith.addf %parallel_loop3A_920, %parallel_loop3A_1050 : vector<16xf32>
        %parallel_loop3A_1052 = arith.addf %parallel_loop3A_1041, %parallel_loop3A_1045 : vector<16xf32>
        %parallel_loop3A_1053 = arith.constant 0.000000e+00 : f32
        %parallel_loop3A_1054 = vector.broadcast %parallel_loop3A_1053 : f32 to vector<16xf32>
        %parallel_loop3A_1055 = arith.maximumf %parallel_loop3A_1052, %parallel_loop3A_1054 : vector<16xf32>
        %parallel_loop3A_1056 = arith.mulf %parallel_loop3A_1055, %parallel_loop3A_937 : vector<16xf32>
        %parallel_loop3A_1057 = arith.addf %parallel_loop3A_1051, %parallel_loop3A_1056 : vector<16xf32>
        %parallel_loop3A_1058 = tpu.vector_load_idx %arg15[%add3A_32, %parallel_loop3A_923] : memref<128x128xi32, #tpu.memory_space<vmem>>[vector<16xi32>, vector<16xi32>], vector<16xi32>,
        %parallel_loop3A_1059 = vector.bitcast %parallel_loop3A_1058 : vector<16xi32> to vector<32xbf16>
        %parallel_loop3A_1060 = tpu.unpack_subelements %parallel_loop3A_1059, 0 {pack_format = #tpu.pack_format<interleaved>} : vector<32xbf16> -> vector<16xf32>
        %parallel_loop3A_1061 = tpu.unpack_subelements %parallel_loop3A_1059, 1 {pack_format = #tpu.pack_format<interleaved>} : vector<32xbf16> -> vector<16xf32>
        %parallel_loop3A_1062 = tpu.vector_load_idx %arg16[%add3A_32, %parallel_loop3A_923] : memref<128x128xi32, #tpu.memory_space<vmem>>[vector<16xi32>, vector<16xi32>], vector<16xi32>,
        %parallel_loop3A_1063 = vector.bitcast %parallel_loop3A_1062 : vector<16xi32> to vector<32xbf16>
        %parallel_loop3A_1064 = tpu.unpack_subelements %parallel_loop3A_1063, 0 {pack_format = #tpu.pack_format<interleaved>} : vector<32xbf16> -> vector<16xf32>
        %parallel_loop3A_1065 = tpu.unpack_subelements %parallel_loop3A_1063, 1 {pack_format = #tpu.pack_format<interleaved>} : vector<32xbf16> -> vector<16xf32>
        %parallel_loop3A_1066 = arith.addf %parallel_loop3A_1060, %parallel_loop3A_1064 : vector<16xf32>
        %parallel_loop3A_1067 = arith.constant 0.000000e+00 : f32
        %parallel_loop3A_1068 = vector.broadcast %parallel_loop3A_1067 : f32 to vector<16xf32>
        %parallel_loop3A_1069 = arith.maximumf %parallel_loop3A_1066, %parallel_loop3A_1068 : vector<16xf32>
        %parallel_loop3A_1070 = arith.mulf %parallel_loop3A_1069, %parallel_loop3A_930 : vector<16xf32>
        %parallel_loop3A_1071 = arith.addf %parallel_loop3A_921, %parallel_loop3A_1070 : vector<16xf32>
        %parallel_loop3A_1072 = arith.addf %parallel_loop3A_1061, %parallel_loop3A_1065 : vector<16xf32>
        %parallel_loop3A_1073 = arith.constant 0.000000e+00 : f32
        %parallel_loop3A_1074 = vector.broadcast %parallel_loop3A_1073 : f32 to vector<16xf32>
        %parallel_loop3A_1075 = arith.maximumf %parallel_loop3A_1072, %parallel_loop3A_1074 : vector<16xf32>
        %parallel_loop3A_1076 = arith.mulf %parallel_loop3A_1075, %parallel_loop3A_937 : vector<16xf32>
        %parallel_loop3A_1077 = arith.addf %parallel_loop3A_1071, %parallel_loop3A_1076 : vector<16xf32>
        %parallel_loop3A_1078 = tpu.vector_load_idx %arg15[%add3A_36, %parallel_loop3A_923] : memref<128x128xi32, #tpu.memory_space<vmem>>[vector<16xi32>, vector<16xi32>], vector<16xi32>,
        %parallel_loop3A_1079 = vector.bitcast %parallel_loop3A_1078 : vector<16xi32> to vector<32xbf16>
        %parallel_loop3A_1080 = tpu.unpack_subelements %parallel_loop3A_1079, 0 {pack_format = #tpu.pack_format<interleaved>} : vector<32xbf16> -> vector<16xf32>
        %parallel_loop3A_1081 = tpu.unpack_subelements %parallel_loop3A_1079, 1 {pack_format = #tpu.pack_format<interleaved>} : vector<32xbf16> -> vector<16xf32>
        %parallel_loop3A_1082 = tpu.vector_load_idx %arg16[%add3A_36, %parallel_loop3A_923] : memref<128x128xi32, #tpu.memory_space<vmem>>[vector<16xi32>, vector<16xi32>], vector<16xi32>,
        %parallel_loop3A_1083 = vector.bitcast %parallel_loop3A_1082 : vector<16xi32> to vector<32xbf16>
        %parallel_loop3A_1084 = tpu.unpack_subelements %parallel_loop3A_1083, 0 {pack_format = #tpu.pack_format<interleaved>} : vector<32xbf16> -> vector<16xf32>
        %parallel_loop3A_1085 = tpu.unpack_subelements %parallel_loop3A_1083, 1 {pack_format = #tpu.pack_format<interleaved>} : vector<32xbf16> -> vector<16xf32>
        %parallel_loop3A_1086 = arith.addf %parallel_loop3A_1080, %parallel_loop3A_1084 : vector<16xf32>
        %parallel_loop3A_1087 = arith.constant 0.000000e+00 : f32
        %parallel_loop3A_1088 = vector.broadcast %parallel_loop3A_1087 : f32 to vector<16xf32>
        %parallel_loop3A_1089 = arith.maximumf %parallel_loop3A_1086, %parallel_loop3A_1088 : vector<16xf32>
        %parallel_loop3A_1090 = arith.mulf %parallel_loop3A_1089, %parallel_loop3A_930 : vector<16xf32>
        %parallel_loop3A_1091 = arith.addf %parallel_loop3A_922, %parallel_loop3A_1090 : vector<16xf32>
        %parallel_loop3A_1092 = arith.addf %parallel_loop3A_1081, %parallel_loop3A_1085 : vector<16xf32>
        %parallel_loop3A_1093 = arith.constant 0.000000e+00 : f32
        %parallel_loop3A_1094 = vector.broadcast %parallel_loop3A_1093 : f32 to vector<16xf32>
        %parallel_loop3A_1095 = arith.maximumf %parallel_loop3A_1092, %parallel_loop3A_1094 : vector<16xf32>
        %parallel_loop3A_1096 = arith.mulf %parallel_loop3A_1095, %parallel_loop3A_937 : vector<16xf32>
        %parallel_loop3A_1097 = arith.addf %parallel_loop3A_1091, %parallel_loop3A_1096 : vector<16xf32>
        %parallel_loop3A_1098 = arith.constant 1 : i32
        %parallel_loop3A_1099 = vector.broadcast %parallel_loop3A_1098 : i32 to vector<16xi32>
        %parallel_loop3A_1100 = arith.addi %parallel_loop3A_923, %parallel_loop3A_1099 : vector<16xi32>
        scf.yield %parallel_loop3A_957, %parallel_loop3A_977, %parallel_loop3A_997, %parallel_loop3A_1017, %parallel_loop3A_1037, %parallel_loop3A_1057, %parallel_loop3A_1077, %parallel_loop3A_1097, %parallel_loop3A_1100 : vector<16xf32>, vector<16xf32>, vector<16xf32>, vector<16xf32>, vector<16xf32>, vector<16xf32>, vector<16xf32>, vector<16xf32>, vector<16xi32>
      } {sc.loop_unroll_factor = 2 : i64, sc.parallel_access}
      %add3A_530 = arith.addf %parallel_loop3A_529#0, %get3A_3 : vector<16xf32>
      %neg3A_531 = arith.constant 0.000000e+00 : f32
      %neg3A_532 = vector.broadcast %neg3A_531 : f32 to vector<16xf32>
      %neg3A_533 = arith.subf %neg3A_532, %add3A_530 : vector<16xf32>
      %exp3A_534 = math.exp %neg3A_533 : vector<16xf32>
      %add3A_535 = arith.constant 1.000000e+00 : f32
      %add3A_536 = vector.broadcast %add3A_535 : f32 to vector<16xf32>
      %add3A_537 = arith.addf %add3A_536, %exp3A_534 : vector<16xf32>
      %div3A_538 = arith.constant 1.000000e+00 : f32
      %div3A_539 = vector.broadcast %div3A_538 : f32 to vector<16xf32>
      %div3A_540 = arith.divf %div3A_539, %add3A_537 : vector<16xf32>
      %sub3A_541 = arith.constant 5.000000e-01 : f32
      %sub3A_542 = vector.broadcast %sub3A_541 : f32 to vector<16xf32>
      %sub3A_543 = arith.subf %div3A_540, %sub3A_542 : vector<16xf32>
      %neg3A_544 = arith.constant 0.000000e+00 : f32
      %neg3A_545 = vector.broadcast %neg3A_544 : f32 to vector<16xf32>
      %neg3A_546 = arith.subf %neg3A_545, %sub3A_543 : vector<16xf32>
      %mul3A_547 = arith.mulf %neg3A_546, %exp3A : vector<16xf32>
      %exp3A_548 = math.exp %mul3A_547 : vector<16xf32>
      %add3A_549 = arith.constant 1.000000e+00 : f32
      %add3A_550 = vector.broadcast %add3A_549 : f32 to vector<16xf32>
      %add3A_551 = arith.addf %add3A_550, %exp3A_548 : vector<16xf32>
      %div3A_552 = arith.constant 1.000000e+00 : f32
      %div3A_553 = vector.broadcast %div3A_552 : f32 to vector<16xf32>
      %div3A_554 = arith.divf %div3A_553, %add3A_551 : vector<16xf32>
      %add3A_555 = arith.constant 0 : i32
      %add3A_556 = arith.addi %add3A_507, %add3A_555 : i32
      %iota3A_557 = tpu.iota {dimensions = array<i32: 0>} : vector<16xi32>
      %add3A_558 = vector.broadcast %add3A_556 : i32 to vector<16xi32>
      %add3A_559 = arith.addi %add3A_558, %iota3A_557 : vector<16xi32>
      %lt3A_560 = arith.constant 160000 : i32
      %lt3A_561 = vector.broadcast %lt3A_560 : i32 to vector<16xi32>
      %lt3A_562 = arith.cmpi slt, %add3A_559, %lt3A_561 : vector<16xi32>
      %jit3A_563 = arith.constant 0.000000e+00 : f32
      %broadcast_in_dim3A_564 = vector.broadcast %jit3A_563 : f32 to vector<16xf32>
      %select_n3A_565 = arith.select %lt3A_562, %div3A_554, %broadcast_in_dim3A_564 : vector<16xi1>, vector<16xf32>
      %swap3A_566 = arith.constant 0 : index
      %swap3A_567 = tpu.vector_load %arg21[%swap3A_566] {strides = array<i32>} : memref<128xf32, #tpu.memory_space<vmem>>, vector<16xf32>,
      tpu.vector_store %arg21[%swap3A_566], %select_n3A_565 {strides = array<i32>} : memref<128xf32, #tpu.memory_space<vmem>>, vector<16xf32>,
      %lt3A_568 = arith.constant 5.000000e-01 : f32
      %lt3A_569 = vector.broadcast %lt3A_568 : f32 to vector<16xf32>
      %lt3A_570 = arith.cmpf olt, %select_n3A_565, %lt3A_569 : vector<16xf32>
      %and3A_571 = arith.andi %lt3A_562, %lt3A_570 : vector<16xi1>
      %jit3A_572 = arith.constant 1.000000e+00 : f32
      %jit3A_573 = arith.constant 0.000000e+00 : f32
      %broadcast_in_dim3A_574 = vector.broadcast %jit3A_572 : f32 to vector<16xf32>
      %broadcast_in_dim3A_575 = vector.broadcast %jit3A_573 : f32 to vector<16xf32>
      %select_n3A_576 = arith.select %and3A_571, %broadcast_in_dim3A_574, %broadcast_in_dim3A_575 : vector<16xi1>, vector<16xf32>
      %add3A_577 = arith.addf %add3A_487, %select_n3A_576 : vector<16xf32>
      %add3A_578 = arith.addf %parallel_loop3A_529#1, %get3A_3 : vector<16xf32>
      %neg3A_579 = arith.constant 0.000000e+00 : f32
      %neg3A_580 = vector.broadcast %neg3A_579 : f32 to vector<16xf32>
      %neg3A_581 = arith.subf %neg3A_580, %add3A_578 : vector<16xf32>
      %exp3A_582 = math.exp %neg3A_581 : vector<16xf32>
      %add3A_583 = arith.constant 1.000000e+00 : f32
      %add3A_584 = vector.broadcast %add3A_583 : f32 to vector<16xf32>
      %add3A_585 = arith.addf %add3A_584, %exp3A_582 : vector<16xf32>
      %div3A_586 = arith.constant 1.000000e+00 : f32
      %div3A_587 = vector.broadcast %div3A_586 : f32 to vector<16xf32>
      %div3A_588 = arith.divf %div3A_587, %add3A_585 : vector<16xf32>
      %sub3A_589 = arith.constant 5.000000e-01 : f32
      %sub3A_590 = vector.broadcast %sub3A_589 : f32 to vector<16xf32>
      %sub3A_591 = arith.subf %div3A_588, %sub3A_590 : vector<16xf32>
      %neg3A_592 = arith.constant 0.000000e+00 : f32
      %neg3A_593 = vector.broadcast %neg3A_592 : f32 to vector<16xf32>
      %neg3A_594 = arith.subf %neg3A_593, %sub3A_591 : vector<16xf32>
      %mul3A_595 = arith.mulf %neg3A_594, %exp3A : vector<16xf32>
      %exp3A_596 = math.exp %mul3A_595 : vector<16xf32>
      %add3A_597 = arith.constant 1.000000e+00 : f32
      %add3A_598 = vector.broadcast %add3A_597 : f32 to vector<16xf32>
      %add3A_599 = arith.addf %add3A_598, %exp3A_596 : vector<16xf32>
      %div3A_600 = arith.constant 1.000000e+00 : f32
      %div3A_601 = vector.broadcast %div3A_600 : f32 to vector<16xf32>
      %div3A_602 = arith.divf %div3A_601, %add3A_599 : vector<16xf32>
      %add3A_603 = arith.constant 16 : i32
      %add3A_604 = arith.addi %add3A_507, %add3A_603 : i32
      %iota3A_605 = tpu.iota {dimensions = array<i32: 0>} : vector<16xi32>
      %add3A_606 = vector.broadcast %add3A_604 : i32 to vector<16xi32>
      %add3A_607 = arith.addi %add3A_606, %iota3A_605 : vector<16xi32>
      %lt3A_608 = arith.constant 160000 : i32
      %lt3A_609 = vector.broadcast %lt3A_608 : i32 to vector<16xi32>
      %lt3A_610 = arith.cmpi slt, %add3A_607, %lt3A_609 : vector<16xi32>
      %jit3A_611 = arith.constant 0.000000e+00 : f32
      %broadcast_in_dim3A_612 = vector.broadcast %jit3A_611 : f32 to vector<16xf32>
      %select_n3A_613 = arith.select %lt3A_610, %div3A_602, %broadcast_in_dim3A_612 : vector<16xi1>, vector<16xf32>
      %swap3A_614 = arith.constant 16 : index
      %swap3A_615 = tpu.vector_load %arg21[%swap3A_614] {strides = array<i32>} : memref<128xf32, #tpu.memory_space<vmem>>, vector<16xf32>,
      tpu.vector_store %arg21[%swap3A_614], %select_n3A_613 {strides = array<i32>} : memref<128xf32, #tpu.memory_space<vmem>>, vector<16xf32>,
      %lt3A_616 = arith.constant 5.000000e-01 : f32
      %lt3A_617 = vector.broadcast %lt3A_616 : f32 to vector<16xf32>
      %lt3A_618 = arith.cmpf olt, %select_n3A_613, %lt3A_617 : vector<16xf32>
      %and3A_619 = arith.andi %lt3A_610, %lt3A_618 : vector<16xi1>
      %jit3A_620 = arith.constant 1.000000e+00 : f32
      %jit3A_621 = arith.constant 0.000000e+00 : f32
      %broadcast_in_dim3A_622 = vector.broadcast %jit3A_620 : f32 to vector<16xf32>
      %broadcast_in_dim3A_623 = vector.broadcast %jit3A_621 : f32 to vector<16xf32>
      %select_n3A_624 = arith.select %and3A_619, %broadcast_in_dim3A_622, %broadcast_in_dim3A_623 : vector<16xi1>, vector<16xf32>
      %add3A_625 = arith.addf %add3A_577, %select_n3A_624 : vector<16xf32>
      %add3A_626 = arith.addf %parallel_loop3A_529#2, %get3A_3 : vector<16xf32>
      %neg3A_627 = arith.constant 0.000000e+00 : f32
      %neg3A_628 = vector.broadcast %neg3A_627 : f32 to vector<16xf32>
      %neg3A_629 = arith.subf %neg3A_628, %add3A_626 : vector<16xf32>
      %exp3A_630 = math.exp %neg3A_629 : vector<16xf32>
      %add3A_631 = arith.constant 1.000000e+00 : f32
      %add3A_632 = vector.broadcast %add3A_631 : f32 to vector<16xf32>
      %add3A_633 = arith.addf %add3A_632, %exp3A_630 : vector<16xf32>
      %div3A_634 = arith.constant 1.000000e+00 : f32
      %div3A_635 = vector.broadcast %div3A_634 : f32 to vector<16xf32>
      %div3A_636 = arith.divf %div3A_635, %add3A_633 : vector<16xf32>
      %sub3A_637 = arith.constant 5.000000e-01 : f32
      %sub3A_638 = vector.broadcast %sub3A_637 : f32 to vector<16xf32>
      %sub3A_639 = arith.subf %div3A_636, %sub3A_638 : vector<16xf32>
      %neg3A_640 = arith.constant 0.000000e+00 : f32
      %neg3A_641 = vector.broadcast %neg3A_640 : f32 to vector<16xf32>
      %neg3A_642 = arith.subf %neg3A_641, %sub3A_639 : vector<16xf32>
      %mul3A_643 = arith.mulf %neg3A_642, %exp3A : vector<16xf32>
      %exp3A_644 = math.exp %mul3A_643 : vector<16xf32>
      %add3A_645 = arith.constant 1.000000e+00 : f32
      %add3A_646 = vector.broadcast %add3A_645 : f32 to vector<16xf32>
      %add3A_647 = arith.addf %add3A_646, %exp3A_644 : vector<16xf32>
      %div3A_648 = arith.constant 1.000000e+00 : f32
      %div3A_649 = vector.broadcast %div3A_648 : f32 to vector<16xf32>
      %div3A_650 = arith.divf %div3A_649, %add3A_647 : vector<16xf32>
      %add3A_651 = arith.constant 32 : i32
      %add3A_652 = arith.addi %add3A_507, %add3A_651 : i32
      %iota3A_653 = tpu.iota {dimensions = array<i32: 0>} : vector<16xi32>
      %add3A_654 = vector.broadcast %add3A_652 : i32 to vector<16xi32>
      %add3A_655 = arith.addi %add3A_654, %iota3A_653 : vector<16xi32>
      %lt3A_656 = arith.constant 160000 : i32
      %lt3A_657 = vector.broadcast %lt3A_656 : i32 to vector<16xi32>
      %lt3A_658 = arith.cmpi slt, %add3A_655, %lt3A_657 : vector<16xi32>
      %jit3A_659 = arith.constant 0.000000e+00 : f32
      %broadcast_in_dim3A_660 = vector.broadcast %jit3A_659 : f32 to vector<16xf32>
      %select_n3A_661 = arith.select %lt3A_658, %div3A_650, %broadcast_in_dim3A_660 : vector<16xi1>, vector<16xf32>
      %swap3A_662 = arith.constant 32 : index
      %swap3A_663 = tpu.vector_load %arg21[%swap3A_662] {strides = array<i32>} : memref<128xf32, #tpu.memory_space<vmem>>, vector<16xf32>,
      tpu.vector_store %arg21[%swap3A_662], %select_n3A_661 {strides = array<i32>} : memref<128xf32, #tpu.memory_space<vmem>>, vector<16xf32>,
      %lt3A_664 = arith.constant 5.000000e-01 : f32
      %lt3A_665 = vector.broadcast %lt3A_664 : f32 to vector<16xf32>
      %lt3A_666 = arith.cmpf olt, %select_n3A_661, %lt3A_665 : vector<16xf32>
      %and3A_667 = arith.andi %lt3A_658, %lt3A_666 : vector<16xi1>
      %jit3A_668 = arith.constant 1.000000e+00 : f32
      %jit3A_669 = arith.constant 0.000000e+00 : f32
      %broadcast_in_dim3A_670 = vector.broadcast %jit3A_668 : f32 to vector<16xf32>
      %broadcast_in_dim3A_671 = vector.broadcast %jit3A_669 : f32 to vector<16xf32>
      %select_n3A_672 = arith.select %and3A_667, %broadcast_in_dim3A_670, %broadcast_in_dim3A_671 : vector<16xi1>, vector<16xf32>
      %add3A_673 = arith.addf %add3A_625, %select_n3A_672 : vector<16xf32>
      %add3A_674 = arith.addf %parallel_loop3A_529#3, %get3A_3 : vector<16xf32>
      %neg3A_675 = arith.constant 0.000000e+00 : f32
      %neg3A_676 = vector.broadcast %neg3A_675 : f32 to vector<16xf32>
      %neg3A_677 = arith.subf %neg3A_676, %add3A_674 : vector<16xf32>
      %exp3A_678 = math.exp %neg3A_677 : vector<16xf32>
      %add3A_679 = arith.constant 1.000000e+00 : f32
      %add3A_680 = vector.broadcast %add3A_679 : f32 to vector<16xf32>
      %add3A_681 = arith.addf %add3A_680, %exp3A_678 : vector<16xf32>
      %div3A_682 = arith.constant 1.000000e+00 : f32
      %div3A_683 = vector.broadcast %div3A_682 : f32 to vector<16xf32>
      %div3A_684 = arith.divf %div3A_683, %add3A_681 : vector<16xf32>
      %sub3A_685 = arith.constant 5.000000e-01 : f32
      %sub3A_686 = vector.broadcast %sub3A_685 : f32 to vector<16xf32>
      %sub3A_687 = arith.subf %div3A_684, %sub3A_686 : vector<16xf32>
      %neg3A_688 = arith.constant 0.000000e+00 : f32
      %neg3A_689 = vector.broadcast %neg3A_688 : f32 to vector<16xf32>
      %neg3A_690 = arith.subf %neg3A_689, %sub3A_687 : vector<16xf32>
      %mul3A_691 = arith.mulf %neg3A_690, %exp3A : vector<16xf32>
      %exp3A_692 = math.exp %mul3A_691 : vector<16xf32>
      %add3A_693 = arith.constant 1.000000e+00 : f32
      %add3A_694 = vector.broadcast %add3A_693 : f32 to vector<16xf32>
      %add3A_695 = arith.addf %add3A_694, %exp3A_692 : vector<16xf32>
      %div3A_696 = arith.constant 1.000000e+00 : f32
      %div3A_697 = vector.broadcast %div3A_696 : f32 to vector<16xf32>
      %div3A_698 = arith.divf %div3A_697, %add3A_695 : vector<16xf32>
      %add3A_699 = arith.constant 48 : i32
      %add3A_700 = arith.addi %add3A_507, %add3A_699 : i32
      %iota3A_701 = tpu.iota {dimensions = array<i32: 0>} : vector<16xi32>
      %add3A_702 = vector.broadcast %add3A_700 : i32 to vector<16xi32>
      %add3A_703 = arith.addi %add3A_702, %iota3A_701 : vector<16xi32>
      %lt3A_704 = arith.constant 160000 : i32
      %lt3A_705 = vector.broadcast %lt3A_704 : i32 to vector<16xi32>
      %lt3A_706 = arith.cmpi slt, %add3A_703, %lt3A_705 : vector<16xi32>
      %jit3A_707 = arith.constant 0.000000e+00 : f32
      %broadcast_in_dim3A_708 = vector.broadcast %jit3A_707 : f32 to vector<16xf32>
      %select_n3A_709 = arith.select %lt3A_706, %div3A_698, %broadcast_in_dim3A_708 : vector<16xi1>, vector<16xf32>
      %swap3A_710 = arith.constant 48 : index
      %swap3A_711 = tpu.vector_load %arg21[%swap3A_710] {strides = array<i32>} : memref<128xf32, #tpu.memory_space<vmem>>, vector<16xf32>,
      tpu.vector_store %arg21[%swap3A_710], %select_n3A_709 {strides = array<i32>} : memref<128xf32, #tpu.memory_space<vmem>>, vector<16xf32>,
      %lt3A_712 = arith.constant 5.000000e-01 : f32
      %lt3A_713 = vector.broadcast %lt3A_712 : f32 to vector<16xf32>
      %lt3A_714 = arith.cmpf olt, %select_n3A_709, %lt3A_713 : vector<16xf32>
      %and3A_715 = arith.andi %lt3A_706, %lt3A_714 : vector<16xi1>
      %jit3A_716 = arith.constant 1.000000e+00 : f32
      %jit3A_717 = arith.constant 0.000000e+00 : f32
      %broadcast_in_dim3A_718 = vector.broadcast %jit3A_716 : f32 to vector<16xf32>
      %broadcast_in_dim3A_719 = vector.broadcast %jit3A_717 : f32 to vector<16xf32>
      %select_n3A_720 = arith.select %and3A_715, %broadcast_in_dim3A_718, %broadcast_in_dim3A_719 : vector<16xi1>, vector<16xf32>
      %add3A_721 = arith.addf %add3A_673, %select_n3A_720 : vector<16xf32>
      %add3A_722 = arith.addf %parallel_loop3A_529#4, %get3A_3 : vector<16xf32>
      %neg3A_723 = arith.constant 0.000000e+00 : f32
      %neg3A_724 = vector.broadcast %neg3A_723 : f32 to vector<16xf32>
      %neg3A_725 = arith.subf %neg3A_724, %add3A_722 : vector<16xf32>
      %exp3A_726 = math.exp %neg3A_725 : vector<16xf32>
      %add3A_727 = arith.constant 1.000000e+00 : f32
      %add3A_728 = vector.broadcast %add3A_727 : f32 to vector<16xf32>
      %add3A_729 = arith.addf %add3A_728, %exp3A_726 : vector<16xf32>
      %div3A_730 = arith.constant 1.000000e+00 : f32
      %div3A_731 = vector.broadcast %div3A_730 : f32 to vector<16xf32>
      %div3A_732 = arith.divf %div3A_731, %add3A_729 : vector<16xf32>
      %sub3A_733 = arith.constant 5.000000e-01 : f32
      %sub3A_734 = vector.broadcast %sub3A_733 : f32 to vector<16xf32>
      %sub3A_735 = arith.subf %div3A_732, %sub3A_734 : vector<16xf32>
      %neg3A_736 = arith.constant 0.000000e+00 : f32
      %neg3A_737 = vector.broadcast %neg3A_736 : f32 to vector<16xf32>
      %neg3A_738 = arith.subf %neg3A_737, %sub3A_735 : vector<16xf32>
      %mul3A_739 = arith.mulf %neg3A_738, %exp3A : vector<16xf32>
      %exp3A_740 = math.exp %mul3A_739 : vector<16xf32>
      %add3A_741 = arith.constant 1.000000e+00 : f32
      %add3A_742 = vector.broadcast %add3A_741 : f32 to vector<16xf32>
      %add3A_743 = arith.addf %add3A_742, %exp3A_740 : vector<16xf32>
      %div3A_744 = arith.constant 1.000000e+00 : f32
      %div3A_745 = vector.broadcast %div3A_744 : f32 to vector<16xf32>
      %div3A_746 = arith.divf %div3A_745, %add3A_743 : vector<16xf32>
      %add3A_747 = arith.constant 64 : i32
      %add3A_748 = arith.addi %add3A_507, %add3A_747 : i32
      %iota3A_749 = tpu.iota {dimensions = array<i32: 0>} : vector<16xi32>
      %add3A_750 = vector.broadcast %add3A_748 : i32 to vector<16xi32>
      %add3A_751 = arith.addi %add3A_750, %iota3A_749 : vector<16xi32>
      %lt3A_752 = arith.constant 160000 : i32
      %lt3A_753 = vector.broadcast %lt3A_752 : i32 to vector<16xi32>
      %lt3A_754 = arith.cmpi slt, %add3A_751, %lt3A_753 : vector<16xi32>
      %jit3A_755 = arith.constant 0.000000e+00 : f32
      %broadcast_in_dim3A_756 = vector.broadcast %jit3A_755 : f32 to vector<16xf32>
      %select_n3A_757 = arith.select %lt3A_754, %div3A_746, %broadcast_in_dim3A_756 : vector<16xi1>, vector<16xf32>
      %swap3A_758 = arith.constant 64 : index
      %swap3A_759 = tpu.vector_load %arg21[%swap3A_758] {strides = array<i32>} : memref<128xf32, #tpu.memory_space<vmem>>, vector<16xf32>,
      tpu.vector_store %arg21[%swap3A_758], %select_n3A_757 {strides = array<i32>} : memref<128xf32, #tpu.memory_space<vmem>>, vector<16xf32>,
      %lt3A_760 = arith.constant 5.000000e-01 : f32
      %lt3A_761 = vector.broadcast %lt3A_760 : f32 to vector<16xf32>
      %lt3A_762 = arith.cmpf olt, %select_n3A_757, %lt3A_761 : vector<16xf32>
      %and3A_763 = arith.andi %lt3A_754, %lt3A_762 : vector<16xi1>
      %jit3A_764 = arith.constant 1.000000e+00 : f32
      %jit3A_765 = arith.constant 0.000000e+00 : f32
      %broadcast_in_dim3A_766 = vector.broadcast %jit3A_764 : f32 to vector<16xf32>
      %broadcast_in_dim3A_767 = vector.broadcast %jit3A_765 : f32 to vector<16xf32>
      %select_n3A_768 = arith.select %and3A_763, %broadcast_in_dim3A_766, %broadcast_in_dim3A_767 : vector<16xi1>, vector<16xf32>
      %add3A_769 = arith.addf %add3A_721, %select_n3A_768 : vector<16xf32>
      %add3A_770 = arith.addf %parallel_loop3A_529#5, %get3A_3 : vector<16xf32>
      %neg3A_771 = arith.constant 0.000000e+00 : f32
      %neg3A_772 = vector.broadcast %neg3A_771 : f32 to vector<16xf32>
      %neg3A_773 = arith.subf %neg3A_772, %add3A_770 : vector<16xf32>
      %exp3A_774 = math.exp %neg3A_773 : vector<16xf32>
      %add3A_775 = arith.constant 1.000000e+00 : f32
      %add3A_776 = vector.broadcast %add3A_775 : f32 to vector<16xf32>
      %add3A_777 = arith.addf %add3A_776, %exp3A_774 : vector<16xf32>
      %div3A_778 = arith.constant 1.000000e+00 : f32
      %div3A_779 = vector.broadcast %div3A_778 : f32 to vector<16xf32>
      %div3A_780 = arith.divf %div3A_779, %add3A_777 : vector<16xf32>
      %sub3A_781 = arith.constant 5.000000e-01 : f32
      %sub3A_782 = vector.broadcast %sub3A_781 : f32 to vector<16xf32>
      %sub3A_783 = arith.subf %div3A_780, %sub3A_782 : vector<16xf32>
      %neg3A_784 = arith.constant 0.000000e+00 : f32
      %neg3A_785 = vector.broadcast %neg3A_784 : f32 to vector<16xf32>
      %neg3A_786 = arith.subf %neg3A_785, %sub3A_783 : vector<16xf32>
      %mul3A_787 = arith.mulf %neg3A_786, %exp3A : vector<16xf32>
      %exp3A_788 = math.exp %mul3A_787 : vector<16xf32>
      %add3A_789 = arith.constant 1.000000e+00 : f32
      %add3A_790 = vector.broadcast %add3A_789 : f32 to vector<16xf32>
      %add3A_791 = arith.addf %add3A_790, %exp3A_788 : vector<16xf32>
      %div3A_792 = arith.constant 1.000000e+00 : f32
      %div3A_793 = vector.broadcast %div3A_792 : f32 to vector<16xf32>
      %div3A_794 = arith.divf %div3A_793, %add3A_791 : vector<16xf32>
      %add3A_795 = arith.constant 80 : i32
      %add3A_796 = arith.addi %add3A_507, %add3A_795 : i32
      %iota3A_797 = tpu.iota {dimensions = array<i32: 0>} : vector<16xi32>
      %add3A_798 = vector.broadcast %add3A_796 : i32 to vector<16xi32>
      %add3A_799 = arith.addi %add3A_798, %iota3A_797 : vector<16xi32>
      %lt3A_800 = arith.constant 160000 : i32
      %lt3A_801 = vector.broadcast %lt3A_800 : i32 to vector<16xi32>
      %lt3A_802 = arith.cmpi slt, %add3A_799, %lt3A_801 : vector<16xi32>
      %jit3A_803 = arith.constant 0.000000e+00 : f32
      %broadcast_in_dim3A_804 = vector.broadcast %jit3A_803 : f32 to vector<16xf32>
      %select_n3A_805 = arith.select %lt3A_802, %div3A_794, %broadcast_in_dim3A_804 : vector<16xi1>, vector<16xf32>
      %swap3A_806 = arith.constant 80 : index
      %swap3A_807 = tpu.vector_load %arg21[%swap3A_806] {strides = array<i32>} : memref<128xf32, #tpu.memory_space<vmem>>, vector<16xf32>,
      tpu.vector_store %arg21[%swap3A_806], %select_n3A_805 {strides = array<i32>} : memref<128xf32, #tpu.memory_space<vmem>>, vector<16xf32>,
      %lt3A_808 = arith.constant 5.000000e-01 : f32
      %lt3A_809 = vector.broadcast %lt3A_808 : f32 to vector<16xf32>
      %lt3A_810 = arith.cmpf olt, %select_n3A_805, %lt3A_809 : vector<16xf32>
      %and3A_811 = arith.andi %lt3A_802, %lt3A_810 : vector<16xi1>
      %jit3A_812 = arith.constant 1.000000e+00 : f32
      %jit3A_813 = arith.constant 0.000000e+00 : f32
      %broadcast_in_dim3A_814 = vector.broadcast %jit3A_812 : f32 to vector<16xf32>
      %broadcast_in_dim3A_815 = vector.broadcast %jit3A_813 : f32 to vector<16xf32>
      %select_n3A_816 = arith.select %and3A_811, %broadcast_in_dim3A_814, %broadcast_in_dim3A_815 : vector<16xi1>, vector<16xf32>
      %add3A_817 = arith.addf %add3A_769, %select_n3A_816 : vector<16xf32>
      %add3A_818 = arith.addf %parallel_loop3A_529#6, %get3A_3 : vector<16xf32>
      %neg3A_819 = arith.constant 0.000000e+00 : f32
      %neg3A_820 = vector.broadcast %neg3A_819 : f32 to vector<16xf32>
      %neg3A_821 = arith.subf %neg3A_820, %add3A_818 : vector<16xf32>
      %exp3A_822 = math.exp %neg3A_821 : vector<16xf32>
      %add3A_823 = arith.constant 1.000000e+00 : f32
      %add3A_824 = vector.broadcast %add3A_823 : f32 to vector<16xf32>
      %add3A_825 = arith.addf %add3A_824, %exp3A_822 : vector<16xf32>
      %div3A_826 = arith.constant 1.000000e+00 : f32
      %div3A_827 = vector.broadcast %div3A_826 : f32 to vector<16xf32>
      %div3A_828 = arith.divf %div3A_827, %add3A_825 : vector<16xf32>
      %sub3A_829 = arith.constant 5.000000e-01 : f32
      %sub3A_830 = vector.broadcast %sub3A_829 : f32 to vector<16xf32>
      %sub3A_831 = arith.subf %div3A_828, %sub3A_830 : vector<16xf32>
      %neg3A_832 = arith.constant 0.000000e+00 : f32
      %neg3A_833 = vector.broadcast %neg3A_832 : f32 to vector<16xf32>
      %neg3A_834 = arith.subf %neg3A_833, %sub3A_831 : vector<16xf32>
      %mul3A_835 = arith.mulf %neg3A_834, %exp3A : vector<16xf32>
      %exp3A_836 = math.exp %mul3A_835 : vector<16xf32>
      %add3A_837 = arith.constant 1.000000e+00 : f32
      %add3A_838 = vector.broadcast %add3A_837 : f32 to vector<16xf32>
      %add3A_839 = arith.addf %add3A_838, %exp3A_836 : vector<16xf32>
      %div3A_840 = arith.constant 1.000000e+00 : f32
      %div3A_841 = vector.broadcast %div3A_840 : f32 to vector<16xf32>
      %div3A_842 = arith.divf %div3A_841, %add3A_839 : vector<16xf32>
      %add3A_843 = arith.constant 96 : i32
      %add3A_844 = arith.addi %add3A_507, %add3A_843 : i32
      %iota3A_845 = tpu.iota {dimensions = array<i32: 0>} : vector<16xi32>
      %add3A_846 = vector.broadcast %add3A_844 : i32 to vector<16xi32>
      %add3A_847 = arith.addi %add3A_846, %iota3A_845 : vector<16xi32>
      %lt3A_848 = arith.constant 160000 : i32
      %lt3A_849 = vector.broadcast %lt3A_848 : i32 to vector<16xi32>
      %lt3A_850 = arith.cmpi slt, %add3A_847, %lt3A_849 : vector<16xi32>
      %jit3A_851 = arith.constant 0.000000e+00 : f32
      %broadcast_in_dim3A_852 = vector.broadcast %jit3A_851 : f32 to vector<16xf32>
      %select_n3A_853 = arith.select %lt3A_850, %div3A_842, %broadcast_in_dim3A_852 : vector<16xi1>, vector<16xf32>
      %swap3A_854 = arith.constant 96 : index
      %swap3A_855 = tpu.vector_load %arg21[%swap3A_854] {strides = array<i32>} : memref<128xf32, #tpu.memory_space<vmem>>, vector<16xf32>,
      tpu.vector_store %arg21[%swap3A_854], %select_n3A_853 {strides = array<i32>} : memref<128xf32, #tpu.memory_space<vmem>>, vector<16xf32>,
      %lt3A_856 = arith.constant 5.000000e-01 : f32
      %lt3A_857 = vector.broadcast %lt3A_856 : f32 to vector<16xf32>
      %lt3A_858 = arith.cmpf olt, %select_n3A_853, %lt3A_857 : vector<16xf32>
      %and3A_859 = arith.andi %lt3A_850, %lt3A_858 : vector<16xi1>
      %jit3A_860 = arith.constant 1.000000e+00 : f32
      %jit3A_861 = arith.constant 0.000000e+00 : f32
      %broadcast_in_dim3A_862 = vector.broadcast %jit3A_860 : f32 to vector<16xf32>
      %broadcast_in_dim3A_863 = vector.broadcast %jit3A_861 : f32 to vector<16xf32>
      %select_n3A_864 = arith.select %and3A_859, %broadcast_in_dim3A_862, %broadcast_in_dim3A_863 : vector<16xi1>, vector<16xf32>
      %add3A_865 = arith.addf %add3A_817, %select_n3A_864 : vector<16xf32>
      %add3A_866 = arith.addf %parallel_loop3A_529#7, %get3A_3 : vector<16xf32>
      %neg3A_867 = arith.constant 0.000000e+00 : f32
      %neg3A_868 = vector.broadcast %neg3A_867 : f32 to vector<16xf32>
      %neg3A_869 = arith.subf %neg3A_868, %add3A_866 : vector<16xf32>
      %exp3A_870 = math.exp %neg3A_869 : vector<16xf32>
      %add3A_871 = arith.constant 1.000000e+00 : f32
      %add3A_872 = vector.broadcast %add3A_871 : f32 to vector<16xf32>
      %add3A_873 = arith.addf %add3A_872, %exp3A_870 : vector<16xf32>
      %div3A_874 = arith.constant 1.000000e+00 : f32
      %div3A_875 = vector.broadcast %div3A_874 : f32 to vector<16xf32>
      %div3A_876 = arith.divf %div3A_875, %add3A_873 : vector<16xf32>
      %sub3A_877 = arith.constant 5.000000e-01 : f32
      %sub3A_878 = vector.broadcast %sub3A_877 : f32 to vector<16xf32>
      %sub3A_879 = arith.subf %div3A_876, %sub3A_878 : vector<16xf32>
      %neg3A_880 = arith.constant 0.000000e+00 : f32
      %neg3A_881 = vector.broadcast %neg3A_880 : f32 to vector<16xf32>
      %neg3A_882 = arith.subf %neg3A_881, %sub3A_879 : vector<16xf32>
      %mul3A_883 = arith.mulf %neg3A_882, %exp3A : vector<16xf32>
      %exp3A_884 = math.exp %mul3A_883 : vector<16xf32>
      %add3A_885 = arith.constant 1.000000e+00 : f32
      %add3A_886 = vector.broadcast %add3A_885 : f32 to vector<16xf32>
      %add3A_887 = arith.addf %add3A_886, %exp3A_884 : vector<16xf32>
      %div3A_888 = arith.constant 1.000000e+00 : f32
      %div3A_889 = vector.broadcast %div3A_888 : f32 to vector<16xf32>
      %div3A_890 = arith.divf %div3A_889, %add3A_887 : vector<16xf32>
      %add3A_891 = arith.constant 112 : i32
      %add3A_892 = arith.addi %add3A_507, %add3A_891 : i32
      %iota3A_893 = tpu.iota {dimensions = array<i32: 0>} : vector<16xi32>
      %add3A_894 = vector.broadcast %add3A_892 : i32 to vector<16xi32>
      %add3A_895 = arith.addi %add3A_894, %iota3A_893 : vector<16xi32>
      %lt3A_896 = arith.constant 160000 : i32
      %lt3A_897 = vector.broadcast %lt3A_896 : i32 to vector<16xi32>
      %lt3A_898 = arith.cmpi slt, %add3A_895, %lt3A_897 : vector<16xi32>
      %jit3A_899 = arith.constant 0.000000e+00 : f32
      %broadcast_in_dim3A_900 = vector.broadcast %jit3A_899 : f32 to vector<16xf32>
      %select_n3A_901 = arith.select %lt3A_898, %div3A_890, %broadcast_in_dim3A_900 : vector<16xi1>, vector<16xf32>
      %swap3A_902 = arith.constant 112 : index
      %swap3A_903 = tpu.vector_load %arg21[%swap3A_902] {strides = array<i32>} : memref<128xf32, #tpu.memory_space<vmem>>, vector<16xf32>,
      tpu.vector_store %arg21[%swap3A_902], %select_n3A_901 {strides = array<i32>} : memref<128xf32, #tpu.memory_space<vmem>>, vector<16xf32>,
      %lt3A_904 = arith.constant 5.000000e-01 : f32
      %lt3A_905 = vector.broadcast %lt3A_904 : f32 to vector<16xf32>
      %lt3A_906 = arith.cmpf olt, %select_n3A_901, %lt3A_905 : vector<16xf32>
      %and3A_907 = arith.andi %lt3A_898, %lt3A_906 : vector<16xi1>
      %jit3A_908 = arith.constant 1.000000e+00 : f32
      %jit3A_909 = arith.constant 0.000000e+00 : f32
      %broadcast_in_dim3A_910 = vector.broadcast %jit3A_908 : f32 to vector<16xf32>
      %broadcast_in_dim3A_911 = vector.broadcast %jit3A_909 : f32 to vector<16xf32>
      %select_n3A_912 = arith.select %and3A_907, %broadcast_in_dim3A_910, %broadcast_in_dim3A_911 : vector<16xi1>, vector<16xf32>
      %add3A_913 = arith.addf %add3A_865, %select_n3A_912 : vector<16xf32>
      "tpu.region"() ({
        %run_scoped3A = tpu.sem_alloc : memref<!tpu.dma_semaphore, #tpu.memory_space<semaphore_mem>>
        %dma_start3A_914 = tpu.memref_slice %arg9[%add3A_507] : memref<163840xf32, #tpu.memory_space<hbm>> -> memref<128xf32, #tpu.memory_space<hbm>>
        %dma_start3A_915 = tpu.memref_slice %arg9[%add3A_507] : memref<163840xf32, #tpu.memory_space<hbm>> -> memref<128xf32, #tpu.memory_space<hbm>>
        tpu.enqueue_dma source(%arg21 : memref<128xf32, #tpu.memory_space<vmem>>) target(%dma_start3A_915 : memref<128xf32, #tpu.memory_space<hbm>>) target_semaphore(%run_scoped3A : memref<!tpu.dma_semaphore, #tpu.memory_space<semaphore_mem>>)
        %dma_wait3A_916 = tpu.memref_slice %arg9[%add3A_507] : memref<163840xf32, #tpu.memory_space<hbm>> -> memref<128xf32, #tpu.memory_space<hbm>>
        %dma_wait3A_917 = tpu.memref_slice %arg9[%add3A_507] : memref<163840xf32, #tpu.memory_space<hbm>> -> memref<128xf32, #tpu.memory_space<hbm>>
        tpu.wait_dma2 semaphore(%run_scoped3A : memref<!tpu.dma_semaphore, #tpu.memory_space<semaphore_mem>>) src(%arg21 : memref<128xf32, #tpu.memory_space<vmem>>) dst(%dma_wait3A_917 : memref<128xf32, #tpu.memory_space<hbm>>)
        tpu.yield
      }) : () -> ()
      scf.yield %add3A_913 : vector<16xf32>
    }
    %scan3A_55 = arith.constant 20 : i32
    %swap3A = arith.constant 0 : index
    %swap3A_56 = tpu.vector_load %arg22[%swap3A] {strides = array<i32>} : memref<16xf32, #tpu.memory_space<vmem>>, vector<16xf32>,
    tpu.vector_store %arg22[%swap3A], %scan3A_54 {strides = array<i32>} : memref<16xf32, #tpu.memory_space<vmem>>, vector<16xf32>,
    "tpu.region"() ({
      %run_scoped3A = tpu.sem_alloc : memref<!tpu.dma_semaphore, #tpu.memory_space<semaphore_mem>>
      %dma_start3A_57 = arith.constant 0 : i32
      %dma_start3A_58 = tpu.memref_slice %arg10[%add3A, %dma_start3A_57] : memref<32x16xf32, #tpu.memory_space<hbm>> -> memref<1x16xf32, #tpu.memory_space<hbm>>
      %dma_start3A_59 = tpu.memref_squeeze %dma_start3A_58 : memref<1x16xf32, #tpu.memory_space<hbm>> -> memref<16xf32, #tpu.memory_space<hbm>>
      %dma_start3A_60 = arith.constant 0 : i32
      %dma_start3A_61 = tpu.memref_slice %arg10[%add3A, %dma_start3A_60] : memref<32x16xf32, #tpu.memory_space<hbm>> -> memref<1x16xf32, #tpu.memory_space<hbm>>
      %dma_start3A_62 = tpu.memref_squeeze %dma_start3A_61 : memref<1x16xf32, #tpu.memory_space<hbm>> -> memref<16xf32, #tpu.memory_space<hbm>>
      tpu.enqueue_dma source(%arg22 : memref<16xf32, #tpu.memory_space<vmem>>) target(%dma_start3A_62 : memref<16xf32, #tpu.memory_space<hbm>>) target_semaphore(%run_scoped3A : memref<!tpu.dma_semaphore, #tpu.memory_space<semaphore_mem>>)
      %dma_wait3A = arith.constant 0 : i32
      %dma_wait3A_63 = tpu.memref_slice %arg10[%add3A, %dma_wait3A] : memref<32x16xf32, #tpu.memory_space<hbm>> -> memref<1x16xf32, #tpu.memory_space<hbm>>
      %dma_wait3A_64 = tpu.memref_squeeze %dma_wait3A_63 : memref<1x16xf32, #tpu.memory_space<hbm>> -> memref<16xf32, #tpu.memory_space<hbm>>
      %dma_wait3A_65 = arith.constant 0 : i32
      %dma_wait3A_66 = tpu.memref_slice %arg10[%add3A, %dma_wait3A_65] : memref<32x16xf32, #tpu.memory_space<hbm>> -> memref<1x16xf32, #tpu.memory_space<hbm>>
      %dma_wait3A_67 = tpu.memref_squeeze %dma_wait3A_66 : memref<1x16xf32, #tpu.memory_space<hbm>> -> memref<16xf32, #tpu.memory_space<hbm>>
      tpu.wait_dma2 semaphore(%run_scoped3A : memref<!tpu.dma_semaphore, #tpu.memory_space<semaphore_mem>>) src(%arg22 : memref<16xf32, #tpu.memory_space<vmem>>) dst(%dma_wait3A_67 : memref<16xf32, #tpu.memory_space<hbm>>)
      tpu.yield
    }) : () -> ()
    return
  }
}

#map = affine_map<(d0, d1) -> (0, 0)>
#map1 = affine_map<(d0, d1) -> (0)>
#map2 = affine_map<(d0, d1) -> (0, 0, 0)>
module attributes {stable_mosaic.version = 14 : i64} {
  func.func @_s2_body(%arg0: i32, %arg1: i32, %arg2: memref<20000x64xi32, #tpu.memory_space<hbm>>, %arg3: memref<2x163840xi32, #tpu.memory_space<hbm>>, %arg4: memref<163840xi32, #tpu.memory_space<hbm>>, %arg5: memref<10240x16xf32, #tpu.memory_space<hbm>>, %arg6: memref<640x128xf32, #tpu.memory_space<hbm>>, %arg7: memref<2x10240x128xf32, #tpu.memory_space<hbm>>, %arg8: memref<10240x128xf32, #tpu.memory_space<vmem_shared>>, %arg9: memref<128xi32, #tpu.memory_space<vmem>>, %arg10: memref<128xi32, #tpu.memory_space<vmem>>, %arg11: memref<8x16xf32, #tpu.memory_space<vmem>>, %arg12: memref<128x64xi32, #tpu.memory_space<vmem>>, %arg13: memref<128xi32, #tpu.memory_space<vmem>>, %arg14: memref<128xi32, #tpu.memory_space<vmem>>, %arg15: memref<8x16xf32, #tpu.memory_space<vmem>>, %arg16: memref<128x64xi32, #tpu.memory_space<vmem>>, %arg17: memref<128x128xf32, #tpu.memory_space<vmem>>, %arg18: memref<!tpu.dma_semaphore, #tpu.memory_space<semaphore_mem>>, %arg19: memref<!tpu.dma_semaphore, #tpu.memory_space<semaphore_mem>>) attributes {dimension_semantics = [#tpu.dimension_semantics<core_parallel>, #tpu.dimension_semantics<subcore_parallel>], iteration_bounds = array<i64: 2, 16>, scalar_prefetch = 0 : i64, scratch_operands = 12 : i64, tpu.core_type = #tpu.core_type<sc_vector_subcore>, window_params = [{transform_indices = #map}, {transform_indices = #map}, {transform_indices = #map1}, {transform_indices = #map}, {transform_indices = #map}, {transform_indices = #map2}]} {
    %mul3A = arith.constant 640 : i32
    %mul3A_0 = arith.muli %arg1, %mul3A : i32
    "tpu.region"() ({
      %run_scoped3A = tpu.sem_alloc : memref<!tpu.dma_semaphore, #tpu.memory_space<semaphore_mem>>
      %dma_start3A_75 = arith.constant 0 : i32
      %dma_start3A_76 = tpu.memref_slice %arg8[%mul3A_0, %dma_start3A_75] : memref<10240x128xf32, #tpu.memory_space<vmem_shared>> -> memref<640x128xf32, #tpu.memory_space<vmem_shared>>
      tpu.enqueue_dma source(%arg6 : memref<640x128xf32, #tpu.memory_space<hbm>>) target(%dma_start3A_76 : memref<640x128xf32, #tpu.memory_space<vmem_shared>>) target_semaphore(%run_scoped3A : memref<!tpu.dma_semaphore, #tpu.memory_space<semaphore_mem>>)
      %dma_wait3A = arith.constant 0 : i32
      %dma_wait3A_77 = tpu.memref_slice %arg8[%mul3A_0, %dma_wait3A] : memref<10240x128xf32, #tpu.memory_space<vmem_shared>> -> memref<640x128xf32, #tpu.memory_space<vmem_shared>>
      tpu.wait_dma2 semaphore(%run_scoped3A : memref<!tpu.dma_semaphore, #tpu.memory_space<semaphore_mem>>) src(%arg6 : memref<640x128xf32, #tpu.memory_space<hbm>>) dst(%dma_wait3A_77 : memref<640x128xf32, #tpu.memory_space<vmem_shared>>)
      tpu.yield
    }) : () -> ()
    %barrier3A = arith.constant 0 : index
    tpu.barrier barrier_id(%barrier3A)
    %mul3A_1 = arith.constant 10240 : i32
    %mul3A_2 = arith.muli %arg1, %mul3A_1 : i32
    %iota3A = tpu.iota {dimensions = array<i32: 0>} : vector<16xi32>
    %add3A = arith.constant 0 : i32
    %add3A_3 = vector.broadcast %add3A : i32 to vector<16xi32>
    %add3A_4 = arith.addi %iota3A, %add3A_3 : vector<16xi32>
    %iota3A_5 = tpu.iota {dimensions = array<i32: 0>} : vector<16xi32>
    %add3A_6 = arith.constant 16 : i32
    %add3A_7 = vector.broadcast %add3A_6 : i32 to vector<16xi32>
    %add3A_8 = arith.addi %iota3A_5, %add3A_7 : vector<16xi32>
    %iota3A_9 = tpu.iota {dimensions = array<i32: 0>} : vector<16xi32>
    %add3A_10 = arith.constant 32 : i32
    %add3A_11 = vector.broadcast %add3A_10 : i32 to vector<16xi32>
    %add3A_12 = arith.addi %iota3A_9, %add3A_11 : vector<16xi32>
    %iota3A_13 = tpu.iota {dimensions = array<i32: 0>} : vector<16xi32>
    %add3A_14 = arith.constant 48 : i32
    %add3A_15 = vector.broadcast %add3A_14 : i32 to vector<16xi32>
    %add3A_16 = arith.addi %iota3A_13, %add3A_15 : vector<16xi32>
    %iota3A_17 = tpu.iota {dimensions = array<i32: 0>} : vector<16xi32>
    %mul3A_18 = arith.constant 2 : i32
    %mul3A_19 = vector.broadcast %mul3A_18 : i32 to vector<16xi32>
    %mul3A_20 = arith.muli %iota3A_17, %mul3A_19 : vector<16xi32>
    %add3A_21 = arith.constant 0 : i32
    %add3A_22 = vector.broadcast %add3A_21 : i32 to vector<16xi32>
    %add3A_23 = arith.addi %mul3A_20, %add3A_22 : vector<16xi32>
    %iota3A_24 = tpu.iota {dimensions = array<i32: 0>} : vector<16xi32>
    %mul3A_25 = arith.constant 2 : i32
    %mul3A_26 = vector.broadcast %mul3A_25 : i32 to vector<16xi32>
    %mul3A_27 = arith.muli %iota3A_24, %mul3A_26 : vector<16xi32>
    %add3A_28 = arith.constant 32 : i32
    %add3A_29 = vector.broadcast %add3A_28 : i32 to vector<16xi32>
    %add3A_30 = arith.addi %mul3A_27, %add3A_29 : vector<16xi32>
    %iota3A_31 = tpu.iota {dimensions = array<i32: 0>} : vector<16xi32>
    %mul3A_32 = arith.constant 2 : i32
    %mul3A_33 = vector.broadcast %mul3A_32 : i32 to vector<16xi32>
    %mul3A_34 = arith.muli %iota3A_31, %mul3A_33 : vector<16xi32>
    %add3A_35 = arith.constant 64 : i32
    %add3A_36 = vector.broadcast %add3A_35 : i32 to vector<16xi32>
    %add3A_37 = arith.addi %mul3A_34, %add3A_36 : vector<16xi32>
    %iota3A_38 = tpu.iota {dimensions = array<i32: 0>} : vector<16xi32>
    %mul3A_39 = arith.constant 2 : i32
    %mul3A_40 = vector.broadcast %mul3A_39 : i32 to vector<16xi32>
    %mul3A_41 = arith.muli %iota3A_38, %mul3A_40 : vector<16xi32>
    %add3A_42 = arith.constant 96 : i32
    %add3A_43 = vector.broadcast %add3A_42 : i32 to vector<16xi32>
    %add3A_44 = arith.addi %mul3A_41, %add3A_43 : vector<16xi32>
    %add3A_45 = arith.constant 0 : i32
    %add3A_46 = arith.addi %mul3A_2, %add3A_45 : i32
    "tpu.region"() ({
      %run_scoped3A = tpu.sem_alloc : memref<!tpu.dma_semaphore, #tpu.memory_space<semaphore_mem>>
      %dma_start3A_75 = tpu.memref_slice %arg3[%arg0, %add3A_46] : memref<2x163840xi32, #tpu.memory_space<hbm>> -> memref<1x128xi32, #tpu.memory_space<hbm>>
      %dma_start3A_76 = tpu.memref_squeeze %dma_start3A_75 : memref<1x128xi32, #tpu.memory_space<hbm>> -> memref<128xi32, #tpu.memory_space<hbm>>
      %dma_start3A_77 = tpu.memref_slice %arg3[%arg0, %add3A_46] : memref<2x163840xi32, #tpu.memory_space<hbm>> -> memref<1x128xi32, #tpu.memory_space<hbm>>
      %dma_start3A_78 = tpu.memref_squeeze %dma_start3A_77 : memref<1x128xi32, #tpu.memory_space<hbm>> -> memref<128xi32, #tpu.memory_space<hbm>>
      tpu.enqueue_dma source(%dma_start3A_78 : memref<128xi32, #tpu.memory_space<hbm>>) target(%arg9 : memref<128xi32, #tpu.memory_space<vmem>>) target_semaphore(%run_scoped3A : memref<!tpu.dma_semaphore, #tpu.memory_space<semaphore_mem>>)
      %dma_wait3A = tpu.memref_slice %arg3[%arg0, %add3A_46] : memref<2x163840xi32, #tpu.memory_space<hbm>> -> memref<1x128xi32, #tpu.memory_space<hbm>>
      %dma_wait3A_79 = tpu.memref_squeeze %dma_wait3A : memref<1x128xi32, #tpu.memory_space<hbm>> -> memref<128xi32, #tpu.memory_space<hbm>>
      %dma_wait3A_80 = tpu.memref_slice %arg3[%arg0, %add3A_46] : memref<2x163840xi32, #tpu.memory_space<hbm>> -> memref<1x128xi32, #tpu.memory_space<hbm>>
      %dma_wait3A_81 = tpu.memref_squeeze %dma_wait3A_80 : memref<1x128xi32, #tpu.memory_space<hbm>> -> memref<128xi32, #tpu.memory_space<hbm>>
      tpu.wait_dma2 semaphore(%run_scoped3A : memref<!tpu.dma_semaphore, #tpu.memory_space<semaphore_mem>>) src(%dma_wait3A_81 : memref<128xi32, #tpu.memory_space<hbm>>) dst(%arg9 : memref<128xi32, #tpu.memory_space<vmem>>)
      tpu.yield
    }) : () -> ()
    "tpu.region"() ({
      %run_scoped3A = tpu.sem_alloc : memref<!tpu.dma_semaphore, #tpu.memory_space<semaphore_mem>>
      %dma_start3A_75 = tpu.memref_slice %arg4[%add3A_46] : memref<163840xi32, #tpu.memory_space<hbm>> -> memref<128xi32, #tpu.memory_space<hbm>>
      %dma_start3A_76 = tpu.memref_slice %arg4[%add3A_46] : memref<163840xi32, #tpu.memory_space<hbm>> -> memref<128xi32, #tpu.memory_space<hbm>>
      tpu.enqueue_dma source(%dma_start3A_76 : memref<128xi32, #tpu.memory_space<hbm>>) target(%arg10 : memref<128xi32, #tpu.memory_space<vmem>>) target_semaphore(%run_scoped3A : memref<!tpu.dma_semaphore, #tpu.memory_space<semaphore_mem>>)
      %dma_wait3A = tpu.memref_slice %arg4[%add3A_46] : memref<163840xi32, #tpu.memory_space<hbm>> -> memref<128xi32, #tpu.memory_space<hbm>>
      %dma_wait3A_77 = tpu.memref_slice %arg4[%add3A_46] : memref<163840xi32, #tpu.memory_space<hbm>> -> memref<128xi32, #tpu.memory_space<hbm>>
      tpu.wait_dma2 semaphore(%run_scoped3A : memref<!tpu.dma_semaphore, #tpu.memory_space<semaphore_mem>>) src(%dma_wait3A_77 : memref<128xi32, #tpu.memory_space<hbm>>) dst(%arg10 : memref<128xi32, #tpu.memory_space<vmem>>)
      tpu.yield
    }) : () -> ()
    %jit3A = arith.constant 16 : i32
    %div3A = arith.divsi %add3A_46, %jit3A : i32
    %sign3A = arith.constant 0 : i32
    %sign3A_47 = arith.cmpi sgt, %add3A_46, %sign3A : i32
    %sign3A_48 = arith.extui %sign3A_47 : i1 to i32
    %sign3A_49 = arith.constant 0 : i32
    %sign3A_50 = arith.cmpi slt, %add3A_46, %sign3A_49 : i32
    %sign3A_51 = arith.extui %sign3A_50 : i1 to i32
    %sign3A_52 = arith.subi %sign3A_48, %sign3A_51 : i32
    %sign3A_53 = arith.constant 0 : i32
    %sign3A_54 = arith.cmpi sgt, %jit3A, %sign3A_53 : i32
    %sign3A_55 = arith.extui %sign3A_54 : i1 to i32
    %sign3A_56 = arith.constant 0 : i32
    %sign3A_57 = arith.cmpi slt, %jit3A, %sign3A_56 : i32
    %sign3A_58 = arith.extui %sign3A_57 : i1 to i32
    %sign3A_59 = arith.subi %sign3A_55, %sign3A_58 : i32
    %ne3A = arith.cmpi ne, %sign3A_52, %sign3A_59 : i32
    %rem3A = arith.remsi %add3A_46, %jit3A : i32
    %ne3A_60 = arith.constant 0 : i32
    %ne3A_61 = arith.cmpi ne, %rem3A, %ne3A_60 : i32
    %and3A = arith.andi %ne3A, %ne3A_61 : i1
    %sub3A = arith.constant 1 : i32
    %sub3A_62 = arith.subi %div3A, %sub3A : i32
    %select_n3A = arith.select %and3A, %sub3A_62, %div3A : i32
    "tpu.region"() ({
      %run_scoped3A = tpu.sem_alloc : memref<!tpu.dma_semaphore, #tpu.memory_space<semaphore_mem>>
      %dma_start3A_75 = arith.constant 0 : i32
      %dma_start3A_76 = tpu.memref_slice %arg5[%select_n3A, %dma_start3A_75] : memref<10240x16xf32, #tpu.memory_space<hbm>> -> memref<8x16xf32, #tpu.memory_space<hbm>>
      %dma_start3A_77 = arith.constant 0 : i32
      %dma_start3A_78 = tpu.memref_slice %arg5[%select_n3A, %dma_start3A_77] : memref<10240x16xf32, #tpu.memory_space<hbm>> -> memref<8x16xf32, #tpu.memory_space<hbm>>
      tpu.enqueue_dma source(%dma_start3A_78 : memref<8x16xf32, #tpu.memory_space<hbm>>) target(%arg11 : memref<8x16xf32, #tpu.memory_space<vmem>>) target_semaphore(%run_scoped3A : memref<!tpu.dma_semaphore, #tpu.memory_space<semaphore_mem>>)
      %dma_wait3A = arith.constant 0 : i32
      %dma_wait3A_79 = tpu.memref_slice %arg5[%select_n3A, %dma_wait3A] : memref<10240x16xf32, #tpu.memory_space<hbm>> -> memref<8x16xf32, #tpu.memory_space<hbm>>
      %dma_wait3A_80 = arith.constant 0 : i32
      %dma_wait3A_81 = tpu.memref_slice %arg5[%select_n3A, %dma_wait3A_80] : memref<10240x16xf32, #tpu.memory_space<hbm>> -> memref<8x16xf32, #tpu.memory_space<hbm>>
      tpu.wait_dma2 semaphore(%run_scoped3A : memref<!tpu.dma_semaphore, #tpu.memory_space<semaphore_mem>>) src(%dma_wait3A_81 : memref<8x16xf32, #tpu.memory_space<hbm>>) dst(%arg11 : memref<8x16xf32, #tpu.memory_space<vmem>>)
      tpu.yield
    }) : () -> ()
    %dma_start3A = arith.constant 0 : i32
    %dma_start3A_63 = arith.constant 0 : i32
    %dma_start3A_64 = tpu.memref_slice %arg2[%dma_start3A, %dma_start3A_63] : memref<20000x64xi32, #tpu.memory_space<hbm>> -> memref<20000x64xi32, #tpu.memory_space<hbm>>
    tpu.enqueue_indirect_dma source(%dma_start3A_64 : memref<20000x64xi32, #tpu.memory_space<hbm>>) target(%arg12 : memref<128x64xi32, #tpu.memory_space<vmem>>) offsets(%arg9 : memref<128xi32, #tpu.memory_space<vmem>>) semaphore(%arg18 : memref<!tpu.dma_semaphore, #tpu.memory_space<semaphore_mem>>)
    %scan3A = arith.constant 0 : i32
    %scan3A_65 = arith.constant 0 : i32
    %scan3A_66 = arith.constant 40 : i32
    %scan3A_67 = arith.addi %scan3A_65, %scan3A_66 : i32
    %scan3A_68 = arith.constant 1 : i32
    scf.for %scan3A_75 = %scan3A_65 to %scan3A_67 step %scan3A_68  : i32 {
      %mul3A_76 = arith.constant 2 : i32
      %mul3A_77 = arith.muli %mul3A_76, %scan3A_75 : i32
      %add3A_78 = arith.constant 1 : i32
      %add3A_79 = arith.addi %mul3A_77, %add3A_78 : i32
      %mul3A_80 = arith.constant 128 : i32
      %mul3A_81 = arith.muli %add3A_79, %mul3A_80 : i32
      %add3A_82 = arith.addi %mul3A_2, %mul3A_81 : i32
      "tpu.region"() ({
        %run_scoped3A = tpu.sem_alloc : memref<!tpu.dma_semaphore, #tpu.memory_space<semaphore_mem>>
        %dma_start3A_129 = tpu.memref_slice %arg3[%arg0, %add3A_82] : memref<2x163840xi32, #tpu.memory_space<hbm>> -> memref<1x128xi32, #tpu.memory_space<hbm>>
        %dma_start3A_130 = tpu.memref_squeeze %dma_start3A_129 : memref<1x128xi32, #tpu.memory_space<hbm>> -> memref<128xi32, #tpu.memory_space<hbm>>
        %dma_start3A_131 = tpu.memref_slice %arg3[%arg0, %add3A_82] : memref<2x163840xi32, #tpu.memory_space<hbm>> -> memref<1x128xi32, #tpu.memory_space<hbm>>
        %dma_start3A_132 = tpu.memref_squeeze %dma_start3A_131 : memref<1x128xi32, #tpu.memory_space<hbm>> -> memref<128xi32, #tpu.memory_space<hbm>>
        tpu.enqueue_dma source(%dma_start3A_132 : memref<128xi32, #tpu.memory_space<hbm>>) target(%arg13 : memref<128xi32, #tpu.memory_space<vmem>>) target_semaphore(%run_scoped3A : memref<!tpu.dma_semaphore, #tpu.memory_space<semaphore_mem>>)
        %dma_wait3A_133 = tpu.memref_slice %arg3[%arg0, %add3A_82] : memref<2x163840xi32, #tpu.memory_space<hbm>> -> memref<1x128xi32, #tpu.memory_space<hbm>>
        %dma_wait3A_134 = tpu.memref_squeeze %dma_wait3A_133 : memref<1x128xi32, #tpu.memory_space<hbm>> -> memref<128xi32, #tpu.memory_space<hbm>>
        %dma_wait3A_135 = tpu.memref_slice %arg3[%arg0, %add3A_82] : memref<2x163840xi32, #tpu.memory_space<hbm>> -> memref<1x128xi32, #tpu.memory_space<hbm>>
        %dma_wait3A_136 = tpu.memref_squeeze %dma_wait3A_135 : memref<1x128xi32, #tpu.memory_space<hbm>> -> memref<128xi32, #tpu.memory_space<hbm>>
        tpu.wait_dma2 semaphore(%run_scoped3A : memref<!tpu.dma_semaphore, #tpu.memory_space<semaphore_mem>>) src(%dma_wait3A_136 : memref<128xi32, #tpu.memory_space<hbm>>) dst(%arg13 : memref<128xi32, #tpu.memory_space<vmem>>)
        tpu.yield
      }) : () -> ()
      "tpu.region"() ({
        %run_scoped3A = tpu.sem_alloc : memref<!tpu.dma_semaphore, #tpu.memory_space<semaphore_mem>>
        %dma_start3A_129 = tpu.memref_slice %arg4[%add3A_82] : memref<163840xi32, #tpu.memory_space<hbm>> -> memref<128xi32, #tpu.memory_space<hbm>>
        %dma_start3A_130 = tpu.memref_slice %arg4[%add3A_82] : memref<163840xi32, #tpu.memory_space<hbm>> -> memref<128xi32, #tpu.memory_space<hbm>>
        tpu.enqueue_dma source(%dma_start3A_130 : memref<128xi32, #tpu.memory_space<hbm>>) target(%arg14 : memref<128xi32, #tpu.memory_space<vmem>>) target_semaphore(%run_scoped3A : memref<!tpu.dma_semaphore, #tpu.memory_space<semaphore_mem>>)
        %dma_wait3A_131 = tpu.memref_slice %arg4[%add3A_82] : memref<163840xi32, #tpu.memory_space<hbm>> -> memref<128xi32, #tpu.memory_space<hbm>>
        %dma_wait3A_132 = tpu.memref_slice %arg4[%add3A_82] : memref<163840xi32, #tpu.memory_space<hbm>> -> memref<128xi32, #tpu.memory_space<hbm>>
        tpu.wait_dma2 semaphore(%run_scoped3A : memref<!tpu.dma_semaphore, #tpu.memory_space<semaphore_mem>>) src(%dma_wait3A_132 : memref<128xi32, #tpu.memory_space<hbm>>) dst(%arg14 : memref<128xi32, #tpu.memory_space<vmem>>)
        tpu.yield
      }) : () -> ()
      %jit3A_83 = arith.constant 16 : i32
      %div3A_84 = arith.divsi %add3A_82, %jit3A_83 : i32
      %sign3A_85 = arith.constant 0 : i32
      %sign3A_86 = arith.cmpi sgt, %add3A_82, %sign3A_85 : i32
      %sign3A_87 = arith.extui %sign3A_86 : i1 to i32
      %sign3A_88 = arith.constant 0 : i32
      %sign3A_89 = arith.cmpi slt, %add3A_82, %sign3A_88 : i32
      %sign3A_90 = arith.extui %sign3A_89 : i1 to i32
      %sign3A_91 = arith.subi %sign3A_87, %sign3A_90 : i32
      %sign3A_92 = arith.constant 0 : i32
      %sign3A_93 = arith.cmpi sgt, %jit3A_83, %sign3A_92 : i32
      %sign3A_94 = arith.extui %sign3A_93 : i1 to i32
      %sign3A_95 = arith.constant 0 : i32
      %sign3A_96 = arith.cmpi slt, %jit3A_83, %sign3A_95 : i32
      %sign3A_97 = arith.extui %sign3A_96 : i1 to i32
      %sign3A_98 = arith.subi %sign3A_94, %sign3A_97 : i32
      %ne3A_99 = arith.cmpi ne, %sign3A_91, %sign3A_98 : i32
      %rem3A_100 = arith.remsi %add3A_82, %jit3A_83 : i32
      %ne3A_101 = arith.constant 0 : i32
      %ne3A_102 = arith.cmpi ne, %rem3A_100, %ne3A_101 : i32
      %and3A_103 = arith.andi %ne3A_99, %ne3A_102 : i1
      %sub3A_104 = arith.constant 1 : i32
      %sub3A_105 = arith.subi %div3A_84, %sub3A_104 : i32
      %select_n3A_106 = arith.select %and3A_103, %sub3A_105, %div3A_84 : i32
      "tpu.region"() ({
        %run_scoped3A = tpu.sem_alloc : memref<!tpu.dma_semaphore, #tpu.memory_space<semaphore_mem>>
        %dma_start3A_129 = arith.constant 0 : i32
        %dma_start3A_130 = tpu.memref_slice %arg5[%select_n3A_106, %dma_start3A_129] : memref<10240x16xf32, #tpu.memory_space<hbm>> -> memref<8x16xf32, #tpu.memory_space<hbm>>
        %dma_start3A_131 = arith.constant 0 : i32
        %dma_start3A_132 = tpu.memref_slice %arg5[%select_n3A_106, %dma_start3A_131] : memref<10240x16xf32, #tpu.memory_space<hbm>> -> memref<8x16xf32, #tpu.memory_space<hbm>>
        tpu.enqueue_dma source(%dma_start3A_132 : memref<8x16xf32, #tpu.memory_space<hbm>>) target(%arg15 : memref<8x16xf32, #tpu.memory_space<vmem>>) target_semaphore(%run_scoped3A : memref<!tpu.dma_semaphore, #tpu.memory_space<semaphore_mem>>)
        %dma_wait3A_133 = arith.constant 0 : i32
        %dma_wait3A_134 = tpu.memref_slice %arg5[%select_n3A_106, %dma_wait3A_133] : memref<10240x16xf32, #tpu.memory_space<hbm>> -> memref<8x16xf32, #tpu.memory_space<hbm>>
        %dma_wait3A_135 = arith.constant 0 : i32
        %dma_wait3A_136 = tpu.memref_slice %arg5[%select_n3A_106, %dma_wait3A_135] : memref<10240x16xf32, #tpu.memory_space<hbm>> -> memref<8x16xf32, #tpu.memory_space<hbm>>
        tpu.wait_dma2 semaphore(%run_scoped3A : memref<!tpu.dma_semaphore, #tpu.memory_space<semaphore_mem>>) src(%dma_wait3A_136 : memref<8x16xf32, #tpu.memory_space<hbm>>) dst(%arg15 : memref<8x16xf32, #tpu.memory_space<vmem>>)
        tpu.yield
      }) : () -> ()
      %dma_start3A_107 = arith.constant 0 : i32
      %dma_start3A_108 = arith.constant 0 : i32
      %dma_start3A_109 = tpu.memref_slice %arg2[%dma_start3A_107, %dma_start3A_108] : memref<20000x64xi32, #tpu.memory_space<hbm>> -> memref<20000x64xi32, #tpu.memory_space<hbm>>
      tpu.enqueue_indirect_dma source(%dma_start3A_109 : memref<20000x64xi32, #tpu.memory_space<hbm>>) target(%arg16 : memref<128x64xi32, #tpu.memory_space<vmem>>) offsets(%arg13 : memref<128xi32, #tpu.memory_space<vmem>>) semaphore(%arg19 : memref<!tpu.dma_semaphore, #tpu.memory_space<semaphore_mem>>)
      %dma_wait3A = arith.constant 0 : i32
      %dma_wait3A_110 = arith.constant 0 : i32
      %dma_wait3A_111 = tpu.memref_slice %arg2[%dma_wait3A, %dma_wait3A_110] : memref<20000x64xi32, #tpu.memory_space<hbm>> -> memref<20000x64xi32, #tpu.memory_space<hbm>>
      tpu.wait_indirect_dma semaphore(%arg18 : memref<!tpu.dma_semaphore, #tpu.memory_space<semaphore_mem>>) src(%dma_wait3A_111 : memref<20000x64xi32, #tpu.memory_space<hbm>>) dst(%arg12 : memref<128x64xi32, #tpu.memory_space<vmem>>)
      %broadcast_in_dim3A = arith.constant 0 : i32
      %broadcast_in_dim3A_112 = vector.broadcast %broadcast_in_dim3A : i32 to vector<16xi32>
      %parallel_loop3A = arith.constant 0 : i32
      %parallel_loop3A_113 = arith.constant 128 : i32
      %parallel_loop3A_114 = arith.constant 1 : i32
      %parallel_loop3A_115 = scf.for %parallel_loop3A_129 = %parallel_loop3A to %parallel_loop3A_113 step %parallel_loop3A_114 iter_args(%parallel_loop3A_130 = %broadcast_in_dim3A_112) -> (vector<16xi32>)  : i32 {
        %parallel_loop3A_131 = arith.constant 4 : i32
        %parallel_loop3A_132 = vector.broadcast %parallel_loop3A_131 : i32 to vector<16xi32>
        %parallel_loop3A_133 = arith.shrsi %parallel_loop3A_130, %parallel_loop3A_132 : vector<16xi32>
        %parallel_loop3A_134 = arith.constant 15 : i32
        %parallel_loop3A_135 = vector.broadcast %parallel_loop3A_134 : i32 to vector<16xi32>
        %parallel_loop3A_136 = arith.andi %parallel_loop3A_130, %parallel_loop3A_135 : vector<16xi32>
        %parallel_loop3A_137 = tpu.vector_load_idx %arg11[%parallel_loop3A_133, %parallel_loop3A_136] : memref<8x16xf32, #tpu.memory_space<vmem>>[vector<16xi32>, vector<16xi32>], vector<16xf32>,
        %parallel_loop3A_138 = tpu.vector_load_idx %arg12[%parallel_loop3A_130, %add3A_4] : memref<128x64xi32, #tpu.memory_space<vmem>>[vector<16xi32>, vector<16xi32>], vector<16xi32>,
        %parallel_loop3A_139 = vector.bitcast %parallel_loop3A_138 : vector<16xi32> to vector<32xbf16>
        %parallel_loop3A_140 = tpu.unpack_subelements %parallel_loop3A_139, 0 {pack_format = #tpu.pack_format<interleaved>} : vector<32xbf16> -> vector<16xf32>
        %parallel_loop3A_141 = tpu.unpack_subelements %parallel_loop3A_139, 1 {pack_format = #tpu.pack_format<interleaved>} : vector<32xbf16> -> vector<16xf32>
        %parallel_loop3A_142 = arith.mulf %parallel_loop3A_140, %parallel_loop3A_137 : vector<16xf32>
        tpu.vector_store_idx %arg17[%parallel_loop3A_130, %add3A_23], %parallel_loop3A_142 : memref<128x128xf32, #tpu.memory_space<vmem>>[vector<16xi32>, vector<16xi32>], vector<16xf32>,
        %parallel_loop3A_143 = arith.constant 1 : i32
        %parallel_loop3A_144 = vector.broadcast %parallel_loop3A_143 : i32 to vector<16xi32>
        %parallel_loop3A_145 = arith.addi %add3A_23, %parallel_loop3A_144 : vector<16xi32>
        %parallel_loop3A_146 = arith.mulf %parallel_loop3A_141, %parallel_loop3A_137 : vector<16xf32>
        tpu.vector_store_idx %arg17[%parallel_loop3A_130, %parallel_loop3A_145], %parallel_loop3A_146 : memref<128x128xf32, #tpu.memory_space<vmem>>[vector<16xi32>, vector<16xi32>], vector<16xf32>,
        %parallel_loop3A_147 = tpu.vector_load_idx %arg12[%parallel_loop3A_130, %add3A_8] : memref<128x64xi32, #tpu.memory_space<vmem>>[vector<16xi32>, vector<16xi32>], vector<16xi32>,
        %parallel_loop3A_148 = vector.bitcast %parallel_loop3A_147 : vector<16xi32> to vector<32xbf16>
        %parallel_loop3A_149 = tpu.unpack_subelements %parallel_loop3A_148, 0 {pack_format = #tpu.pack_format<interleaved>} : vector<32xbf16> -> vector<16xf32>
        %parallel_loop3A_150 = tpu.unpack_subelements %parallel_loop3A_148, 1 {pack_format = #tpu.pack_format<interleaved>} : vector<32xbf16> -> vector<16xf32>
        %parallel_loop3A_151 = arith.mulf %parallel_loop3A_149, %parallel_loop3A_137 : vector<16xf32>
        tpu.vector_store_idx %arg17[%parallel_loop3A_130, %add3A_30], %parallel_loop3A_151 : memref<128x128xf32, #tpu.memory_space<vmem>>[vector<16xi32>, vector<16xi32>], vector<16xf32>,
        %parallel_loop3A_152 = arith.constant 1 : i32
        %parallel_loop3A_153 = vector.broadcast %parallel_loop3A_152 : i32 to vector<16xi32>
        %parallel_loop3A_154 = arith.addi %add3A_30, %parallel_loop3A_153 : vector<16xi32>
        %parallel_loop3A_155 = arith.mulf %parallel_loop3A_150, %parallel_loop3A_137 : vector<16xf32>
        tpu.vector_store_idx %arg17[%parallel_loop3A_130, %parallel_loop3A_154], %parallel_loop3A_155 : memref<128x128xf32, #tpu.memory_space<vmem>>[vector<16xi32>, vector<16xi32>], vector<16xf32>,
        %parallel_loop3A_156 = tpu.vector_load_idx %arg12[%parallel_loop3A_130, %add3A_12] : memref<128x64xi32, #tpu.memory_space<vmem>>[vector<16xi32>, vector<16xi32>], vector<16xi32>,
        %parallel_loop3A_157 = vector.bitcast %parallel_loop3A_156 : vector<16xi32> to vector<32xbf16>
        %parallel_loop3A_158 = tpu.unpack_subelements %parallel_loop3A_157, 0 {pack_format = #tpu.pack_format<interleaved>} : vector<32xbf16> -> vector<16xf32>
        %parallel_loop3A_159 = tpu.unpack_subelements %parallel_loop3A_157, 1 {pack_format = #tpu.pack_format<interleaved>} : vector<32xbf16> -> vector<16xf32>
        %parallel_loop3A_160 = arith.mulf %parallel_loop3A_158, %parallel_loop3A_137 : vector<16xf32>
        tpu.vector_store_idx %arg17[%parallel_loop3A_130, %add3A_37], %parallel_loop3A_160 : memref<128x128xf32, #tpu.memory_space<vmem>>[vector<16xi32>, vector<16xi32>], vector<16xf32>,
        %parallel_loop3A_161 = arith.constant 1 : i32
        %parallel_loop3A_162 = vector.broadcast %parallel_loop3A_161 : i32 to vector<16xi32>
        %parallel_loop3A_163 = arith.addi %add3A_37, %parallel_loop3A_162 : vector<16xi32>
        %parallel_loop3A_164 = arith.mulf %parallel_loop3A_159, %parallel_loop3A_137 : vector<16xf32>
        tpu.vector_store_idx %arg17[%parallel_loop3A_130, %parallel_loop3A_163], %parallel_loop3A_164 : memref<128x128xf32, #tpu.memory_space<vmem>>[vector<16xi32>, vector<16xi32>], vector<16xf32>,
        %parallel_loop3A_165 = tpu.vector_load_idx %arg12[%parallel_loop3A_130, %add3A_16] : memref<128x64xi32, #tpu.memory_space<vmem>>[vector<16xi32>, vector<16xi32>], vector<16xi32>,
        %parallel_loop3A_166 = vector.bitcast %parallel_loop3A_165 : vector<16xi32> to vector<32xbf16>
        %parallel_loop3A_167 = tpu.unpack_subelements %parallel_loop3A_166, 0 {pack_format = #tpu.pack_format<interleaved>} : vector<32xbf16> -> vector<16xf32>
        %parallel_loop3A_168 = tpu.unpack_subelements %parallel_loop3A_166, 1 {pack_format = #tpu.pack_format<interleaved>} : vector<32xbf16> -> vector<16xf32>
        %parallel_loop3A_169 = arith.mulf %parallel_loop3A_167, %parallel_loop3A_137 : vector<16xf32>
        tpu.vector_store_idx %arg17[%parallel_loop3A_130, %add3A_44], %parallel_loop3A_169 : memref<128x128xf32, #tpu.memory_space<vmem>>[vector<16xi32>, vector<16xi32>], vector<16xf32>,
        %parallel_loop3A_170 = arith.constant 1 : i32
        %parallel_loop3A_171 = vector.broadcast %parallel_loop3A_170 : i32 to vector<16xi32>
        %parallel_loop3A_172 = arith.addi %add3A_44, %parallel_loop3A_171 : vector<16xi32>
        %parallel_loop3A_173 = arith.mulf %parallel_loop3A_168, %parallel_loop3A_137 : vector<16xf32>
        tpu.vector_store_idx %arg17[%parallel_loop3A_130, %parallel_loop3A_172], %parallel_loop3A_173 : memref<128x128xf32, #tpu.memory_space<vmem>>[vector<16xi32>, vector<16xi32>], vector<16xf32>,
        %parallel_loop3A_174 = arith.constant 1 : i32
        %parallel_loop3A_175 = vector.broadcast %parallel_loop3A_174 : i32 to vector<16xi32>
        %parallel_loop3A_176 = arith.addi %parallel_loop3A_130, %parallel_loop3A_175 : vector<16xi32>
        scf.yield %parallel_loop3A_176 : vector<16xi32>
      } {sc.loop_unroll_factor = 2 : i64, sc.parallel_access}
      "tpu.region"() ({
        %run_scoped3A = tpu.sem_alloc : memref<!tpu.dma_semaphore, #tpu.memory_space<semaphore_mem>>
        %dma_start3A_129 = arith.constant 0 : i32
        %dma_start3A_130 = arith.constant 0 : i32
        %dma_start3A_131 = tpu.memref_slice %arg8[%dma_start3A_129, %dma_start3A_130] : memref<10240x128xf32, #tpu.memory_space<vmem_shared>> -> memref<10240x128xf32, #tpu.memory_space<vmem_shared>>
        tpu.enqueue_indirect_dma source(%arg17 : memref<128x128xf32, #tpu.memory_space<vmem>>) target(%dma_start3A_131 : memref<10240x128xf32, #tpu.memory_space<vmem_shared>>) offsets(%arg10 : memref<128xi32, #tpu.memory_space<vmem>>) semaphore(%run_scoped3A : memref<!tpu.dma_semaphore, #tpu.memory_space<semaphore_mem>>) {add = true}
        %dma_wait3A_132 = arith.constant 0 : i32
        %dma_wait3A_133 = arith.constant 0 : i32
        %dma_wait3A_134 = tpu.memref_slice %arg8[%dma_wait3A_132, %dma_wait3A_133] : memref<10240x128xf32, #tpu.memory_space<vmem_shared>> -> memref<10240x128xf32, #tpu.memory_space<vmem_shared>>
        tpu.wait_indirect_dma semaphore(%run_scoped3A : memref<!tpu.dma_semaphore, #tpu.memory_space<semaphore_mem>>) src(%arg17 : memref<128x128xf32, #tpu.memory_space<vmem>>) dst(%dma_wait3A_134 : memref<10240x128xf32, #tpu.memory_space<vmem_shared>>)
        tpu.yield
      }) : () -> ()
      %add3A_116 = arith.constant 2 : i32
      %add3A_117 = arith.addi %mul3A_77, %add3A_116 : i32
      %lt3A = arith.constant 80 : i32
      %lt3A_118 = arith.cmpi slt, %add3A_117, %lt3A : i32
      %convert_element_type3A = arith.extui %lt3A_118 : i1 to i32
      %cond3A = arith.constant 0 : i32
      %cond3A_119 = arith.cmpi ne, %convert_element_type3A, %cond3A : i32
      scf.if %cond3A_119 {
        %add3A_129 = arith.constant 2 : i32
        %add3A_130 = arith.addi %mul3A_77, %add3A_129 : i32
        %mul3A_131 = arith.constant 128 : i32
        %mul3A_132 = arith.muli %add3A_130, %mul3A_131 : i32
        %add3A_133 = arith.addi %mul3A_2, %mul3A_132 : i32
        "tpu.region"() ({
          %run_scoped3A = tpu.sem_alloc : memref<!tpu.dma_semaphore, #tpu.memory_space<semaphore_mem>>
          %dma_start3A_161 = tpu.memref_slice %arg3[%arg0, %add3A_133] : memref<2x163840xi32, #tpu.memory_space<hbm>> -> memref<1x128xi32, #tpu.memory_space<hbm>>
          %dma_start3A_162 = tpu.memref_squeeze %dma_start3A_161 : memref<1x128xi32, #tpu.memory_space<hbm>> -> memref<128xi32, #tpu.memory_space<hbm>>
          %dma_start3A_163 = tpu.memref_slice %arg3[%arg0, %add3A_133] : memref<2x163840xi32, #tpu.memory_space<hbm>> -> memref<1x128xi32, #tpu.memory_space<hbm>>
          %dma_start3A_164 = tpu.memref_squeeze %dma_start3A_163 : memref<1x128xi32, #tpu.memory_space<hbm>> -> memref<128xi32, #tpu.memory_space<hbm>>
          tpu.enqueue_dma source(%dma_start3A_164 : memref<128xi32, #tpu.memory_space<hbm>>) target(%arg9 : memref<128xi32, #tpu.memory_space<vmem>>) target_semaphore(%run_scoped3A : memref<!tpu.dma_semaphore, #tpu.memory_space<semaphore_mem>>)
          %dma_wait3A_165 = tpu.memref_slice %arg3[%arg0, %add3A_133] : memref<2x163840xi32, #tpu.memory_space<hbm>> -> memref<1x128xi32, #tpu.memory_space<hbm>>
          %dma_wait3A_166 = tpu.memref_squeeze %dma_wait3A_165 : memref<1x128xi32, #tpu.memory_space<hbm>> -> memref<128xi32, #tpu.memory_space<hbm>>
          %dma_wait3A_167 = tpu.memref_slice %arg3[%arg0, %add3A_133] : memref<2x163840xi32, #tpu.memory_space<hbm>> -> memref<1x128xi32, #tpu.memory_space<hbm>>
          %dma_wait3A_168 = tpu.memref_squeeze %dma_wait3A_167 : memref<1x128xi32, #tpu.memory_space<hbm>> -> memref<128xi32, #tpu.memory_space<hbm>>
          tpu.wait_dma2 semaphore(%run_scoped3A : memref<!tpu.dma_semaphore, #tpu.memory_space<semaphore_mem>>) src(%dma_wait3A_168 : memref<128xi32, #tpu.memory_space<hbm>>) dst(%arg9 : memref<128xi32, #tpu.memory_space<vmem>>)
          tpu.yield
        }) : () -> ()
        "tpu.region"() ({
          %run_scoped3A = tpu.sem_alloc : memref<!tpu.dma_semaphore, #tpu.memory_space<semaphore_mem>>
          %dma_start3A_161 = tpu.memref_slice %arg4[%add3A_133] : memref<163840xi32, #tpu.memory_space<hbm>> -> memref<128xi32, #tpu.memory_space<hbm>>
          %dma_start3A_162 = tpu.memref_slice %arg4[%add3A_133] : memref<163840xi32, #tpu.memory_space<hbm>> -> memref<128xi32, #tpu.memory_space<hbm>>
          tpu.enqueue_dma source(%dma_start3A_162 : memref<128xi32, #tpu.memory_space<hbm>>) target(%arg10 : memref<128xi32, #tpu.memory_space<vmem>>) target_semaphore(%run_scoped3A : memref<!tpu.dma_semaphore, #tpu.memory_space<semaphore_mem>>)
          %dma_wait3A_163 = tpu.memref_slice %arg4[%add3A_133] : memref<163840xi32, #tpu.memory_space<hbm>> -> memref<128xi32, #tpu.memory_space<hbm>>
          %dma_wait3A_164 = tpu.memref_slice %arg4[%add3A_133] : memref<163840xi32, #tpu.memory_space<hbm>> -> memref<128xi32, #tpu.memory_space<hbm>>
          tpu.wait_dma2 semaphore(%run_scoped3A : memref<!tpu.dma_semaphore, #tpu.memory_space<semaphore_mem>>) src(%dma_wait3A_164 : memref<128xi32, #tpu.memory_space<hbm>>) dst(%arg10 : memref<128xi32, #tpu.memory_space<vmem>>)
          tpu.yield
        }) : () -> ()
        %jit3A_134 = arith.constant 16 : i32
        %div3A_135 = arith.divsi %add3A_133, %jit3A_134 : i32
        %sign3A_136 = arith.constant 0 : i32
        %sign3A_137 = arith.cmpi sgt, %add3A_133, %sign3A_136 : i32
        %sign3A_138 = arith.extui %sign3A_137 : i1 to i32
        %sign3A_139 = arith.constant 0 : i32
        %sign3A_140 = arith.cmpi slt, %add3A_133, %sign3A_139 : i32
        %sign3A_141 = arith.extui %sign3A_140 : i1 to i32
        %sign3A_142 = arith.subi %sign3A_138, %sign3A_141 : i32
        %sign3A_143 = arith.constant 0 : i32
        %sign3A_144 = arith.cmpi sgt, %jit3A_134, %sign3A_143 : i32
        %sign3A_145 = arith.extui %sign3A_144 : i1 to i32
        %sign3A_146 = arith.constant 0 : i32
        %sign3A_147 = arith.cmpi slt, %jit3A_134, %sign3A_146 : i32
        %sign3A_148 = arith.extui %sign3A_147 : i1 to i32
        %sign3A_149 = arith.subi %sign3A_145, %sign3A_148 : i32
        %ne3A_150 = arith.cmpi ne, %sign3A_142, %sign3A_149 : i32
        %rem3A_151 = arith.remsi %add3A_133, %jit3A_134 : i32
        %ne3A_152 = arith.constant 0 : i32
        %ne3A_153 = arith.cmpi ne, %rem3A_151, %ne3A_152 : i32
        %and3A_154 = arith.andi %ne3A_150, %ne3A_153 : i1
        %sub3A_155 = arith.constant 1 : i32
        %sub3A_156 = arith.subi %div3A_135, %sub3A_155 : i32
        %select_n3A_157 = arith.select %and3A_154, %sub3A_156, %div3A_135 : i32
        "tpu.region"() ({
          %run_scoped3A = tpu.sem_alloc : memref<!tpu.dma_semaphore, #tpu.memory_space<semaphore_mem>>
          %dma_start3A_161 = arith.constant 0 : i32
          %dma_start3A_162 = tpu.memref_slice %arg5[%select_n3A_157, %dma_start3A_161] : memref<10240x16xf32, #tpu.memory_space<hbm>> -> memref<8x16xf32, #tpu.memory_space<hbm>>
          %dma_start3A_163 = arith.constant 0 : i32
          %dma_start3A_164 = tpu.memref_slice %arg5[%select_n3A_157, %dma_start3A_163] : memref<10240x16xf32, #tpu.memory_space<hbm>> -> memref<8x16xf32, #tpu.memory_space<hbm>>
          tpu.enqueue_dma source(%dma_start3A_164 : memref<8x16xf32, #tpu.memory_space<hbm>>) target(%arg11 : memref<8x16xf32, #tpu.memory_space<vmem>>) target_semaphore(%run_scoped3A : memref<!tpu.dma_semaphore, #tpu.memory_space<semaphore_mem>>)
          %dma_wait3A_165 = arith.constant 0 : i32
          %dma_wait3A_166 = tpu.memref_slice %arg5[%select_n3A_157, %dma_wait3A_165] : memref<10240x16xf32, #tpu.memory_space<hbm>> -> memref<8x16xf32, #tpu.memory_space<hbm>>
          %dma_wait3A_167 = arith.constant 0 : i32
          %dma_wait3A_168 = tpu.memref_slice %arg5[%select_n3A_157, %dma_wait3A_167] : memref<10240x16xf32, #tpu.memory_space<hbm>> -> memref<8x16xf32, #tpu.memory_space<hbm>>
          tpu.wait_dma2 semaphore(%run_scoped3A : memref<!tpu.dma_semaphore, #tpu.memory_space<semaphore_mem>>) src(%dma_wait3A_168 : memref<8x16xf32, #tpu.memory_space<hbm>>) dst(%arg11 : memref<8x16xf32, #tpu.memory_space<vmem>>)
          tpu.yield
        }) : () -> ()
        %dma_start3A_158 = arith.constant 0 : i32
        %dma_start3A_159 = arith.constant 0 : i32
        %dma_start3A_160 = tpu.memref_slice %arg2[%dma_start3A_158, %dma_start3A_159] : memref<20000x64xi32, #tpu.memory_space<hbm>> -> memref<20000x64xi32, #tpu.memory_space<hbm>>
        tpu.enqueue_indirect_dma source(%dma_start3A_160 : memref<20000x64xi32, #tpu.memory_space<hbm>>) target(%arg12 : memref<128x64xi32, #tpu.memory_space<vmem>>) offsets(%arg9 : memref<128xi32, #tpu.memory_space<vmem>>) semaphore(%arg18 : memref<!tpu.dma_semaphore, #tpu.memory_space<semaphore_mem>>)
      } else {
      }
      %dma_wait3A_120 = arith.constant 0 : i32
      %dma_wait3A_121 = arith.constant 0 : i32
      %dma_wait3A_122 = tpu.memref_slice %arg2[%dma_wait3A_120, %dma_wait3A_121] : memref<20000x64xi32, #tpu.memory_space<hbm>> -> memref<20000x64xi32, #tpu.memory_space<hbm>>
      tpu.wait_indirect_dma semaphore(%arg19 : memref<!tpu.dma_semaphore, #tpu.memory_space<semaphore_mem>>) src(%dma_wait3A_122 : memref<20000x64xi32, #tpu.memory_space<hbm>>) dst(%arg16 : memref<128x64xi32, #tpu.memory_space<vmem>>)
      %broadcast_in_dim3A_123 = arith.constant 0 : i32
      %broadcast_in_dim3A_124 = vector.broadcast %broadcast_in_dim3A_123 : i32 to vector<16xi32>
      %parallel_loop3A_125 = arith.constant 0 : i32
      %parallel_loop3A_126 = arith.constant 128 : i32
      %parallel_loop3A_127 = arith.constant 1 : i32
      %parallel_loop3A_128 = scf.for %parallel_loop3A_129 = %parallel_loop3A_125 to %parallel_loop3A_126 step %parallel_loop3A_127 iter_args(%parallel_loop3A_130 = %broadcast_in_dim3A_124) -> (vector<16xi32>)  : i32 {
        %parallel_loop3A_131 = arith.constant 4 : i32
        %parallel_loop3A_132 = vector.broadcast %parallel_loop3A_131 : i32 to vector<16xi32>
        %parallel_loop3A_133 = arith.shrsi %parallel_loop3A_130, %parallel_loop3A_132 : vector<16xi32>
        %parallel_loop3A_134 = arith.constant 15 : i32
        %parallel_loop3A_135 = vector.broadcast %parallel_loop3A_134 : i32 to vector<16xi32>
        %parallel_loop3A_136 = arith.andi %parallel_loop3A_130, %parallel_loop3A_135 : vector<16xi32>
        %parallel_loop3A_137 = tpu.vector_load_idx %arg15[%parallel_loop3A_133, %parallel_loop3A_136] : memref<8x16xf32, #tpu.memory_space<vmem>>[vector<16xi32>, vector<16xi32>], vector<16xf32>,
        %parallel_loop3A_138 = tpu.vector_load_idx %arg16[%parallel_loop3A_130, %add3A_4] : memref<128x64xi32, #tpu.memory_space<vmem>>[vector<16xi32>, vector<16xi32>], vector<16xi32>,
        %parallel_loop3A_139 = vector.bitcast %parallel_loop3A_138 : vector<16xi32> to vector<32xbf16>
        %parallel_loop3A_140 = tpu.unpack_subelements %parallel_loop3A_139, 0 {pack_format = #tpu.pack_format<interleaved>} : vector<32xbf16> -> vector<16xf32>
        %parallel_loop3A_141 = tpu.unpack_subelements %parallel_loop3A_139, 1 {pack_format = #tpu.pack_format<interleaved>} : vector<32xbf16> -> vector<16xf32>
        %parallel_loop3A_142 = arith.mulf %parallel_loop3A_140, %parallel_loop3A_137 : vector<16xf32>
        tpu.vector_store_idx %arg17[%parallel_loop3A_130, %add3A_23], %parallel_loop3A_142 : memref<128x128xf32, #tpu.memory_space<vmem>>[vector<16xi32>, vector<16xi32>], vector<16xf32>,
        %parallel_loop3A_143 = arith.constant 1 : i32
        %parallel_loop3A_144 = vector.broadcast %parallel_loop3A_143 : i32 to vector<16xi32>
        %parallel_loop3A_145 = arith.addi %add3A_23, %parallel_loop3A_144 : vector<16xi32>
        %parallel_loop3A_146 = arith.mulf %parallel_loop3A_141, %parallel_loop3A_137 : vector<16xf32>
        tpu.vector_store_idx %arg17[%parallel_loop3A_130, %parallel_loop3A_145], %parallel_loop3A_146 : memref<128x128xf32, #tpu.memory_space<vmem>>[vector<16xi32>, vector<16xi32>], vector<16xf32>,
        %parallel_loop3A_147 = tpu.vector_load_idx %arg16[%parallel_loop3A_130, %add3A_8] : memref<128x64xi32, #tpu.memory_space<vmem>>[vector<16xi32>, vector<16xi32>], vector<16xi32>,
        %parallel_loop3A_148 = vector.bitcast %parallel_loop3A_147 : vector<16xi32> to vector<32xbf16>
        %parallel_loop3A_149 = tpu.unpack_subelements %parallel_loop3A_148, 0 {pack_format = #tpu.pack_format<interleaved>} : vector<32xbf16> -> vector<16xf32>
        %parallel_loop3A_150 = tpu.unpack_subelements %parallel_loop3A_148, 1 {pack_format = #tpu.pack_format<interleaved>} : vector<32xbf16> -> vector<16xf32>
        %parallel_loop3A_151 = arith.mulf %parallel_loop3A_149, %parallel_loop3A_137 : vector<16xf32>
        tpu.vector_store_idx %arg17[%parallel_loop3A_130, %add3A_30], %parallel_loop3A_151 : memref<128x128xf32, #tpu.memory_space<vmem>>[vector<16xi32>, vector<16xi32>], vector<16xf32>,
        %parallel_loop3A_152 = arith.constant 1 : i32
        %parallel_loop3A_153 = vector.broadcast %parallel_loop3A_152 : i32 to vector<16xi32>
        %parallel_loop3A_154 = arith.addi %add3A_30, %parallel_loop3A_153 : vector<16xi32>
        %parallel_loop3A_155 = arith.mulf %parallel_loop3A_150, %parallel_loop3A_137 : vector<16xf32>
        tpu.vector_store_idx %arg17[%parallel_loop3A_130, %parallel_loop3A_154], %parallel_loop3A_155 : memref<128x128xf32, #tpu.memory_space<vmem>>[vector<16xi32>, vector<16xi32>], vector<16xf32>,
        %parallel_loop3A_156 = tpu.vector_load_idx %arg16[%parallel_loop3A_130, %add3A_12] : memref<128x64xi32, #tpu.memory_space<vmem>>[vector<16xi32>, vector<16xi32>], vector<16xi32>,
        %parallel_loop3A_157 = vector.bitcast %parallel_loop3A_156 : vector<16xi32> to vector<32xbf16>
        %parallel_loop3A_158 = tpu.unpack_subelements %parallel_loop3A_157, 0 {pack_format = #tpu.pack_format<interleaved>} : vector<32xbf16> -> vector<16xf32>
        %parallel_loop3A_159 = tpu.unpack_subelements %parallel_loop3A_157, 1 {pack_format = #tpu.pack_format<interleaved>} : vector<32xbf16> -> vector<16xf32>
        %parallel_loop3A_160 = arith.mulf %parallel_loop3A_158, %parallel_loop3A_137 : vector<16xf32>
        tpu.vector_store_idx %arg17[%parallel_loop3A_130, %add3A_37], %parallel_loop3A_160 : memref<128x128xf32, #tpu.memory_space<vmem>>[vector<16xi32>, vector<16xi32>], vector<16xf32>,
        %parallel_loop3A_161 = arith.constant 1 : i32
        %parallel_loop3A_162 = vector.broadcast %parallel_loop3A_161 : i32 to vector<16xi32>
        %parallel_loop3A_163 = arith.addi %add3A_37, %parallel_loop3A_162 : vector<16xi32>
        %parallel_loop3A_164 = arith.mulf %parallel_loop3A_159, %parallel_loop3A_137 : vector<16xf32>
        tpu.vector_store_idx %arg17[%parallel_loop3A_130, %parallel_loop3A_163], %parallel_loop3A_164 : memref<128x128xf32, #tpu.memory_space<vmem>>[vector<16xi32>, vector<16xi32>], vector<16xf32>,
        %parallel_loop3A_165 = tpu.vector_load_idx %arg16[%parallel_loop3A_130, %add3A_16] : memref<128x64xi32, #tpu.memory_space<vmem>>[vector<16xi32>, vector<16xi32>], vector<16xi32>,
        %parallel_loop3A_166 = vector.bitcast %parallel_loop3A_165 : vector<16xi32> to vector<32xbf16>
        %parallel_loop3A_167 = tpu.unpack_subelements %parallel_loop3A_166, 0 {pack_format = #tpu.pack_format<interleaved>} : vector<32xbf16> -> vector<16xf32>
        %parallel_loop3A_168 = tpu.unpack_subelements %parallel_loop3A_166, 1 {pack_format = #tpu.pack_format<interleaved>} : vector<32xbf16> -> vector<16xf32>
        %parallel_loop3A_169 = arith.mulf %parallel_loop3A_167, %parallel_loop3A_137 : vector<16xf32>
        tpu.vector_store_idx %arg17[%parallel_loop3A_130, %add3A_44], %parallel_loop3A_169 : memref<128x128xf32, #tpu.memory_space<vmem>>[vector<16xi32>, vector<16xi32>], vector<16xf32>,
        %parallel_loop3A_170 = arith.constant 1 : i32
        %parallel_loop3A_171 = vector.broadcast %parallel_loop3A_170 : i32 to vector<16xi32>
        %parallel_loop3A_172 = arith.addi %add3A_44, %parallel_loop3A_171 : vector<16xi32>
        %parallel_loop3A_173 = arith.mulf %parallel_loop3A_168, %parallel_loop3A_137 : vector<16xf32>
        tpu.vector_store_idx %arg17[%parallel_loop3A_130, %parallel_loop3A_172], %parallel_loop3A_173 : memref<128x128xf32, #tpu.memory_space<vmem>>[vector<16xi32>, vector<16xi32>], vector<16xf32>,
        %parallel_loop3A_174 = arith.constant 1 : i32
        %parallel_loop3A_175 = vector.broadcast %parallel_loop3A_174 : i32 to vector<16xi32>
        %parallel_loop3A_176 = arith.addi %parallel_loop3A_130, %parallel_loop3A_175 : vector<16xi32>
        scf.yield %parallel_loop3A_176 : vector<16xi32>
      } {sc.loop_unroll_factor = 2 : i64, sc.parallel_access}
      "tpu.region"() ({
        %run_scoped3A = tpu.sem_alloc : memref<!tpu.dma_semaphore, #tpu.memory_space<semaphore_mem>>
        %dma_start3A_129 = arith.constant 0 : i32
        %dma_start3A_130 = arith.constant 0 : i32
        %dma_start3A_131 = tpu.memref_slice %arg8[%dma_start3A_129, %dma_start3A_130] : memref<10240x128xf32, #tpu.memory_space<vmem_shared>> -> memref<10240x128xf32, #tpu.memory_space<vmem_shared>>
        tpu.enqueue_indirect_dma source(%arg17 : memref<128x128xf32, #tpu.memory_space<vmem>>) target(%dma_start3A_131 : memref<10240x128xf32, #tpu.memory_space<vmem_shared>>) offsets(%arg14 : memref<128xi32, #tpu.memory_space<vmem>>) semaphore(%run_scoped3A : memref<!tpu.dma_semaphore, #tpu.memory_space<semaphore_mem>>) {add = true}
        %dma_wait3A_132 = arith.constant 0 : i32
        %dma_wait3A_133 = arith.constant 0 : i32
        %dma_wait3A_134 = tpu.memref_slice %arg8[%dma_wait3A_132, %dma_wait3A_133] : memref<10240x128xf32, #tpu.memory_space<vmem_shared>> -> memref<10240x128xf32, #tpu.memory_space<vmem_shared>>
        tpu.wait_indirect_dma semaphore(%run_scoped3A : memref<!tpu.dma_semaphore, #tpu.memory_space<semaphore_mem>>) src(%arg17 : memref<128x128xf32, #tpu.memory_space<vmem>>) dst(%dma_wait3A_134 : memref<10240x128xf32, #tpu.memory_space<vmem_shared>>)
        tpu.yield
      }) : () -> ()
    }
    %scan3A_69 = arith.constant 40 : i32
    %barrier3A_70 = arith.constant 0 : index
    tpu.barrier barrier_id(%barrier3A_70)
    %mul3A_71 = arith.constant 640 : i32
    %mul3A_72 = arith.muli %arg1, %mul3A_71 : i32
    %mul3A_73 = arith.constant 640 : i32
    %mul3A_74 = arith.muli %arg1, %mul3A_73 : i32
    "tpu.region"() ({
      %run_scoped3A = tpu.sem_alloc : memref<!tpu.dma_semaphore, #tpu.memory_space<semaphore_mem>>
      %dma_start3A_75 = arith.constant 0 : i32
      %dma_start3A_76 = tpu.memref_slice %arg7[%arg0, %mul3A_74, %dma_start3A_75] : memref<2x10240x128xf32, #tpu.memory_space<hbm>> -> memref<1x640x128xf32, #tpu.memory_space<hbm>>
      %dma_start3A_77 = tpu.memref_squeeze %dma_start3A_76 : memref<1x640x128xf32, #tpu.memory_space<hbm>> -> memref<640x128xf32, #tpu.memory_space<hbm>>
      %dma_start3A_78 = arith.constant 0 : i32
      %dma_start3A_79 = tpu.memref_slice %arg8[%mul3A_72, %dma_start3A_78] : memref<10240x128xf32, #tpu.memory_space<vmem_shared>> -> memref<640x128xf32, #tpu.memory_space<vmem_shared>>
      tpu.enqueue_dma source(%dma_start3A_79 : memref<640x128xf32, #tpu.memory_space<vmem_shared>>) target(%dma_start3A_77 : memref<640x128xf32, #tpu.memory_space<hbm>>) target_semaphore(%run_scoped3A : memref<!tpu.dma_semaphore, #tpu.memory_space<semaphore_mem>>)
      %dma_wait3A = arith.constant 0 : i32
      %dma_wait3A_80 = tpu.memref_slice %arg7[%arg0, %mul3A_74, %dma_wait3A] : memref<2x10240x128xf32, #tpu.memory_space<hbm>> -> memref<1x640x128xf32, #tpu.memory_space<hbm>>
      %dma_wait3A_81 = tpu.memref_squeeze %dma_wait3A_80 : memref<1x640x128xf32, #tpu.memory_space<hbm>> -> memref<640x128xf32, #tpu.memory_space<hbm>>
      %dma_wait3A_82 = arith.constant 0 : i32
      %dma_wait3A_83 = tpu.memref_slice %arg8[%mul3A_72, %dma_wait3A_82] : memref<10240x128xf32, #tpu.memory_space<vmem_shared>> -> memref<640x128xf32, #tpu.memory_space<vmem_shared>>
      tpu.wait_dma2 semaphore(%run_scoped3A : memref<!tpu.dma_semaphore, #tpu.memory_space<semaphore_mem>>) src(%dma_wait3A_83 : memref<640x128xf32, #tpu.memory_space<vmem_shared>>) dst(%dma_wait3A_81 : memref<640x128xf32, #tpu.memory_space<hbm>>)
      tpu.yield
    }) : () -> ()
    return
  }
}

module attributes {stable_mosaic.version = 14 : i64} {
  func.func @_t1_body(%arg0: i32, %arg1: memref<400x256xf32, #tpu.memory_space<vmem>>, %arg2: memref<256x256xf32, #tpu.memory_space<vmem>>, %arg3: memref<256xf32, #tpu.memory_space<vmem>>, %arg4: memref<256x256xf32, #tpu.memory_space<vmem>>, %arg5: memref<256xf32, #tpu.memory_space<vmem>>, %arg6: memref<256x256xf32, #tpu.memory_space<vmem>>, %arg7: memref<2x400x128xbf16, #tpu.memory_space<vmem>>, %arg8: memref<400x256xbf16, #tpu.memory_space<vmem>>, %arg9: memref<400x256xbf16, #tpu.memory_space<vmem>>) attributes {dimension_semantics = [#tpu.dimension_semantics<arbitrary>], iteration_bounds = array<i64: 25>, scalar_prefetch = 0 : i64, scratch_operands = 0 : i64, tpu.core_type = #tpu.core_type<tc>, window_params = [{transform_indices = @transform_0, window_bounds = array<i64: 400, 256>}, {pipeline_mode = #tpu.pipeline_mode<synchronous>, transform_indices = @transform_1, window_bounds = array<i64: 256, 256>}, {pipeline_mode = #tpu.pipeline_mode<synchronous>, transform_indices = @transform_2, window_bounds = array<i64: 256>}, {pipeline_mode = #tpu.pipeline_mode<synchronous>, transform_indices = @transform_3, window_bounds = array<i64: 256, 256>}, {pipeline_mode = #tpu.pipeline_mode<synchronous>, transform_indices = @transform_4, window_bounds = array<i64: 256>}, {pipeline_mode = #tpu.pipeline_mode<synchronous>, transform_indices = @transform_5, window_bounds = array<i64: 256, 256>}, {transform_indices = @transform_6, window_bounds = array<i64: 2, 400, 128>}, {transform_indices = @transform_7, window_bounds = array<i64: 400, 256>}, {transform_indices = @transform_8, window_bounds = array<i64: 400, 256>}]} {
    %get3A = arith.constant 0 : index
    %get3A_0 = arith.constant 0 : index
    %get3A_1 = vector.load %arg1[%get3A, %get3A_0] : memref<400x256xf32, #tpu.memory_space<vmem>>, vector<400x256xf32>
    %get3A_2 = arith.constant 0 : index
    %get3A_3 = arith.constant 0 : index
    %get3A_4 = vector.load %arg2[%get3A_2, %get3A_3] : memref<256x256xf32, #tpu.memory_space<vmem>>, vector<256x256xf32>
    %dot_general3A = arith.constant dense<0.000000e+00> : vector<400x256xf32>
    %dot_general3A_5 = tpu.matmul %get3A_1, %get3A_4, %dot_general3A {dimension_numbers = #tpu.dot_dimension_numbers<[1], [0], [0], [1], [0, 0, 1, 1], [], []>, transpose_lhs_hint = false} : vector<400x256xf32>, vector<256x256xf32>, vector<400x256xf32> -> vector<400x256xf32>
    %get3A_6 = arith.constant 0 : index
    %get3A_7 = vector.load %arg3[%get3A_6] : memref<256xf32, #tpu.memory_space<vmem>>, vector<256xf32>
    %broadcast_in_dim3A = vector.shape_cast %get3A_7 : vector<256xf32> to vector<1x256xf32>
    %add3A = vector.broadcast %broadcast_in_dim3A : vector<1x256xf32> to vector<400x256xf32>
    %add3A_8 = arith.addf %dot_general3A_5, %add3A : vector<400x256xf32>
    %max3A = arith.constant 0.000000e+00 : f32
    %max3A_9 = vector.broadcast %max3A : f32 to vector<400x256xf32>
    %max3A_10 = arith.maximumf %add3A_8, %max3A_9 : vector<400x256xf32>
    %convert_element_type3A = arith.truncf %max3A_10 : vector<400x256xf32> to vector<400x256xbf16>
    %slice3A = vector.extract_strided_slice %convert_element_type3A {offsets = [0, 0], sizes = [400, 128], strides = [1, 1]} : vector<400x256xbf16> to vector<400x128xbf16>
    %swap3A = arith.constant 0 : index
    %swap3A_11 = arith.constant 0 : index
    %swap3A_12 = arith.constant 0 : index
    %swap3A_13 = vector.load %arg7[%swap3A, %swap3A_11, %swap3A_12] : memref<2x400x128xbf16, #tpu.memory_space<vmem>>, vector<1x400x128xbf16>
    %swap3A_14 = vector.shape_cast %swap3A_13 : vector<1x400x128xbf16> to vector<400x128xbf16>
    %swap3A_15 = vector.shape_cast %slice3A : vector<400x128xbf16> to vector<1x400x128xbf16>
    tpu.vector_store %arg7[%swap3A, %swap3A_11, %swap3A_12], %swap3A_15 {strides = array<i32>} : memref<2x400x128xbf16, #tpu.memory_space<vmem>>, vector<1x400x128xbf16>,
    %slice3A_16 = vector.extract_strided_slice %convert_element_type3A {offsets = [0, 128], sizes = [400, 128], strides = [1, 1]} : vector<400x256xbf16> to vector<400x128xbf16>
    %swap3A_17 = arith.constant 1 : index
    %swap3A_18 = arith.constant 0 : index
    %swap3A_19 = arith.constant 0 : index
    %swap3A_20 = vector.load %arg7[%swap3A_17, %swap3A_18, %swap3A_19] : memref<2x400x128xbf16, #tpu.memory_space<vmem>>, vector<1x400x128xbf16>
    %swap3A_21 = vector.shape_cast %swap3A_20 : vector<1x400x128xbf16> to vector<400x128xbf16>
    %swap3A_22 = vector.shape_cast %slice3A_16 : vector<400x128xbf16> to vector<1x400x128xbf16>
    tpu.vector_store %arg7[%swap3A_17, %swap3A_18, %swap3A_19], %swap3A_22 {strides = array<i32>} : memref<2x400x128xbf16, #tpu.memory_space<vmem>>, vector<1x400x128xbf16>,
    %get3A_23 = arith.constant 0 : index
    %get3A_24 = arith.constant 0 : index
    %get3A_25 = vector.load %arg4[%get3A_23, %get3A_24] : memref<256x256xf32, #tpu.memory_space<vmem>>, vector<256x256xf32>
    %dot_general3A_26 = arith.constant dense<0.000000e+00> : vector<400x256xf32>
    %dot_general3A_27 = tpu.matmul %max3A_10, %get3A_25, %dot_general3A_26 {dimension_numbers = #tpu.dot_dimension_numbers<[1], [0], [0], [1], [0, 0, 1, 1], [], []>, transpose_lhs_hint = false} : vector<400x256xf32>, vector<256x256xf32>, vector<400x256xf32> -> vector<400x256xf32>
    %get3A_28 = arith.constant 0 : index
    %get3A_29 = vector.load %arg5[%get3A_28] : memref<256xf32, #tpu.memory_space<vmem>>, vector<256xf32>
    %broadcast_in_dim3A_30 = vector.shape_cast %get3A_29 : vector<256xf32> to vector<1x256xf32>
    %add3A_31 = vector.broadcast %broadcast_in_dim3A_30 : vector<1x256xf32> to vector<400x256xf32>
    %add3A_32 = arith.addf %dot_general3A_27, %add3A_31 : vector<400x256xf32>
    %convert_element_type3A_33 = arith.truncf %add3A_32 : vector<400x256xf32> to vector<400x256xbf16>
    %swap3A_34 = arith.constant 0 : index
    %swap3A_35 = arith.constant 0 : index
    %swap3A_36 = vector.load %arg8[%swap3A_34, %swap3A_35] : memref<400x256xbf16, #tpu.memory_space<vmem>>, vector<400x256xbf16>
    tpu.vector_store %arg8[%swap3A_34, %swap3A_35], %convert_element_type3A_33 {strides = array<i32>} : memref<400x256xbf16, #tpu.memory_space<vmem>>, vector<400x256xbf16>,
    %get3A_37 = arith.constant 0 : index
    %get3A_38 = arith.constant 0 : index
    %get3A_39 = vector.load %arg6[%get3A_37, %get3A_38] : memref<256x256xf32, #tpu.memory_space<vmem>>, vector<256x256xf32>
    %dot_general3A_40 = arith.constant dense<0.000000e+00> : vector<400x256xf32>
    %dot_general3A_41 = tpu.matmul %max3A_10, %get3A_39, %dot_general3A_40 {dimension_numbers = #tpu.dot_dimension_numbers<[1], [0], [0], [1], [0, 0, 1, 1], [], []>, transpose_lhs_hint = false} : vector<400x256xf32>, vector<256x256xf32>, vector<400x256xf32> -> vector<400x256xf32>
    %convert_element_type3A_42 = arith.truncf %dot_general3A_41 : vector<400x256xf32> to vector<400x256xbf16>
    %swap3A_43 = arith.constant 0 : index
    %swap3A_44 = arith.constant 0 : index
    %swap3A_45 = vector.load %arg9[%swap3A_43, %swap3A_44] : memref<400x256xbf16, #tpu.memory_space<vmem>>, vector<400x256xbf16>
    tpu.vector_store %arg9[%swap3A_43, %swap3A_44], %convert_element_type3A_42 {strides = array<i32>} : memref<400x256xbf16, #tpu.memory_space<vmem>>, vector<400x256xbf16>,
    return
  }
  func.func @transform_0(%arg0: i32) -> (i32, i32) {
    %c0_i32 = arith.constant 0 : i32
    %c0_i32_0 = arith.constant 0 : i32
    return %arg0, %c0_i32 : i32, i32
  }
  func.func @transform_1(%arg0: i32) -> (i32, i32) {
    %c0_i32 = arith.constant 0 : i32
    %c0_i32_0 = arith.constant 0 : i32
    %c0_i32_1 = arith.constant 0 : i32
    return %c0_i32, %c0_i32_0 : i32, i32
  }
  func.func @transform_2(%arg0: i32) -> i32 {
    %c0_i32 = arith.constant 0 : i32
    %c0_i32_0 = arith.constant 0 : i32
    return %c0_i32 : i32
  }
  func.func @transform_3(%arg0: i32) -> (i32, i32) {
    %c0_i32 = arith.constant 0 : i32
    %c0_i32_0 = arith.constant 0 : i32
    %c0_i32_1 = arith.constant 0 : i32
    return %c0_i32, %c0_i32_0 : i32, i32
  }
  func.func @transform_4(%arg0: i32) -> i32 {
    %c0_i32 = arith.constant 0 : i32
    %c0_i32_0 = arith.constant 0 : i32
    return %c0_i32 : i32
  }
  func.func @transform_5(%arg0: i32) -> (i32, i32) {
    %c0_i32 = arith.constant 0 : i32
    %c0_i32_0 = arith.constant 0 : i32
    %c0_i32_1 = arith.constant 0 : i32
    return %c0_i32, %c0_i32_0 : i32, i32
  }
  func.func @transform_6(%arg0: i32) -> (i32, i32, i32) {
    %c0_i32 = arith.constant 0 : i32
    %c0_i32_0 = arith.constant 0 : i32
    %c0_i32_1 = arith.constant 0 : i32
    return %c0_i32, %arg0, %c0_i32_0 : i32, i32, i32
  }
  func.func @transform_7(%arg0: i32) -> (i32, i32) {
    %c0_i32 = arith.constant 0 : i32
    %c0_i32_0 = arith.constant 0 : i32
    return %arg0, %c0_i32 : i32, i32
  }
  func.func @transform_8(%arg0: i32) -> (i32, i32) {
    %c0_i32 = arith.constant 0 : i32
    %c0_i32_0 = arith.constant 0 : i32
    return %arg0, %c0_i32 : i32, i32
  }
}

module attributes {stable_mosaic.version = 14 : i64} {
  func.func @_t2_body(%arg0: i32, %arg1: memref<1x400x128xf32, #tpu.memory_space<vmem>>, %arg2: memref<1x400x128xf32, #tpu.memory_space<vmem>>, %arg3: memref<256x256xf32, #tpu.memory_space<vmem>>, %arg4: memref<256xf32, #tpu.memory_space<vmem>>, %arg5: memref<2x400x128xbf16, #tpu.memory_space<vmem>>) attributes {dimension_semantics = [#tpu.dimension_semantics<arbitrary>], iteration_bounds = array<i64: 25>, scalar_prefetch = 0 : i64, scratch_operands = 0 : i64, tpu.core_type = #tpu.core_type<tc>, window_params = [{transform_indices = @transform_0, window_bounds = array<i64: 1, 400, 128>}, {transform_indices = @transform_1, window_bounds = array<i64: 1, 400, 128>}, {pipeline_mode = #tpu.pipeline_mode<synchronous>, transform_indices = @transform_2, window_bounds = array<i64: 256, 256>}, {pipeline_mode = #tpu.pipeline_mode<synchronous>, transform_indices = @transform_3, window_bounds = array<i64: 256>}, {transform_indices = @transform_4, window_bounds = array<i64: 2, 400, 128>}]} {
    %get3A = arith.constant 0 : index
    %get3A_0 = arith.constant 0 : index
    %get3A_1 = arith.constant 0 : index
    %get3A_2 = vector.load %arg1[%get3A, %get3A_0, %get3A_1] : memref<1x400x128xf32, #tpu.memory_space<vmem>>, vector<1x400x128xf32>
    %get3A_3 = vector.shape_cast %get3A_2 : vector<1x400x128xf32> to vector<400x128xf32>
    %get3A_4 = arith.constant 0 : index
    %get3A_5 = arith.constant 0 : index
    %get3A_6 = vector.load %arg3[%get3A_4, %get3A_5] : memref<256x256xf32, #tpu.memory_space<vmem>>, vector<256x256xf32>
    %slice3A = vector.extract_strided_slice %get3A_6 {offsets = [0, 0], sizes = [128, 256], strides = [1, 1]} : vector<256x256xf32> to vector<128x256xf32>
    %dot_general3A = arith.constant dense<0.000000e+00> : vector<400x256xf32>
    %dot_general3A_7 = tpu.matmul %get3A_3, %slice3A, %dot_general3A {dimension_numbers = #tpu.dot_dimension_numbers<[1], [0], [0], [1], [0, 0, 1, 1], [], []>, transpose_lhs_hint = false} : vector<400x128xf32>, vector<128x256xf32>, vector<400x256xf32> -> vector<400x256xf32>
    %get3A_8 = arith.constant 0 : index
    %get3A_9 = arith.constant 0 : index
    %get3A_10 = arith.constant 0 : index
    %get3A_11 = vector.load %arg2[%get3A_8, %get3A_9, %get3A_10] : memref<1x400x128xf32, #tpu.memory_space<vmem>>, vector<1x400x128xf32>
    %get3A_12 = vector.shape_cast %get3A_11 : vector<1x400x128xf32> to vector<400x128xf32>
    %get3A_13 = arith.constant 0 : index
    %get3A_14 = arith.constant 0 : index
    %get3A_15 = vector.load %arg3[%get3A_13, %get3A_14] : memref<256x256xf32, #tpu.memory_space<vmem>>, vector<256x256xf32>
    %slice3A_16 = vector.extract_strided_slice %get3A_15 {offsets = [128, 0], sizes = [128, 256], strides = [1, 1]} : vector<256x256xf32> to vector<128x256xf32>
    %dot_general3A_17 = arith.constant dense<0.000000e+00> : vector<400x256xf32>
    %dot_general3A_18 = tpu.matmul %get3A_12, %slice3A_16, %dot_general3A_17 {dimension_numbers = #tpu.dot_dimension_numbers<[1], [0], [0], [1], [0, 0, 1, 1], [], []>, transpose_lhs_hint = false} : vector<400x128xf32>, vector<128x256xf32>, vector<400x256xf32> -> vector<400x256xf32>
    %add3A = arith.addf %dot_general3A_7, %dot_general3A_18 : vector<400x256xf32>
    %get3A_19 = arith.constant 0 : index
    %get3A_20 = vector.load %arg4[%get3A_19] : memref<256xf32, #tpu.memory_space<vmem>>, vector<256xf32>
    %broadcast_in_dim3A = vector.shape_cast %get3A_20 : vector<256xf32> to vector<1x256xf32>
    %add3A_21 = vector.broadcast %broadcast_in_dim3A : vector<1x256xf32> to vector<400x256xf32>
    %add3A_22 = arith.addf %add3A, %add3A_21 : vector<400x256xf32>
    %max3A = arith.constant 0.000000e+00 : f32
    %max3A_23 = vector.broadcast %max3A : f32 to vector<400x256xf32>
    %max3A_24 = arith.maximumf %add3A_22, %max3A_23 : vector<400x256xf32>
    %convert_element_type3A = arith.truncf %max3A_24 : vector<400x256xf32> to vector<400x256xbf16>
    %slice3A_25 = vector.extract_strided_slice %convert_element_type3A {offsets = [0, 0], sizes = [400, 128], strides = [1, 1]} : vector<400x256xbf16> to vector<400x128xbf16>
    %swap3A = arith.constant 0 : index
    %swap3A_26 = arith.constant 0 : index
    %swap3A_27 = arith.constant 0 : index
    %swap3A_28 = vector.load %arg5[%swap3A, %swap3A_26, %swap3A_27] : memref<2x400x128xbf16, #tpu.memory_space<vmem>>, vector<1x400x128xbf16>
    %swap3A_29 = vector.shape_cast %swap3A_28 : vector<1x400x128xbf16> to vector<400x128xbf16>
    %swap3A_30 = vector.shape_cast %slice3A_25 : vector<400x128xbf16> to vector<1x400x128xbf16>
    tpu.vector_store %arg5[%swap3A, %swap3A_26, %swap3A_27], %swap3A_30 {strides = array<i32>} : memref<2x400x128xbf16, #tpu.memory_space<vmem>>, vector<1x400x128xbf16>,
    %slice3A_31 = vector.extract_strided_slice %convert_element_type3A {offsets = [0, 128], sizes = [400, 128], strides = [1, 1]} : vector<400x256xbf16> to vector<400x128xbf16>
    %swap3A_32 = arith.constant 1 : index
    %swap3A_33 = arith.constant 0 : index
    %swap3A_34 = arith.constant 0 : index
    %swap3A_35 = vector.load %arg5[%swap3A_32, %swap3A_33, %swap3A_34] : memref<2x400x128xbf16, #tpu.memory_space<vmem>>, vector<1x400x128xbf16>
    %swap3A_36 = vector.shape_cast %swap3A_35 : vector<1x400x128xbf16> to vector<400x128xbf16>
    %swap3A_37 = vector.shape_cast %slice3A_31 : vector<400x128xbf16> to vector<1x400x128xbf16>
    tpu.vector_store %arg5[%swap3A_32, %swap3A_33, %swap3A_34], %swap3A_37 {strides = array<i32>} : memref<2x400x128xbf16, #tpu.memory_space<vmem>>, vector<1x400x128xbf16>,
    return
  }
  func.func @transform_0(%arg0: i32) -> (i32, i32, i32) {
    %c0_i32 = arith.constant 0 : i32
    %c0_i32_0 = arith.constant 0 : i32
    %c0_i32_1 = arith.constant 0 : i32
    return %c0_i32, %arg0, %c0_i32_0 : i32, i32, i32
  }
  func.func @transform_1(%arg0: i32) -> (i32, i32, i32) {
    %c1_i32 = arith.constant 1 : i32
    %c0_i32 = arith.constant 0 : i32
    %c0_i32_0 = arith.constant 0 : i32
    return %c1_i32, %arg0, %c0_i32 : i32, i32, i32
  }
  func.func @transform_2(%arg0: i32) -> (i32, i32) {
    %c0_i32 = arith.constant 0 : i32
    %c0_i32_0 = arith.constant 0 : i32
    %c0_i32_1 = arith.constant 0 : i32
    return %c0_i32, %c0_i32_0 : i32, i32
  }
  func.func @transform_3(%arg0: i32) -> i32 {
    %c0_i32 = arith.constant 0 : i32
    %c0_i32_0 = arith.constant 0 : i32
    return %c0_i32 : i32
  }
  func.func @transform_4(%arg0: i32) -> (i32, i32, i32) {
    %c0_i32 = arith.constant 0 : i32
    %c0_i32_0 = arith.constant 0 : i32
    %c0_i32_1 = arith.constant 0 : i32
    return %c0_i32, %arg0, %c0_i32_0 : i32, i32, i32
  }
}

module attributes {stable_mosaic.version = 14 : i64} {
  func.func @_t3_body(%arg0: i32, %arg1: memref<1x400x128xf32, #tpu.memory_space<vmem>>, %arg2: memref<1x400x128xf32, #tpu.memory_space<vmem>>, %arg3: memref<256x256xf32, #tpu.memory_space<vmem>>, %arg4: memref<256xf32, #tpu.memory_space<vmem>>, %arg5: memref<32x16xf32, #tpu.memory_space<vmem>>, %arg6: memref<400x256xf32, #tpu.memory_space<vmem>>, %arg7: memref<1x1xf32, #tpu.memory_space<smem>>) attributes {dimension_semantics = [#tpu.dimension_semantics<arbitrary>], iteration_bounds = array<i64: 25>, scalar_prefetch = 0 : i64, scratch_operands = 0 : i64, tpu.core_type = #tpu.core_type<tc>, window_params = [{transform_indices = @transform_0, window_bounds = array<i64: 1, 400, 128>}, {transform_indices = @transform_1, window_bounds = array<i64: 1, 400, 128>}, {pipeline_mode = #tpu.pipeline_mode<synchronous>, transform_indices = @transform_2, window_bounds = array<i64: 256, 256>}, {pipeline_mode = #tpu.pipeline_mode<synchronous>, transform_indices = @transform_3, window_bounds = array<i64: 256>}, {pipeline_mode = #tpu.pipeline_mode<synchronous>, transform_indices = @transform_4, window_bounds = array<i64: 32, 16>}, {transform_indices = @transform_5, window_bounds = array<i64: 400, 256>}, {transform_indices = @transform_6, window_bounds = array<i64: 1, 1>}]} {
    %get3A = arith.constant 0 : index
    %get3A_0 = arith.constant 0 : index
    %get3A_1 = arith.constant 0 : index
    %get3A_2 = vector.load %arg1[%get3A, %get3A_0, %get3A_1] : memref<1x400x128xf32, #tpu.memory_space<vmem>>, vector<1x400x128xf32>
    %get3A_3 = vector.shape_cast %get3A_2 : vector<1x400x128xf32> to vector<400x128xf32>
    %get3A_4 = arith.constant 0 : index
    %get3A_5 = arith.constant 0 : index
    %get3A_6 = vector.load %arg3[%get3A_4, %get3A_5] : memref<256x256xf32, #tpu.memory_space<vmem>>, vector<256x256xf32>
    %slice3A = vector.extract_strided_slice %get3A_6 {offsets = [0, 0], sizes = [128, 256], strides = [1, 1]} : vector<256x256xf32> to vector<128x256xf32>
    %dot_general3A = arith.constant dense<0.000000e+00> : vector<400x256xf32>
    %dot_general3A_7 = tpu.matmul %get3A_3, %slice3A, %dot_general3A {dimension_numbers = #tpu.dot_dimension_numbers<[1], [0], [0], [1], [0, 0, 1, 1], [], []>, transpose_lhs_hint = false} : vector<400x128xf32>, vector<128x256xf32>, vector<400x256xf32> -> vector<400x256xf32>
    %get3A_8 = arith.constant 0 : index
    %get3A_9 = arith.constant 0 : index
    %get3A_10 = arith.constant 0 : index
    %get3A_11 = vector.load %arg2[%get3A_8, %get3A_9, %get3A_10] : memref<1x400x128xf32, #tpu.memory_space<vmem>>, vector<1x400x128xf32>
    %get3A_12 = vector.shape_cast %get3A_11 : vector<1x400x128xf32> to vector<400x128xf32>
    %get3A_13 = arith.constant 0 : index
    %get3A_14 = arith.constant 0 : index
    %get3A_15 = vector.load %arg3[%get3A_13, %get3A_14] : memref<256x256xf32, #tpu.memory_space<vmem>>, vector<256x256xf32>
    %slice3A_16 = vector.extract_strided_slice %get3A_15 {offsets = [128, 0], sizes = [128, 256], strides = [1, 1]} : vector<256x256xf32> to vector<128x256xf32>
    %dot_general3A_17 = arith.constant dense<0.000000e+00> : vector<400x256xf32>
    %dot_general3A_18 = tpu.matmul %get3A_12, %slice3A_16, %dot_general3A_17 {dimension_numbers = #tpu.dot_dimension_numbers<[1], [0], [0], [1], [0, 0, 1, 1], [], []>, transpose_lhs_hint = false} : vector<400x128xf32>, vector<128x256xf32>, vector<400x256xf32> -> vector<400x256xf32>
    %add3A = arith.addf %dot_general3A_7, %dot_general3A_18 : vector<400x256xf32>
    %get3A_19 = arith.constant 0 : index
    %get3A_20 = vector.load %arg4[%get3A_19] : memref<256xf32, #tpu.memory_space<vmem>>, vector<256xf32>
    %broadcast_in_dim3A = vector.shape_cast %get3A_20 : vector<256xf32> to vector<1x256xf32>
    %add3A_21 = vector.broadcast %broadcast_in_dim3A : vector<1x256xf32> to vector<400x256xf32>
    %add3A_22 = arith.addf %add3A, %add3A_21 : vector<400x256xf32>
    %max3A = arith.constant 0.000000e+00 : f32
    %max3A_23 = vector.broadcast %max3A : f32 to vector<400x256xf32>
    %max3A_24 = arith.maximumf %add3A_22, %max3A_23 : vector<400x256xf32>
    %swap3A = arith.constant 0 : index
    %swap3A_25 = arith.constant 0 : index
    %swap3A_26 = vector.load %arg6[%swap3A, %swap3A_25] : memref<400x256xf32, #tpu.memory_space<vmem>>, vector<400x256xf32>
    tpu.vector_store %arg6[%swap3A, %swap3A_25], %max3A_24 {strides = array<i32>} : memref<400x256xf32, #tpu.memory_space<vmem>>, vector<400x256xf32>,
    %eq3A = arith.constant 0 : i32
    %eq3A_27 = arith.cmpi eq, %arg0, %eq3A : i32
    %convert_element_type3A = arith.extui %eq3A_27 : i1 to i32
    %cond3A = arith.constant 0 : i32
    %cond3A_28 = arith.cmpi ne, %convert_element_type3A, %cond3A : i32
    scf.if %cond3A_28 {
      %get3A_29 = arith.constant 0 : index
      %get3A_30 = arith.constant 0 : index
      %get3A_31 = vector.load %arg5[%get3A_29, %get3A_30] : memref<32x16xf32, #tpu.memory_space<vmem>>, vector<32x16xf32>
      %reduce_sum3A = vector.shape_cast %get3A_31 : vector<32x16xf32> to vector<1x32x16xf32>
      %reduce_sum3A_32 = arith.constant dense<0.000000e+00> : vector<1xf32>
      %reduce_sum3A_33 = vector.multi_reduction <add>, %reduce_sum3A, %reduce_sum3A_32 [1, 2] : vector<1x32x16xf32> to vector<1xf32>
      %reduce_sum3A_34 = vector.shape_cast %reduce_sum3A_33 : vector<1xf32> to vector<1x1x1xf32>
      %reduce_sum3A_35 = vector.extract %reduce_sum3A_34[0, 0, 0] : f32 from vector<1x1x1xf32>
      %mul3A = arith.constant 6.250000e-06 : f32
      %mul3A_36 = arith.mulf %reduce_sum3A_35, %mul3A : f32
      %swap3A_37 = arith.constant 0 : index
      %swap3A_38 = arith.constant 0 : index
      %swap3A_39 = memref.load %arg7[%swap3A_37, %swap3A_38] : memref<1x1xf32, #tpu.memory_space<smem>>
      memref.store %mul3A_36, %arg7[%swap3A_37, %swap3A_38] : memref<1x1xf32, #tpu.memory_space<smem>>
    } else {
    }
    return
  }
  func.func @transform_0(%arg0: i32) -> (i32, i32, i32) {
    %c0_i32 = arith.constant 0 : i32
    %c0_i32_0 = arith.constant 0 : i32
    %c0_i32_1 = arith.constant 0 : i32
    return %c0_i32, %arg0, %c0_i32_0 : i32, i32, i32
  }
  func.func @transform_1(%arg0: i32) -> (i32, i32, i32) {
    %c1_i32 = arith.constant 1 : i32
    %c0_i32 = arith.constant 0 : i32
    %c0_i32_0 = arith.constant 0 : i32
    return %c1_i32, %arg0, %c0_i32 : i32, i32, i32
  }
  func.func @transform_2(%arg0: i32) -> (i32, i32) {
    %c0_i32 = arith.constant 0 : i32
    %c0_i32_0 = arith.constant 0 : i32
    %c0_i32_1 = arith.constant 0 : i32
    return %c0_i32, %c0_i32_0 : i32, i32
  }
  func.func @transform_3(%arg0: i32) -> i32 {
    %c0_i32 = arith.constant 0 : i32
    %c0_i32_0 = arith.constant 0 : i32
    return %c0_i32 : i32
  }
  func.func @transform_4(%arg0: i32) -> (i32, i32) {
    %c0_i32 = arith.constant 0 : i32
    %c0_i32_0 = arith.constant 0 : i32
    %c0_i32_1 = arith.constant 0 : i32
    return %c0_i32, %c0_i32_0 : i32, i32
  }
  func.func @transform_5(%arg0: i32) -> (i32, i32) {
    %c0_i32 = arith.constant 0 : i32
    %c0_i32_0 = arith.constant 0 : i32
    return %arg0, %c0_i32 : i32, i32
  }
  func.func @transform_6(%arg0: i32) -> (i32, i32) {
    %c0_i32 = arith.constant 0 : i32
    %c0_i32_0 = arith.constant 0 : i32
    %c0_i32_1 = arith.constant 0 : i32
    return %c0_i32, %c0_i32_0 : i32, i32
  }
}

</mosaic_0001>

<sc_bundles>
// kernel: kernel.11.cloned.1.call-start
scs
__scs_entry_jumppad:
0x0: {  	(pc) =	sbr.rel $0x88, $3  }
0x1: {  	(tag) =	ssettag $0x0;
	lr =	simm.s32 $0x1  }
0x2: {  	[smem:$0x3F94] =	sst lr;
	_ =	strace $0xD0000000  }
0x3: {  	_ = 	snop  }
0x4: {  	_ = 	snop  }
0x5: {  	_ = 	snop  }
0x6: {  	_ = 	snop  }
0x7: {  	_ = 	snop  }
__scs_overlays_trampoline_lowered:
0x8: {  	[smem:$0x3FA3] =	sst s0  }
0x9: {  	[smem:$0x3FA4] =	sst s1  }
0xa: {  	[smem:$0x3FA5] =	sst s2  }
0xb: {  	[smem:$0x3FA6] =	sst s3  }
0xc: {  	[smem:$0x3FA7] =	sst s4  }
0xd: {  	[smem:$0x3FA8] =	sst s5  }
0xe: {  	[smem:$0x3FA9] =	sst s6  }
0xf: {  	[smem:$0x3FAA] =	sst s7  }
0x10: {  	[smem:$0x3FAB] =	sst s8  }
0x11: {  	[smem:$0x3FAC] =	sst s9;
	s0 =	simm.s32 @!p0 $0x0  }
0x12: {  	s1 =	sld [smem:$0x3F92];
	s0 =	simm.s32 @p0 $0x1  }
0x13: {  	[smem:$0x3FAD] =	sst s0;
	s0 =	simm.s32 @!p1 $0x0  }
0x14: {  	s2 =	sld [smem:$0x3F91];
	s0 =	simm.s32 @p1 $0x1  }
0x15: {  	[smem:$0x3FAE] =	sst s0;
	s0 =	simm.s32 @!p2 $0x0  }
0x16: {  	s3 =	sld [smem:$0x3FDB];
	s0 =	simm.s32 @p2 $0x1  }
0x17: {  	s4 =	simm.s32 $0x1BF5;
	[smem:$0x3FB0] =	sst s0  }
0x18: {  	s0 =	sld [smem:$0x3F93];
	_ =	swait.ge [sflag:s4], $0x0  }
0x19: {  	s7 =	sld [smem:$0x3F94]  }
0x1a: {  	s8 =	sadd.s32 $0xFFFFE003, lr  }
0x1b: {  	s9 =	sadd.s32 $0xFFFFFEF7, lr;
	s5 =	simm.s32 $0xFFFFFFFF;
	p2 =	slt.u32 s8, $0xFFFFF086  }
0x1c: {  	p1 =	slt.u32 s9, $0xF7A;
	s5 =	simm.s32 @!p2 $0x0  }
0x1d: {  	s5 =	simm.s32 @p1 $0x1;
	p0 =	seq.s32 s7, s2  }
0x1e: {  	s7 =	smul.u32 @!p0 $0xF7A, s2;
	p2 =	seq.s32 @!p0 s5, $0x0  }
0x1f: {  	s9 =	smul.u32 $0xF7A, s1;
	s8 =	simm.s32 @!p0 $0x1BF5;
	p2 =	por !p2, p0  }
0x20: {  	[sflag:s8] =	ssyncset.s32 @!p0 $0xFFFFF086;
	s6 =	sadd.s32 @!p0 s3, s7;
	s7 =	simm.s32 @!p0 $0x108  }
0x21: {  	s3 =	sadd.s32 s3, s9;
	s6 =	sadd.s32 @!p0 $0x88, s6;
	s7 =	simm.s32 @p2 $0x1082  }
0x22: {  	[simem:s7], [sflag:s8] =	dma.local @!p0 [hbm:s6], $0xF7A  }
0x23: {  	s9 =	sor.u32 $0xD0000000, s2;
	s6 =	simm.s32 $0x108;
	_ =	swait.ge @!p0 [sflag:s8], $0x0  }
0x24: {  	s3 =	sadd.s32 $0x88, s3;
	s6 =	simm.s32 @!p1 $0x1082;
	[sflag:s4] =	ssyncset.s32 $0xFFFFF086  }
0x25: {  	[simem:s6], [sflag:s4] =	dma.local [hbm:s3], $0xF7A  }
0x26: {  	[smem:$0x3F94] =	sst s1;
	(tag) =	ssettag s2;
	_ =	strace s9  }
0x27: {  	s1 =	sld [smem:$0x3FA4]  }
0x28: {  	s2 =	sld [smem:$0x3FA5]  }
0x29: {  	s4 =	sld [smem:$0x3FA7]  }
0x2a: {  	p0 =	seq.s32 s5, $0x0;
	s5 =	sld [smem:$0x3FA8]  }
0x2b: {  	s6 =	sld [smem:$0x3FA9]  }
0x2c: {  	s7 =	sld [smem:$0x3FAA]  }
0x2d: {  	s3 =	simm.s32 $0x108;
	s8 =	sld [smem:$0x3FAB]  }
0x2e: {  	s3 =	simm.s32 @!p0 $0x1082;
	s9 =	sld [smem:$0x3FAC]  }
0x2f: {  	lr =	sadd.s32 s0, s3;
	s0 =	sld [smem:$0x3FA3]  }
0x30: {  	s3 =	sld [smem:$0x3FA6]  }
0x31: {  	[smem:$0x3FAF] =	sst s10  }
0x32: {  	s10 =	sld [smem:$0x3FAD];
	_ =	sdelay $0x3  }
0x33: {  	p0 =	seq.s32 s10, $0x1;
	s10 =	sld [smem:$0x3FAF];
	_ =	sdelay $0x3  }
0x34: {  	[smem:$0x3FAF] =	sst s10  }
0x35: {  	s10 =	sld [smem:$0x3FAE];
	_ =	sdelay $0x3  }
0x36: {  	p1 =	seq.s32 s10, $0x1;
	s10 =	sld [smem:$0x3FAF];
	_ =	sdelay $0x3  }
0x37: {  	[smem:$0x3FAF] =	sst s10  }
0x38: {  	s10 =	sld [smem:$0x3FB0]  }
0x39: {  	_ = 	snop;
	(pc) =	sbr.ind lr, $3  }
0x3a: {  	_ = 	snop  }
0x3b: {  	_ = 	snop  }
0x3c: {  	p2 =	seq.s32 s10, $0x1;
	s10 =	sld [smem:$0x3FAF]  }
0x3d: {  	_ =	shalt  }
0x3e: {  	_ =	shalt  }
0x3f: {  	_ =	shalt  }
0x40: {  	_ =	shalt  }
0x41: {  	_ =	shalt  }
0x42: {  	_ =	shalt  }
0x43: {  	_ =	shalt  }
0x44: {  	_ =	shalt  }
0x45: {  	_ =	shalt  }
0x46: {  	_ =	shalt  }
0x47: {  	_ =	shalt  }
0x48: {  	_ =	shalt  }
0x49: {  	_ =	shalt  }
0x4a: {  	_ =	shalt  }
0x4b: {  	_ =	shalt  }
0x4c: {  	_ =	shalt  }
0x4d: {  	_ =	shalt  }
0x4e: {  	_ =	shalt  }
0x4f: {  	_ =	shalt  }
0x50: {  	_ =	shalt  }
0x51: {  	_ =	shalt  }
0x52: {  	_ =	shalt  }
0x53: {  	_ =	shalt  }
0x54: {  	_ =	shalt  }
0x55: {  	_ =	shalt  }
0x56: {  	_ =	shalt  }
0x57: {  	_ =	shalt  }
0x58: {  	_ =	shalt  }
0x59: {  	_ =	shalt  }
0x5a: {  	_ =	shalt  }
0x5b: {  	_ =	shalt  }
0x5c: {  	_ =	shalt  }
0x5d: {  	_ =	shalt  }
0x5e: {  	_ =	shalt  }
0x5f: {  	_ =	shalt  }
0x60: {  	_ =	shalt  }
0x61: {  	_ =	shalt  }
0x62: {  	_ =	shalt  }
0x63: {  	_ =	shalt  }
0x64: {  	_ =	shalt  }
0x65: {  	_ =	shalt  }
0x66: {  	_ =	shalt  }
0x67: {  	_ =	shalt  }
0x68: {  	_ =	shalt  }
0x69: {  	_ =	shalt  }
0x6a: {  	_ =	shalt  }
0x6b: {  	_ =	shalt  }
0x6c: {  	_ =	shalt  }
0x6d: {  	_ =	shalt  }
0x6e: {  	_ =	shalt  }
0x6f: {  	_ =	shalt  }
0x70: {  	_ =	shalt  }
0x71: {  	_ =	shalt  }
0x72: {  	_ =	shalt  }
0x73: {  	_ =	shalt  }
0x74: {  	_ =	shalt  }
0x75: {  	_ =	shalt  }
0x76: {  	_ =	shalt  }
0x77: {  	_ =	shalt  }
0x78: {  	_ =	shalt  }
0x79: {  	_ =	shalt  }
0x7a: {  	_ =	shalt  }
0x7b: {  	_ =	shalt  }
0x7c: {  	_ =	shalt  }
0x7d: {  	_ =	shalt  }
0x7e: {  	_ =	shalt  }
0x7f: {  	_ =	shalt  }
0x80: {  	_ =	shalt  }
0x81: {  	_ =	shalt  }
0x82: {  	_ =	shalt  }
0x83: {  	_ =	shalt  }
0x84: {  	_ =	shalt  }
0x85: {  	_ =	shalt  }
0x86: {  	_ =	shalt  }
0x87: {  	_ =	shalt  }
.Lfunc_end0:
.L_simem_size_0:
called_computation.1_lowered:
.L_overlay_start_0:
0x88: {  	s2 =	sld [smem:$0x3FD9]  }
0x89: {  	s3 =	sld [smem:$0x3FFE];
	_ =	sdelay $0x1  }
0x8a: {  	s1 =	srdreg.scid  }
0x8b: {  	s0 =	sand.u32 $0x1, s1  }
0x8c: {  	s14 =	sshll.u32 s0, $0xA;
	s2 =	sadd.s32 s3, s2  }
0x8d: {  	s2 =	sadd.s32 s2, s14  }
0x8e: {  	[smem:$0x3FBB] =	sst s2  }
0x8f: {  	_ = 	snop  }
0x90: {  	s2 =	sld [smem:$0x3FD0];
	_ =	sdelay $0x2  }
0x91: {  	s15 =	simm.s32 $0xA;
	s4 =	simm.s32 $0x10  }
0x92: {  	[smem:s4], [sflag:s15] =	dma.local [hbm:s2], $0x1  }
0x93: {  	_ =	swait.eq [sflag:s15], $0x1  }
0x94: {  	[sflag:s15] =	ssyncset.done $0x0  }
0x95: {  	[sflag:s15] =	ssyncadd.s32 $0xFFFFFFFF  }
0x96: {  	s16 =	sld [smem:$0x10];
	(tm) =	ssettm $0x1  }
0x97: {  	s17 =	sld [smem:$0x3FFB];
	_ =	sdelay $0x3  }
0x98: {  	_ =	strace s17  }
0x99: {  	s3 =	sld [smem:$0x3FFC];
	_ =	sdelay $0x3  }
0x9a: {  	_ =	strace s3  }
0x9b: {  	s3 =	sld [smem:$0x3FFD];
	_ =	sdelay $0x3  }
0x9c: {  	_ =	strace s3  }
0x9d: {  	_ =	strace $0x8FFFFFFF  }
0x9e: {  	s18 =	sld [smem:$0x3FDB];
	_ =	sdelay $0x1  }
0x9f: {  	s19 =	simm.s32 $_scs_section_size  }
0xa0: {  	s5 =	simm.s32 $_size__tile_overlayer_lowered;
	s6 =	simm.s32 $_tile_overlayer_lowered  }
0xa1: {  	s22 =	simm.s32 $0x1BFF;
	s21 =	sshll.u32 s6, $0x1;
	s3 =	sadd.s32 s19, s18  }
0xa2: {  	s7 =	simm.s32 $0x0;
	s20 =	sshll.u32 s5, $0x1;
	s5 =	sadd.s32 s21, s3  }
0xa3: {  	[timem:s7], [sflag:s22] =	dma.local [hbm:s5], s20  }
0xa4: {  	_ =	swait.ge [sflag:s22], s20  }
0xa5: {  	s4 =	ssub.s32 $0x0, s20;
	[sflag:s22] =	ssyncset.done $0x0  }
0xa6: {  	[sflag:s22] =	ssyncadd.s32 s4;
	_ =	sdelay $0x1  }
0xa7: {  	s23 =	simm.s32 $0x1B8B  }
0xa8: {  	_ =	swait.ge [sflag:s23], $0x1  }
0xa9: {  	[sflag:s23] =	ssyncset.done $0x0  }
0xaa: {  	s25 =	simm.s32 $0x1B8E;
	s24 =	sld [smem:$0x3FFE];
	[sflag:s23] =	ssyncadd.s32 $0xFFFFFFFF  }
0xab: {  	s26 =	simm.s32 $execute0_lowered;
	[smem:$0x3FD2] =	sst s25  }
0xac: {  	s5 =	sshll.u32 s26, $0x1;
	_ =	strace $0x80000049;
	[dreg:$0x1] =	wrdreg $0xFFFFFFFF  }
0xad: {  	s28 =	simm.s32 $_size_execute0_lowered;
	s3 =	sadd.s32 s3, s5;
	[dreg:$0x0] =	wrdreg $0x0  }
0xae: {  	s5 =	sshll.u32 s28, $0x1;
	[dreg:$0x2] =	wrdreg s3  }
0xaf: {  	[dreg:$0x3] =	wrdreg s5  }
0xb0: {  	[dreg:$0x4] =	wrdreg $0xC0  }
0xb1: {  	_ =	task [dreg:s7], $0x5FFFF  }
0xb2: {  	[dreg:$0x1] =	wrdreg $0xFFFFFFFF  }
0xb3: {  	[dreg:$0x0] =	wrdreg $0x60  }
0xb4: {  	[dreg:$0x2] =	wrdreg s16  }
0xb5: {  	[dreg:$0x3] =	wrdreg s24  }
0xb6: {  	[dreg:$0x4] =	wrdreg $0x0  }
0xb7: {  	[dreg:$0x5] =	wrdreg $0x9  }
0xb8: {  	_ =	task.clear_ibuf [dreg:s7], $0x6FFFF;
	_ =	strace $0x90000049  }
0xb9: {  	s29 =	simm.s32 $0x9;
	_ =	strace $0x8000004B  }
0xba: {  	_ =	swait.ge [sflag:s29], $0x1  }
0xbb: {  	[sflag:s29] =	ssyncadd.s32 $0xFFFFFFFF  }
0xbc: {  	_ =	strace $0x9000004B  }
0xbd: {  	_ =	sfence  }
0xbe: {  	s30 =	sld [smem:$0x0];
	_ =	sdelay $0x2  }
0xbf: {  	s31 =	sshll.u32 s1, $0xD;
	s1 =	sshrl.u32 s1, $0x2  }
0xc0: {  	s3 =	sand.u32 $0x4000, s31;
	s1 =	sadd.s32 s1, s30  }
0xc1: {  	s0 =	sor.u32 s3, s0;
	s1 =	sshll.u32 s1, $0x11  }
0xc2: {  	s0 =	sor.u32 s1, s0  }
0xc3: {  	s0 =	sadd.s32 $0x8F2B, s0  }
0xc4: {  	[sflag:s0] =	ssyncadd.remote.s32 $0x1  }
0xc5: {  	_ =	sfence.sel $0xFFFF  }
0xc6: {  	[dreg:$0x0] =	wrdreg $0xFFFFFFFF;
	(pc) =	sbr.abs _section_cstart, $3  }
0xc7: {  	[dreg:$0x1] =	wrdreg $0xFFFFFFFF  }
0xc8: {  	_ =	task.clear_ibuf [dreg:s7], $0x2FFFF;
	_ =	strace $0x9FFFFFFF  }
0xc9: {  	(tm) =	ssettm $0x7FFFFFFF  }
tec
execute0_lowered:
.L_overlay_start_1:
0x0: {  	(tag) =	ssettag $0x1  }
0x1: {  	s1 =	rddreg [dreg:$0x0]  }
0x2: {  	s0 =	rddreg [dreg:$0x1]  }
0x3: {  	s3 =	rddreg [dreg:$0x2];
	s4 =	simm.s32 $0x0  }
0x4: {  	s2 =	srdreg.scid;
	s14 =	stileid.u32;
	s28 =	simm.s32 $0x16280  }
0x5: {  	s29 =	simm.s32 $0x16300;
	s30 =	simm.s32 $0x1;
	s31 =	simm.s32 $0x18300  }
0x6: {  	[smem:$0x7FF] =	sst s4;
	s2 =	sand.u32 $0x1, s2;
	s10 =	smul.u32 $0x14000, s14  }
0x7: {  	s5 =	sadd.s32 $0x64A00, s0;
	s6 =	sadd.s32 $0x50600, s0;
	s7 =	sadd.s32 $0x5FA00, s0  }
0x8: {  	s19 =	sadd.s32 $0x55600, s0;
	s21 =	sshll.u32 s14, $0x6;
	s8 =	smul.u32 $0x140000, s2  }
0x9: {  	_ =	strace $0x8000004A;
	s11 =	ssub.s32 $0x2, s2;
	[dreg:$0x4] =	wrdreg s19  }
0xa: {  	s19 =	simm.s32 $0x3;
	s13 =	sshrl.u32 s11, $0x1;
	s9 =	sadd.s32 s10, s8  }
0xb: {  	s8 =	smul.u32 $0x2800, s14;
	s20 =	ssub.s32 s11, s13;
	s10 =	sadd.s32 s10, s3  }
0xc: {  	s11 =	sor.u32 $0x1C03, s21;
	s21 =	simm.s32 $0x14080;
	s12 =	sshrl.u32 s9, $0x3  }
0xd: {  	s9 =	smul.u32 $0x28000, s2;
	s26 =	smax.u32 s20, $0x1;
	s18 =	sshrl.u32 s10, $0x3  }
0xe: {  	s2 =	simm.s32 $0x0;
	s0 =	sadd.s32 s12, s0;
	s23 =	sshrl.u32 s8, $0x3  }
0xf: {  	v0 =	vlaneseq.u32;
	s15 =	sor.u32 $0x100, s8;
	[dreg:$0x9] =	wrdreg s26;
	s24 =	sadd.s32 s6, s23  }
0x10: {  	v1 =	vmul.u32 $0x2, v0;
	s26 =	simm.s32 $0x16200;
	s25 =	sadd.s32 s7, s23;
	[dreg:$0x6] =	wrdreg s24  }
0x11: {  	v3 =	vor.u32 $0x10, v0;
	s22 =	sadd.s32 s8, s9;
	s0 =	sadd.s32 $0x6EA00, s0;
	[dreg:$0x7] =	wrdreg s25  }
0x12: {  	v6 =	vor.u32 $0x20, v0;
	v9 =	vor.u32 $0x30, v0;
	v2 =	vor.u32 $0x1, v1;
	s23 =	simm.s32 $0x80;
	s12 =	sshrl.u32 s22, $0x3;
	[dreg:$0x8] =	wrdreg s0  }
0x13: {  	v4 =	vor.u32 $0x20, v1;
	v5 =	vor.u32 $0x21, v1;
	v7 =	vor.u32 $0x40, v1;
	s22 =	simm.s32 $0x14100;
	s24 =	simm.s32 $0x14180;
	s12 =	sadd.s32 s5, s12  }
0x14: {  	v8 =	vor.u32 $0x41, v1;
	v10 =	vor.u32 $0x60, v1;
	v11 =	vor.u32 $0x61, v1;
	s25 =	simm.s32 $0x16180;
	s0 =	simm.s32 $0x2;
	[dreg:$0x5] =	wrdreg s12  }
.LBB2_1:
0x15: {  	s10 =	rddreg [dreg:$0x4]  }
0x16: {  	[spmem:s18], [sflag:s11] =	dma.local [hbm:s10], $0x2800  }
0x17: {  	_ =	swait.ge [sflag:s19], $0x2800  }
0x18: {  	[sflag:s19] =	ssyncset.done $0x0  }
0x19: {  	[sflag:s19] =	ssyncadd.s32 $0xFFFFD800  }
0x1a: {  	[bflag:$0x0] =	sbarrier.arrive $0xFFFF  }
0x1b: {  	s12 =	simm.s32 $0x14000;
	s16 =	rddreg [dreg:$0x5]  }
0x1c: {  	[tilespmem:s12], [sflag:$0x3] =	stream.linear.gather [hbm4b:s16+s4], $0x80, $0x38;
	[tilespmem:$0x1C300] =	vst v63  }
0x1d: {  	_ =	swait.ge [sflag:s19], $0x80  }
0x1e: {  	[sflag:s19] =	ssyncset.done $0x0  }
0x1f: {  	s17 =	rddreg [dreg:$0x6];
	[sflag:s19] =	ssyncadd.s32 $0xFFFFFF80  }
0x20: {  	[tilespmem:s21], [sflag:$0x3] =	stream.linear.gather [hbm4b:s17+s4], $0x80, $0x38;
	[tilespmem:$0x1C300] =	vst v63  }
0x21: {  	_ =	swait.ge [sflag:s19], $0x80  }
0x22: {  	[sflag:s19] =	ssyncset.done $0x0  }
0x23: {  	s20 =	rddreg [dreg:$0x7];
	[sflag:s19] =	ssyncadd.s32 $0xFFFFFF80  }
0x24: {  	[tilespmem:s22], [sflag:$0x3] =	stream.linear.gather [hbm4b:s20+s4], $0x80, $0x38;
	[tilespmem:$0x1C300] =	vst v63  }
0x25: {  	_ =	swait.ge [sflag:s19], $0x80  }
0x26: {  	[sflag:s19] =	ssyncset.done $0x0  }
0x27: {  	s10 =	simm.s32 $0x0;
	[sflag:s19] =	ssyncadd.s32 $0xFFFFFF80  }
0x28: {  	[tilespmem:s24], [sflag:$0x1] =	stream.indirect.gather [hbm4b:s1+s23], $0x40, s12, s23, $0xb8;
	[tilespmem:$0x1C300] =	vst v63  }
.LBB2_2:
0x29: {  	s20 =	sshll.u32 s10, $0x8  }
0x2a: {  	s12 =	sadd.s32 s20, s8  }
0x2b: {  	s12 =	sadd.s32 $0x80, s12  }
0x2c: {  	s13 =	sadd.s32 s9, s12  }
0x2d: {  	s13 =	sshrl.u32 s13, $0x3  }
0x2e: {  	s13 =	sadd.s32 s5, s13  }
0x2f: {  	[tilespmem:s25], [sflag:$0x3] =	stream.linear.gather [hbm4b:s13+s4], $0x80, $0x38;
	[tilespmem:$0x1C300] =	vst v63  }
0x30: {  	_ =	swait.ge [sflag:s19], $0x80  }
0x31: {  	s12 =	sshrl.u32 s12, $0x3;
	[sflag:s19] =	ssyncset.done $0x0  }
0x32: {  	s17 =	sadd.s32 s6, s12;
	[sflag:s19] =	ssyncadd.s32 $0xFFFFFF80  }
0x33: {  	[tilespmem:s26], [sflag:$0x3] =	stream.linear.gather [hbm4b:s17+s4], $0x80, $0x38;
	[tilespmem:$0x1C300] =	vst v63  }
0x34: {  	_ =	swait.ge [sflag:s19], $0x80  }
0x35: {  	[sflag:s19] =	ssyncset.done $0x0  }
0x36: {  	s12 =	sadd.s32 s7, s12;
	[sflag:s19] =	ssyncadd.s32 $0xFFFFFF80  }
0x37: {  	v12 =	vimm.s32 $0x0;
	[tilespmem:s28], [sflag:$0x3] =	stream.linear.gather [hbm4b:s12+s4], $0x80, $0x38;
	[tilespmem:$0x1C300] =	vst v63  }
0x38: {  	v13 =	vor.u32 $0x1, v12;
	_ =	swait.ge [sflag:s19], $0x80  }
0x39: {  	v16 =	vshll.u32 v13, $0x6;
	[sflag:s19] =	ssyncset.done $0x0  }
0x3a: {  	v14 =	vor.u32 v0, v16;
	[sflag:s19] =	ssyncadd.s32 $0xFFFFFF80  }
0x3b: {  	[tilespmem:s29], [sflag:$0x2] =	stream.indirect.gather [hbm4b:s1+s23], $0x40, s25, s23, $0xb8;
	[tilespmem:$0x1C300] =	vst v63  }
0x3c: {  	v15 =	vshll.u32 v12, $0x6;
	_ =	swait.ge [sflag:s30], $0x2000  }
0x3d: {  	v17 =	vor.u32 v0, v15;
	[sflag:s30] =	ssyncset.done $0x0  }
0x3e: {  	[sflag:s30] =	ssyncadd.s32 $0xFFFFE000  }
0x3f: {  	v14 =	vld.idx.msk [tilespmem:v14+s24+$0x0], $0xffff  }
0x40: {  	v22 =	vld.idx.msk [tilespmem:v13+s22+$0x0], $0xffff  }
0x41: {  	v21 =	vshll.u32 v12, $0x7;
	v28 =	vadd.s32 $0x2, v12;
	v23 =	vshll.u32 v13, $0x7  }
0x42: {  	v24 =	vor.u32 v1, v21;
	v25 =	vor.u32 v2, v21;
	v13 =	vor.u32 v1, v23;
	v17 =	vld.idx.msk [tilespmem:v17+s24+$0x0], $0xffff  }
0x43: {  	v26 =	vor.u32 v3, v15;
	v27 =	vor.u32 v5, v21;
	v18 =	vor.u32 v2, v23;
	v29 =	vld.idx.msk [tilespmem:v12+s22+$0x0], $0xffff  }
0x44: {  	v30 =	vor.u32 v7, v21;
	v20 =	vor.u32 v3, v16;
	v19 =	vunpack.i.l.bf16.f32 v14  }
0x45: {  	v32 =	vor.u32 v8, v21;
	v14 =	vunpack.i.u.bf16.f32 v14;
	v19 =	vmul.f32 v19, v22  }
0x46: {  	v34 =	vshll.u32 v28, $0x6;
	v36 =	vshll.u32 v28, $0x7;
	v14 =	vmul.f32 v14, v22  }
0x47: {  	v33 =	vor.u32 v6, v16;
	v35 =	vor.u32 v0, v34;
	[tilespmem:v13+s31+$0x0] =	vst.idx.msk $0xffff, v19;
	v13 =	vunpack.i.l.bf16.f32 v17  }
0x48: {  	v37 =	vor.u32 v2, v36;
	[tilespmem:v18+s31+$0x0] =	vst.idx.msk $0xffff, v14;
	v14 =	vunpack.i.u.bf16.f32 v17;
	v13 =	vmul.f32 v13, v29  }
0x49: {  	v39 =	vor.u32 v3, v34;
	v17 =	vld.idx.msk [tilespmem:v20+s24+$0x0], $0xffff;
	v12 =	vmul.f32 v14, v29;
	v14 =	vor.u32 $0x1, v28  }
0x4a: {  	v63 =	vor.u32 v4, v36;
	v41 =	vor.u32 v5, v36;
	[tilespmem:v24+s31+$0x0] =	vst.idx.msk $0xffff, v13;
	v31 =	vshll.u32 v14, $0x6  }
0x4b: {  	v16 =	vor.u32 v9, v16;
	[tilespmem:v25+s31+$0x0] =	vst.idx.msk $0xffff, v12;
	v13 =	vor.u32 v0, v31  }
0x4c: {  	v44 =	vor.u32 v6, v34;
	v19 =	vor.u32 v4, v21;
	v12 =	vor.u32 v4, v23;
	v25 =	vld.idx.msk [tilespmem:v26+s24+$0x0], $0xffff  }
0x4d: {  	v18 =	vor.u32 v11, v21;
	v20 =	vor.u32 v6, v15;
	v26 =	vor.u32 v5, v23  }
0x4e: {  	v24 =	vor.u32 v9, v15;
	v15 =	vor.u32 v10, v21;
	v21 =	vunpack.i.l.bf16.f32 v17  }
0x4f: {  	v53 =	vor.u32 v10, v23;
	v35 =	vld.idx.msk [tilespmem:v35+s24+$0x0], $0xffff;
	v17 =	vunpack.i.u.bf16.f32 v17;
	v21 =	vmul.f32 v21, v22  }
0x50: {  	v42 =	vor.u32 v3, v31;
	v55 =	vor.u32 v6, v31;
	v17 =	vmul.f32 v17, v22;
	v38 =	vld.idx.msk [tilespmem:v13+s24+$0x0], $0xffff  }
0x51: {  	v31 =	vor.u32 v9, v31;
	[tilespmem:v12+s31+$0x0] =	vst.idx.msk $0xffff, v21;
	v12 =	vld.idx.msk [tilespmem:v14+s22+$0x0], $0xffff;
	v13 =	vunpack.i.l.bf16.f32 v25  }
0x52: {  	[tilespmem:v26+s31+$0x0] =	vst.idx.msk $0xffff, v17;
	v17 =	vunpack.i.u.bf16.f32 v25;
	v25 =	vmul.f32 v13, v29;
	v13 =	vld.idx.msk [tilespmem:v28+s22+$0x0], $0xffff  }
0x53: {  	v21 =	vor.u32 v1, v36;
	v14 =	vshll.u32 v14, $0x7;
	v26 =	vld.idx.msk [tilespmem:v33+s24+$0x0], $0xffff;
	v17 =	vmul.f32 v17, v29  }
0x54: {  	v40 =	vor.u32 v1, v14;
	v52 =	vor.u32 v4, v14;
	[tilespmem:v19+s31+$0x0] =	vst.idx.msk $0xffff, v25  }
0x55: {  	v46 =	vunpack.i.l.bf16.f32 v35;
	v62 =	vor.u32 v7, v14;
	v19 =	vor.u32 v2, v14;
	[tilespmem:v27+s31+$0x0] =	vst.idx.msk $0xffff, v17  }
0x56: {  	v25 =	vor.u32 v7, v23;
	v17 =	vunpack.i.l.bf16.f32 v38;
	v38 =	vunpack.i.u.bf16.f32 v38;
	v20 =	vld.idx.msk [tilespmem:v20+s24+$0x0], $0xffff  }
0x57: {  	v27 =	vor.u32 v8, v23;
	v17 =	vmul.f32 v17, v12;
	v38 =	vmul.f32 v38, v12  }
0x58: {  	v47 =	vmul.f32 v46, v13;
	v46 =	vor.u32 v11, v23;
	v43 =	vunpack.i.l.bf16.f32 v26  }
0x59: {  	[tilespmem:v40+s31+$0x0] =	vst.idx.msk $0xffff, v17;
	v17 =	vunpack.i.u.bf16.f32 v26;
	v40 =	vor.u32 v7, v36;
	v26 =	vmul.f32 v43, v22  }
0x5a: {  	v35 =	vunpack.i.u.bf16.f32 v35;
	[tilespmem:v19+s31+$0x0] =	vst.idx.msk $0xffff, v38;
	v17 =	vmul.f32 v17, v22;
	v19 =	vor.u32 v8, v36  }
0x5b: {  	[tilespmem:v25+s31+$0x0] =	vst.idx.msk $0xffff, v26;
	v25 =	vmul.f32 v35, v13;
	v26 =	vld.idx.msk [tilespmem:v42+s24+$0x0], $0xffff;
	v48 =	vunpack.i.u.bf16.f32 v20  }
0x5c: {  	v49 =	vunpack.i.l.bf16.f32 v20;
	v42 =	vadd.s32 $0x2, v28;
	[tilespmem:v27+s31+$0x0] =	vst.idx.msk $0xffff, v17;
	v17 =	vor.u32 v11, v36  }
0x5d: {  	[tilespmem:v21+s31+$0x0] =	vst.idx.msk $0xffff, v47;
	v28 =	vor.u32 $0x1, v42;
	v51 =	vld.idx.msk [tilespmem:v16+s24+$0x0], $0xffff;
	v16 =	vor.u32 v10, v36;
	v36 =	vshll.u32 v42, $0x6  }
0x5e: {  	v27 =	vmul.f32 v49, v29;
	[tilespmem:v37+s31+$0x0] =	vst.idx.msk $0xffff, v25;
	v21 =	vshll.u32 v28, $0x6;
	v25 =	vor.u32 v0, v36  }
0x5f: {  	v20 =	vor.u32 v9, v34;
	v50 =	vmul.f32 v48, v29;
	v39 =	vld.idx.msk [tilespmem:v39+s24+$0x0], $0xffff;
	v54 =	vor.u32 v0, v21  }
0x60: {  	[tilespmem:v30+s31+$0x0] =	vst.idx.msk $0xffff, v27;
	v27 =	vor.u32 v5, v14;
	v48 =	vor.u32 v3, v36;
	v45 =	vunpack.i.l.bf16.f32 v26  }
0x61: {  	v33 =	vor.u32 v9, v36;
	[tilespmem:v32+s31+$0x0] =	vst.idx.msk $0xffff, v50;
	v26 =	vunpack.i.u.bf16.f32 v26;
	v23 =	vmul.f32 v45, v12  }
0x62: {  	v49 =	vld.idx.msk [tilespmem:v24+s24+$0x0], $0xffff;
	v45 =	vshll.u32 v42, $0x7;
	v30 =	vunpack.i.l.bf16.f32 v51;
	v56 =	vunpack.i.u.bf16.f32 v51  }
0x63: {  	v38 =	vor.u32 v1, v45;
	v30 =	vmul.f32 v30, v22;
	[tilespmem:v52+s31+$0x0] =	vst.idx.msk $0xffff, v23;
	v57 =	vld.idx.msk [tilespmem:v25+s24+$0x0], $0xffff  }
0x64: {  	v34 =	vmul.f32 v56, v22;
	v22 =	vmul.f32 v26, v12;
	v58 =	vld.idx.msk [tilespmem:v54+s24+$0x0], $0xffff;
	v26 =	vunpack.i.u.bf16.f32 v39  }
0x65: {  	v23 =	vld.idx.msk [tilespmem:v28+s22+$0x0], $0xffff;
	v59 =	vmul.f32 v26, v13;
	[tilespmem:v53+s31+$0x0] =	vst.idx.msk $0xffff, v30;
	v30 =	vunpack.i.l.bf16.f32 v39  }
0x66: {  	v26 =	vshll.u32 v28, $0x7;
	[tilespmem:v27+s31+$0x0] =	vst.idx.msk $0xffff, v22;
	v22 =	vld.idx.msk [tilespmem:v42+s22+$0x0], $0xffff;
	v39 =	vmul.f32 v30, v13  }
0x67: {  	v47 =	vor.u32 v2, v45;
	v24 =	vor.u32 v7, v45;
	v50 =	vor.u32 v1, v26;
	v32 =	vld.idx.msk [tilespmem:v55+s24+$0x0], $0xffff  }
0x68: {  	v51 =	vor.u32 v3, v21;
	v60 =	vor.u32 v2, v26;
	[tilespmem:v63+s31+$0x0] =	vst.idx.msk $0xffff, v39  }
0x69: {  	v25 =	vor.u32 v4, v45;
	v28 =	vor.u32 v6, v36;
	v61 =	vunpack.i.l.bf16.f32 v58;
	[tilespmem:v41+s31+$0x0] =	vst.idx.msk $0xffff, v59  }
0x6a: {  	v27 =	vor.u32 v5, v45;
	v37 =	vunpack.i.u.bf16.f32 v58;
	v39 =	vmul.f32 v61, v23;
	v44 =	vld.idx.msk [tilespmem:v44+s24+$0x0], $0xffff  }
0x6b: {  	[tilespmem:v46+s31+$0x0] =	vst.idx.msk $0xffff, v34;
	v63 =	vor.u32 v8, v14;
	v54 =	vunpack.i.l.bf16.f32 v57;
	v37 =	vmul.f32 v37, v23  }
0x6c: {  	v35 =	vunpack.i.u.bf16.f32 v57;
	v57 =	vmul.f32 v54, v22;
	v55 =	vunpack.i.l.bf16.f32 v32;
	[tilespmem:v50+s31+$0x0] =	vst.idx.msk $0xffff, v39  }
0x6d: {  	v30 =	vor.u32 v8, v45;
	v32 =	vunpack.i.u.bf16.f32 v32;
	v56 =	vmul.f32 v55, v12;
	[tilespmem:v60+s31+$0x0] =	vst.idx.msk $0xffff, v37  }
0x6e: {  	v59 =	vunpack.i.l.bf16.f32 v49;
	v58 =	vmul.f32 v35, v22;
	v32 =	vmul.f32 v32, v12;
	[tilespmem:v38+s31+$0x0] =	vst.idx.msk $0xffff, v57  }
0x6f: {  	v34 =	vmul.f32 v59, v29;
	v60 =	vunpack.i.u.bf16.f32 v49;
	v37 =	vld.idx.msk [tilespmem:v51+s24+$0x0], $0xffff;
	[tilespmem:v62+s31+$0x0] =	vst.idx.msk $0xffff, v56;
	v61 =	vunpack.i.l.bf16.f32 v44  }
0x70: {  	v35 =	vmul.f32 v60, v29;
	[tilespmem:v63+s31+$0x0] =	vst.idx.msk $0xffff, v32;
	v62 =	vunpack.i.u.bf16.f32 v44;
	v63 =	vmul.f32 v61, v13  }
0x71: {  	[tilespmem:v47+s31+$0x0] =	vst.idx.msk $0xffff, v58;
	v29 =	vor.u32 v11, v45;
	v39 =	vmul.f32 v62, v13;
	v36 =	vld.idx.msk [tilespmem:v31+s24+$0x0], $0xffff  }
0x72: {  	s12 =	simm.s32 $0x4;
	v38 =	vld.idx.msk [tilespmem:v48+s24+$0x0], $0xffff;
	v32 =	vadd.s32 $0x2, v42;
	v31 =	vor.u32 v10, v45;
	[tilespmem:v40+s31+$0x0] =	vst.idx.msk $0xffff, v63  }
.LBB2_3:
0x73: {  	v40 =	vshll.u32 v32, $0x6;
	v41 =	vor.u32 $0x1, v32;
	v42 =	vor.u32 v4, v26;
	[tilespmem:v19+s31+$0x0] =	vst.idx.msk $0xffff, v39;
	v19 =	vmovc v30  }
0x74: {  	v44 =	vor.u32 v10, v14;
	v30 =	vor.u32 v0, v40;
	v39 =	vshll.u32 v41, $0x6;
	v43 =	vld.idx.msk [tilespmem:v20+s24+$0x0], $0xffff;
	v20 =	vmovc v33  }
0x75: {  	v46 =	vor.u32 v11, v14;
	v45 =	vunpack.i.l.bf16.f32 v37;
	v33 =	vor.u32 v0, v39;
	[tilespmem:v15+s31+$0x0] =	vst.idx.msk $0xffff, v34  }
0x76: {  	v15 =	vmul.f32 v45, v23;
	v34 =	vor.u32 v5, v26;
	v47 =	vunpack.i.l.bf16.f32 v36;
	[tilespmem:v18+s31+$0x0] =	vst.idx.msk $0xffff, v35  }
0x77: {  	v14 =	vmovc v26;
	v18 =	vor.u32 v6, v21;
	v35 =	vunpack.i.u.bf16.f32 v36;
	v36 =	vmul.f32 v47, v12;
	v45 =	vld.idx.msk [tilespmem:v32+s22+$0x0], $0xffff  }
0x78: {  	v26 =	vunpack.i.u.bf16.f32 v37;
	v47 =	vshll.u32 v32, $0x7;
	[tilespmem:v42+s31+$0x0] =	vst.idx.msk $0xffff, v15;
	v15 =	vmul.f32 v35, v12;
	v12 =	vmovc v23  }
0x79: {  	v42 =	vor.u32 v1, v47;
	v35 =	vld.idx.msk [tilespmem:v30+s24+$0x0], $0xffff;
	v26 =	vmul.f32 v26, v12;
	[tilespmem:v44+s31+$0x0] =	vst.idx.msk $0xffff, v36  }
0x7a: {  	s12 =	sadd.s32 $0x2, s12;
	v48 =	vor.u32 v3, v40;
	v44 =	vor.u32 v2, v47;
	v33 =	vld.idx.msk [tilespmem:v33+s24+$0x0], $0xffff;
	[tilespmem:v46+s31+$0x0] =	vst.idx.msk $0xffff, v15  }
0x7b: {  	p0 =	slt.u32 s12, $0x7E;
	v50 =	vunpack.i.u.bf16.f32 v38;
	v36 =	vor.u32 v4, v47;
	v30 =	vunpack.i.l.bf16.f32 v38;
	v23 =	vld.idx.msk [tilespmem:v41+s22+$0x0], $0xffff;
	[tilespmem:v34+s31+$0x0] =	vst.idx.msk $0xffff, v26  }
0x7c: {  	v38 =	vmul.f32 v50, v22;
	v37 =	vmul.f32 v30, v22;
	v34 =	vor.u32 v5, v47;
	v46 =	vld.idx.msk [tilespmem:v18+s24+$0x0], $0xffff  }
0x7d: {  	v49 =	vor.u32 v7, v47;
	v26 =	vshll.u32 v41, $0x7;
	v18 =	vor.u32 v6, v40;
	v15 =	vmovc v16;
	v16 =	vmovc v31  }
0x7e: {  	v30 =	vor.u32 v8, v47;
	v41 =	vunpack.i.u.bf16.f32 v43;
	v31 =	vor.u32 v1, v26;
	[tilespmem:v25+s31+$0x0] =	vst.idx.msk $0xffff, v37  }
0x7f: {  	v50 =	vor.u32 v2, v26;
	v37 =	vunpack.i.u.bf16.f32 v35;
	v35 =	vunpack.i.l.bf16.f32 v35;
	v25 =	vmovc v36;
	[tilespmem:v27+s31+$0x0] =	vst.idx.msk $0xffff, v38  }
0x80: {  	v51 =	vor.u32 v7, v14;
	v52 =	vor.u32 v8, v14;
	v36 =	vunpack.i.l.bf16.f32 v33;
	v27 =	vmovc v34;
	v38 =	vld.idx.msk [tilespmem:v28+s24+$0x0], $0xffff  }
0x81: {  	v33 =	vunpack.i.u.bf16.f32 v33;
	v34 =	vmul.f32 v36, v23;
	v36 =	vor.u32 v3, v39;
	v28 =	vmovc v18;
	v18 =	vmovc v17  }
0x82: {  	v54 =	vor.u32 v9, v21;
	v21 =	vmovc v39;
	v33 =	vmul.f32 v33, v23;
	v17 =	vmovc v29;
	v53 =	vunpack.i.l.bf16.f32 v46  }
0x83: {  	v29 =	vmul.f32 v35, v45;
	[tilespmem:v31+s31+$0x0] =	vst.idx.msk $0xffff, v34;
	v31 =	vunpack.i.u.bf16.f32 v46;
	v34 =	vmul.f32 v53, v12  }
0x84: {  	v35 =	vunpack.i.l.bf16.f32 v43;
	v46 =	vmul.f32 v37, v45;
	[tilespmem:v50+s31+$0x0] =	vst.idx.msk $0xffff, v33;
	v31 =	vmul.f32 v31, v12  }
.Ltmp0:
0x85: {  	v33 =	vor.u32 v9, v40;
	[tilespmem:v51+s31+$0x0] =	vst.idx.msk $0xffff, v34;
	v34 =	vmul.f32 v35, v13;
	(pc) =	sbr.rel @p0 .LBB2_3-.Ltmp0, $4  }
0x86: {  	v35 =	vmul.f32 v41, v13;
	v37 =	vld.idx.msk [tilespmem:v36+s24+$0x0], $0xffff;
	v36 =	vunpack.i.u.bf16.f32 v38;
	v38 =	vunpack.i.l.bf16.f32 v38;
	[tilespmem:v52+s31+$0x0] =	vst.idx.msk $0xffff, v31  }
0x87: {  	[tilespmem:v42+s31+$0x0] =	vst.idx.msk $0xffff, v29;
	v40 =	vmul.f32 v38, v22;
	v39 =	vmul.f32 v36, v22;
	v36 =	vld.idx.msk [tilespmem:v54+s24+$0x0], $0xffff  }
0x88: {  	v13 =	vmov v22;
	v31 =	vor.u32 v10, v47;
	v29 =	vor.u32 v11, v47;
	[tilespmem:v44+s31+$0x0] =	vst.idx.msk $0xffff, v46  }
0x89: {  	v32 =	vadd.s32 $0x2, v32;
	v22 =	vmov v45;
	v38 =	vld.idx.msk [tilespmem:v48+s24+$0x0], $0xffff;
	[tilespmem:v24+s31+$0x0] =	vst.idx.msk $0xffff, v40;
	v24 =	vmov v49  }
0x8a: {  	v32 =	vor.u32 v4, v26  }
0x8b: {  	v40 =	vor.u32 v5, v26  }
0x8c: {  	v42 =	vor.u32 v6, v21;
	v41 =	vunpack.i.l.bf16.f32 v37  }
0x8d: {  	v47 =	vunpack.i.u.bf16.f32 v37;
	v41 =	vmul.f32 v41, v23  }
0x8e: {  	v37 =	vmul.f32 v47, v23;
	v43 =	vunpack.i.l.bf16.f32 v38  }
0x8f: {  	v48 =	vunpack.i.u.bf16.f32 v38;
	[tilespmem:v32+s31+$0x0] =	vst.idx.msk $0xffff, v41;
	v49 =	vmul.f32 v43, v22  }
0x90: {  	v32 =	vmul.f32 v48, v22;
	[tilespmem:v40+s31+$0x0] =	vst.idx.msk $0xffff, v37  }
0x91: {  	v37 =	vld.idx.msk [tilespmem:v42+s24+$0x0], $0xffff;
	[tilespmem:v25+s31+$0x0] =	vst.idx.msk $0xffff, v49  }
0x92: {  	[tilespmem:v27+s31+$0x0] =	vst.idx.msk $0xffff, v32  }
0x93: {  	v25 =	vld.idx.msk [tilespmem:v28+s24+$0x0], $0xffff  }
0x94: {  	v27 =	vor.u32 v7, v26  }
0x95: {  	v28 =	vor.u32 v8, v26  }
0x96: {  	v21 =	vor.u32 v9, v21;
	v50 =	vunpack.i.l.bf16.f32 v37  }
0x97: {  	v37 =	vunpack.i.u.bf16.f32 v37;
	v32 =	vmul.f32 v50, v23  }
0x98: {  	[tilespmem:v19+s31+$0x0] =	vst.idx.msk $0xffff, v39;
	v19 =	vmul.f32 v37, v23;
	v51 =	vunpack.i.l.bf16.f32 v25  }
0x99: {  	v20 =	vld.idx.msk [tilespmem:v20+s24+$0x0], $0xffff;
	v25 =	vunpack.i.u.bf16.f32 v25;
	[tilespmem:v27+s31+$0x0] =	vst.idx.msk $0xffff, v32;
	v27 =	vmul.f32 v51, v22  }
0x9a: {  	v52 =	vor.u32 v10, v14;
	[tilespmem:v28+s31+$0x0] =	vst.idx.msk $0xffff, v19;
	v19 =	vmul.f32 v25, v22  }
0x9b: {  	v14 =	vor.u32 v11, v14;
	v21 =	vld.idx.msk [tilespmem:v21+s24+$0x0], $0xffff;
	[tilespmem:v24+s31+$0x0] =	vst.idx.msk $0xffff, v27  }
0x9c: {  	v24 =	vunpack.i.l.bf16.f32 v36;
	[tilespmem:v30+s31+$0x0] =	vst.idx.msk $0xffff, v19  }
0x9d: {  	[tilespmem:v15+s31+$0x0] =	vst.idx.msk $0xffff, v34;
	v15 =	vunpack.i.u.bf16.f32 v36;
	v19 =	vmul.f32 v24, v12;
	v24 =	vld.idx.msk [tilespmem:v33+s24+$0x0], $0xffff  }
0x9e: {  	[tilespmem:v18+s31+$0x0] =	vst.idx.msk $0xffff, v35;
	v18 =	vor.u32 v10, v26;
	v12 =	vmul.f32 v15, v12;
	v15 =	vunpack.i.l.bf16.f32 v20  }
0x9f: {  	v15 =	vmul.f32 v15, v13;
	[tilespmem:v52+s31+$0x0] =	vst.idx.msk $0xffff, v19;
	v19 =	vunpack.i.u.bf16.f32 v20;
	v20 =	vor.u32 v11, v26  }
0xa0: {  	[tilespmem:v14+s31+$0x0] =	vst.idx.msk $0xffff, v12;
	v12 =	vmul.f32 v19, v13;
	v13 =	vunpack.i.l.bf16.f32 v21  }
0xa1: {  	[tilespmem:v16+s31+$0x0] =	vst.idx.msk $0xffff, v15;
	v14 =	vunpack.i.u.bf16.f32 v21;
	v13 =	vmul.f32 v13, v23  }
0xa2: {  	[tilespmem:v17+s31+$0x0] =	vst.idx.msk $0xffff, v12;
	v12 =	vmul.f32 v14, v23;
	v14 =	vunpack.i.l.bf16.f32 v24  }
0xa3: {  	[tilespmem:v18+s31+$0x0] =	vst.idx.msk $0xffff, v13;
	v13 =	vunpack.i.u.bf16.f32 v24;
	v14 =	vmul.f32 v14, v22  }
0xa4: {  	[tilespmem:v20+s31+$0x0] =	vst.idx.msk $0xffff, v12;
	v12 =	vmul.f32 v13, v22  }
0xa5: {  	p0 =	seq.s32 s10, $0x27;
	[tilespmem:v31+s31+$0x0] =	vst.idx.msk $0xffff, v14  }
0xa6: {  	s12 =	sadd.s32 @!p0 s20, s15;
	[tilespmem:v29+s31+$0x0] =	vst.idx.msk $0xffff, v12  }
0xa7: {  	[spmem:s3] =	stream.indirect.scatter.add.f32 [tilespmem:s31], [sflag:$0x3], $0x80, s21, s23, $0xb8;
	[tilespmem:$0x1C300] =	vst v63  }
0xa8: {  	s13 =	sadd.s32 @!p0 s9, s12;
	_ =	swait.ge [sflag:s19], $0x4000  }
0xa9: {  	s20 =	simm.s32 @!p0 $0x0;
	s13 =	sshrl.u32 @!p0 s13, $0x3;
	[sflag:s19] =	ssyncset.done $0x0  }
0xaa: {  	s14 =	simm.s32 @!p0 $0x14000;
	s13 =	sadd.s32 @!p0 s5, s13;
	[sflag:s19] =	ssyncadd.s32 $0xFFFFC000  }
0xab: {  	[tilespmem:s14], [sflag:$0x3] =	stream.linear.gather @!p0 [hbm4b:s13+s20], $0x80, $0x38;
	[tilespmem:$0x1C300] =	vst v63  }
0xac: {  	s13 =	simm.s32 @!p0 $0x3  }
0xad: {  	_ =	swait.ge @!p0 [sflag:s13], $0x80  }
0xae: {  	s12 =	sshrl.u32 @!p0 s12, $0x3;
	[sflag:s13] =	ssyncset.done @!p0 $0x0  }
0xaf: {  	s17 =	simm.s32 @!p0 $0x14080;
	s16 =	sadd.s32 @!p0 s6, s12;
	[sflag:s13] =	ssyncadd.s32 @!p0 $0xFFFFFF80  }
0xb0: {  	[tilespmem:s17], [sflag:$0x3] =	stream.linear.gather @!p0 [hbm4b:s16+s20], $0x80, $0x38;
	[tilespmem:$0x1C300] =	vst v63  }
0xb1: {  	_ =	swait.ge @!p0 [sflag:s13], $0x80  }
0xb2: {  	[sflag:s13] =	ssyncset.done @!p0 $0x0  }
0xb3: {  	s12 =	sadd.s32 @!p0 s7, s12;
	s16 =	simm.s32 @!p0 $0x14100;
	[sflag:s13] =	ssyncadd.s32 @!p0 $0xFFFFFF80  }
0xb4: {  	v12 =	vimm.s32 $0x0;
	[tilespmem:s16], [sflag:$0x3] =	stream.linear.gather @!p0 [hbm4b:s12+s20], $0x80, $0x38;
	[tilespmem:$0x1C300] =	vst v63  }
0xb5: {  	v13 =	vor.u32 $0x1, v12;
	_ =	swait.ge @!p0 [sflag:s13], $0x80  }
0xb6: {  	v16 =	vshll.u32 v13, $0x6;
	[sflag:s13] =	ssyncset.done @!p0 $0x0  }
0xb7: {  	v14 =	vor.u32 v0, v16;
	s12 =	simm.s32 @!p0 $0x80;
	[sflag:s13] =	ssyncadd.s32 @!p0 $0xFFFFFF80;
	s13 =	simm.s32 @!p0 $0x14180  }
0xb8: {  	[tilespmem:s13], [sflag:$0x1] =	stream.indirect.gather @!p0 [hbm4b:s1+s12], $0x40, s14, s12, $0xb8;
	[tilespmem:$0x1C300] =	vst v63  }
0xb9: {  	v15 =	vshll.u32 v12, $0x6;
	_ =	swait.ge [sflag:s0], $0x2000  }
0xba: {  	v17 =	vor.u32 v0, v15;
	[sflag:s0] =	ssyncset.done $0x0  }
0xbb: {  	[sflag:s0] =	ssyncadd.s32 $0xFFFFE000  }
0xbc: {  	v14 =	vld.idx.msk [tilespmem:v14+s29+$0x0], $0xffff  }
0xbd: {  	v22 =	vld.idx.msk [tilespmem:v13+s28+$0x0], $0xffff  }
0xbe: {  	v23 =	vshll.u32 v13, $0x7  }
0xbf: {  	v13 =	vor.u32 v1, v23;
	v17 =	vld.idx.msk [tilespmem:v17+s29+$0x0], $0xffff  }
0xc0: {  	v18 =	vor.u32 v2, v23;
	v29 =	vld.idx.msk [tilespmem:v12+s28+$0x0], $0xffff  }
0xc1: {  	v21 =	vshll.u32 v12, $0x7;
	v20 =	vor.u32 v3, v16;
	v19 =	vunpack.i.l.bf16.f32 v14  }
0xc2: {  	v24 =	vor.u32 v1, v21;
	v14 =	vunpack.i.u.bf16.f32 v14;
	v19 =	vmul.f32 v19, v22  }
0xc3: {  	v25 =	vor.u32 v2, v21;
	v14 =	vmul.f32 v14, v22  }
0xc4: {  	v28 =	vadd.s32 $0x2, v12;
	v26 =	vor.u32 v3, v15;
	[tilespmem:v13+s31+$0x0] =	vst.idx.msk $0xffff, v19;
	v13 =	vunpack.i.l.bf16.f32 v17  }
0xc5: {  	v27 =	vor.u32 v5, v21;
	[tilespmem:v18+s31+$0x0] =	vst.idx.msk $0xffff, v14;
	v14 =	vunpack.i.u.bf16.f32 v17;
	v13 =	vmul.f32 v13, v29  }
0xc6: {  	v54 =	vshll.u32 v28, $0x6;
	v17 =	vld.idx.msk [tilespmem:v20+s29+$0x0], $0xffff;
	v12 =	vmul.f32 v14, v29;
	v14 =	vor.u32 $0x1, v28  }
0xc7: {  	v30 =	vor.u32 v7, v21;
	v55 =	vor.u32 v0, v54;
	[tilespmem:v24+s31+$0x0] =	vst.idx.msk $0xffff, v13;
	v31 =	vshll.u32 v14, $0x6  }
0xc8: {  	v32 =	vor.u32 v8, v21;
	v56 =	vshll.u32 v28, $0x7;
	[tilespmem:v25+s31+$0x0] =	vst.idx.msk $0xffff, v12;
	v13 =	vor.u32 v0, v31  }
0xc9: {  	v53 =	vor.u32 v6, v16;
	v19 =	vor.u32 v4, v21;
	v12 =	vor.u32 v4, v23;
	v25 =	vld.idx.msk [tilespmem:v26+s29+$0x0], $0xffff  }
0xca: {  	v18 =	vor.u32 v11, v21;
	v20 =	vor.u32 v6, v15;
	v26 =	vor.u32 v5, v23  }
0xcb: {  	v24 =	vor.u32 v9, v15;
	v15 =	vor.u32 v10, v21;
	v21 =	vunpack.i.l.bf16.f32 v17  }
0xcc: {  	v57 =	vor.u32 v2, v56;
	v35 =	vld.idx.msk [tilespmem:v55+s29+$0x0], $0xffff;
	v17 =	vunpack.i.u.bf16.f32 v17;
	v21 =	vmul.f32 v21, v22  }
0xcd: {  	v59 =	vor.u32 v3, v54;
	v33 =	vor.u32 v4, v56;
	v17 =	vmul.f32 v17, v22;
	v58 =	vld.idx.msk [tilespmem:v13+s29+$0x0], $0xffff  }
0xce: {  	v61 =	vor.u32 v5, v56;
	[tilespmem:v12+s31+$0x0] =	vst.idx.msk $0xffff, v21;
	v12 =	vld.idx.msk [tilespmem:v14+s28+$0x0], $0xffff;
	v13 =	vunpack.i.l.bf16.f32 v25  }
0xcf: {  	v14 =	vshll.u32 v14, $0x7;
	[tilespmem:v26+s31+$0x0] =	vst.idx.msk $0xffff, v17;
	v17 =	vunpack.i.u.bf16.f32 v25;
	v25 =	vmul.f32 v13, v29;
	v13 =	vld.idx.msk [tilespmem:v28+s28+$0x0], $0xffff  }
0xd0: {  	v16 =	vor.u32 v9, v16;
	v60 =	vor.u32 v1, v14;
	v26 =	vld.idx.msk [tilespmem:v53+s29+$0x0], $0xffff;
	v17 =	vmul.f32 v17, v29  }
0xd1: {  	v42 =	vadd.s32 $0x2, v28;
	v44 =	vor.u32 v6, v54;
	[tilespmem:v19+s31+$0x0] =	vst.idx.msk $0xffff, v25;
	v19 =	vor.u32 v2, v14  }
0xd2: {  	v46 =	vunpack.i.l.bf16.f32 v35;
	v21 =	vor.u32 v1, v56;
	[tilespmem:v27+s31+$0x0] =	vst.idx.msk $0xffff, v17;
	v17 =	vunpack.i.l.bf16.f32 v58  }
0xd3: {  	v25 =	vor.u32 v7, v23;
	v38 =	vunpack.i.u.bf16.f32 v58;
	v17 =	vmul.f32 v17, v12  }
0xd4: {  	v62 =	vor.u32 v3, v31;
	v27 =	vor.u32 v8, v23;
	v20 =	vld.idx.msk [tilespmem:v20+s29+$0x0], $0xffff;
	v38 =	vmul.f32 v38, v12  }
0xd5: {  	v40 =	vor.u32 v7, v56;
	v47 =	vmul.f32 v46, v13;
	v63 =	vunpack.i.l.bf16.f32 v26;
	[tilespmem:v60+s31+$0x0] =	vst.idx.msk $0xffff, v17  }
0xd6: {  	v36 =	vshll.u32 v42, $0x6;
	v17 =	vunpack.i.u.bf16.f32 v26;
	v26 =	vmul.f32 v63, v22;
	[tilespmem:v19+s31+$0x0] =	vst.idx.msk $0xffff, v38  }
0xd7: {  	v35 =	vunpack.i.u.bf16.f32 v35;
	v55 =	vor.u32 v6, v31;
	v17 =	vmul.f32 v17, v22;
	[tilespmem:v21+s31+$0x0] =	vst.idx.msk $0xffff, v47  }
0xd8: {  	v31 =	vor.u32 v9, v31;
	v28 =	vor.u32 $0x1, v42;
	v52 =	vor.u32 v4, v14;
	[tilespmem:v25+s31+$0x0] =	vst.idx.msk $0xffff, v26  }
0xd9: {  	v21 =	vshll.u32 v28, $0x6;
	v25 =	vmul.f32 v35, v13;
	v26 =	vld.idx.msk [tilespmem:v62+s29+$0x0], $0xffff;
	v48 =	vunpack.i.u.bf16.f32 v20;
	[tilespmem:v27+s31+$0x0] =	vst.idx.msk $0xffff, v17  }
0xda: {  	v49 =	vunpack.i.l.bf16.f32 v20;
	v20 =	vor.u32 v9, v54;
	v54 =	vor.u32 v0, v21;
	v51 =	vld.idx.msk [tilespmem:v16+s29+$0x0], $0xffff  }
0xdb: {  	v53 =	vor.u32 v10, v23;
	[tilespmem:v57+s31+$0x0] =	vst.idx.msk $0xffff, v25;
	v25 =	vor.u32 v0, v36  }
0xdc: {  	v46 =	vor.u32 v11, v23;
	v19 =	vor.u32 v8, v56;
	v27 =	vmul.f32 v49, v29;
	v39 =	vld.idx.msk [tilespmem:v59+s29+$0x0], $0xffff  }
0xdd: {  	v63 =	vor.u32 v8, v14;
	v62 =	vor.u32 v7, v14;
	v50 =	vmul.f32 v48, v29  }
0xde: {  	v17 =	vor.u32 v11, v56;
	[tilespmem:v30+s31+$0x0] =	vst.idx.msk $0xffff, v27;
	v27 =	vor.u32 v5, v14;
	v45 =	vunpack.i.l.bf16.f32 v26  }
0xdf: {  	v16 =	vor.u32 v10, v56;
	v58 =	vld.idx.msk [tilespmem:v54+s29+$0x0], $0xffff;
	v23 =	vmul.f32 v45, v12;
	v30 =	vunpack.i.l.bf16.f32 v51  }
0xe0: {  	v26 =	vunpack.i.u.bf16.f32 v26;
	v56 =	vunpack.i.u.bf16.f32 v51;
	v57 =	vld.idx.msk [tilespmem:v25+s29+$0x0], $0xffff;
	v30 =	vmul.f32 v30, v22  }
0xe1: {  	[tilespmem:v52+s31+$0x0] =	vst.idx.msk $0xffff, v23;
	v34 =	vmul.f32 v56, v22;
	v22 =	vmul.f32 v26, v12;
	v26 =	vunpack.i.u.bf16.f32 v39  }
0xe2: {  	v23 =	vld.idx.msk [tilespmem:v28+s28+$0x0], $0xffff;
	v59 =	vmul.f32 v26, v13;
	[tilespmem:v53+s31+$0x0] =	vst.idx.msk $0xffff, v30;
	v30 =	vunpack.i.l.bf16.f32 v39  }
0xe3: {  	v26 =	vshll.u32 v28, $0x7;
	[tilespmem:v27+s31+$0x0] =	vst.idx.msk $0xffff, v22;
	v22 =	vld.idx.msk [tilespmem:v42+s28+$0x0], $0xffff;
	v39 =	vmul.f32 v30, v13  }
0xe4: {  	v48 =	vor.u32 v3, v36;
	[tilespmem:v32+s31+$0x0] =	vst.idx.msk $0xffff, v50;
	v45 =	vshll.u32 v42, $0x7;
	v50 =	vor.u32 v1, v26  }
0xe5: {  	v38 =	vor.u32 v1, v45;
	v47 =	vor.u32 v2, v45;
	v32 =	vld.idx.msk [tilespmem:v55+s29+$0x0], $0xffff;
	[tilespmem:v33+s31+$0x0] =	vst.idx.msk $0xffff, v39  }
0xe6: {  	v25 =	vor.u32 v4, v45;
	v60 =	vor.u32 v2, v26;
	[tilespmem:v61+s31+$0x0] =	vst.idx.msk $0xffff, v59;
	v61 =	vunpack.i.l.bf16.f32 v58  }
0xe7: {  	v49 =	vld.idx.msk [tilespmem:v24+s29+$0x0], $0xffff;
	v24 =	vor.u32 v7, v45;
	v54 =	vunpack.i.l.bf16.f32 v57;
	v39 =	vmul.f32 v61, v23  }
0xe8: {  	v37 =	vunpack.i.u.bf16.f32 v58;
	[tilespmem:v46+s31+$0x0] =	vst.idx.msk $0xffff, v34;
	v35 =	vunpack.i.u.bf16.f32 v57;
	v44 =	vld.idx.msk [tilespmem:v44+s29+$0x0], $0xffff;
	v57 =	vmul.f32 v54, v22  }
0xe9: {  	v51 =	vor.u32 v3, v21;
	v37 =	vmul.f32 v37, v23;
	[tilespmem:v50+s31+$0x0] =	vst.idx.msk $0xffff, v39  }
0xea: {  	v28 =	vor.u32 v6, v36;
	v58 =	vmul.f32 v35, v22;
	v55 =	vunpack.i.l.bf16.f32 v32;
	[tilespmem:v38+s31+$0x0] =	vst.idx.msk $0xffff, v57  }
0xeb: {  	v27 =	vor.u32 v5, v45;
	v32 =	vunpack.i.u.bf16.f32 v32;
	v56 =	vmul.f32 v55, v12;
	[tilespmem:v60+s31+$0x0] =	vst.idx.msk $0xffff, v37  }
0xec: {  	v30 =	vor.u32 v8, v45;
	v59 =	vunpack.i.l.bf16.f32 v49;
	v32 =	vmul.f32 v32, v12;
	[tilespmem:v47+s31+$0x0] =	vst.idx.msk $0xffff, v58  }
0xed: {  	v33 =	vor.u32 v9, v36;
	v34 =	vmul.f32 v59, v29;
	[tilespmem:v62+s31+$0x0] =	vst.idx.msk $0xffff, v56;
	v61 =	vunpack.i.l.bf16.f32 v44  }
0xee: {  	v60 =	vunpack.i.u.bf16.f32 v49;
	v37 =	vld.idx.msk [tilespmem:v51+s29+$0x0], $0xffff;
	[tilespmem:v63+s31+$0x0] =	vst.idx.msk $0xffff, v32;
	v62 =	vunpack.i.u.bf16.f32 v44;
	v63 =	vmul.f32 v61, v13  }
0xef: {  	v35 =	vmul.f32 v60, v29;
	v29 =	vor.u32 v11, v45;
	v39 =	vmul.f32 v62, v13;
	v36 =	vld.idx.msk [tilespmem:v31+s29+$0x0], $0xffff  }
0xf0: {  	s12 =	simm.s32 $0x4;
	v38 =	vld.idx.msk [tilespmem:v48+s29+$0x0], $0xffff;
	v32 =	vadd.s32 $0x2, v42;
	v31 =	vor.u32 v10, v45;
	[tilespmem:v40+s31+$0x0] =	vst.idx.msk $0xffff, v63  }
.LBB2_5:
0xf1: {  	v40 =	vshll.u32 v32, $0x6;
	v41 =	vor.u32 $0x1, v32;
	v42 =	vor.u32 v4, v26;
	[tilespmem:v19+s31+$0x0] =	vst.idx.msk $0xffff, v39;
	v19 =	vmovc v30  }
0xf2: {  	v44 =	vor.u32 v10, v14;
	v30 =	vor.u32 v0, v40;
	v39 =	vshll.u32 v41, $0x6;
	v43 =	vld.idx.msk [tilespmem:v20+s29+$0x0], $0xffff;
	v20 =	vmovc v33  }
0xf3: {  	v46 =	vor.u32 v11, v14;
	v45 =	vunpack.i.l.bf16.f32 v37;
	v33 =	vor.u32 v0, v39;
	[tilespmem:v15+s31+$0x0] =	vst.idx.msk $0xffff, v34  }
0xf4: {  	v15 =	vmul.f32 v45, v23;
	v34 =	vor.u32 v5, v26;
	v47 =	vunpack.i.l.bf16.f32 v36;
	[tilespmem:v18+s31+$0x0] =	vst.idx.msk $0xffff, v35  }
0xf5: {  	v14 =	vmovc v26;
	v18 =	vor.u32 v6, v21;
	v35 =	vunpack.i.u.bf16.f32 v36;
	v36 =	vmul.f32 v47, v12;
	v45 =	vld.idx.msk [tilespmem:v32+s28+$0x0], $0xffff  }
0xf6: {  	v26 =	vunpack.i.u.bf16.f32 v37;
	v47 =	vshll.u32 v32, $0x7;
	[tilespmem:v42+s31+$0x0] =	vst.idx.msk $0xffff, v15;
	v15 =	vmul.f32 v35, v12;
	v12 =	vmovc v23  }
0xf7: {  	v42 =	vor.u32 v1, v47;
	v35 =	vld.idx.msk [tilespmem:v30+s29+$0x0], $0xffff;
	v26 =	vmul.f32 v26, v12;
	[tilespmem:v44+s31+$0x0] =	vst.idx.msk $0xffff, v36  }
0xf8: {  	s12 =	sadd.s32 $0x2, s12;
	v48 =	vor.u32 v3, v40;
	v44 =	vor.u32 v2, v47;
	v33 =	vld.idx.msk [tilespmem:v33+s29+$0x0], $0xffff;
	[tilespmem:v46+s31+$0x0] =	vst.idx.msk $0xffff, v15  }
0xf9: {  	p0 =	slt.u32 s12, $0x7E;
	v50 =	vunpack.i.u.bf16.f32 v38;
	v36 =	vor.u32 v4, v47;
	v30 =	vunpack.i.l.bf16.f32 v38;
	v23 =	vld.idx.msk [tilespmem:v41+s28+$0x0], $0xffff;
	[tilespmem:v34+s31+$0x0] =	vst.idx.msk $0xffff, v26  }
0xfa: {  	v38 =	vmul.f32 v50, v22;
	v37 =	vmul.f32 v30, v22;
	v34 =	vor.u32 v5, v47;
	v46 =	vld.idx.msk [tilespmem:v18+s29+$0x0], $0xffff  }
0xfb: {  	v49 =	vor.u32 v7, v47;
	v26 =	vshll.u32 v41, $0x7;
	v18 =	vor.u32 v6, v40;
	v15 =	vmovc v16;
	v16 =	vmovc v31  }
0xfc: {  	v30 =	vor.u32 v8, v47;
	v41 =	vunpack.i.u.bf16.f32 v43;
	v31 =	vor.u32 v1, v26;
	[tilespmem:v25+s31+$0x0] =	vst.idx.msk $0xffff, v37  }
0xfd: {  	v50 =	vor.u32 v2, v26;
	v37 =	vunpack.i.u.bf16.f32 v35;
	v35 =	vunpack.i.l.bf16.f32 v35;
	v25 =	vmovc v36;
	[tilespmem:v27+s31+$0x0] =	vst.idx.msk $0xffff, v38  }
0xfe: {  	v51 =	vor.u32 v7, v14;
	v52 =	vor.u32 v8, v14;
	v36 =	vunpack.i.l.bf16.f32 v33;
	v27 =	vmovc v34;
	v38 =	vld.idx.msk [tilespmem:v28+s29+$0x0], $0xffff  }
0xff: {  	v33 =	vunpack.i.u.bf16.f32 v33;
	v34 =	vmul.f32 v36, v23;
	v36 =	vor.u32 v3, v39;
	v28 =	vmovc v18;
	v18 =	vmovc v17  }
0x100: {  	v54 =	vor.u32 v9, v21;
	v21 =	vmovc v39;
	v33 =	vmul.f32 v33, v23;
	v17 =	vmovc v29;
	v53 =	vunpack.i.l.bf16.f32 v46  }
0x101: {  	v29 =	vmul.f32 v35, v45;
	[tilespmem:v31+s31+$0x0] =	vst.idx.msk $0xffff, v34;
	v31 =	vunpack.i.u.bf16.f32 v46;
	v34 =	vmul.f32 v53, v12  }
0x102: {  	v35 =	vunpack.i.l.bf16.f32 v43;
	v46 =	vmul.f32 v37, v45;
	[tilespmem:v50+s31+$0x0] =	vst.idx.msk $0xffff, v33;
	v31 =	vmul.f32 v31, v12  }
.Ltmp1:
0x103: {  	v33 =	vor.u32 v9, v40;
	[tilespmem:v51+s31+$0x0] =	vst.idx.msk $0xffff, v34;
	v34 =	vmul.f32 v35, v13;
	(pc) =	sbr.rel @p0 .LBB2_5-.Ltmp1, $4  }
0x104: {  	v35 =	vmul.f32 v41, v13;
	v37 =	vld.idx.msk [tilespmem:v36+s29+$0x0], $0xffff;
	v36 =	vunpack.i.u.bf16.f32 v38;
	v38 =	vunpack.i.l.bf16.f32 v38;
	[tilespmem:v52+s31+$0x0] =	vst.idx.msk $0xffff, v31  }
0x105: {  	[tilespmem:v42+s31+$0x0] =	vst.idx.msk $0xffff, v29;
	v40 =	vmul.f32 v38, v22;
	v39 =	vmul.f32 v36, v22;
	v36 =	vld.idx.msk [tilespmem:v54+s29+$0x0], $0xffff  }
0x106: {  	v13 =	vmov v22;
	v31 =	vor.u32 v10, v47;
	v29 =	vor.u32 v11, v47;
	[tilespmem:v44+s31+$0x0] =	vst.idx.msk $0xffff, v46  }
0x107: {  	v32 =	vadd.s32 $0x2, v32;
	v22 =	vmov v45;
	v38 =	vld.idx.msk [tilespmem:v48+s29+$0x0], $0xffff;
	[tilespmem:v24+s31+$0x0] =	vst.idx.msk $0xffff, v40;
	v24 =	vmov v49  }
0x108: {  	v32 =	vor.u32 v4, v26  }
0x109: {  	v40 =	vor.u32 v5, v26  }
0x10a: {  	v42 =	vor.u32 v6, v21;
	v41 =	vunpack.i.l.bf16.f32 v37  }
0x10b: {  	v59 =	vunpack.i.u.bf16.f32 v37;
	v41 =	vmul.f32 v41, v23  }
0x10c: {  	v37 =	vmul.f32 v59, v23;
	v43 =	vunpack.i.l.bf16.f32 v38  }
0x10d: {  	v60 =	vunpack.i.u.bf16.f32 v38;
	[tilespmem:v32+s31+$0x0] =	vst.idx.msk $0xffff, v41;
	v61 =	vmul.f32 v43, v22  }
0x10e: {  	v32 =	vmul.f32 v60, v22;
	[tilespmem:v40+s31+$0x0] =	vst.idx.msk $0xffff, v37  }
0x10f: {  	v37 =	vld.idx.msk [tilespmem:v42+s29+$0x0], $0xffff;
	[tilespmem:v25+s31+$0x0] =	vst.idx.msk $0xffff, v61  }
0x110: {  	[tilespmem:v27+s31+$0x0] =	vst.idx.msk $0xffff, v32  }
0x111: {  	v25 =	vld.idx.msk [tilespmem:v28+s29+$0x0], $0xffff  }
0x112: {  	v62 =	vor.u32 v7, v26  }
0x113: {  	v63 =	vor.u32 v8, v26  }
0x114: {  	v41 =	vor.u32 v9, v21;
	v40 =	vunpack.i.l.bf16.f32 v37  }
0x115: {  	v37 =	vunpack.i.u.bf16.f32 v37;
	v32 =	vmul.f32 v40, v23  }
0x116: {  	[tilespmem:v19+s31+$0x0] =	vst.idx.msk $0xffff, v39;
	v42 =	vmul.f32 v37, v23;
	v43 =	vunpack.i.l.bf16.f32 v25  }
0x117: {  	v20 =	vld.idx.msk [tilespmem:v20+s29+$0x0], $0xffff;
	v25 =	vunpack.i.u.bf16.f32 v25;
	[tilespmem:v62+s31+$0x0] =	vst.idx.msk $0xffff, v32;
	v44 =	vmul.f32 v43, v22  }
0x118: {  	v45 =	vor.u32 v10, v14;
	v46 =	vmul.f32 v25, v22;
	[tilespmem:v63+s31+$0x0] =	vst.idx.msk $0xffff, v42  }
0x119: {  	v47 =	vor.u32 v11, v14;
	v21 =	vld.idx.msk [tilespmem:v41+s29+$0x0], $0xffff;
	[tilespmem:v24+s31+$0x0] =	vst.idx.msk $0xffff, v44  }
0x11a: {  	v48 =	vunpack.i.l.bf16.f32 v36;
	[tilespmem:v30+s31+$0x0] =	vst.idx.msk $0xffff, v46  }
0x11b: {  	[tilespmem:v15+s31+$0x0] =	vst.idx.msk $0xffff, v34;
	v49 =	vunpack.i.u.bf16.f32 v36;
	v50 =	vmul.f32 v48, v12;
	v51 =	vld.idx.msk [tilespmem:v33+s29+$0x0], $0xffff  }
0x11c: {  	v54 =	vor.u32 v10, v26;
	[tilespmem:v18+s31+$0x0] =	vst.idx.msk $0xffff, v35;
	v52 =	vmul.f32 v49, v12;
	v53 =	vunpack.i.l.bf16.f32 v20  }
0x11d: {  	v56 =	vor.u32 v11, v26;
	[tilespmem:v45+s31+$0x0] =	vst.idx.msk $0xffff, v50;
	v55 =	vunpack.i.u.bf16.f32 v20;
	v15 =	vmul.f32 v53, v13  }
0x11e: {  	[tilespmem:v47+s31+$0x0] =	vst.idx.msk $0xffff, v52;
	v57 =	vmul.f32 v55, v13;
	v58 =	vunpack.i.l.bf16.f32 v21  }
0x11f: {  	[tilespmem:v16+s31+$0x0] =	vst.idx.msk $0xffff, v15;
	v59 =	vunpack.i.u.bf16.f32 v21;
	v13 =	vmul.f32 v58, v23  }
0x120: {  	[tilespmem:v17+s31+$0x0] =	vst.idx.msk $0xffff, v57;
	v60 =	vmul.f32 v59, v23;
	v61 =	vunpack.i.l.bf16.f32 v51  }
0x121: {  	v62 =	vunpack.i.u.bf16.f32 v51;
	[tilespmem:v54+s31+$0x0] =	vst.idx.msk $0xffff, v13;
	v14 =	vmul.f32 v61, v22  }
0x122: {  	s10 =	sadd.s32 $0x1, s10;
	v63 =	vmul.f32 v62, v22;
	[tilespmem:v56+s31+$0x0] =	vst.idx.msk $0xffff, v60  }
0x123: {  	p0 =	sne.s32 s10, $0x28;
	[tilespmem:v31+s31+$0x0] =	vst.idx.msk $0xffff, v14  }
.Ltmp2:
0x124: {  	[tilespmem:v29+s31+$0x0] =	vst.idx.msk $0xffff, v63;
	(pc) =	sbr.rel @p0 .LBB2_2-.Ltmp2, $4  }
0x125: {  	[spmem:s3] =	stream.indirect.scatter.add.f32 [tilespmem:s31], [sflag:$0x3], $0x80, s26, s23, $0xb8;
	[tilespmem:$0x1C300] =	vst v63  }
0x126: {  	_ =	swait.ge [sflag:s19], $0x4000  }
0x127: {  	[sflag:s19] =	ssyncset.done $0x0  }
0x128: {  	[sflag:s19] =	ssyncadd.s32 $0xFFFFC000  }
0x129: {  	[bflag:$0x0] =	sbarrier.arrive $0xFFFF  }
0x12a: {  	s10 =	rddreg [dreg:$0x8]  }
0x12b: {  	[hbm:s10], [sflag:s11] =	dma.local [spmem:s18], $0x2800  }
0x12c: {  	_ =	swait.ge [sflag:s19], $0x2800  }
0x12d: {  	s2 =	sadd.s32 $0x1, s2;
	s20 =	rddreg [dreg:$0x9]  }
0x12e: {  	p0 =	sne.s32 s2, s20  }
.Ltmp3:
0x12f: {  	_ = 	snop;
	(pc) =	sbr.rel @p0 .LBB2_1-.Ltmp3, $3  }
0x130: {  	_ =	sdelay $0x1  }
0x131: {  	[sflag:s19] =	ssyncset.done $0x0  }
0x132: {  	[sflag:s19] =	ssyncadd.s32 $0xFFFFD800  }
0x133: {  	_ =	sfence.sel $0x180000  }
0x134: {  	[bflag:$0x0] =	sbarrier.arrive $0xFFFF  }
0x135: {  	_ =	strace $0x9000004A  }
0x136: {  	s0 =	stileid.u32;
	[bflag:$0x2] =	sbarrier.arrive $0xFFFF  }
0x137: {  	p0 =	sne.s32 s0, $0x0;
	s0 =	rddreg [dreg:$0x3]  }
0x138: {  	s0 =	sadd.s32 @!p0 $0x100000, s0  }
0x139: {  	[sflag:s0] =	ssyncadd.tile.s32 @!p0 $0x1;
	_ =	shalt  }
.Lfunc_end2:
_tile_overlayer_lowered:
.L_overlay_start_2:
0x13a: {  	(tag) =	ssettag $0x2  }
0x13b: {  	s0 =	rddreg [dreg:$0x0];
	s2 =	stileid.u32  }
0x13c: {  	s1 =	rddreg [dreg:$0x1];
	p0 =	sne.s32 s2, $0x0  }
0x13d: {  	s3 =	rddreg [dreg:$0x2];
	[bflag:$0x3] =	sbarrier.arrive $0xFFFF;
	s2 =	simm.s32 @!p0 $0x1C03  }
0x13e: {  	[timem:s3], [sflag:s2] =	dma.local @!p0 [hbm:s0], s1  }
0x13f: {  	s0 =	simm.s32 @!p0 $0x3  }
0x140: {  	_ =	swait.ge @!p0 [sflag:s0], s1  }
0x141: {  	s1 =	ssub.s32 @!p0 $0x0, s1;
	[sflag:s0] =	ssyncset.done @!p0 $0x0  }
0x142: {  	[sflag:s0] =	ssyncadd.s32 @!p0 s1  }
0x143: {  	[bflag:$0x3] =	sbarrier.arrive $0xFFFF  }
0x144: {  	_ =	shalt  }

// kernel: kernel.14.cloned.1.call-start
scs
__scs_entry_jumppad:
0x0: {  	(pc) =	sbr.rel $0x88, $3  }
0x1: {  	(tag) =	ssettag $0x0;
	lr =	simm.s32 $0x1  }
0x2: {  	[smem:$0x3F94] =	sst lr;
	_ =	strace $0xD0000000  }
0x3: {  	_ = 	snop  }
0x4: {  	_ = 	snop  }
0x5: {  	_ = 	snop  }
0x6: {  	_ = 	snop  }
0x7: {  	_ = 	snop  }
__scs_overlays_trampoline_lowered:
0x8: {  	[smem:$0x3FA3] =	sst s0  }
0x9: {  	[smem:$0x3FA4] =	sst s1  }
0xa: {  	[smem:$0x3FA5] =	sst s2  }
0xb: {  	[smem:$0x3FA6] =	sst s3  }
0xc: {  	[smem:$0x3FA7] =	sst s4  }
0xd: {  	[smem:$0x3FA8] =	sst s5  }
0xe: {  	[smem:$0x3FA9] =	sst s6  }
0xf: {  	[smem:$0x3FAA] =	sst s7  }
0x10: {  	[smem:$0x3FAB] =	sst s8  }
0x11: {  	[smem:$0x3FAC] =	sst s9;
	s0 =	simm.s32 @!p0 $0x0  }
0x12: {  	s1 =	sld [smem:$0x3F92];
	s0 =	simm.s32 @p0 $0x1  }
0x13: {  	[smem:$0x3FAD] =	sst s0;
	s0 =	simm.s32 @!p1 $0x0  }
0x14: {  	s2 =	sld [smem:$0x3F91];
	s0 =	simm.s32 @p1 $0x1  }
0x15: {  	[smem:$0x3FAE] =	sst s0;
	s0 =	simm.s32 @!p2 $0x0  }
0x16: {  	s3 =	sld [smem:$0x3FDB];
	s0 =	simm.s32 @p2 $0x1  }
0x17: {  	s4 =	simm.s32 $0x1BF5;
	[smem:$0x3FB0] =	sst s0  }
0x18: {  	s0 =	sld [smem:$0x3F93];
	_ =	swait.ge [sflag:s4], $0x0  }
0x19: {  	s7 =	sld [smem:$0x3F94]  }
0x1a: {  	s8 =	sadd.s32 $0xFFFFE003, lr  }
0x1b: {  	s9 =	sadd.s32 $0xFFFFFEF7, lr;
	s5 =	simm.s32 $0xFFFFFFFF;
	p2 =	slt.u32 s8, $0xFFFFF086  }
0x1c: {  	p1 =	slt.u32 s9, $0xF7A;
	s5 =	simm.s32 @!p2 $0x0  }
0x1d: {  	s5 =	simm.s32 @p1 $0x1;
	p0 =	seq.s32 s7, s2  }
0x1e: {  	s7 =	smul.u32 @!p0 $0xF7A, s2;
	p2 =	seq.s32 @!p0 s5, $0x0  }
0x1f: {  	s9 =	smul.u32 $0xF7A, s1;
	s8 =	simm.s32 @!p0 $0x1BF5;
	p2 =	por !p2, p0  }
0x20: {  	[sflag:s8] =	ssyncset.s32 @!p0 $0xFFFFF086;
	s6 =	sadd.s32 @!p0 s3, s7;
	s7 =	simm.s32 @!p0 $0x108  }
0x21: {  	s3 =	sadd.s32 s3, s9;
	s6 =	sadd.s32 @!p0 $0x88, s6;
	s7 =	simm.s32 @p2 $0x1082  }
0x22: {  	[simem:s7], [sflag:s8] =	dma.local @!p0 [hbm:s6], $0xF7A  }
0x23: {  	s9 =	sor.u32 $0xD0000000, s2;
	s6 =	simm.s32 $0x108;
	_ =	swait.ge @!p0 [sflag:s8], $0x0  }
0x24: {  	s3 =	sadd.s32 $0x88, s3;
	s6 =	simm.s32 @!p1 $0x1082;
	[sflag:s4] =	ssyncset.s32 $0xFFFFF086  }
0x25: {  	[simem:s6], [sflag:s4] =	dma.local [hbm:s3], $0xF7A  }
0x26: {  	[smem:$0x3F94] =	sst s1;
	(tag) =	ssettag s2;
	_ =	strace s9  }
0x27: {  	s1 =	sld [smem:$0x3FA4]  }
0x28: {  	s2 =	sld [smem:$0x3FA5]  }
0x29: {  	s4 =	sld [smem:$0x3FA7]  }
0x2a: {  	p0 =	seq.s32 s5, $0x0;
	s5 =	sld [smem:$0x3FA8]  }
0x2b: {  	s6 =	sld [smem:$0x3FA9]  }
0x2c: {  	s7 =	sld [smem:$0x3FAA]  }
0x2d: {  	s3 =	simm.s32 $0x108;
	s8 =	sld [smem:$0x3FAB]  }
0x2e: {  	s3 =	simm.s32 @!p0 $0x1082;
	s9 =	sld [smem:$0x3FAC]  }
0x2f: {  	lr =	sadd.s32 s0, s3;
	s0 =	sld [smem:$0x3FA3]  }
0x30: {  	s3 =	sld [smem:$0x3FA6]  }
0x31: {  	[smem:$0x3FAF] =	sst s10  }
0x32: {  	s10 =	sld [smem:$0x3FAD];
	_ =	sdelay $0x3  }
0x33: {  	p0 =	seq.s32 s10, $0x1;
	s10 =	sld [smem:$0x3FAF];
	_ =	sdelay $0x3  }
0x34: {  	[smem:$0x3FAF] =	sst s10  }
0x35: {  	s10 =	sld [smem:$0x3FAE];
	_ =	sdelay $0x3  }
0x36: {  	p1 =	seq.s32 s10, $0x1;
	s10 =	sld [smem:$0x3FAF];
	_ =	sdelay $0x3  }
0x37: {  	[smem:$0x3FAF] =	sst s10  }
0x38: {  	s10 =	sld [smem:$0x3FB0]  }
0x39: {  	_ = 	snop;
	(pc) =	sbr.ind lr, $3  }
0x3a: {  	_ = 	snop  }
0x3b: {  	_ = 	snop  }
0x3c: {  	p2 =	seq.s32 s10, $0x1;
	s10 =	sld [smem:$0x3FAF]  }
0x3d: {  	_ =	shalt  }
0x3e: {  	_ =	shalt  }
0x3f: {  	_ =	shalt  }
0x40: {  	_ =	shalt  }
0x41: {  	_ =	shalt  }
0x42: {  	_ =	shalt  }
0x43: {  	_ =	shalt  }
0x44: {  	_ =	shalt  }
0x45: {  	_ =	shalt  }
0x46: {  	_ =	shalt  }
0x47: {  	_ =	shalt  }
0x48: {  	_ =	shalt  }
0x49: {  	_ =	shalt  }
0x4a: {  	_ =	shalt  }
0x4b: {  	_ =	shalt  }
0x4c: {  	_ =	shalt  }
0x4d: {  	_ =	shalt  }
0x4e: {  	_ =	shalt  }
0x4f: {  	_ =	shalt  }
0x50: {  	_ =	shalt  }
0x51: {  	_ =	shalt  }
0x52: {  	_ =	shalt  }
0x53: {  	_ =	shalt  }
0x54: {  	_ =	shalt  }
0x55: {  	_ =	shalt  }
0x56: {  	_ =	shalt  }
0x57: {  	_ =	shalt  }
0x58: {  	_ =	shalt  }
0x59: {  	_ =	shalt  }
0x5a: {  	_ =	shalt  }
0x5b: {  	_ =	shalt  }
0x5c: {  	_ =	shalt  }
0x5d: {  	_ =	shalt  }
0x5e: {  	_ =	shalt  }
0x5f: {  	_ =	shalt  }
0x60: {  	_ =	shalt  }
0x61: {  	_ =	shalt  }
0x62: {  	_ =	shalt  }
0x63: {  	_ =	shalt  }
0x64: {  	_ =	shalt  }
0x65: {  	_ =	shalt  }
0x66: {  	_ =	shalt  }
0x67: {  	_ =	shalt  }
0x68: {  	_ =	shalt  }
0x69: {  	_ =	shalt  }
0x6a: {  	_ =	shalt  }
0x6b: {  	_ =	shalt  }
0x6c: {  	_ =	shalt  }
0x6d: {  	_ =	shalt  }
0x6e: {  	_ =	shalt  }
0x6f: {  	_ =	shalt  }
0x70: {  	_ =	shalt  }
0x71: {  	_ =	shalt  }
0x72: {  	_ =	shalt  }
0x73: {  	_ =	shalt  }
0x74: {  	_ =	shalt  }
0x75: {  	_ =	shalt  }
0x76: {  	_ =	shalt  }
0x77: {  	_ =	shalt  }
0x78: {  	_ =	shalt  }
0x79: {  	_ =	shalt  }
0x7a: {  	_ =	shalt  }
0x7b: {  	_ =	shalt  }
0x7c: {  	_ =	shalt  }
0x7d: {  	_ =	shalt  }
0x7e: {  	_ =	shalt  }
0x7f: {  	_ =	shalt  }
0x80: {  	_ =	shalt  }
0x81: {  	_ =	shalt  }
0x82: {  	_ =	shalt  }
0x83: {  	_ =	shalt  }
0x84: {  	_ =	shalt  }
0x85: {  	_ =	shalt  }
0x86: {  	_ =	shalt  }
0x87: {  	_ =	shalt  }
.Lfunc_end0:
.L_simem_size_0:
called_computation.2_lowered:
.L_overlay_start_0:
0x88: {  	s2 =	sld [smem:$0x3FD9]  }
0x89: {  	s3 =	sld [smem:$0x3FFE];
	_ =	sdelay $0x1  }
0x8a: {  	s1 =	srdreg.scid  }
0x8b: {  	s0 =	sand.u32 $0x1, s1  }
0x8c: {  	s14 =	sshll.u32 s0, $0xA;
	s2 =	sadd.s32 s3, s2  }
0x8d: {  	s2 =	sadd.s32 s2, s14  }
0x8e: {  	[smem:$0x3FBB] =	sst s2  }
0x8f: {  	_ = 	snop  }
0x90: {  	s2 =	sld [smem:$0x3FD0];
	_ =	sdelay $0x2  }
0x91: {  	s15 =	simm.s32 $0xA;
	s4 =	simm.s32 $0x10  }
0x92: {  	[smem:s4], [sflag:s15] =	dma.local [hbm:s2], $0x1  }
0x93: {  	_ =	swait.eq [sflag:s15], $0x1  }
0x94: {  	[sflag:s15] =	ssyncset.done $0x0  }
0x95: {  	[sflag:s15] =	ssyncadd.s32 $0xFFFFFFFF  }
0x96: {  	s16 =	sld [smem:$0x10];
	(tm) =	ssettm $0x1  }
0x97: {  	s17 =	sld [smem:$0x3FFB];
	_ =	sdelay $0x3  }
0x98: {  	_ =	strace s17  }
0x99: {  	s3 =	sld [smem:$0x3FFC];
	_ =	sdelay $0x3  }
0x9a: {  	_ =	strace s3  }
0x9b: {  	s3 =	sld [smem:$0x3FFD];
	_ =	sdelay $0x3  }
0x9c: {  	_ =	strace s3  }
0x9d: {  	_ =	strace $0x8FFFFFFF  }
0x9e: {  	s18 =	sld [smem:$0x3FDB];
	_ =	sdelay $0x1  }
0x9f: {  	s19 =	simm.s32 $_scs_section_size  }
0xa0: {  	s5 =	simm.s32 $_size__tile_overlayer_lowered;
	s6 =	simm.s32 $_tile_overlayer_lowered  }
0xa1: {  	s22 =	simm.s32 $0x1BFF;
	s21 =	sshll.u32 s6, $0x1;
	s3 =	sadd.s32 s19, s18  }
0xa2: {  	s7 =	simm.s32 $0x0;
	s20 =	sshll.u32 s5, $0x1;
	s5 =	sadd.s32 s21, s3  }
0xa3: {  	[timem:s7], [sflag:s22] =	dma.local [hbm:s5], s20  }
0xa4: {  	_ =	swait.ge [sflag:s22], s20  }
0xa5: {  	s4 =	ssub.s32 $0x0, s20;
	[sflag:s22] =	ssyncset.done $0x0  }
0xa6: {  	[sflag:s22] =	ssyncadd.s32 s4;
	_ =	sdelay $0x1  }
0xa7: {  	s23 =	simm.s32 $0x1B8B  }
0xa8: {  	_ =	swait.ge [sflag:s23], $0x1  }
0xa9: {  	[sflag:s23] =	ssyncset.done $0x0  }
0xaa: {  	s25 =	simm.s32 $0x1B8E;
	s24 =	sld [smem:$0x3FFE];
	[sflag:s23] =	ssyncadd.s32 $0xFFFFFFFF  }
0xab: {  	s26 =	simm.s32 $execute0_lowered;
	[smem:$0x3FD2] =	sst s25  }
0xac: {  	s5 =	sshll.u32 s26, $0x1;
	_ =	strace $0x8000004C;
	[dreg:$0x1] =	wrdreg $0xFFFFFFFF  }
0xad: {  	s28 =	simm.s32 $_size_execute0_lowered;
	s3 =	sadd.s32 s3, s5;
	[dreg:$0x0] =	wrdreg $0x0  }
0xae: {  	s5 =	sshll.u32 s28, $0x1;
	[dreg:$0x2] =	wrdreg s3  }
0xaf: {  	[dreg:$0x3] =	wrdreg s5  }
0xb0: {  	[dreg:$0x4] =	wrdreg $0xC0  }
0xb1: {  	_ =	task [dreg:s7], $0x5FFFF  }
0xb2: {  	[dreg:$0x1] =	wrdreg $0xFFFFFFFF  }
0xb3: {  	[dreg:$0x0] =	wrdreg $0x60  }
0xb4: {  	[dreg:$0x2] =	wrdreg s16  }
0xb5: {  	[dreg:$0x3] =	wrdreg s24  }
0xb6: {  	[dreg:$0x4] =	wrdreg $0x0  }
0xb7: {  	[dreg:$0x5] =	wrdreg $0x9  }
0xb8: {  	_ =	task.clear_ibuf [dreg:s7], $0x6FFFF;
	_ =	strace $0x9000004C  }
0xb9: {  	s29 =	simm.s32 $0x9;
	_ =	strace $0x8000004E  }
0xba: {  	_ =	swait.ge [sflag:s29], $0x1  }
0xbb: {  	[sflag:s29] =	ssyncadd.s32 $0xFFFFFFFF  }
0xbc: {  	_ =	strace $0x9000004E  }
0xbd: {  	_ =	sfence  }
0xbe: {  	s30 =	sld [smem:$0x0];
	_ =	sdelay $0x2  }
0xbf: {  	s31 =	sshll.u32 s1, $0xD;
	s1 =	sshrl.u32 s1, $0x2  }
0xc0: {  	s3 =	sand.u32 $0x4000, s31;
	s1 =	sadd.s32 s1, s30  }
0xc1: {  	s0 =	sor.u32 s3, s0;
	s1 =	sshll.u32 s1, $0x11  }
0xc2: {  	s0 =	sor.u32 s1, s0  }
0xc3: {  	s0 =	sadd.s32 $0x8F2B, s0  }
0xc4: {  	[sflag:s0] =	ssyncadd.remote.s32 $0x1  }
0xc5: {  	_ =	sfence.sel $0xFFFF  }
0xc6: {  	[dreg:$0x0] =	wrdreg $0xFFFFFFFF;
	(pc) =	sbr.abs _section_cstart, $3  }
0xc7: {  	[dreg:$0x1] =	wrdreg $0xFFFFFFFF  }
0xc8: {  	_ =	task.clear_ibuf [dreg:s7], $0x2FFFF;
	_ =	strace $0x9FFFFFFF  }
0xc9: {  	(tm) =	ssettm $0x7FFFFFFF  }
tec
execute0_lowered:
.L_overlay_start_1:
0x0: {  	(tag) =	ssettag $0x1  }
0x1: {  	s1 =	rddreg [dreg:$0x0]  }
0x2: {  	s0 =	rddreg [dreg:$0x1]  }
0x3: {  	s3 =	rddreg [dreg:$0x2];
	s4 =	simm.s32 $0x0  }
0x4: {  	s2 =	srdreg.scid;
	s14 =	stileid.u32;
	s28 =	simm.s32 $0x16280  }
0x5: {  	s29 =	simm.s32 $0x16300;
	s30 =	simm.s32 $0x1;
	s31 =	simm.s32 $0x18300  }
0x6: {  	[smem:$0x7FF] =	sst s4;
	s2 =	sand.u32 $0x1, s2;
	s10 =	smul.u32 $0x14000, s14  }
0x7: {  	s5 =	sadd.s32 $0x64A00, s0;
	s6 =	sadd.s32 $0x50600, s0;
	s7 =	sadd.s32 $0x5FA00, s0  }
0x8: {  	s19 =	sadd.s32 $0x55600, s0;
	s21 =	sshll.u32 s14, $0x6;
	s8 =	smul.u32 $0x140000, s2  }
0x9: {  	_ =	strace $0x8000004D;
	s11 =	ssub.s32 $0x2, s2;
	[dreg:$0x4] =	wrdreg s19  }
0xa: {  	s19 =	simm.s32 $0x3;
	s13 =	sshrl.u32 s11, $0x1;
	s9 =	sadd.s32 s10, s8  }
0xb: {  	s8 =	smul.u32 $0x2800, s14;
	s20 =	ssub.s32 s11, s13;
	s10 =	sadd.s32 s10, s3  }
0xc: {  	s11 =	sor.u32 $0x1C03, s21;
	s21 =	simm.s32 $0x14080;
	s12 =	sshrl.u32 s9, $0x3  }
0xd: {  	s9 =	smul.u32 $0x28000, s2;
	s26 =	smax.u32 s20, $0x1;
	s18 =	sshrl.u32 s10, $0x3  }
0xe: {  	s2 =	simm.s32 $0x0;
	s0 =	sadd.s32 s12, s0;
	s23 =	sshrl.u32 s8, $0x3  }
0xf: {  	v0 =	vlaneseq.u32;
	s15 =	sor.u32 $0x100, s8;
	[dreg:$0x9] =	wrdreg s26;
	s24 =	sadd.s32 s6, s23  }
0x10: {  	v1 =	vmul.u32 $0x2, v0;
	s26 =	simm.s32 $0x16200;
	s25 =	sadd.s32 s7, s23;
	[dreg:$0x6] =	wrdreg s24  }
0x11: {  	v3 =	vor.u32 $0x10, v0;
	s22 =	sadd.s32 s8, s9;
	s0 =	sadd.s32 $0x6EA00, s0;
	[dreg:$0x7] =	wrdreg s25  }
0x12: {  	v6 =	vor.u32 $0x20, v0;
	v9 =	vor.u32 $0x30, v0;
	v2 =	vor.u32 $0x1, v1;
	s23 =	simm.s32 $0x80;
	s12 =	sshrl.u32 s22, $0x3;
	[dreg:$0x8] =	wrdreg s0  }
0x13: {  	v4 =	vor.u32 $0x20, v1;
	v5 =	vor.u32 $0x21, v1;
	v7 =	vor.u32 $0x40, v1;
	s22 =	simm.s32 $0x14100;
	s24 =	simm.s32 $0x14180;
	s12 =	sadd.s32 s5, s12  }
0x14: {  	v8 =	vor.u32 $0x41, v1;
	v10 =	vor.u32 $0x60, v1;
	v11 =	vor.u32 $0x61, v1;
	s25 =	simm.s32 $0x16180;
	s0 =	simm.s32 $0x2;
	[dreg:$0x5] =	wrdreg s12  }
.LBB2_1:
0x15: {  	s10 =	rddreg [dreg:$0x4]  }
0x16: {  	[spmem:s18], [sflag:s11] =	dma.local [hbm:s10], $0x2800  }
0x17: {  	_ =	swait.ge [sflag:s19], $0x2800  }
0x18: {  	[sflag:s19] =	ssyncset.done $0x0  }
0x19: {  	[sflag:s19] =	ssyncadd.s32 $0xFFFFD800  }
0x1a: {  	[bflag:$0x0] =	sbarrier.arrive $0xFFFF  }
0x1b: {  	s12 =	simm.s32 $0x14000;
	s16 =	rddreg [dreg:$0x5]  }
0x1c: {  	[tilespmem:s12], [sflag:$0x3] =	stream.linear.gather [hbm4b:s16+s4], $0x80, $0x38;
	[tilespmem:$0x1C300] =	vst v63  }
0x1d: {  	_ =	swait.ge [sflag:s19], $0x80  }
0x1e: {  	[sflag:s19] =	ssyncset.done $0x0  }
0x1f: {  	s17 =	rddreg [dreg:$0x6];
	[sflag:s19] =	ssyncadd.s32 $0xFFFFFF80  }
0x20: {  	[tilespmem:s21], [sflag:$0x3] =	stream.linear.gather [hbm4b:s17+s4], $0x80, $0x38;
	[tilespmem:$0x1C300] =	vst v63  }
0x21: {  	_ =	swait.ge [sflag:s19], $0x80  }
0x22: {  	[sflag:s19] =	ssyncset.done $0x0  }
0x23: {  	s20 =	rddreg [dreg:$0x7];
	[sflag:s19] =	ssyncadd.s32 $0xFFFFFF80  }
0x24: {  	[tilespmem:s22], [sflag:$0x3] =	stream.linear.gather [hbm4b:s20+s4], $0x80, $0x38;
	[tilespmem:$0x1C300] =	vst v63  }
0x25: {  	_ =	swait.ge [sflag:s19], $0x80  }
0x26: {  	[sflag:s19] =	ssyncset.done $0x0  }
0x27: {  	s10 =	simm.s32 $0x0;
	[sflag:s19] =	ssyncadd.s32 $0xFFFFFF80  }
0x28: {  	[tilespmem:s24], [sflag:$0x1] =	stream.indirect.gather [hbm4b:s1+s23], $0x40, s12, s23, $0xb8;
	[tilespmem:$0x1C300] =	vst v63  }
.LBB2_2:
0x29: {  	s20 =	sshll.u32 s10, $0x8  }
0x2a: {  	s12 =	sadd.s32 s20, s8  }
0x2b: {  	s12 =	sadd.s32 $0x80, s12  }
0x2c: {  	s13 =	sadd.s32 s9, s12  }
0x2d: {  	s13 =	sshrl.u32 s13, $0x3  }
0x2e: {  	s13 =	sadd.s32 s5, s13  }
0x2f: {  	[tilespmem:s25], [sflag:$0x3] =	stream.linear.gather [hbm4b:s13+s4], $0x80, $0x38;
	[tilespmem:$0x1C300] =	vst v63  }
0x30: {  	_ =	swait.ge [sflag:s19], $0x80  }
0x31: {  	s12 =	sshrl.u32 s12, $0x3;
	[sflag:s19] =	ssyncset.done $0x0  }
0x32: {  	s17 =	sadd.s32 s6, s12;
	[sflag:s19] =	ssyncadd.s32 $0xFFFFFF80  }
0x33: {  	[tilespmem:s26], [sflag:$0x3] =	stream.linear.gather [hbm4b:s17+s4], $0x80, $0x38;
	[tilespmem:$0x1C300] =	vst v63  }
0x34: {  	_ =	swait.ge [sflag:s19], $0x80  }
0x35: {  	[sflag:s19] =	ssyncset.done $0x0  }
0x36: {  	s12 =	sadd.s32 s7, s12;
	[sflag:s19] =	ssyncadd.s32 $0xFFFFFF80  }
0x37: {  	v12 =	vimm.s32 $0x0;
	[tilespmem:s28], [sflag:$0x3] =	stream.linear.gather [hbm4b:s12+s4], $0x80, $0x38;
	[tilespmem:$0x1C300] =	vst v63  }
0x38: {  	v13 =	vor.u32 $0x1, v12;
	_ =	swait.ge [sflag:s19], $0x80  }
0x39: {  	v16 =	vshll.u32 v13, $0x6;
	[sflag:s19] =	ssyncset.done $0x0  }
0x3a: {  	v14 =	vor.u32 v0, v16;
	[sflag:s19] =	ssyncadd.s32 $0xFFFFFF80  }
0x3b: {  	[tilespmem:s29], [sflag:$0x2] =	stream.indirect.gather [hbm4b:s1+s23], $0x40, s25, s23, $0xb8;
	[tilespmem:$0x1C300] =	vst v63  }
0x3c: {  	v15 =	vshll.u32 v12, $0x6;
	_ =	swait.ge [sflag:s30], $0x2000  }
0x3d: {  	v17 =	vor.u32 v0, v15;
	[sflag:s30] =	ssyncset.done $0x0  }
0x3e: {  	[sflag:s30] =	ssyncadd.s32 $0xFFFFE000  }
0x3f: {  	v14 =	vld.idx.msk [tilespmem:v14+s24+$0x0], $0xffff  }
0x40: {  	v22 =	vld.idx.msk [tilespmem:v13+s22+$0x0], $0xffff  }
0x41: {  	v21 =	vshll.u32 v12, $0x7;
	v28 =	vadd.s32 $0x2, v12;
	v23 =	vshll.u32 v13, $0x7  }
0x42: {  	v24 =	vor.u32 v1, v21;
	v25 =	vor.u32 v2, v21;
	v13 =	vor.u32 v1, v23;
	v17 =	vld.idx.msk [tilespmem:v17+s24+$0x0], $0xffff  }
0x43: {  	v26 =	vor.u32 v3, v15;
	v27 =	vor.u32 v5, v21;
	v18 =	vor.u32 v2, v23;
	v29 =	vld.idx.msk [tilespmem:v12+s22+$0x0], $0xffff  }
0x44: {  	v30 =	vor.u32 v7, v21;
	v20 =	vor.u32 v3, v16;
	v19 =	vunpack.i.l.bf16.f32 v14  }
0x45: {  	v32 =	vor.u32 v8, v21;
	v14 =	vunpack.i.u.bf16.f32 v14;
	v19 =	vmul.f32 v19, v22  }
0x46: {  	v34 =	vshll.u32 v28, $0x6;
	v36 =	vshll.u32 v28, $0x7;
	v14 =	vmul.f32 v14, v22  }
0x47: {  	v33 =	vor.u32 v6, v16;
	v35 =	vor.u32 v0, v34;
	[tilespmem:v13+s31+$0x0] =	vst.idx.msk $0xffff, v19;
	v13 =	vunpack.i.l.bf16.f32 v17  }
0x48: {  	v37 =	vor.u32 v2, v36;
	[tilespmem:v18+s31+$0x0] =	vst.idx.msk $0xffff, v14;
	v14 =	vunpack.i.u.bf16.f32 v17;
	v13 =	vmul.f32 v13, v29  }
0x49: {  	v39 =	vor.u32 v3, v34;
	v17 =	vld.idx.msk [tilespmem:v20+s24+$0x0], $0xffff;
	v12 =	vmul.f32 v14, v29;
	v14 =	vor.u32 $0x1, v28  }
0x4a: {  	v63 =	vor.u32 v4, v36;
	v41 =	vor.u32 v5, v36;
	[tilespmem:v24+s31+$0x0] =	vst.idx.msk $0xffff, v13;
	v31 =	vshll.u32 v14, $0x6  }
0x4b: {  	v16 =	vor.u32 v9, v16;
	[tilespmem:v25+s31+$0x0] =	vst.idx.msk $0xffff, v12;
	v13 =	vor.u32 v0, v31  }
0x4c: {  	v44 =	vor.u32 v6, v34;
	v19 =	vor.u32 v4, v21;
	v12 =	vor.u32 v4, v23;
	v25 =	vld.idx.msk [tilespmem:v26+s24+$0x0], $0xffff  }
0x4d: {  	v18 =	vor.u32 v11, v21;
	v20 =	vor.u32 v6, v15;
	v26 =	vor.u32 v5, v23  }
0x4e: {  	v24 =	vor.u32 v9, v15;
	v15 =	vor.u32 v10, v21;
	v21 =	vunpack.i.l.bf16.f32 v17  }
0x4f: {  	v53 =	vor.u32 v10, v23;
	v35 =	vld.idx.msk [tilespmem:v35+s24+$0x0], $0xffff;
	v17 =	vunpack.i.u.bf16.f32 v17;
	v21 =	vmul.f32 v21, v22  }
0x50: {  	v42 =	vor.u32 v3, v31;
	v55 =	vor.u32 v6, v31;
	v17 =	vmul.f32 v17, v22;
	v38 =	vld.idx.msk [tilespmem:v13+s24+$0x0], $0xffff  }
0x51: {  	v31 =	vor.u32 v9, v31;
	[tilespmem:v12+s31+$0x0] =	vst.idx.msk $0xffff, v21;
	v12 =	vld.idx.msk [tilespmem:v14+s22+$0x0], $0xffff;
	v13 =	vunpack.i.l.bf16.f32 v25  }
0x52: {  	[tilespmem:v26+s31+$0x0] =	vst.idx.msk $0xffff, v17;
	v17 =	vunpack.i.u.bf16.f32 v25;
	v25 =	vmul.f32 v13, v29;
	v13 =	vld.idx.msk [tilespmem:v28+s22+$0x0], $0xffff  }
0x53: {  	v21 =	vor.u32 v1, v36;
	v14 =	vshll.u32 v14, $0x7;
	v26 =	vld.idx.msk [tilespmem:v33+s24+$0x0], $0xffff;
	v17 =	vmul.f32 v17, v29  }
0x54: {  	v40 =	vor.u32 v1, v14;
	v52 =	vor.u32 v4, v14;
	[tilespmem:v19+s31+$0x0] =	vst.idx.msk $0xffff, v25  }
0x55: {  	v46 =	vunpack.i.l.bf16.f32 v35;
	v62 =	vor.u32 v7, v14;
	v19 =	vor.u32 v2, v14;
	[tilespmem:v27+s31+$0x0] =	vst.idx.msk $0xffff, v17  }
0x56: {  	v25 =	vor.u32 v7, v23;
	v17 =	vunpack.i.l.bf16.f32 v38;
	v38 =	vunpack.i.u.bf16.f32 v38;
	v20 =	vld.idx.msk [tilespmem:v20+s24+$0x0], $0xffff  }
0x57: {  	v27 =	vor.u32 v8, v23;
	v17 =	vmul.f32 v17, v12;
	v38 =	vmul.f32 v38, v12  }
0x58: {  	v47 =	vmul.f32 v46, v13;
	v46 =	vor.u32 v11, v23;
	v43 =	vunpack.i.l.bf16.f32 v26  }
0x59: {  	[tilespmem:v40+s31+$0x0] =	vst.idx.msk $0xffff, v17;
	v17 =	vunpack.i.u.bf16.f32 v26;
	v40 =	vor.u32 v7, v36;
	v26 =	vmul.f32 v43, v22  }
0x5a: {  	v35 =	vunpack.i.u.bf16.f32 v35;
	[tilespmem:v19+s31+$0x0] =	vst.idx.msk $0xffff, v38;
	v17 =	vmul.f32 v17, v22;
	v19 =	vor.u32 v8, v36  }
0x5b: {  	[tilespmem:v25+s31+$0x0] =	vst.idx.msk $0xffff, v26;
	v25 =	vmul.f32 v35, v13;
	v26 =	vld.idx.msk [tilespmem:v42+s24+$0x0], $0xffff;
	v48 =	vunpack.i.u.bf16.f32 v20  }
0x5c: {  	v49 =	vunpack.i.l.bf16.f32 v20;
	v42 =	vadd.s32 $0x2, v28;
	[tilespmem:v27+s31+$0x0] =	vst.idx.msk $0xffff, v17;
	v17 =	vor.u32 v11, v36  }
0x5d: {  	[tilespmem:v21+s31+$0x0] =	vst.idx.msk $0xffff, v47;
	v28 =	vor.u32 $0x1, v42;
	v51 =	vld.idx.msk [tilespmem:v16+s24+$0x0], $0xffff;
	v16 =	vor.u32 v10, v36;
	v36 =	vshll.u32 v42, $0x6  }
0x5e: {  	v27 =	vmul.f32 v49, v29;
	[tilespmem:v37+s31+$0x0] =	vst.idx.msk $0xffff, v25;
	v21 =	vshll.u32 v28, $0x6;
	v25 =	vor.u32 v0, v36  }
0x5f: {  	v20 =	vor.u32 v9, v34;
	v50 =	vmul.f32 v48, v29;
	v39 =	vld.idx.msk [tilespmem:v39+s24+$0x0], $0xffff;
	v54 =	vor.u32 v0, v21  }
0x60: {  	[tilespmem:v30+s31+$0x0] =	vst.idx.msk $0xffff, v27;
	v27 =	vor.u32 v5, v14;
	v48 =	vor.u32 v3, v36;
	v45 =	vunpack.i.l.bf16.f32 v26  }
0x61: {  	v33 =	vor.u32 v9, v36;
	[tilespmem:v32+s31+$0x0] =	vst.idx.msk $0xffff, v50;
	v26 =	vunpack.i.u.bf16.f32 v26;
	v23 =	vmul.f32 v45, v12  }
0x62: {  	v49 =	vld.idx.msk [tilespmem:v24+s24+$0x0], $0xffff;
	v45 =	vshll.u32 v42, $0x7;
	v30 =	vunpack.i.l.bf16.f32 v51;
	v56 =	vunpack.i.u.bf16.f32 v51  }
0x63: {  	v38 =	vor.u32 v1, v45;
	v30 =	vmul.f32 v30, v22;
	[tilespmem:v52+s31+$0x0] =	vst.idx.msk $0xffff, v23;
	v57 =	vld.idx.msk [tilespmem:v25+s24+$0x0], $0xffff  }
0x64: {  	v34 =	vmul.f32 v56, v22;
	v22 =	vmul.f32 v26, v12;
	v58 =	vld.idx.msk [tilespmem:v54+s24+$0x0], $0xffff;
	v26 =	vunpack.i.u.bf16.f32 v39  }
0x65: {  	v23 =	vld.idx.msk [tilespmem:v28+s22+$0x0], $0xffff;
	v59 =	vmul.f32 v26, v13;
	[tilespmem:v53+s31+$0x0] =	vst.idx.msk $0xffff, v30;
	v30 =	vunpack.i.l.bf16.f32 v39  }
0x66: {  	v26 =	vshll.u32 v28, $0x7;
	[tilespmem:v27+s31+$0x0] =	vst.idx.msk $0xffff, v22;
	v22 =	vld.idx.msk [tilespmem:v42+s22+$0x0], $0xffff;
	v39 =	vmul.f32 v30, v13  }
0x67: {  	v47 =	vor.u32 v2, v45;
	v24 =	vor.u32 v7, v45;
	v50 =	vor.u32 v1, v26;
	v32 =	vld.idx.msk [tilespmem:v55+s24+$0x0], $0xffff  }
0x68: {  	v51 =	vor.u32 v3, v21;
	v60 =	vor.u32 v2, v26;
	[tilespmem:v63+s31+$0x0] =	vst.idx.msk $0xffff, v39  }
0x69: {  	v25 =	vor.u32 v4, v45;
	v28 =	vor.u32 v6, v36;
	v61 =	vunpack.i.l.bf16.f32 v58;
	[tilespmem:v41+s31+$0x0] =	vst.idx.msk $0xffff, v59  }
0x6a: {  	v27 =	vor.u32 v5, v45;
	v37 =	vunpack.i.u.bf16.f32 v58;
	v39 =	vmul.f32 v61, v23;
	v44 =	vld.idx.msk [tilespmem:v44+s24+$0x0], $0xffff  }
0x6b: {  	[tilespmem:v46+s31+$0x0] =	vst.idx.msk $0xffff, v34;
	v63 =	vor.u32 v8, v14;
	v54 =	vunpack.i.l.bf16.f32 v57;
	v37 =	vmul.f32 v37, v23  }
0x6c: {  	v35 =	vunpack.i.u.bf16.f32 v57;
	v57 =	vmul.f32 v54, v22;
	v55 =	vunpack.i.l.bf16.f32 v32;
	[tilespmem:v50+s31+$0x0] =	vst.idx.msk $0xffff, v39  }
0x6d: {  	v30 =	vor.u32 v8, v45;
	v32 =	vunpack.i.u.bf16.f32 v32;
	v56 =	vmul.f32 v55, v12;
	[tilespmem:v60+s31+$0x0] =	vst.idx.msk $0xffff, v37  }
0x6e: {  	v59 =	vunpack.i.l.bf16.f32 v49;
	v58 =	vmul.f32 v35, v22;
	v32 =	vmul.f32 v32, v12;
	[tilespmem:v38+s31+$0x0] =	vst.idx.msk $0xffff, v57  }
0x6f: {  	v34 =	vmul.f32 v59, v29;
	v60 =	vunpack.i.u.bf16.f32 v49;
	v37 =	vld.idx.msk [tilespmem:v51+s24+$0x0], $0xffff;
	[tilespmem:v62+s31+$0x0] =	vst.idx.msk $0xffff, v56;
	v61 =	vunpack.i.l.bf16.f32 v44  }
0x70: {  	v35 =	vmul.f32 v60, v29;
	[tilespmem:v63+s31+$0x0] =	vst.idx.msk $0xffff, v32;
	v62 =	vunpack.i.u.bf16.f32 v44;
	v63 =	vmul.f32 v61, v13  }
0x71: {  	[tilespmem:v47+s31+$0x0] =	vst.idx.msk $0xffff, v58;
	v29 =	vor.u32 v11, v45;
	v39 =	vmul.f32 v62, v13;
	v36 =	vld.idx.msk [tilespmem:v31+s24+$0x0], $0xffff  }
0x72: {  	s12 =	simm.s32 $0x4;
	v38 =	vld.idx.msk [tilespmem:v48+s24+$0x0], $0xffff;
	v32 =	vadd.s32 $0x2, v42;
	v31 =	vor.u32 v10, v45;
	[tilespmem:v40+s31+$0x0] =	vst.idx.msk $0xffff, v63  }
.LBB2_3:
0x73: {  	v40 =	vshll.u32 v32, $0x6;
	v41 =	vor.u32 $0x1, v32;
	v42 =	vor.u32 v4, v26;
	[tilespmem:v19+s31+$0x0] =	vst.idx.msk $0xffff, v39;
	v19 =	vmovc v30  }
0x74: {  	v44 =	vor.u32 v10, v14;
	v30 =	vor.u32 v0, v40;
	v39 =	vshll.u32 v41, $0x6;
	v43 =	vld.idx.msk [tilespmem:v20+s24+$0x0], $0xffff;
	v20 =	vmovc v33  }
0x75: {  	v46 =	vor.u32 v11, v14;
	v45 =	vunpack.i.l.bf16.f32 v37;
	v33 =	vor.u32 v0, v39;
	[tilespmem:v15+s31+$0x0] =	vst.idx.msk $0xffff, v34  }
0x76: {  	v15 =	vmul.f32 v45, v23;
	v34 =	vor.u32 v5, v26;
	v47 =	vunpack.i.l.bf16.f32 v36;
	[tilespmem:v18+s31+$0x0] =	vst.idx.msk $0xffff, v35  }
0x77: {  	v14 =	vmovc v26;
	v18 =	vor.u32 v6, v21;
	v35 =	vunpack.i.u.bf16.f32 v36;
	v36 =	vmul.f32 v47, v12;
	v45 =	vld.idx.msk [tilespmem:v32+s22+$0x0], $0xffff  }
0x78: {  	v26 =	vunpack.i.u.bf16.f32 v37;
	v47 =	vshll.u32 v32, $0x7;
	[tilespmem:v42+s31+$0x0] =	vst.idx.msk $0xffff, v15;
	v15 =	vmul.f32 v35, v12;
	v12 =	vmovc v23  }
0x79: {  	v42 =	vor.u32 v1, v47;
	v35 =	vld.idx.msk [tilespmem:v30+s24+$0x0], $0xffff;
	v26 =	vmul.f32 v26, v12;
	[tilespmem:v44+s31+$0x0] =	vst.idx.msk $0xffff, v36  }
0x7a: {  	s12 =	sadd.s32 $0x2, s12;
	v48 =	vor.u32 v3, v40;
	v44 =	vor.u32 v2, v47;
	v33 =	vld.idx.msk [tilespmem:v33+s24+$0x0], $0xffff;
	[tilespmem:v46+s31+$0x0] =	vst.idx.msk $0xffff, v15  }
0x7b: {  	p0 =	slt.u32 s12, $0x7E;
	v50 =	vunpack.i.u.bf16.f32 v38;
	v36 =	vor.u32 v4, v47;
	v30 =	vunpack.i.l.bf16.f32 v38;
	v23 =	vld.idx.msk [tilespmem:v41+s22+$0x0], $0xffff;
	[tilespmem:v34+s31+$0x0] =	vst.idx.msk $0xffff, v26  }
0x7c: {  	v38 =	vmul.f32 v50, v22;
	v37 =	vmul.f32 v30, v22;
	v34 =	vor.u32 v5, v47;
	v46 =	vld.idx.msk [tilespmem:v18+s24+$0x0], $0xffff  }
0x7d: {  	v49 =	vor.u32 v7, v47;
	v26 =	vshll.u32 v41, $0x7;
	v18 =	vor.u32 v6, v40;
	v15 =	vmovc v16;
	v16 =	vmovc v31  }
0x7e: {  	v30 =	vor.u32 v8, v47;
	v41 =	vunpack.i.u.bf16.f32 v43;
	v31 =	vor.u32 v1, v26;
	[tilespmem:v25+s31+$0x0] =	vst.idx.msk $0xffff, v37  }
0x7f: {  	v50 =	vor.u32 v2, v26;
	v37 =	vunpack.i.u.bf16.f32 v35;
	v35 =	vunpack.i.l.bf16.f32 v35;
	v25 =	vmovc v36;
	[tilespmem:v27+s31+$0x0] =	vst.idx.msk $0xffff, v38  }
0x80: {  	v51 =	vor.u32 v7, v14;
	v52 =	vor.u32 v8, v14;
	v36 =	vunpack.i.l.bf16.f32 v33;
	v27 =	vmovc v34;
	v38 =	vld.idx.msk [tilespmem:v28+s24+$0x0], $0xffff  }
0x81: {  	v33 =	vunpack.i.u.bf16.f32 v33;
	v34 =	vmul.f32 v36, v23;
	v36 =	vor.u32 v3, v39;
	v28 =	vmovc v18;
	v18 =	vmovc v17  }
0x82: {  	v54 =	vor.u32 v9, v21;
	v21 =	vmovc v39;
	v33 =	vmul.f32 v33, v23;
	v17 =	vmovc v29;
	v53 =	vunpack.i.l.bf16.f32 v46  }
0x83: {  	v29 =	vmul.f32 v35, v45;
	[tilespmem:v31+s31+$0x0] =	vst.idx.msk $0xffff, v34;
	v31 =	vunpack.i.u.bf16.f32 v46;
	v34 =	vmul.f32 v53, v12  }
0x84: {  	v35 =	vunpack.i.l.bf16.f32 v43;
	v46 =	vmul.f32 v37, v45;
	[tilespmem:v50+s31+$0x0] =	vst.idx.msk $0xffff, v33;
	v31 =	vmul.f32 v31, v12  }
.Ltmp0:
0x85: {  	v33 =	vor.u32 v9, v40;
	[tilespmem:v51+s31+$0x0] =	vst.idx.msk $0xffff, v34;
	v34 =	vmul.f32 v35, v13;
	(pc) =	sbr.rel @p0 .LBB2_3-.Ltmp0, $4  }
0x86: {  	v35 =	vmul.f32 v41, v13;
	v37 =	vld.idx.msk [tilespmem:v36+s24+$0x0], $0xffff;
	v36 =	vunpack.i.u.bf16.f32 v38;
	v38 =	vunpack.i.l.bf16.f32 v38;
	[tilespmem:v52+s31+$0x0] =	vst.idx.msk $0xffff, v31  }
0x87: {  	[tilespmem:v42+s31+$0x0] =	vst.idx.msk $0xffff, v29;
	v40 =	vmul.f32 v38, v22;
	v39 =	vmul.f32 v36, v22;
	v36 =	vld.idx.msk [tilespmem:v54+s24+$0x0], $0xffff  }
0x88: {  	v13 =	vmov v22;
	v31 =	vor.u32 v10, v47;
	v29 =	vor.u32 v11, v47;
	[tilespmem:v44+s31+$0x0] =	vst.idx.msk $0xffff, v46  }
0x89: {  	v32 =	vadd.s32 $0x2, v32;
	v22 =	vmov v45;
	v38 =	vld.idx.msk [tilespmem:v48+s24+$0x0], $0xffff;
	[tilespmem:v24+s31+$0x0] =	vst.idx.msk $0xffff, v40;
	v24 =	vmov v49  }
0x8a: {  	v32 =	vor.u32 v4, v26  }
0x8b: {  	v40 =	vor.u32 v5, v26  }
0x8c: {  	v42 =	vor.u32 v6, v21;
	v41 =	vunpack.i.l.bf16.f32 v37  }
0x8d: {  	v47 =	vunpack.i.u.bf16.f32 v37;
	v41 =	vmul.f32 v41, v23  }
0x8e: {  	v37 =	vmul.f32 v47, v23;
	v43 =	vunpack.i.l.bf16.f32 v38  }
0x8f: {  	v48 =	vunpack.i.u.bf16.f32 v38;
	[tilespmem:v32+s31+$0x0] =	vst.idx.msk $0xffff, v41;
	v49 =	vmul.f32 v43, v22  }
0x90: {  	v32 =	vmul.f32 v48, v22;
	[tilespmem:v40+s31+$0x0] =	vst.idx.msk $0xffff, v37  }
0x91: {  	v37 =	vld.idx.msk [tilespmem:v42+s24+$0x0], $0xffff;
	[tilespmem:v25+s31+$0x0] =	vst.idx.msk $0xffff, v49  }
0x92: {  	[tilespmem:v27+s31+$0x0] =	vst.idx.msk $0xffff, v32  }
0x93: {  	v25 =	vld.idx.msk [tilespmem:v28+s24+$0x0], $0xffff  }
0x94: {  	v27 =	vor.u32 v7, v26  }
0x95: {  	v28 =	vor.u32 v8, v26  }
0x96: {  	v21 =	vor.u32 v9, v21;
	v50 =	vunpack.i.l.bf16.f32 v37  }
0x97: {  	v37 =	vunpack.i.u.bf16.f32 v37;
	v32 =	vmul.f32 v50, v23  }
0x98: {  	[tilespmem:v19+s31+$0x0] =	vst.idx.msk $0xffff, v39;
	v19 =	vmul.f32 v37, v23;
	v51 =	vunpack.i.l.bf16.f32 v25  }
0x99: {  	v20 =	vld.idx.msk [tilespmem:v20+s24+$0x0], $0xffff;
	v25 =	vunpack.i.u.bf16.f32 v25;
	[tilespmem:v27+s31+$0x0] =	vst.idx.msk $0xffff, v32;
	v27 =	vmul.f32 v51, v22  }
0x9a: {  	v52 =	vor.u32 v10, v14;
	[tilespmem:v28+s31+$0x0] =	vst.idx.msk $0xffff, v19;
	v19 =	vmul.f32 v25, v22  }
0x9b: {  	v14 =	vor.u32 v11, v14;
	v21 =	vld.idx.msk [tilespmem:v21+s24+$0x0], $0xffff;
	[tilespmem:v24+s31+$0x0] =	vst.idx.msk $0xffff, v27  }
0x9c: {  	v24 =	vunpack.i.l.bf16.f32 v36;
	[tilespmem:v30+s31+$0x0] =	vst.idx.msk $0xffff, v19  }
0x9d: {  	[tilespmem:v15+s31+$0x0] =	vst.idx.msk $0xffff, v34;
	v15 =	vunpack.i.u.bf16.f32 v36;
	v19 =	vmul.f32 v24, v12;
	v24 =	vld.idx.msk [tilespmem:v33+s24+$0x0], $0xffff  }
0x9e: {  	[tilespmem:v18+s31+$0x0] =	vst.idx.msk $0xffff, v35;
	v18 =	vor.u32 v10, v26;
	v12 =	vmul.f32 v15, v12;
	v15 =	vunpack.i.l.bf16.f32 v20  }
0x9f: {  	v15 =	vmul.f32 v15, v13;
	[tilespmem:v52+s31+$0x0] =	vst.idx.msk $0xffff, v19;
	v19 =	vunpack.i.u.bf16.f32 v20;
	v20 =	vor.u32 v11, v26  }
0xa0: {  	[tilespmem:v14+s31+$0x0] =	vst.idx.msk $0xffff, v12;
	v12 =	vmul.f32 v19, v13;
	v13 =	vunpack.i.l.bf16.f32 v21  }
0xa1: {  	[tilespmem:v16+s31+$0x0] =	vst.idx.msk $0xffff, v15;
	v14 =	vunpack.i.u.bf16.f32 v21;
	v13 =	vmul.f32 v13, v23  }
0xa2: {  	[tilespmem:v17+s31+$0x0] =	vst.idx.msk $0xffff, v12;
	v12 =	vmul.f32 v14, v23;
	v14 =	vunpack.i.l.bf16.f32 v24  }
0xa3: {  	[tilespmem:v18+s31+$0x0] =	vst.idx.msk $0xffff, v13;
	v13 =	vunpack.i.u.bf16.f32 v24;
	v14 =	vmul.f32 v14, v22  }
0xa4: {  	[tilespmem:v20+s31+$0x0] =	vst.idx.msk $0xffff, v12;
	v12 =	vmul.f32 v13, v22  }
0xa5: {  	p0 =	seq.s32 s10, $0x27;
	[tilespmem:v31+s31+$0x0] =	vst.idx.msk $0xffff, v14  }
0xa6: {  	s12 =	sadd.s32 @!p0 s20, s15;
	[tilespmem:v29+s31+$0x0] =	vst.idx.msk $0xffff, v12  }
0xa7: {  	[spmem:s3] =	stream.indirect.scatter.add.f32 [tilespmem:s31], [sflag:$0x3], $0x80, s21, s23, $0xb8;
	[tilespmem:$0x1C300] =	vst v63  }
0xa8: {  	s13 =	sadd.s32 @!p0 s9, s12;
	_ =	swait.ge [sflag:s19], $0x4000  }
0xa9: {  	s20 =	simm.s32 @!p0 $0x0;
	s13 =	sshrl.u32 @!p0 s13, $0x3;
	[sflag:s19] =	ssyncset.done $0x0  }
0xaa: {  	s14 =	simm.s32 @!p0 $0x14000;
	s13 =	sadd.s32 @!p0 s5, s13;
	[sflag:s19] =	ssyncadd.s32 $0xFFFFC000  }
0xab: {  	[tilespmem:s14], [sflag:$0x3] =	stream.linear.gather @!p0 [hbm4b:s13+s20], $0x80, $0x38;
	[tilespmem:$0x1C300] =	vst v63  }
0xac: {  	s13 =	simm.s32 @!p0 $0x3  }
0xad: {  	_ =	swait.ge @!p0 [sflag:s13], $0x80  }
0xae: {  	s12 =	sshrl.u32 @!p0 s12, $0x3;
	[sflag:s13] =	ssyncset.done @!p0 $0x0  }
0xaf: {  	s17 =	simm.s32 @!p0 $0x14080;
	s16 =	sadd.s32 @!p0 s6, s12;
	[sflag:s13] =	ssyncadd.s32 @!p0 $0xFFFFFF80  }
0xb0: {  	[tilespmem:s17], [sflag:$0x3] =	stream.linear.gather @!p0 [hbm4b:s16+s20], $0x80, $0x38;
	[tilespmem:$0x1C300] =	vst v63  }
0xb1: {  	_ =	swait.ge @!p0 [sflag:s13], $0x80  }
0xb2: {  	[sflag:s13] =	ssyncset.done @!p0 $0x0  }
0xb3: {  	s12 =	sadd.s32 @!p0 s7, s12;
	s16 =	simm.s32 @!p0 $0x14100;
	[sflag:s13] =	ssyncadd.s32 @!p0 $0xFFFFFF80  }
0xb4: {  	v12 =	vimm.s32 $0x0;
	[tilespmem:s16], [sflag:$0x3] =	stream.linear.gather @!p0 [hbm4b:s12+s20], $0x80, $0x38;
	[tilespmem:$0x1C300] =	vst v63  }
0xb5: {  	v13 =	vor.u32 $0x1, v12;
	_ =	swait.ge @!p0 [sflag:s13], $0x80  }
0xb6: {  	v16 =	vshll.u32 v13, $0x6;
	[sflag:s13] =	ssyncset.done @!p0 $0x0  }
0xb7: {  	v14 =	vor.u32 v0, v16;
	s12 =	simm.s32 @!p0 $0x80;
	[sflag:s13] =	ssyncadd.s32 @!p0 $0xFFFFFF80;
	s13 =	simm.s32 @!p0 $0x14180  }
0xb8: {  	[tilespmem:s13], [sflag:$0x1] =	stream.indirect.gather @!p0 [hbm4b:s1+s12], $0x40, s14, s12, $0xb8;
	[tilespmem:$0x1C300] =	vst v63  }
0xb9: {  	v15 =	vshll.u32 v12, $0x6;
	_ =	swait.ge [sflag:s0], $0x2000  }
0xba: {  	v17 =	vor.u32 v0, v15;
	[sflag:s0] =	ssyncset.done $0x0  }
0xbb: {  	[sflag:s0] =	ssyncadd.s32 $0xFFFFE000  }
0xbc: {  	v14 =	vld.idx.msk [tilespmem:v14+s29+$0x0], $0xffff  }
0xbd: {  	v22 =	vld.idx.msk [tilespmem:v13+s28+$0x0], $0xffff  }
0xbe: {  	v23 =	vshll.u32 v13, $0x7  }
0xbf: {  	v13 =	vor.u32 v1, v23;
	v17 =	vld.idx.msk [tilespmem:v17+s29+$0x0], $0xffff  }
0xc0: {  	v18 =	vor.u32 v2, v23;
	v29 =	vld.idx.msk [tilespmem:v12+s28+$0x0], $0xffff  }
0xc1: {  	v21 =	vshll.u32 v12, $0x7;
	v20 =	vor.u32 v3, v16;
	v19 =	vunpack.i.l.bf16.f32 v14  }
0xc2: {  	v24 =	vor.u32 v1, v21;
	v14 =	vunpack.i.u.bf16.f32 v14;
	v19 =	vmul.f32 v19, v22  }
0xc3: {  	v25 =	vor.u32 v2, v21;
	v14 =	vmul.f32 v14, v22  }
0xc4: {  	v28 =	vadd.s32 $0x2, v12;
	v26 =	vor.u32 v3, v15;
	[tilespmem:v13+s31+$0x0] =	vst.idx.msk $0xffff, v19;
	v13 =	vunpack.i.l.bf16.f32 v17  }
0xc5: {  	v27 =	vor.u32 v5, v21;
	[tilespmem:v18+s31+$0x0] =	vst.idx.msk $0xffff, v14;
	v14 =	vunpack.i.u.bf16.f32 v17;
	v13 =	vmul.f32 v13, v29  }
0xc6: {  	v54 =	vshll.u32 v28, $0x6;
	v17 =	vld.idx.msk [tilespmem:v20+s29+$0x0], $0xffff;
	v12 =	vmul.f32 v14, v29;
	v14 =	vor.u32 $0x1, v28  }
0xc7: {  	v30 =	vor.u32 v7, v21;
	v55 =	vor.u32 v0, v54;
	[tilespmem:v24+s31+$0x0] =	vst.idx.msk $0xffff, v13;
	v31 =	vshll.u32 v14, $0x6  }
0xc8: {  	v32 =	vor.u32 v8, v21;
	v56 =	vshll.u32 v28, $0x7;
	[tilespmem:v25+s31+$0x0] =	vst.idx.msk $0xffff, v12;
	v13 =	vor.u32 v0, v31  }
0xc9: {  	v53 =	vor.u32 v6, v16;
	v19 =	vor.u32 v4, v21;
	v12 =	vor.u32 v4, v23;
	v25 =	vld.idx.msk [tilespmem:v26+s29+$0x0], $0xffff  }
0xca: {  	v18 =	vor.u32 v11, v21;
	v20 =	vor.u32 v6, v15;
	v26 =	vor.u32 v5, v23  }
0xcb: {  	v24 =	vor.u32 v9, v15;
	v15 =	vor.u32 v10, v21;
	v21 =	vunpack.i.l.bf16.f32 v17  }
0xcc: {  	v57 =	vor.u32 v2, v56;
	v35 =	vld.idx.msk [tilespmem:v55+s29+$0x0], $0xffff;
	v17 =	vunpack.i.u.bf16.f32 v17;
	v21 =	vmul.f32 v21, v22  }
0xcd: {  	v59 =	vor.u32 v3, v54;
	v33 =	vor.u32 v4, v56;
	v17 =	vmul.f32 v17, v22;
	v58 =	vld.idx.msk [tilespmem:v13+s29+$0x0], $0xffff  }
0xce: {  	v61 =	vor.u32 v5, v56;
	[tilespmem:v12+s31+$0x0] =	vst.idx.msk $0xffff, v21;
	v12 =	vld.idx.msk [tilespmem:v14+s28+$0x0], $0xffff;
	v13 =	vunpack.i.l.bf16.f32 v25  }
0xcf: {  	v14 =	vshll.u32 v14, $0x7;
	[tilespmem:v26+s31+$0x0] =	vst.idx.msk $0xffff, v17;
	v17 =	vunpack.i.u.bf16.f32 v25;
	v25 =	vmul.f32 v13, v29;
	v13 =	vld.idx.msk [tilespmem:v28+s28+$0x0], $0xffff  }
0xd0: {  	v16 =	vor.u32 v9, v16;
	v60 =	vor.u32 v1, v14;
	v26 =	vld.idx.msk [tilespmem:v53+s29+$0x0], $0xffff;
	v17 =	vmul.f32 v17, v29  }
0xd1: {  	v42 =	vadd.s32 $0x2, v28;
	v44 =	vor.u32 v6, v54;
	[tilespmem:v19+s31+$0x0] =	vst.idx.msk $0xffff, v25;
	v19 =	vor.u32 v2, v14  }
0xd2: {  	v46 =	vunpack.i.l.bf16.f32 v35;
	v21 =	vor.u32 v1, v56;
	[tilespmem:v27+s31+$0x0] =	vst.idx.msk $0xffff, v17;
	v17 =	vunpack.i.l.bf16.f32 v58  }
0xd3: {  	v25 =	vor.u32 v7, v23;
	v38 =	vunpack.i.u.bf16.f32 v58;
	v17 =	vmul.f32 v17, v12  }
0xd4: {  	v62 =	vor.u32 v3, v31;
	v27 =	vor.u32 v8, v23;
	v20 =	vld.idx.msk [tilespmem:v20+s29+$0x0], $0xffff;
	v38 =	vmul.f32 v38, v12  }
0xd5: {  	v40 =	vor.u32 v7, v56;
	v47 =	vmul.f32 v46, v13;
	v63 =	vunpack.i.l.bf16.f32 v26;
	[tilespmem:v60+s31+$0x0] =	vst.idx.msk $0xffff, v17  }
0xd6: {  	v36 =	vshll.u32 v42, $0x6;
	v17 =	vunpack.i.u.bf16.f32 v26;
	v26 =	vmul.f32 v63, v22;
	[tilespmem:v19+s31+$0x0] =	vst.idx.msk $0xffff, v38  }
0xd7: {  	v35 =	vunpack.i.u.bf16.f32 v35;
	v55 =	vor.u32 v6, v31;
	v17 =	vmul.f32 v17, v22;
	[tilespmem:v21+s31+$0x0] =	vst.idx.msk $0xffff, v47  }
0xd8: {  	v31 =	vor.u32 v9, v31;
	v28 =	vor.u32 $0x1, v42;
	v52 =	vor.u32 v4, v14;
	[tilespmem:v25+s31+$0x0] =	vst.idx.msk $0xffff, v26  }
0xd9: {  	v21 =	vshll.u32 v28, $0x6;
	v25 =	vmul.f32 v35, v13;
	v26 =	vld.idx.msk [tilespmem:v62+s29+$0x0], $0xffff;
	v48 =	vunpack.i.u.bf16.f32 v20;
	[tilespmem:v27+s31+$0x0] =	vst.idx.msk $0xffff, v17  }
0xda: {  	v49 =	vunpack.i.l.bf16.f32 v20;
	v20 =	vor.u32 v9, v54;
	v54 =	vor.u32 v0, v21;
	v51 =	vld.idx.msk [tilespmem:v16+s29+$0x0], $0xffff  }
0xdb: {  	v53 =	vor.u32 v10, v23;
	[tilespmem:v57+s31+$0x0] =	vst.idx.msk $0xffff, v25;
	v25 =	vor.u32 v0, v36  }
0xdc: {  	v46 =	vor.u32 v11, v23;
	v19 =	vor.u32 v8, v56;
	v27 =	vmul.f32 v49, v29;
	v39 =	vld.idx.msk [tilespmem:v59+s29+$0x0], $0xffff  }
0xdd: {  	v63 =	vor.u32 v8, v14;
	v62 =	vor.u32 v7, v14;
	v50 =	vmul.f32 v48, v29  }
0xde: {  	v17 =	vor.u32 v11, v56;
	[tilespmem:v30+s31+$0x0] =	vst.idx.msk $0xffff, v27;
	v27 =	vor.u32 v5, v14;
	v45 =	vunpack.i.l.bf16.f32 v26  }
0xdf: {  	v16 =	vor.u32 v10, v56;
	v58 =	vld.idx.msk [tilespmem:v54+s29+$0x0], $0xffff;
	v23 =	vmul.f32 v45, v12;
	v30 =	vunpack.i.l.bf16.f32 v51  }
0xe0: {  	v26 =	vunpack.i.u.bf16.f32 v26;
	v56 =	vunpack.i.u.bf16.f32 v51;
	v57 =	vld.idx.msk [tilespmem:v25+s29+$0x0], $0xffff;
	v30 =	vmul.f32 v30, v22  }
0xe1: {  	[tilespmem:v52+s31+$0x0] =	vst.idx.msk $0xffff, v23;
	v34 =	vmul.f32 v56, v22;
	v22 =	vmul.f32 v26, v12;
	v26 =	vunpack.i.u.bf16.f32 v39  }
0xe2: {  	v23 =	vld.idx.msk [tilespmem:v28+s28+$0x0], $0xffff;
	v59 =	vmul.f32 v26, v13;
	[tilespmem:v53+s31+$0x0] =	vst.idx.msk $0xffff, v30;
	v30 =	vunpack.i.l.bf16.f32 v39  }
0xe3: {  	v26 =	vshll.u32 v28, $0x7;
	[tilespmem:v27+s31+$0x0] =	vst.idx.msk $0xffff, v22;
	v22 =	vld.idx.msk [tilespmem:v42+s28+$0x0], $0xffff;
	v39 =	vmul.f32 v30, v13  }
0xe4: {  	v48 =	vor.u32 v3, v36;
	[tilespmem:v32+s31+$0x0] =	vst.idx.msk $0xffff, v50;
	v45 =	vshll.u32 v42, $0x7;
	v50 =	vor.u32 v1, v26  }
0xe5: {  	v38 =	vor.u32 v1, v45;
	v47 =	vor.u32 v2, v45;
	v32 =	vld.idx.msk [tilespmem:v55+s29+$0x0], $0xffff;
	[tilespmem:v33+s31+$0x0] =	vst.idx.msk $0xffff, v39  }
0xe6: {  	v25 =	vor.u32 v4, v45;
	v60 =	vor.u32 v2, v26;
	[tilespmem:v61+s31+$0x0] =	vst.idx.msk $0xffff, v59;
	v61 =	vunpack.i.l.bf16.f32 v58  }
0xe7: {  	v49 =	vld.idx.msk [tilespmem:v24+s29+$0x0], $0xffff;
	v24 =	vor.u32 v7, v45;
	v54 =	vunpack.i.l.bf16.f32 v57;
	v39 =	vmul.f32 v61, v23  }
0xe8: {  	v37 =	vunpack.i.u.bf16.f32 v58;
	[tilespmem:v46+s31+$0x0] =	vst.idx.msk $0xffff, v34;
	v35 =	vunpack.i.u.bf16.f32 v57;
	v44 =	vld.idx.msk [tilespmem:v44+s29+$0x0], $0xffff;
	v57 =	vmul.f32 v54, v22  }
0xe9: {  	v51 =	vor.u32 v3, v21;
	v37 =	vmul.f32 v37, v23;
	[tilespmem:v50+s31+$0x0] =	vst.idx.msk $0xffff, v39  }
0xea: {  	v28 =	vor.u32 v6, v36;
	v58 =	vmul.f32 v35, v22;
	v55 =	vunpack.i.l.bf16.f32 v32;
	[tilespmem:v38+s31+$0x0] =	vst.idx.msk $0xffff, v57  }
0xeb: {  	v27 =	vor.u32 v5, v45;
	v32 =	vunpack.i.u.bf16.f32 v32;
	v56 =	vmul.f32 v55, v12;
	[tilespmem:v60+s31+$0x0] =	vst.idx.msk $0xffff, v37  }
0xec: {  	v30 =	vor.u32 v8, v45;
	v59 =	vunpack.i.l.bf16.f32 v49;
	v32 =	vmul.f32 v32, v12;
	[tilespmem:v47+s31+$0x0] =	vst.idx.msk $0xffff, v58  }
0xed: {  	v33 =	vor.u32 v9, v36;
	v34 =	vmul.f32 v59, v29;
	[tilespmem:v62+s31+$0x0] =	vst.idx.msk $0xffff, v56;
	v61 =	vunpack.i.l.bf16.f32 v44  }
0xee: {  	v60 =	vunpack.i.u.bf16.f32 v49;
	v37 =	vld.idx.msk [tilespmem:v51+s29+$0x0], $0xffff;
	[tilespmem:v63+s31+$0x0] =	vst.idx.msk $0xffff, v32;
	v62 =	vunpack.i.u.bf16.f32 v44;
	v63 =	vmul.f32 v61, v13  }
0xef: {  	v35 =	vmul.f32 v60, v29;
	v29 =	vor.u32 v11, v45;
	v39 =	vmul.f32 v62, v13;
	v36 =	vld.idx.msk [tilespmem:v31+s29+$0x0], $0xffff  }
0xf0: {  	s12 =	simm.s32 $0x4;
	v38 =	vld.idx.msk [tilespmem:v48+s29+$0x0], $0xffff;
	v32 =	vadd.s32 $0x2, v42;
	v31 =	vor.u32 v10, v45;
	[tilespmem:v40+s31+$0x0] =	vst.idx.msk $0xffff, v63  }
.LBB2_5:
0xf1: {  	v40 =	vshll.u32 v32, $0x6;
	v41 =	vor.u32 $0x1, v32;
	v42 =	vor.u32 v4, v26;
	[tilespmem:v19+s31+$0x0] =	vst.idx.msk $0xffff, v39;
	v19 =	vmovc v30  }
0xf2: {  	v44 =	vor.u32 v10, v14;
	v30 =	vor.u32 v0, v40;
	v39 =	vshll.u32 v41, $0x6;
	v43 =	vld.idx.msk [tilespmem:v20+s29+$0x0], $0xffff;
	v20 =	vmovc v33  }
0xf3: {  	v46 =	vor.u32 v11, v14;
	v45 =	vunpack.i.l.bf16.f32 v37;
	v33 =	vor.u32 v0, v39;
	[tilespmem:v15+s31+$0x0] =	vst.idx.msk $0xffff, v34  }
0xf4: {  	v15 =	vmul.f32 v45, v23;
	v34 =	vor.u32 v5, v26;
	v47 =	vunpack.i.l.bf16.f32 v36;
	[tilespmem:v18+s31+$0x0] =	vst.idx.msk $0xffff, v35  }
0xf5: {  	v14 =	vmovc v26;
	v18 =	vor.u32 v6, v21;
	v35 =	vunpack.i.u.bf16.f32 v36;
	v36 =	vmul.f32 v47, v12;
	v45 =	vld.idx.msk [tilespmem:v32+s28+$0x0], $0xffff  }
0xf6: {  	v26 =	vunpack.i.u.bf16.f32 v37;
	v47 =	vshll.u32 v32, $0x7;
	[tilespmem:v42+s31+$0x0] =	vst.idx.msk $0xffff, v15;
	v15 =	vmul.f32 v35, v12;
	v12 =	vmovc v23  }
0xf7: {  	v42 =	vor.u32 v1, v47;
	v35 =	vld.idx.msk [tilespmem:v30+s29+$0x0], $0xffff;
	v26 =	vmul.f32 v26, v12;
	[tilespmem:v44+s31+$0x0] =	vst.idx.msk $0xffff, v36  }
0xf8: {  	s12 =	sadd.s32 $0x2, s12;
	v48 =	vor.u32 v3, v40;
	v44 =	vor.u32 v2, v47;
	v33 =	vld.idx.msk [tilespmem:v33+s29+$0x0], $0xffff;
	[tilespmem:v46+s31+$0x0] =	vst.idx.msk $0xffff, v15  }
0xf9: {  	p0 =	slt.u32 s12, $0x7E;
	v50 =	vunpack.i.u.bf16.f32 v38;
	v36 =	vor.u32 v4, v47;
	v30 =	vunpack.i.l.bf16.f32 v38;
	v23 =	vld.idx.msk [tilespmem:v41+s28+$0x0], $0xffff;
	[tilespmem:v34+s31+$0x0] =	vst.idx.msk $0xffff, v26  }
0xfa: {  	v38 =	vmul.f32 v50, v22;
	v37 =	vmul.f32 v30, v22;
	v34 =	vor.u32 v5, v47;
	v46 =	vld.idx.msk [tilespmem:v18+s29+$0x0], $0xffff  }
0xfb: {  	v49 =	vor.u32 v7, v47;
	v26 =	vshll.u32 v41, $0x7;
	v18 =	vor.u32 v6, v40;
	v15 =	vmovc v16;
	v16 =	vmovc v31  }
0xfc: {  	v30 =	vor.u32 v8, v47;
	v41 =	vunpack.i.u.bf16.f32 v43;
	v31 =	vor.u32 v1, v26;
	[tilespmem:v25+s31+$0x0] =	vst.idx.msk $0xffff, v37  }
0xfd: {  	v50 =	vor.u32 v2, v26;
	v37 =	vunpack.i.u.bf16.f32 v35;
	v35 =	vunpack.i.l.bf16.f32 v35;
	v25 =	vmovc v36;
	[tilespmem:v27+s31+$0x0] =	vst.idx.msk $0xffff, v38  }
0xfe: {  	v51 =	vor.u32 v7, v14;
	v52 =	vor.u32 v8, v14;
	v36 =	vunpack.i.l.bf16.f32 v33;
	v27 =	vmovc v34;
	v38 =	vld.idx.msk [tilespmem:v28+s29+$0x0], $0xffff  }
0xff: {  	v33 =	vunpack.i.u.bf16.f32 v33;
	v34 =	vmul.f32 v36, v23;
	v36 =	vor.u32 v3, v39;
	v28 =	vmovc v18;
	v18 =	vmovc v17  }
0x100: {  	v54 =	vor.u32 v9, v21;
	v21 =	vmovc v39;
	v33 =	vmul.f32 v33, v23;
	v17 =	vmovc v29;
	v53 =	vunpack.i.l.bf16.f32 v46  }
0x101: {  	v29 =	vmul.f32 v35, v45;
	[tilespmem:v31+s31+$0x0] =	vst.idx.msk $0xffff, v34;
	v31 =	vunpack.i.u.bf16.f32 v46;
	v34 =	vmul.f32 v53, v12  }
0x102: {  	v35 =	vunpack.i.l.bf16.f32 v43;
	v46 =	vmul.f32 v37, v45;
	[tilespmem:v50+s31+$0x0] =	vst.idx.msk $0xffff, v33;
	v31 =	vmul.f32 v31, v12  }
.Ltmp1:
0x103: {  	v33 =	vor.u32 v9, v40;
	[tilespmem:v51+s31+$0x0] =	vst.idx.msk $0xffff, v34;
	v34 =	vmul.f32 v35, v13;
	(pc) =	sbr.rel @p0 .LBB2_5-.Ltmp1, $4  }
0x104: {  	v35 =	vmul.f32 v41, v13;
	v37 =	vld.idx.msk [tilespmem:v36+s29+$0x0], $0xffff;
	v36 =	vunpack.i.u.bf16.f32 v38;
	v38 =	vunpack.i.l.bf16.f32 v38;
	[tilespmem:v52+s31+$0x0] =	vst.idx.msk $0xffff, v31  }
0x105: {  	[tilespmem:v42+s31+$0x0] =	vst.idx.msk $0xffff, v29;
	v40 =	vmul.f32 v38, v22;
	v39 =	vmul.f32 v36, v22;
	v36 =	vld.idx.msk [tilespmem:v54+s29+$0x0], $0xffff  }
0x106: {  	v13 =	vmov v22;
	v31 =	vor.u32 v10, v47;
	v29 =	vor.u32 v11, v47;
	[tilespmem:v44+s31+$0x0] =	vst.idx.msk $0xffff, v46  }
0x107: {  	v32 =	vadd.s32 $0x2, v32;
	v22 =	vmov v45;
	v38 =	vld.idx.msk [tilespmem:v48+s29+$0x0], $0xffff;
	[tilespmem:v24+s31+$0x0] =	vst.idx.msk $0xffff, v40;
	v24 =	vmov v49  }
0x108: {  	v32 =	vor.u32 v4, v26  }
0x109: {  	v40 =	vor.u32 v5, v26  }
0x10a: {  	v42 =	vor.u32 v6, v21;
	v41 =	vunpack.i.l.bf16.f32 v37  }
0x10b: {  	v59 =	vunpack.i.u.bf16.f32 v37;
	v41 =	vmul.f32 v41, v23  }
0x10c: {  	v37 =	vmul.f32 v59, v23;
	v43 =	vunpack.i.l.bf16.f32 v38  }
0x10d: {  	v60 =	vunpack.i.u.bf16.f32 v38;
	[tilespmem:v32+s31+$0x0] =	vst.idx.msk $0xffff, v41;
	v61 =	vmul.f32 v43, v22  }
0x10e: {  	v32 =	vmul.f32 v60, v22;
	[tilespmem:v40+s31+$0x0] =	vst.idx.msk $0xffff, v37  }
0x10f: {  	v37 =	vld.idx.msk [tilespmem:v42+s29+$0x0], $0xffff;
	[tilespmem:v25+s31+$0x0] =	vst.idx.msk $0xffff, v61  }
0x110: {  	[tilespmem:v27+s31+$0x0] =	vst.idx.msk $0xffff, v32  }
0x111: {  	v25 =	vld.idx.msk [tilespmem:v28+s29+$0x0], $0xffff  }
0x112: {  	v62 =	vor.u32 v7, v26  }
0x113: {  	v63 =	vor.u32 v8, v26  }
0x114: {  	v41 =	vor.u32 v9, v21;
	v40 =	vunpack.i.l.bf16.f32 v37  }
0x115: {  	v37 =	vunpack.i.u.bf16.f32 v37;
	v32 =	vmul.f32 v40, v23  }
0x116: {  	[tilespmem:v19+s31+$0x0] =	vst.idx.msk $0xffff, v39;
	v42 =	vmul.f32 v37, v23;
	v43 =	vunpack.i.l.bf16.f32 v25  }
0x117: {  	v20 =	vld.idx.msk [tilespmem:v20+s29+$0x0], $0xffff;
	v25 =	vunpack.i.u.bf16.f32 v25;
	[tilespmem:v62+s31+$0x0] =	vst.idx.msk $0xffff, v32;
	v44 =	vmul.f32 v43, v22  }
0x118: {  	v45 =	vor.u32 v10, v14;
	v46 =	vmul.f32 v25, v22;
	[tilespmem:v63+s31+$0x0] =	vst.idx.msk $0xffff, v42  }
0x119: {  	v47 =	vor.u32 v11, v14;
	v21 =	vld.idx.msk [tilespmem:v41+s29+$0x0], $0xffff;
	[tilespmem:v24+s31+$0x0] =	vst.idx.msk $0xffff, v44  }
0x11a: {  	v48 =	vunpack.i.l.bf16.f32 v36;
	[tilespmem:v30+s31+$0x0] =	vst.idx.msk $0xffff, v46  }
0x11b: {  	[tilespmem:v15+s31+$0x0] =	vst.idx.msk $0xffff, v34;
	v49 =	vunpack.i.u.bf16.f32 v36;
	v50 =	vmul.f32 v48, v12;
	v51 =	vld.idx.msk [tilespmem:v33+s29+$0x0], $0xffff  }
0x11c: {  	v54 =	vor.u32 v10, v26;
	[tilespmem:v18+s31+$0x0] =	vst.idx.msk $0xffff, v35;
	v52 =	vmul.f32 v49, v12;
	v53 =	vunpack.i.l.bf16.f32 v20  }
0x11d: {  	v56 =	vor.u32 v11, v26;
	[tilespmem:v45+s31+$0x0] =	vst.idx.msk $0xffff, v50;
	v55 =	vunpack.i.u.bf16.f32 v20;
	v15 =	vmul.f32 v53, v13  }
0x11e: {  	[tilespmem:v47+s31+$0x0] =	vst.idx.msk $0xffff, v52;
	v57 =	vmul.f32 v55, v13;
	v58 =	vunpack.i.l.bf16.f32 v21  }
0x11f: {  	[tilespmem:v16+s31+$0x0] =	vst.idx.msk $0xffff, v15;
	v59 =	vunpack.i.u.bf16.f32 v21;
	v13 =	vmul.f32 v58, v23  }
0x120: {  	[tilespmem:v17+s31+$0x0] =	vst.idx.msk $0xffff, v57;
	v60 =	vmul.f32 v59, v23;
	v61 =	vunpack.i.l.bf16.f32 v51  }
0x121: {  	v62 =	vunpack.i.u.bf16.f32 v51;
	[tilespmem:v54+s31+$0x0] =	vst.idx.msk $0xffff, v13;
	v14 =	vmul.f32 v61, v22  }
0x122: {  	s10 =	sadd.s32 $0x1, s10;
	v63 =	vmul.f32 v62, v22;
	[tilespmem:v56+s31+$0x0] =	vst.idx.msk $0xffff, v60  }
0x123: {  	p0 =	sne.s32 s10, $0x28;
	[tilespmem:v31+s31+$0x0] =	vst.idx.msk $0xffff, v14  }
.Ltmp2:
0x124: {  	[tilespmem:v29+s31+$0x0] =	vst.idx.msk $0xffff, v63;
	(pc) =	sbr.rel @p0 .LBB2_2-.Ltmp2, $4  }
0x125: {  	[spmem:s3] =	stream.indirect.scatter.add.f32 [tilespmem:s31], [sflag:$0x3], $0x80, s26, s23, $0xb8;
	[tilespmem:$0x1C300] =	vst v63  }
0x126: {  	_ =	swait.ge [sflag:s19], $0x4000  }
0x127: {  	[sflag:s19] =	ssyncset.done $0x0  }
0x128: {  	[sflag:s19] =	ssyncadd.s32 $0xFFFFC000  }
0x129: {  	[bflag:$0x0] =	sbarrier.arrive $0xFFFF  }
0x12a: {  	s10 =	rddreg [dreg:$0x8]  }
0x12b: {  	[hbm:s10], [sflag:s11] =	dma.local [spmem:s18], $0x2800  }
0x12c: {  	_ =	swait.ge [sflag:s19], $0x2800  }
0x12d: {  	s2 =	sadd.s32 $0x1, s2;
	s20 =	rddreg [dreg:$0x9]  }
0x12e: {  	p0 =	sne.s32 s2, s20  }
.Ltmp3:
0x12f: {  	_ = 	snop;
	(pc) =	sbr.rel @p0 .LBB2_1-.Ltmp3, $3  }
0x130: {  	_ =	sdelay $0x1  }
0x131: {  	[sflag:s19] =	ssyncset.done $0x0  }
0x132: {  	[sflag:s19] =	ssyncadd.s32 $0xFFFFD800  }
0x133: {  	_ =	sfence.sel $0x180000  }
0x134: {  	[bflag:$0x0] =	sbarrier.arrive $0xFFFF  }
0x135: {  	_ =	strace $0x9000004D  }
0x136: {  	s0 =	stileid.u32;
	[bflag:$0x2] =	sbarrier.arrive $0xFFFF  }
0x137: {  	p0 =	sne.s32 s0, $0x0;
	s0 =	rddreg [dreg:$0x3]  }
0x138: {  	s0 =	sadd.s32 @!p0 $0x100000, s0  }
0x139: {  	[sflag:s0] =	ssyncadd.tile.s32 @!p0 $0x1;
	_ =	shalt  }
.Lfunc_end2:
_tile_overlayer_lowered:
.L_overlay_start_2:
0x13a: {  	(tag) =	ssettag $0x2  }
0x13b: {  	s0 =	rddreg [dreg:$0x0];
	s2 =	stileid.u32  }
0x13c: {  	s1 =	rddreg [dreg:$0x1];
	p0 =	sne.s32 s2, $0x0  }
0x13d: {  	s3 =	rddreg [dreg:$0x2];
	[bflag:$0x3] =	sbarrier.arrive $0xFFFF;
	s2 =	simm.s32 @!p0 $0x1C03  }
0x13e: {  	[timem:s3], [sflag:s2] =	dma.local @!p0 [hbm:s0], s1  }
0x13f: {  	s0 =	simm.s32 @!p0 $0x3  }
0x140: {  	_ =	swait.ge @!p0 [sflag:s0], s1  }
0x141: {  	s1 =	ssub.s32 @!p0 $0x0, s1;
	[sflag:s0] =	ssyncset.done @!p0 $0x0  }
0x142: {  	[sflag:s0] =	ssyncadd.s32 @!p0 s1  }
0x143: {  	[bflag:$0x3] =	sbarrier.arrive $0xFFFF  }
0x144: {  	_ =	shalt  }

// kernel: kernel.8.cloned.1.call-start
scs
__scs_entry_jumppad:
0x0: {  	(pc) =	sbr.rel $0x88, $3  }
0x1: {  	(tag) =	ssettag $0x0;
	lr =	simm.s32 $0x1  }
0x2: {  	[smem:$0x3F94] =	sst lr;
	_ =	strace $0xD0000000  }
0x3: {  	_ = 	snop  }
0x4: {  	_ = 	snop  }
0x5: {  	_ = 	snop  }
0x6: {  	_ = 	snop  }
0x7: {  	_ = 	snop  }
__scs_overlays_trampoline_lowered:
0x8: {  	[smem:$0x3FA3] =	sst s0  }
0x9: {  	[smem:$0x3FA4] =	sst s1  }
0xa: {  	[smem:$0x3FA5] =	sst s2  }
0xb: {  	[smem:$0x3FA6] =	sst s3  }
0xc: {  	[smem:$0x3FA7] =	sst s4  }
0xd: {  	[smem:$0x3FA8] =	sst s5  }
0xe: {  	[smem:$0x3FA9] =	sst s6  }
0xf: {  	[smem:$0x3FAA] =	sst s7  }
0x10: {  	[smem:$0x3FAB] =	sst s8  }
0x11: {  	[smem:$0x3FAC] =	sst s9;
	s0 =	simm.s32 @!p0 $0x0  }
0x12: {  	s1 =	sld [smem:$0x3F92];
	s0 =	simm.s32 @p0 $0x1  }
0x13: {  	[smem:$0x3FAD] =	sst s0;
	s0 =	simm.s32 @!p1 $0x0  }
0x14: {  	s2 =	sld [smem:$0x3F91];
	s0 =	simm.s32 @p1 $0x1  }
0x15: {  	[smem:$0x3FAE] =	sst s0;
	s0 =	simm.s32 @!p2 $0x0  }
0x16: {  	s3 =	sld [smem:$0x3FDB];
	s0 =	simm.s32 @p2 $0x1  }
0x17: {  	s4 =	simm.s32 $0x1BF5;
	[smem:$0x3FB0] =	sst s0  }
0x18: {  	s0 =	sld [smem:$0x3F93];
	_ =	swait.ge [sflag:s4], $0x0  }
0x19: {  	s7 =	sld [smem:$0x3F94]  }
0x1a: {  	s8 =	sadd.s32 $0xFFFFE003, lr  }
0x1b: {  	s9 =	sadd.s32 $0xFFFFFEF7, lr;
	s5 =	simm.s32 $0xFFFFFFFF;
	p2 =	slt.u32 s8, $0xFFFFF086  }
0x1c: {  	p1 =	slt.u32 s9, $0xF7A;
	s5 =	simm.s32 @!p2 $0x0  }
0x1d: {  	s5 =	simm.s32 @p1 $0x1;
	p0 =	seq.s32 s7, s2  }
0x1e: {  	s7 =	smul.u32 @!p0 $0xF7A, s2;
	p2 =	seq.s32 @!p0 s5, $0x0  }
0x1f: {  	s9 =	smul.u32 $0xF7A, s1;
	s8 =	simm.s32 @!p0 $0x1BF5;
	p2 =	por !p2, p0  }
0x20: {  	[sflag:s8] =	ssyncset.s32 @!p0 $0xFFFFF086;
	s6 =	sadd.s32 @!p0 s3, s7;
	s7 =	simm.s32 @!p0 $0x108  }
0x21: {  	s3 =	sadd.s32 s3, s9;
	s6 =	sadd.s32 @!p0 $0x88, s6;
	s7 =	simm.s32 @p2 $0x1082  }
0x22: {  	[simem:s7], [sflag:s8] =	dma.local @!p0 [hbm:s6], $0xF7A  }
0x23: {  	s9 =	sor.u32 $0xD0000000, s2;
	s6 =	simm.s32 $0x108;
	_ =	swait.ge @!p0 [sflag:s8], $0x0  }
0x24: {  	s3 =	sadd.s32 $0x88, s3;
	s6 =	simm.s32 @!p1 $0x1082;
	[sflag:s4] =	ssyncset.s32 $0xFFFFF086  }
0x25: {  	[simem:s6], [sflag:s4] =	dma.local [hbm:s3], $0xF7A  }
0x26: {  	[smem:$0x3F94] =	sst s1;
	(tag) =	ssettag s2;
	_ =	strace s9  }
0x27: {  	s1 =	sld [smem:$0x3FA4]  }
0x28: {  	s2 =	sld [smem:$0x3FA5]  }
0x29: {  	s4 =	sld [smem:$0x3FA7]  }
0x2a: {  	p0 =	seq.s32 s5, $0x0;
	s5 =	sld [smem:$0x3FA8]  }
0x2b: {  	s6 =	sld [smem:$0x3FA9]  }
0x2c: {  	s7 =	sld [smem:$0x3FAA]  }
0x2d: {  	s3 =	simm.s32 $0x108;
	s8 =	sld [smem:$0x3FAB]  }
0x2e: {  	s3 =	simm.s32 @!p0 $0x1082;
	s9 =	sld [smem:$0x3FAC]  }
0x2f: {  	lr =	sadd.s32 s0, s3;
	s0 =	sld [smem:$0x3FA3]  }
0x30: {  	s3 =	sld [smem:$0x3FA6]  }
0x31: {  	[smem:$0x3FAF] =	sst s10  }
0x32: {  	s10 =	sld [smem:$0x3FAD];
	_ =	sdelay $0x3  }
0x33: {  	p0 =	seq.s32 s10, $0x1;
	s10 =	sld [smem:$0x3FAF];
	_ =	sdelay $0x3  }
0x34: {  	[smem:$0x3FAF] =	sst s10  }
0x35: {  	s10 =	sld [smem:$0x3FAE];
	_ =	sdelay $0x3  }
0x36: {  	p1 =	seq.s32 s10, $0x1;
	s10 =	sld [smem:$0x3FAF];
	_ =	sdelay $0x3  }
0x37: {  	[smem:$0x3FAF] =	sst s10  }
0x38: {  	s10 =	sld [smem:$0x3FB0]  }
0x39: {  	_ = 	snop;
	(pc) =	sbr.ind lr, $3  }
0x3a: {  	_ = 	snop  }
0x3b: {  	_ = 	snop  }
0x3c: {  	p2 =	seq.s32 s10, $0x1;
	s10 =	sld [smem:$0x3FAF]  }
0x3d: {  	_ =	shalt  }
0x3e: {  	_ =	shalt  }
0x3f: {  	_ =	shalt  }
0x40: {  	_ =	shalt  }
0x41: {  	_ =	shalt  }
0x42: {  	_ =	shalt  }
0x43: {  	_ =	shalt  }
0x44: {  	_ =	shalt  }
0x45: {  	_ =	shalt  }
0x46: {  	_ =	shalt  }
0x47: {  	_ =	shalt  }
0x48: {  	_ =	shalt  }
0x49: {  	_ =	shalt  }
0x4a: {  	_ =	shalt  }
0x4b: {  	_ =	shalt  }
0x4c: {  	_ =	shalt  }
0x4d: {  	_ =	shalt  }
0x4e: {  	_ =	shalt  }
0x4f: {  	_ =	shalt  }
0x50: {  	_ =	shalt  }
0x51: {  	_ =	shalt  }
0x52: {  	_ =	shalt  }
0x53: {  	_ =	shalt  }
0x54: {  	_ =	shalt  }
0x55: {  	_ =	shalt  }
0x56: {  	_ =	shalt  }
0x57: {  	_ =	shalt  }
0x58: {  	_ =	shalt  }
0x59: {  	_ =	shalt  }
0x5a: {  	_ =	shalt  }
0x5b: {  	_ =	shalt  }
0x5c: {  	_ =	shalt  }
0x5d: {  	_ =	shalt  }
0x5e: {  	_ =	shalt  }
0x5f: {  	_ =	shalt  }
0x60: {  	_ =	shalt  }
0x61: {  	_ =	shalt  }
0x62: {  	_ =	shalt  }
0x63: {  	_ =	shalt  }
0x64: {  	_ =	shalt  }
0x65: {  	_ =	shalt  }
0x66: {  	_ =	shalt  }
0x67: {  	_ =	shalt  }
0x68: {  	_ =	shalt  }
0x69: {  	_ =	shalt  }
0x6a: {  	_ =	shalt  }
0x6b: {  	_ =	shalt  }
0x6c: {  	_ =	shalt  }
0x6d: {  	_ =	shalt  }
0x6e: {  	_ =	shalt  }
0x6f: {  	_ =	shalt  }
0x70: {  	_ =	shalt  }
0x71: {  	_ =	shalt  }
0x72: {  	_ =	shalt  }
0x73: {  	_ =	shalt  }
0x74: {  	_ =	shalt  }
0x75: {  	_ =	shalt  }
0x76: {  	_ =	shalt  }
0x77: {  	_ =	shalt  }
0x78: {  	_ =	shalt  }
0x79: {  	_ =	shalt  }
0x7a: {  	_ =	shalt  }
0x7b: {  	_ =	shalt  }
0x7c: {  	_ =	shalt  }
0x7d: {  	_ =	shalt  }
0x7e: {  	_ =	shalt  }
0x7f: {  	_ =	shalt  }
0x80: {  	_ =	shalt  }
0x81: {  	_ =	shalt  }
0x82: {  	_ =	shalt  }
0x83: {  	_ =	shalt  }
0x84: {  	_ =	shalt  }
0x85: {  	_ =	shalt  }
0x86: {  	_ =	shalt  }
0x87: {  	_ =	shalt  }
.Lfunc_end0:
.L_simem_size_0:
called_computation_lowered:
.L_overlay_start_0:
0x88: {  	s2 =	sld [smem:$0x3FD9]  }
0x89: {  	s3 =	sld [smem:$0x3FFE];
	_ =	sdelay $0x1  }
0x8a: {  	s1 =	srdreg.scid  }
0x8b: {  	s0 =	sand.u32 $0x1, s1  }
0x8c: {  	s14 =	sshll.u32 s0, $0xA;
	s2 =	sadd.s32 s3, s2  }
0x8d: {  	s2 =	sadd.s32 s2, s14  }
0x8e: {  	[smem:$0x3FBB] =	sst s2  }
0x8f: {  	_ = 	snop  }
0x90: {  	s2 =	sld [smem:$0x3FD0];
	_ =	sdelay $0x2  }
0x91: {  	s15 =	simm.s32 $0xA;
	s4 =	simm.s32 $0x10  }
0x92: {  	[smem:s4], [sflag:s15] =	dma.local [hbm:s2], $0x1  }
0x93: {  	_ =	swait.eq [sflag:s15], $0x1  }
0x94: {  	[sflag:s15] =	ssyncset.done $0x0  }
0x95: {  	s16 =	sld [smem:$0x11];
	[sflag:s15] =	ssyncadd.s32 $0xFFFFFFFF  }
0x96: {  	s17 =	sld [smem:$0x12];
	(tm) =	ssettm $0x1  }
0x97: {  	s18 =	sld [smem:$0x3FFB];
	_ =	sdelay $0x3  }
0x98: {  	_ =	strace s18  }
0x99: {  	s4 =	sld [smem:$0x3FFC];
	_ =	sdelay $0x3  }
0x9a: {  	_ =	strace s4  }
0x9b: {  	s4 =	sld [smem:$0x3FFD];
	_ =	sdelay $0x3  }
0x9c: {  	_ =	strace s4  }
0x9d: {  	_ =	strace $0x8FFFFFFF  }
0x9e: {  	s19 =	sld [smem:$0x3FDB];
	_ =	sdelay $0x1  }
0x9f: {  	s5 =	simm.s32 $_scs_section_size  }
0xa0: {  	s6 =	simm.s32 $_size__tile_overlayer_lowered;
	s7 =	simm.s32 $_tile_overlayer_lowered  }
0xa1: {  	s22 =	simm.s32 $0x1BFF;
	s21 =	sshll.u32 s7, $0x1;
	s4 =	sadd.s32 s5, s19  }
0xa2: {  	s8 =	simm.s32 $0x0;
	s20 =	sshll.u32 s6, $0x1;
	s6 =	sadd.s32 s21, s4  }
0xa3: {  	[timem:s8], [sflag:s22] =	dma.local [hbm:s6], s20  }
0xa4: {  	_ =	swait.ge [sflag:s22], s20  }
0xa5: {  	s5 =	ssub.s32 $0x0, s20;
	[sflag:s22] =	ssyncset.done $0x0  }
0xa6: {  	[sflag:s22] =	ssyncadd.s32 s5;
	_ =	sdelay $0x1  }
0xa7: {  	s23 =	simm.s32 $0x1B8B  }
0xa8: {  	_ =	swait.ge [sflag:s23], $0x1  }
0xa9: {  	[sflag:s23] =	ssyncset.done $0x0  }
0xaa: {  	s25 =	simm.s32 $0x1B8E;
	s24 =	sld [smem:$0x3FFE];
	[sflag:s23] =	ssyncadd.s32 $0xFFFFFFFF  }
0xab: {  	s26 =	simm.s32 $execute0_lowered;
	[smem:$0x3FD2] =	sst s25  }
0xac: {  	s6 =	sshll.u32 s26, $0x1;
	_ =	strace $0x80000046;
	[dreg:$0x1] =	wrdreg $0xFFFFFFFF  }
0xad: {  	s28 =	simm.s32 $_size_execute0_lowered;
	s4 =	sadd.s32 s4, s6;
	[dreg:$0x0] =	wrdreg $0x0  }
0xae: {  	s6 =	sshll.u32 s28, $0x1;
	[dreg:$0x2] =	wrdreg s4  }
0xaf: {  	[dreg:$0x3] =	wrdreg s6  }
0xb0: {  	[dreg:$0x4] =	wrdreg $0xC0  }
0xb1: {  	_ =	task [dreg:s8], $0x5FFFF  }
0xb2: {  	[dreg:$0x1] =	wrdreg $0xFFFFFFFF  }
0xb3: {  	[dreg:$0x0] =	wrdreg $0x60  }
0xb4: {  	[dreg:$0x2] =	wrdreg s24  }
0xb5: {  	[dreg:$0x3] =	wrdreg s17  }
0xb6: {  	[dreg:$0x4] =	wrdreg s16  }
0xb7: {  	[dreg:$0x5] =	wrdreg $0x9  }
0xb8: {  	_ =	task.clear_ibuf [dreg:s8], $0x6FFFF;
	_ =	strace $0x90000046  }
0xb9: {  	s29 =	simm.s32 $0x9;
	_ =	strace $0x80000048  }
0xba: {  	_ =	swait.ge [sflag:s29], $0x1  }
0xbb: {  	[sflag:s29] =	ssyncadd.s32 $0xFFFFFFFF  }
0xbc: {  	_ =	strace $0x90000048  }
0xbd: {  	_ =	sfence  }
0xbe: {  	s30 =	sld [smem:$0x0];
	_ =	sdelay $0x2  }
0xbf: {  	s31 =	sshll.u32 s1, $0xD;
	s1 =	sshrl.u32 s1, $0x2  }
0xc0: {  	s3 =	sand.u32 $0x4000, s31;
	s1 =	sadd.s32 s1, s30  }
0xc1: {  	s0 =	sor.u32 s3, s0;
	s1 =	sshll.u32 s1, $0x11  }
0xc2: {  	s0 =	sor.u32 s1, s0  }
0xc3: {  	s0 =	sadd.s32 $0x8F2B, s0  }
0xc4: {  	[sflag:s0] =	ssyncadd.remote.s32 $0x1  }
0xc5: {  	_ =	sfence.sel $0xFFFF  }
0xc6: {  	[dreg:$0x0] =	wrdreg $0xFFFFFFFF;
	(pc) =	sbr.abs _section_cstart, $3  }
0xc7: {  	[dreg:$0x1] =	wrdreg $0xFFFFFFFF  }
0xc8: {  	_ =	task.clear_ibuf [dreg:s8], $0x2FFFF;
	_ =	strace $0x9FFFFFFF  }
0xc9: {  	(tm) =	ssettm $0x7FFFFFFF  }
tec
execute0_lowered:
.L_overlay_start_1:
0x0: {  	(tag) =	ssettag $0x1  }
0x1: {  	s0 =	rddreg [dreg:$0x0]  }
0x2: {  	s1 =	rddreg [dreg:$0x2]  }
0x3: {  	s2 =	simm.s32 $0x0;
	s3 =	srdreg.scid;
	s8 =	stileid.u32  }
0x4: {  	s16 =	simm.s32 $0x10200;
	s17 =	simm.s32 $0x5;
	s18 =	simm.s32 $0x10280  }
0x5: {  	s21 =	simm.s32 $0x80;
	s28 =	simm.s32 $0xC200;
	s29 =	simm.s32 $0x1  }
0x6: {  	s30 =	simm.s32 $0x2;
	s31 =	simm.s32 $0x10320;
	s19 =	simm.s32 $0x0  }
0x7: {  	[smem:$0x7FF] =	sst s2;
	s4 =	sadd.s32 $0x29400, s0;
	s3 =	sand.u32 $0x1, s3  }
0x8: {  	s5 =	sadd.s32 $0x2200, s0;
	s6 =	sadd.s32 $0x55600, s0;
	s9 =	sadd.s32 $0x2000, s0  }
0x9: {  	s22 =	sadd.s32 $0x5F800, s0;
	s24 =	sadd.s32 $0x5F600, s0;
	s10 =	sadd.s32 $0x5FA00, s0  }
0xa: {  	s0 =	simm.s32 $0x3;
	_ =	strace $0x80000047;
	[dreg:$0x4] =	wrdreg s9  }
0xb: {  	s7 =	sshll.u32 s3, $0x4;
	[dreg:$0x5] =	wrdreg s22;
	s3 =	ssub.s32 $0x2, s3  }
0xc: {  	v0 =	vlaneseq.u32;
	[dreg:$0x6] =	wrdreg s24;
	s22 =	simm.s32 $0x100;
	s7 =	sor.u32 s8, s7  }
0xd: {  	v0 =	vmul.u32 $0x80, v0;
	s24 =	simm.s32 $0x8100;
	s11 =	sshrl.u32 s3, $0x1;
	s23 =	smul.u32 $0x500, s7  }
0xe: {  	s13 =	smul.u32 $0x2800, s7;
	s25 =	ssub.s32 s3, s11;
	s26 =	sshll.u32 s7, $0x1  }
0xf: {  	v8 =	vimm.f32 $0.0e+00;
	vm0 =	vmxor vm0, vm0;
	v1 =	vor.u32 $0x800, v0;
	s11 =	smul.u32 $0x1400, s7;
	s3 =	simm.s32 $0x4;
	s14 =	sadd.s32 s1, s26  }
0x10: {  	v2 =	vor.u32 $0x1000, v0;
	v3 =	vor.u32 $0x1800, v0;
	v4 =	vor.u32 $0x2000, v0;
	s15 =	smax.u32 s25, $0x1;
	s25 =	simm.s32 $0x8200;
	s26 =	simm.s32 $0x8180  }
0x11: {  	v5 =	vor.u32 $0x2800, v0;
	v6 =	vor.u32 $0x3000, v0;
	v7 =	vor.u32 $0x3800, v0;
	s12 =	sadd.s32 s6, s23;
	s13 =	sor.u32 $0x200, s13;
	s23 =	simm.s32 $0x4100  }
.LBB2_1:
0x12: {  	s1 =	rddreg [dreg:$0x1]  }
0x13: {  	[tilespmem:s16], [sflag:$0x5] =	stream.linear.gather [hbm4b:s1+s2], $0x80, $0x38;
	[tilespmem:$0x103B0] =	vst v63  }
0x14: {  	_ =	swait.ge [sflag:s17], $0x80  }
0x15: {  	[sflag:s17] =	ssyncset.done $0x0  }
0x16: {  	s7 =	rddreg [dreg:$0x4];
	[sflag:s17] =	ssyncadd.s32 $0xFFFFFF80  }
0x17: {  	[tilespmem:s18], [sflag:$0x5] =	stream.linear.gather [hbm4b:s7+s2], $0x80, $0x38;
	[tilespmem:$0x103B0] =	vst v63  }
0x18: {  	_ =	swait.ge [sflag:s17], $0x80  }
0x19: {  	[sflag:s17] =	ssyncset.done $0x0  }
0x1a: {  	s7 =	simm.s32 $0x10300;
	s8 =	rddreg [dreg:$0x5];
	[sflag:s17] =	ssyncadd.s32 $0xFFFFFF80  }
0x1b: {  	[tilespmem:s7], [sflag:$0x5] =	stream.linear.gather [hbm4b:s8+s2], $0x10, $0x38;
	[tilespmem:$0x103B0] =	vst v63  }
0x1c: {  	_ =	swait.ge [sflag:s17], $0x10  }
0x1d: {  	[sflag:s17] =	ssyncset.done $0x0  }
0x1e: {  	s20 =	simm.s32 $0x10310;
	s9 =	rddreg [dreg:$0x6];
	[sflag:s17] =	ssyncadd.s32 $0xFFFFFFF0  }
0x1f: {  	[tilespmem:s20], [sflag:$0x5] =	stream.linear.gather [hbm4b:s9+s2], $0x10, $0x38;
	[tilespmem:$0x103B0] =	vst v63  }
0x20: {  	_ =	swait.ge [sflag:s17], $0x10  }
0x21: {  	[sflag:s17] =	ssyncset.done $0x0  }
0x22: {  	[sflag:s17] =	ssyncadd.s32 $0xFFFFFFF0  }
0x23: {  	v9 =	vld [tilespmem:$0x10310];
	_ =	sdelay $0x4  }
0x24: {  	v9 =	vmul.f32 $1.442695020e+00, v9;
	_ =	sdelay $0x1  }
0x25: {  	(erf) = vpow2.f32 v9;
	_ =	sdelay $0x8  }
0x26: {  	v9 =	vld [tilespmem:$0x10300];
	[tilespmem:s2], [sflag:$0x5] =	stream.linear.gather [hbm4b:s12+s2], $0x100, $0x38;
	v10 =	vpop (erf)  }
0x27: {  	_ =	swait.ge [sflag:s17], $0x100  }
0x28: {  	[sflag:s17] =	ssyncset.done $0x0  }
0x29: {  	[sflag:s17] =	ssyncadd.s32 $0xFFFFFF00  }
0x2a: {  	[tilespmem:s22], [sflag:$0x1] =	stream.indirect.gather [hbm4b:s4+s21], $0x80, s2, s21, $0xb8;
	[tilespmem:$0x103B0] =	vst v63  }
0x2b: {  	s20 =	simm.s32 $0x0  }
0x2c: {  	v11 =	vimm.f32 $0.0e+00;
	[tilespmem:s23], [sflag:$0x2] =	stream.indirect.gather [hbm4b:s5+s21], $0x80, s21, s21, $0xb8;
	[tilespmem:$0x103B0] =	vst v63  }
.LBB2_2:
0x2d: {  	s7 =	sshll.u32 s20, $0x8  }
0x2e: {  	s1 =	sadd.s32 s7, s11  }
0x2f: {  	s1 =	sadd.s32 $0x80, s1  }
0x30: {  	s8 =	sshrl.u32 s1, $0x2  }
0x31: {  	s8 =	sadd.s32 s6, s8  }
0x32: {  	[tilespmem:s24], [sflag:$0x5] =	stream.linear.gather [hbm4b:s8+s2], $0x100, $0x38;
	[tilespmem:$0x103B0] =	vst v63  }
0x33: {  	_ =	swait.ge [sflag:s17], $0x100  }
0x34: {  	[sflag:s17] =	ssyncset.done $0x0  }
0x35: {  	[sflag:s17] =	ssyncadd.s32 $0xFFFFFF00  }
0x36: {  	[tilespmem:s25], [sflag:$0x3] =	stream.indirect.gather [hbm4b:s4+s21], $0x80, s24, s21, $0xb8;
	[tilespmem:$0x103B0] =	vst v63  }
0x37: {  	_ = 	snop  }
0x38: {  	[tilespmem:s28], [sflag:$0x4] =	stream.indirect.gather [hbm4b:s5+s21], $0x80, s26, s21, $0xb8;
	[tilespmem:$0x103B0] =	vst v63  }
0x39: {  	_ =	swait.ge [sflag:s29], $0x4000  }
0x3a: {  	[sflag:s29] =	ssyncset.done $0x0  }
0x3b: {  	[sflag:s29] =	ssyncadd.s32 $0xFFFFC000  }
0x3c: {  	v12 =	vimm.f32 $0.0e+00;
	v13 =	vimm.s32 $0x0;
	v14 =	vimm.f32 $0.0e+00;
	_ =	swait.ge [sflag:s30], $0x4000  }
0x3d: {  	v15 =	vimm.f32 $0.0e+00;
	v17 =	vimm.f32 $0.0e+00;
	v16 =	vimm.f32 $0.0e+00;
	[sflag:s30] =	ssyncset.done $0x0  }
0x3e: {  	v18 =	vimm.f32 $0.0e+00;
	v20 =	vimm.f32 $0.0e+00;
	v19 =	vimm.f32 $0.0e+00;
	s8 =	simm.s32 $0xFFFFFFFE;
	[sflag:s30] =	ssyncadd.s32 $0xFFFFC000  }
.LBB2_3:
0x3f: {  	v21 =	vand.u32 $0xFFFFFFF8, v13  }
0x40: {  	v22 =	vand.u32 $0x6, v13;
	v23 =	vadd.s32 v0, v21  }
0x41: {  	v24 =	vor.u32 v22, v23  }
0x42: {  	v26 =	vadd.s32 v1, v21  }
0x43: {  	v27 =	vor.u32 v22, v26  }
0x44: {  	v28 =	vadd.s32 v2, v21  }
0x45: {  	v29 =	vor.u32 v22, v28  }
0x46: {  	v34 =	vadd.s32 v3, v21;
	v25 =	vld.idx.msk [tilespmem:v24+s22+$0x0], $0xffff  }
0x47: {  	v62 =	vor.u32 v22, v34;
	v24 =	vld.idx.msk [tilespmem:v24+s23+$0x0], $0xffff  }
0x48: {  	v61 =	vld.idx.msk [tilespmem:v27+s22+$0x0], $0xffff  }
0x49: {  	v27 =	vld.idx.msk [tilespmem:v27+s23+$0x0], $0xffff  }
0x4a: {  	v33 =	vld.idx.msk [tilespmem:v29+s22+$0x0], $0xffff  }
0x4b: {  	v29 =	vld.idx.msk [tilespmem:v29+s23+$0x0], $0xffff  }
0x4c: {  	v63 =	vld.idx.msk [tilespmem:v62+s22+$0x0], $0xffff;
	_ =	sdelay $0x1  }
0x4d: {  	v31 =	vunpack.i.l.bf16.f32 v25;
	v32 =	vunpack.i.l.bf16.f32 v24;
	v25 =	vunpack.i.u.bf16.f32 v25  }
0x4e: {  	v30 =	vld.idx.msk [tilespmem:v13+s16+$0x0], $0xffff;
	v24 =	vunpack.i.u.bf16.f32 v24;
	v35 =	vunpack.i.l.bf16.f32 v27;
	v37 =	vunpack.i.l.bf16.f32 v33  }
0x4f: {  	v38 =	vunpack.i.l.bf16.f32 v29;
	v27 =	vunpack.i.u.bf16.f32 v27;
	v42 =	vunpack.i.u.bf16.f32 v33  }
0x50: {  	v36 =	vld.idx.msk [tilespmem:v13+s18+$0x0], $0xffff;
	v29 =	vunpack.i.u.bf16.f32 v29;
	v48 =	vunpack.i.l.bf16.f32 v63;
	v31 =	vadd.f32 v32, v31  }
0x51: {  	v52 =	vunpack.i.u.bf16.f32 v63;
	v24 =	vadd.f32 v24, v25;
	v32 =	vunpack.i.u.bf16.f32 v61  }
0x52: {  	v37 =	vadd.f32 v38, v37;
	v29 =	vadd.f32 v29, v42;
	v31 =	vmax.f32 v31, $0.0e+00  }
0x53: {  	v25 =	vld.idx.msk [tilespmem:v62+s23+$0x0], $0xffff;
	v27 =	vadd.f32 v27, v32;
	v24 =	vmax.f32 v24, $0.0e+00;
	v31 =	vmul.f32 v31, v30  }
0x54: {  	v44 =	vmax.f32 v37, $0.0e+00;
	v29 =	vmax.f32 v29, $0.0e+00;
	v37 =	vadd.s32 v6, v21  }
0x55: {  	v24 =	vmul.f32 v24, v36;
	v31 =	vadd.f32 v31, v19;
	v19 =	vunpack.i.l.bf16.f32 v61  }
0x56: {  	v51 =	vor.u32 v22, v37;
	v35 =	vadd.f32 v35, v19;
	v19 =	vadd.s32 v4, v21  }
0x57: {  	v27 =	vmax.f32 v27, $0.0e+00;
	v45 =	vmul.f32 v44, v30;
	v39 =	vor.u32 v22, v19  }
0x58: {  	v29 =	vmul.f32 v29, v36;
	v49 =	vunpack.i.l.bf16.f32 v25;
	v35 =	vmax.f32 v35, $0.0e+00  }
0x59: {  	v50 =	vadd.f32 v49, v48;
	v43 =	vmul.f32 v35, v30;
	v35 =	vadd.s32 v5, v21  }
0x5a: {  	v27 =	vmul.f32 v27, v36;
	v25 =	vunpack.i.u.bf16.f32 v25;
	v40 =	vor.u32 v22, v35  }
0x5b: {  	v25 =	vadd.f32 v25, v52;
	v24 =	vadd.f32 v31, v24;
	v31 =	vmax.f32 v50, $0.0e+00;
	v59 =	vld.idx.msk [tilespmem:v51+s22+$0x0], $0xffff  }
0x5c: {  	v31 =	vmul.f32 v31, v30;
	v21 =	vadd.s32 v7, v21;
	v20 =	vadd.f32 v43, v20;
	v46 =	vld.idx.msk [tilespmem:v39+s22+$0x0], $0xffff  }
0x5d: {  	v18 =	vadd.f32 v45, v18;
	v25 =	vmax.f32 v25, $0.0e+00;
	v22 =	vor.u32 v22, v21;
	v47 =	vld.idx.msk [tilespmem:v39+s23+$0x0], $0xffff  }
0x5e: {  	v25 =	vmul.f32 v25, v36;
	v16 =	vadd.f32 v31, v16;
	v20 =	vadd.f32 v20, v27;
	v27 =	vld.idx.msk [tilespmem:v51+s23+$0x0], $0xffff  }
0x5f: {  	v60 =	vor.u32 $0x1, v13;
	v18 =	vadd.f32 v18, v29;
	v56 =	vld.idx.msk [tilespmem:v40+s22+$0x0], $0xffff  }
0x60: {  	v16 =	vadd.f32 v16, v25;
	v44 =	vunpack.i.l.bf16.f32 v59;
	v57 =	vld.idx.msk [tilespmem:v40+s23+$0x0], $0xffff;
	v40 =	vand.u32 $0x7, v60  }
0x61: {  	v23 =	vor.u32 v40, v23;
	v26 =	vor.u32 v40, v26;
	v53 =	vunpack.i.l.bf16.f32 v46  }
0x62: {  	v41 =	vld.idx.msk [tilespmem:v22+s22+$0x0], $0xffff;
	v54 =	vunpack.i.l.bf16.f32 v47;
	v33 =	vunpack.i.u.bf16.f32 v46;
	v32 =	vunpack.i.u.bf16.f32 v47  }
0x63: {  	v22 =	vld.idx.msk [tilespmem:v22+s23+$0x0], $0xffff;
	v28 =	vor.u32 v40, v28;
	v55 =	vadd.f32 v54, v53;
	v58 =	vadd.f32 v32, v33  }
0x64: {  	v45 =	vunpack.i.l.bf16.f32 v27;
	v32 =	vunpack.i.u.bf16.f32 v59;
	v27 =	vunpack.i.u.bf16.f32 v27  }
0x65: {  	v34 =	vor.u32 v40, v34;
	v21 =	vor.u32 v40, v21;
	v27 =	vadd.f32 v27, v32  }
0x66: {  	v29 =	vmax.f32 v55, $0.0e+00;
	v31 =	vmax.f32 v58, $0.0e+00;
	v62 =	vunpack.i.l.bf16.f32 v56  }
0x67: {  	v63 =	vunpack.i.l.bf16.f32 v57;
	v43 =	vunpack.i.u.bf16.f32 v56;
	v39 =	vunpack.i.u.bf16.f32 v57  }
0x68: {  	v47 =	vunpack.i.l.bf16.f32 v41;
	v48 =	vunpack.i.l.bf16.f32 v22;
	v53 =	vunpack.i.u.bf16.f32 v41  }
0x69: {  	v22 =	vunpack.i.u.bf16.f32 v22;
	v41 =	vor.u32 v40, v35;
	v29 =	vmul.f32 v29, v30  }
0x6a: {  	v61 =	vmul.f32 v31, v36;
	v25 =	vadd.f32 v63, v62;
	v31 =	vadd.f32 v45, v44  }
0x6b: {  	v46 =	vld.idx.msk [tilespmem:v23+s22+$0x0], $0xffff;
	v32 =	vadd.f32 v48, v47;
	v27 =	vmax.f32 v27, $0.0e+00;
	v22 =	vadd.f32 v22, v53  }
0x6c: {  	v23 =	vld.idx.msk [tilespmem:v23+s23+$0x0], $0xffff;
	v44 =	vor.u32 v40, v37;
	v27 =	vmul.f32 v27, v36;
	v17 =	vadd.f32 v29, v17  }
0x6d: {  	v54 =	vld.idx.msk [tilespmem:v26+s22+$0x0], $0xffff;
	v25 =	vmax.f32 v25, $0.0e+00;
	v29 =	vadd.f32 v39, v43;
	v31 =	vmax.f32 v31, $0.0e+00  }
0x6e: {  	v26 =	vld.idx.msk [tilespmem:v26+s23+$0x0], $0xffff;
	v50 =	vmax.f32 v32, $0.0e+00;
	v22 =	vmax.f32 v22, $0.0e+00;
	v25 =	vmul.f32 v25, v30  }
0x6f: {  	v55 =	vld.idx.msk [tilespmem:v28+s22+$0x0], $0xffff;
	v31 =	vmul.f32 v31, v30;
	v22 =	vmul.f32 v22, v36;
	v17 =	vadd.f32 v17, v61  }
0x70: {  	v28 =	vld.idx.msk [tilespmem:v28+s23+$0x0], $0xffff;
	v29 =	vmax.f32 v29, $0.0e+00;
	v61 =	vor.u32 v40, v19;
	v15 =	vadd.f32 v25, v15  }
0x71: {  	v49 =	vmul.f32 v29, v36;
	v14 =	vadd.f32 v31, v14;
	v29 =	vmul.f32 v50, v30  }
0x72: {  	v51 =	vunpack.i.l.bf16.f32 v46;
	v52 =	vunpack.i.l.bf16.f32 v23;
	v38 =	vunpack.i.u.bf16.f32 v46  }
0x73: {  	v31 =	vld.idx.msk [tilespmem:v60+s16+$0x0], $0xffff;
	v23 =	vunpack.i.u.bf16.f32 v23;
	v57 =	vunpack.i.l.bf16.f32 v54;
	v58 =	vunpack.i.l.bf16.f32 v26  }
0x74: {  	v59 =	vunpack.i.u.bf16.f32 v54;
	v19 =	vunpack.i.u.bf16.f32 v26;
	v62 =	vunpack.i.l.bf16.f32 v55  }
0x75: {  	v30 =	vld.idx.msk [tilespmem:v60+s18+$0x0], $0xffff;
	v63 =	vunpack.i.l.bf16.f32 v28;
	v32 =	vadd.f32 v52, v51;
	v23 =	vadd.f32 v23, v38  }
0x76: {  	v60 =	vld.idx.msk [tilespmem:v34+s22+$0x0], $0xffff;
	v33 =	vunpack.i.u.bf16.f32 v55;
	v25 =	vadd.f32 v58, v57;
	v26 =	vadd.f32 v63, v62  }
0x77: {  	v34 =	vld.idx.msk [tilespmem:v34+s23+$0x0], $0xffff;
	v38 =	vunpack.i.u.bf16.f32 v28;
	v15 =	vadd.f32 v15, v49;
	v32 =	vmax.f32 v32, $0.0e+00  }
0x78: {  	v14 =	vadd.f32 v14, v27;
	v12 =	vadd.f32 v29, v12;
	v56 =	vmul.f32 v32, v31  }
0x79: {  	v47 =	vld.idx.msk [tilespmem:v41+s22+$0x0], $0xffff;
	v29 =	vadd.f32 v19, v59;
	v23 =	vmax.f32 v23, $0.0e+00;
	v25 =	vmax.f32 v25, $0.0e+00  }
0x7a: {  	v36 =	vmax.f32 v26, $0.0e+00;
	v23 =	vmul.f32 v23, v30;
	v24 =	vadd.f32 v56, v24  }
0x7b: {  	v51 =	vld.idx.msk [tilespmem:v44+s22+$0x0], $0xffff;
	v12 =	vadd.f32 v12, v22;
	v22 =	vmul.f32 v25, v31;
	v42 =	vunpack.i.l.bf16.f32 v60  }
0x7c: {  	v43 =	vunpack.i.l.bf16.f32 v34;
	v19 =	vadd.f32 v24, v23;
	v23 =	vmax.f32 v29, $0.0e+00  }
0x7d: {  	v39 =	vld.idx.msk [tilespmem:v61+s22+$0x0], $0xffff;
	v20 =	vadd.f32 v22, v20;
	v22 =	vmul.f32 v23, v30;
	v23 =	vadd.f32 v43, v42  }
0x7e: {  	v54 =	vunpack.i.l.bf16.f32 v47;
	v27 =	vunpack.i.u.bf16.f32 v47;
	v25 =	vmul.f32 v36, v31;
	v32 =	vld.idx.msk [tilespmem:v61+s23+$0x0], $0xffff  }
0x7f: {  	v45 =	vunpack.i.u.bf16.f32 v60;
	v46 =	vunpack.i.u.bf16.f32 v34;
	v23 =	vmax.f32 v23, $0.0e+00  }
0x80: {  	v26 =	vadd.f32 v46, v45;
	v57 =	vunpack.i.l.bf16.f32 v51;
	v23 =	vmul.f32 v23, v31  }
0x81: {  	v59 =	vunpack.i.u.bf16.f32 v51;
	v18 =	vadd.f32 v25, v18;
	v25 =	vld.idx.msk [tilespmem:v44+s23+$0x0], $0xffff;
	v24 =	vadd.f32 v38, v33  }
0x82: {  	v48 =	vunpack.i.l.bf16.f32 v39;
	v16 =	vadd.f32 v23, v16;
	v23 =	vmax.f32 v26, $0.0e+00  }
0x83: {  	v29 =	vld.idx.msk [tilespmem:v41+s23+$0x0], $0xffff;
	v28 =	vunpack.i.u.bf16.f32 v39;
	v49 =	vunpack.i.l.bf16.f32 v32;
	v23 =	vmul.f32 v23, v30  }
0x84: {  	v32 =	vunpack.i.u.bf16.f32 v32;
	v24 =	vmax.f32 v24, $0.0e+00;
	v50 =	vadd.f32 v49, v48  }
0x85: {  	v52 =	vadd.f32 v32, v28;
	v24 =	vmul.f32 v24, v30;
	v16 =	vadd.f32 v16, v23;
	v23 =	vld.idx.msk [tilespmem:v21+s22+$0x0], $0xffff  }
0x86: {  	v20 =	vadd.f32 v20, v22;
	v58 =	vunpack.i.l.bf16.f32 v25;
	v25 =	vunpack.i.u.bf16.f32 v25;
	v21 =	vld.idx.msk [tilespmem:v21+s23+$0x0], $0xffff  }
0x87: {  	v22 =	vmax.f32 v50, $0.0e+00;
	v25 =	vadd.f32 v25, v59;
	v18 =	vadd.f32 v18, v24  }
0x88: {  	v22 =	vmul.f32 v22, v31;
	v55 =	vunpack.i.l.bf16.f32 v29;
	v29 =	vunpack.i.u.bf16.f32 v29  }
0x89: {  	v53 =	vmax.f32 v52, $0.0e+00;
	v26 =	vadd.f32 v55, v54;
	v56 =	vadd.f32 v29, v27  }
0x8a: {  	v27 =	vadd.f32 v58, v57;
	v25 =	vmax.f32 v25, $0.0e+00;
	v17 =	vadd.f32 v22, v17  }
0x8b: {  	v22 =	vmul.f32 v53, v30;
	v60 =	vunpack.i.l.bf16.f32 v23;
	v61 =	vunpack.i.l.bf16.f32 v21  }
0x8c: {  	v26 =	vmax.f32 v26, $0.0e+00;
	v27 =	vmax.f32 v27, $0.0e+00;
	v29 =	vadd.f32 v61, v60  }
0x8d: {  	s8 =	sadd.s32 $0x2, s8;
	v26 =	vmul.f32 v26, v31;
	v23 =	vunpack.i.u.bf16.f32 v23;
	v21 =	vunpack.i.u.bf16.f32 v21  }
0x8e: {  	p0 =	slt.u32 s8, $0x7E;
	v27 =	vmul.f32 v27, v31;
	v21 =	vadd.f32 v21, v23;
	v62 =	vmax.f32 v29, $0.0e+00  }
.Ltmp0:
0x8f: {  	v25 =	vmul.f32 v25, v30;
	v24 =	vmax.f32 v56, $0.0e+00;
	v63 =	vmul.f32 v62, v31;
	(pc) =	sbr.rel @p0 .LBB2_3-.Ltmp0, $4  }
0x90: {  	v15 =	vadd.f32 v26, v15;
	v14 =	vadd.f32 v27, v14;
	v21 =	vmax.f32 v21, $0.0e+00  }
0x91: {  	v23 =	vmul.f32 v24, v30;
	v21 =	vmul.f32 v21, v30;
	v12 =	vadd.f32 v63, v12  }
0x92: {  	v17 =	vadd.f32 v17, v22;
	v14 =	vadd.f32 v14, v25  }
0x93: {  	v13 =	vadd.s32 $0x2, v13;
	v15 =	vadd.f32 v15, v23;
	v12 =	vadd.f32 v12, v21  }
0x94: {  	v13 =	vadd.f32 v19, v9;
	_ =	sdelay $0x1  }
0x95: {  	v13 =	vsub.f32 $0.0e+00, v13;
	_ =	sdelay $0x1  }
0x96: {  	v13 =	vmul.f32 $1.442695020e+00, v13;
	_ =	sdelay $0x1  }
0x97: {  	(erf) = vpow2.f32 v13;
	_ =	sdelay $0x8  }
0x98: {  	v13 =	vpop (erf)  }
0x99: {  	v13 =	vadd.f32 $1.000000000e+00, v13;
	_ =	sdelay $0x1  }
0x9a: {  	(erf) = vrcp.f32 v13;
	_ =	sdelay $0x8  }
0x9b: {  	v13 =	vpop (erf)  }
0x9c: {  	v13 =	vadd.f32 $-5.000000000e-01, v13;
	_ =	sdelay $0x1  }
0x9d: {  	v13 =	vsub.f32 $0.0e+00, v13;
	_ =	sdelay $0x1  }
0x9e: {  	v13 =	vmul.f32 v13, v10;
	_ =	sdelay $0x1  }
0x9f: {  	v13 =	vmul.f32 $1.442695020e+00, v13;
	_ =	sdelay $0x1  }
0xa0: {  	(erf) = vpow2.f32 v13;
	_ =	sdelay $0x6  }
0xa1: {  	v13 =	vadd.f32 v20, v9;
	_ =	sdelay $0x1  }
0xa2: {  	v13 =	vsub.f32 $0.0e+00, v13;
	v19 =	vpop (erf)  }
0xa3: {  	v19 =	vadd.f32 $1.000000000e+00, v19  }
0xa4: {  	v13 =	vmul.f32 $1.442695020e+00, v13  }
0xa5: {  	(erf) = vrcp.f32 v19  }
0xa6: {  	(erf) = vpow2.f32 v13;
	_ =	sdelay $0x7  }
0xa7: {  	v13 =	vpop (erf)  }
0xa8: {  	v19 =	vpop (erf)  }
0xa9: {  	v19 =	vadd.f32 $1.000000000e+00, v19;
	_ =	sdelay $0x1  }
0xaa: {  	(erf) = vrcp.f32 v19;
	_ =	sdelay $0x8  }
0xab: {  	v19 =	vpop (erf)  }
0xac: {  	v19 =	vadd.f32 $-5.000000000e-01, v19;
	_ =	sdelay $0x1  }
0xad: {  	v19 =	vsub.f32 $0.0e+00, v19;
	_ =	sdelay $0x1  }
0xae: {  	v19 =	vmul.f32 v19, v10;
	_ =	sdelay $0x1  }
0xaf: {  	v19 =	vmul.f32 $1.442695020e+00, v19;
	_ =	sdelay $0x1  }
0xb0: {  	(erf) = vpow2.f32 v19;
	_ =	sdelay $0x6  }
0xb1: {  	v18 =	vadd.f32 v18, v9;
	_ =	sdelay $0x1  }
0xb2: {  	v18 =	vsub.f32 $0.0e+00, v18;
	v19 =	vpop (erf)  }
0xb3: {  	v19 =	vadd.f32 $1.000000000e+00, v19  }
0xb4: {  	v18 =	vmul.f32 $1.442695020e+00, v18  }
0xb5: {  	(erf) = vrcp.f32 v19  }
0xb6: {  	(erf) = vpow2.f32 v18;
	_ =	sdelay $0x7  }
0xb7: {  	v18 =	vpop (erf)  }
0xb8: {  	v19 =	vpop (erf)  }
0xb9: {  	v19 =	vadd.f32 $1.000000000e+00, v19;
	_ =	sdelay $0x1  }
0xba: {  	(erf) = vrcp.f32 v19;
	_ =	sdelay $0x8  }
0xbb: {  	v19 =	vpop (erf)  }
0xbc: {  	v19 =	vadd.f32 $-5.000000000e-01, v19;
	_ =	sdelay $0x1  }
0xbd: {  	v19 =	vsub.f32 $0.0e+00, v19;
	_ =	sdelay $0x1  }
0xbe: {  	v19 =	vmul.f32 v19, v10;
	_ =	sdelay $0x1  }
0xbf: {  	v19 =	vmul.f32 $1.442695020e+00, v19;
	_ =	sdelay $0x1  }
0xc0: {  	(erf) = vpow2.f32 v19;
	_ =	sdelay $0x6  }
0xc1: {  	v16 =	vadd.f32 v16, v9;
	_ =	sdelay $0x1  }
0xc2: {  	v16 =	vsub.f32 $0.0e+00, v16;
	v19 =	vpop (erf)  }
0xc3: {  	v19 =	vadd.f32 $1.000000000e+00, v19  }
0xc4: {  	v16 =	vmul.f32 $1.442695020e+00, v16  }
0xc5: {  	(erf) = vrcp.f32 v19  }
0xc6: {  	(erf) = vpow2.f32 v16;
	_ =	sdelay $0x7  }
0xc7: {  	v16 =	vpop (erf)  }
0xc8: {  	v19 =	vpop (erf)  }
0xc9: {  	v19 =	vadd.f32 $1.000000000e+00, v19;
	_ =	sdelay $0x1  }
0xca: {  	(erf) = vrcp.f32 v19;
	_ =	sdelay $0x8  }
0xcb: {  	v19 =	vpop (erf)  }
0xcc: {  	v19 =	vadd.f32 $-5.000000000e-01, v19;
	_ =	sdelay $0x1  }
0xcd: {  	v19 =	vsub.f32 $0.0e+00, v19;
	_ =	sdelay $0x1  }
0xce: {  	v19 =	vmul.f32 v19, v10;
	_ =	sdelay $0x1  }
0xcf: {  	v19 =	vmul.f32 $1.442695020e+00, v19;
	_ =	sdelay $0x1  }
0xd0: {  	(erf) = vpow2.f32 v19;
	_ =	sdelay $0x6  }
0xd1: {  	v17 =	vadd.f32 v17, v9;
	_ =	sdelay $0x1  }
0xd2: {  	v17 =	vsub.f32 $0.0e+00, v17;
	v19 =	vpop (erf)  }
0xd3: {  	v19 =	vadd.f32 $1.000000000e+00, v19  }
0xd4: {  	v17 =	vmul.f32 $1.442695020e+00, v17  }
0xd5: {  	(erf) = vrcp.f32 v19  }
0xd6: {  	(erf) = vpow2.f32 v17;
	_ =	sdelay $0x7  }
0xd7: {  	v17 =	vpop (erf)  }
0xd8: {  	v19 =	vpop (erf)  }
0xd9: {  	v19 =	vadd.f32 $1.000000000e+00, v19;
	_ =	sdelay $0x1  }
0xda: {  	(erf) = vrcp.f32 v19;
	_ =	sdelay $0x8  }
0xdb: {  	v19 =	vpop (erf)  }
0xdc: {  	v19 =	vadd.f32 $-5.000000000e-01, v19;
	_ =	sdelay $0x1  }
0xdd: {  	v19 =	vsub.f32 $0.0e+00, v19;
	_ =	sdelay $0x1  }
0xde: {  	v19 =	vmul.f32 v19, v10;
	_ =	sdelay $0x1  }
0xdf: {  	v19 =	vmul.f32 $1.442695020e+00, v19;
	_ =	sdelay $0x1  }
0xe0: {  	(erf) = vpow2.f32 v19;
	_ =	sdelay $0x6  }
0xe1: {  	v15 =	vadd.f32 v15, v9;
	_ =	sdelay $0x1  }
0xe2: {  	v15 =	vsub.f32 $0.0e+00, v15;
	v19 =	vpop (erf)  }
0xe3: {  	v19 =	vadd.f32 $1.000000000e+00, v19  }
0xe4: {  	v15 =	vmul.f32 $1.442695020e+00, v15  }
0xe5: {  	(erf) = vrcp.f32 v19  }
0xe6: {  	(erf) = vpow2.f32 v15;
	_ =	sdelay $0x7  }
0xe7: {  	v15 =	vpop (erf)  }
0xe8: {  	v19 =	vpop (erf)  }
0xe9: {  	v19 =	vadd.f32 $1.000000000e+00, v19;
	_ =	sdelay $0x1  }
0xea: {  	(erf) = vrcp.f32 v19;
	_ =	sdelay $0x8  }
0xeb: {  	v19 =	vpop (erf)  }
0xec: {  	v19 =	vadd.f32 $-5.000000000e-01, v19;
	_ =	sdelay $0x1  }
0xed: {  	v19 =	vsub.f32 $0.0e+00, v19;
	_ =	sdelay $0x1  }
0xee: {  	v19 =	vmul.f32 v19, v10;
	_ =	sdelay $0x1  }
0xef: {  	v19 =	vmul.f32 $1.442695020e+00, v19;
	_ =	sdelay $0x1  }
0xf0: {  	(erf) = vpow2.f32 v19;
	_ =	sdelay $0x6  }
0xf1: {  	v14 =	vadd.f32 v14, v9;
	_ =	sdelay $0x1  }
0xf2: {  	v14 =	vsub.f32 $0.0e+00, v14;
	v19 =	vpop (erf)  }
0xf3: {  	v19 =	vadd.f32 $1.000000000e+00, v19  }
0xf4: {  	v14 =	vmul.f32 $1.442695020e+00, v14  }
0xf5: {  	(erf) = vrcp.f32 v19  }
0xf6: {  	(erf) = vpow2.f32 v14;
	_ =	sdelay $0x7  }
0xf7: {  	v14 =	vpop (erf)  }
0xf8: {  	v19 =	vpop (erf)  }
0xf9: {  	v19 =	vadd.f32 $1.000000000e+00, v19;
	_ =	sdelay $0x1  }
0xfa: {  	(erf) = vrcp.f32 v19;
	_ =	sdelay $0x8  }
0xfb: {  	v19 =	vpop (erf)  }
0xfc: {  	v19 =	vadd.f32 $-5.000000000e-01, v19;
	_ =	sdelay $0x1  }
0xfd: {  	v19 =	vsub.f32 $0.0e+00, v19;
	_ =	sdelay $0x1  }
0xfe: {  	v19 =	vmul.f32 v19, v10;
	_ =	sdelay $0x1  }
0xff: {  	v19 =	vmul.f32 $1.442695020e+00, v19;
	_ =	sdelay $0x1  }
0x100: {  	(erf) = vpow2.f32 v19;
	_ =	sdelay $0x6  }
0x101: {  	v12 =	vadd.f32 v12, v9;
	_ =	sdelay $0x1  }
0x102: {  	v12 =	vsub.f32 $0.0e+00, v12;
	v19 =	vpop (erf)  }
0x103: {  	v19 =	vadd.f32 $1.000000000e+00, v19  }
0x104: {  	v12 =	vmul.f32 $1.442695020e+00, v12  }
0x105: {  	(erf) = vrcp.f32 v19  }
0x106: {  	(erf) = vpow2.f32 v12;
	_ =	sdelay $0x7  }
0x107: {  	v12 =	vpop (erf)  }
0x108: {  	v19 =	vpop (erf)  }
0x109: {  	v19 =	vadd.f32 $1.000000000e+00, v19;
	_ =	sdelay $0x1  }
0x10a: {  	(erf) = vrcp.f32 v19;
	_ =	sdelay $0x8  }
0x10b: {  	v19 =	vpop (erf)  }
0x10c: {  	v19 =	vadd.f32 $-5.000000000e-01, v19;
	_ =	sdelay $0x1  }
0x10d: {  	v19 =	vsub.f32 $0.0e+00, v19;
	_ =	sdelay $0x1  }
0x10e: {  	v19 =	vmul.f32 v19, v10;
	_ =	sdelay $0x1  }
0x10f: {  	v19 =	vmul.f32 $1.442695020e+00, v19;
	_ =	sdelay $0x1  }
0x110: {  	(erf) = vpow2.f32 v19;
	_ =	sdelay $0x8  }
0x111: {  	v19 =	vpop (erf)  }
0x112: {  	v19 =	vadd.f32 $1.000000000e+00, v19;
	_ =	sdelay $0x1  }
0x113: {  	(erf) = vrcp.f32 v19  }
0x114: {  	s7 =	sadd.s32 s11, s7  }
0x115: {  	p1 =	slt.u32 s7, $0x27100;
	s8 =	sor.u32 $0x10, s7;
	s9 =	sor.u32 $0x20, s7  }
0x116: {  	p3 =	slt.u32 s8, $0x27100;
	p6 =	slt.u32 s9, $0x27100;
	s9 =	sor.u32 $0x30, s7;
	v13 =	vpsel !p1, $0x0, v13  }
0x117: {  	p5 =	slt.u32 s9, $0x27100;
	s9 =	sor.u32 $0x40, s7;
	[tilespmem:$0x10320] =	vst v13;
	v18 =	vpsel !p3, $0x0, v18  }
0x118: {  	p4 =	slt.u32 s9, $0x27100;
	s9 =	sor.u32 $0x50, s7;
	[tilespmem:$0x10330] =	vst v18;
	v16 =	vpsel !p6, $0x0, v16  }
0x119: {  	p2 =	slt.u32 s9, $0x27100;
	s9 =	sor.u32 $0x60, s7;
	[tilespmem:$0x10340] =	vst v16;
	v17 =	vpsel !p5, $0x0, v17  }
0x11a: {  	p0 =	slt.u32 s9, $0x27100;
	[tilespmem:$0x10350] =	vst v17;
	v15 =	vpsel !p4, $0x0, v15  }
0x11b: {  	vm1 =	vmmov vm0;
	s9 =	sor.u32 $0x70, s7;
	s8 =	simm.s32 @!p0 $0x0;
	[tilespmem:$0x10360] =	vst v15;
	v14 =	vpsel !p2, $0x0, v14  }
0x11c: {  	vm1 =	vmneg @p1 vm1;
	s8 =	simm.s32 @p0 $0x1;
	vm2 =	vlt.f32 v13, $5.000000000e-01;
	[tilespmem:$0x10370] =	vst v14;
	v12 =	vpsel !p0, $0x0, v12;
	p0 =	slt.u32 s9, $0x27100;
	v19 =	vpop (erf)  }
0x11d: {  	s7 =	sshrl.u32 s7, $0x3;
	vm1 =	vmand vm1, vm2;
	vm2 =	vmmov vm0;
	[tilespmem:$0x10380] =	vst v12;
	v19 =	vpsel !p0, $0x0, v19  }
0x11e: {  	s7 =	sadd.s32 s10, s7;
	vm2 =	vmneg @p3 vm2;
	p3 =	seq.s32 s20, $0x13;
	[tilespmem:$0x10390] =	vst v19  }
0x11f: {  	[hbm4b:s7+s2] =	stream.linear.scatter [tilespmem:s31], [sflag:$0x5], $0x80, $0x38;
	[tilespmem:$0x103B0] =	vst v63  }
0x120: {  	[smem:$0x7FD] =	sst s8;
	s7 =	sshll.u32 @!p3 s20, $0x9  }
0x121: {  	_ =	swait.ge [sflag:s17], $0x80;
	s7 =	sadd.s32 @!p3 s7, s13  }
0x122: {  	[sflag:s17] =	ssyncset.done $0x0;
	s7 =	sshrl.u32 @!p3 s7, $0x3  }
0x123: {  	s8 =	simm.s32 @!p3 $0x0;
	[sflag:s17] =	ssyncadd.s32 $0xFFFFFF80;
	s7 =	sadd.s32 @!p3 s6, s7  }
0x124: {  	[tilespmem:s8], [sflag:$0x5] =	stream.linear.gather @!p3 [hbm4b:s7+s8], $0x100, $0x38;
	[tilespmem:$0x103B0] =	vst v63  }
0x125: {  	v20 =	vimm.f32 $0.0e+00;
	v13 =	vsel vm1, $0x3F800000, v8;
	vm1 =	vlt.f32 v18, $5.000000000e-01;
	s7 =	simm.s32 @!p3 $0x5  }
0x126: {  	v11 =	vadd.f32 v13, v11;
	vm1 =	vmand vm2, vm1;
	vm2 =	vmmov vm0;
	_ =	swait.ge @!p3 [sflag:s7], $0x100  }
0x127: {  	vm2 =	vmneg @p6 vm2;
	v13 =	vsel vm1, $0x3F800000, v8;
	vm1 =	vlt.f32 v16, $5.000000000e-01;
	[sflag:s7] =	ssyncset.done @!p3 $0x0  }
0x128: {  	v18 =	vimm.f32 $0.0e+00;
	v11 =	vadd.f32 v13, v11;
	vm1 =	vmand vm2, vm1;
	[sflag:s7] =	ssyncadd.s32 @!p3 $0xFFFFFF00;
	[smem:$0x7FC] =	sst s0  }
0x129: {  	v16 =	vimm.f32 $0.0e+00;
	vm2 =	vmmov vm0;
	v13 =	vsel vm1, $0x3F800000, v8;
	s0 =	sld [smem:$0x7FD]  }
0x12a: {  	vm2 =	vmneg @p5 vm2;
	v11 =	vadd.f32 v13, v11;
	vm1 =	vlt.f32 v17, $5.000000000e-01  }
0x12b: {  	v17 =	vimm.f32 $0.0e+00;
	vm1 =	vmand vm2, vm1;
	vm2 =	vmmov vm0;
	s9 =	simm.s32 @!p3 $0x100  }
0x12c: {  	vm2 =	vmneg @p4 vm2;
	v13 =	vsel vm1, $0x3F800000, v8;
	vm1 =	vlt.f32 v15, $5.000000000e-01;
	s7 =	simm.s32 @!p3 $0x80;
	p1 =	seq.s32 s0, $0x1;
	s0 =	sld [smem:$0x7FC]  }
0x12d: {  	v11 =	vadd.f32 v13, v11;
	vm1 =	vmand vm2, vm1;
	vm2 =	vmmov vm0;
	[tilespmem:s9], [sflag:$0x1] =	stream.indirect.gather @!p3 [hbm4b:s4+s7], $0x80, s8, s7, $0xb8;
	[tilespmem:$0x103B0] =	vst v63  }
0x12e: {  	vm2 =	vmneg @p2 vm2;
	v13 =	vsel vm1, $0x3F800000, v8;
	vm1 =	vlt.f32 v14, $5.000000000e-01;
	s8 =	simm.s32 @!p3 $0x4100  }
0x12f: {  	v11 =	vadd.f32 v13, v11;
	vm1 =	vmand vm2, vm1;
	vm2 =	vmmov vm0;
	[tilespmem:s8], [sflag:$0x2] =	stream.indirect.gather @!p3 [hbm4b:s5+s7], $0x80, s7, s7, $0xb8;
	[tilespmem:$0x103B0] =	vst v63  }
0x130: {  	v13 =	vsel vm1, $0x3F800000, v8;
	vm1 =	vlt.f32 v12, $5.000000000e-01;
	vm2 =	vmneg @p1 vm2;
	_ =	swait.ge [sflag:s0], $0x4000  }
0x131: {  	v11 =	vadd.f32 v13, v11;
	vm1 =	vmand vm2, vm1;
	vm2 =	vmmov vm0;
	[sflag:s0] =	ssyncset.done $0x0  }
0x132: {  	vm2 =	vmneg @p0 vm2;
	v12 =	vsel vm1, $0x3F800000, v8;
	vm1 =	vlt.f32 v19, $5.000000000e-01;
	[sflag:s0] =	ssyncadd.s32 $0xFFFFC000  }
0x133: {  	v15 =	vimm.f32 $0.0e+00;
	v11 =	vadd.f32 v12, v11;
	vm1 =	vmand vm2, vm1;
	_ =	swait.ge [sflag:s3], $0x4000  }
0x134: {  	v14 =	vimm.f32 $0.0e+00;
	v13 =	vimm.s32 $0x0;
	v12 =	vsel vm1, $0x3F800000, v8;
	[sflag:s3] =	ssyncset.done $0x0  }
0x135: {  	s7 =	simm.s32 $0xFFFFFFFE;
	v19 =	vimm.f32 $0.0e+00;
	v11 =	vadd.f32 v12, v11;
	v12 =	vimm.f32 $0.0e+00;
	[sflag:s3] =	ssyncadd.s32 $0xFFFFC000  }
.LBB2_5:
0x136: {  	v21 =	vand.u32 $0xFFFFFFF8, v13  }
0x137: {  	v22 =	vand.u32 $0x6, v13;
	v23 =	vadd.s32 v0, v21  }
0x138: {  	v24 =	vor.u32 v22, v23  }
0x139: {  	v26 =	vadd.s32 v1, v21  }
0x13a: {  	v27 =	vor.u32 v22, v26  }
0x13b: {  	v28 =	vadd.s32 v2, v21  }
0x13c: {  	v29 =	vor.u32 v22, v28  }
0x13d: {  	v34 =	vadd.s32 v3, v21;
	v25 =	vld.idx.msk [tilespmem:v24+s25+$0x0], $0xffff  }
0x13e: {  	v62 =	vor.u32 v22, v34;
	v24 =	vld.idx.msk [tilespmem:v24+s28+$0x0], $0xffff  }
0x13f: {  	v61 =	vld.idx.msk [tilespmem:v27+s25+$0x0], $0xffff  }
0x140: {  	v27 =	vld.idx.msk [tilespmem:v27+s28+$0x0], $0xffff  }
0x141: {  	v33 =	vld.idx.msk [tilespmem:v29+s25+$0x0], $0xffff  }
0x142: {  	v29 =	vld.idx.msk [tilespmem:v29+s28+$0x0], $0xffff  }
0x143: {  	v63 =	vld.idx.msk [tilespmem:v62+s25+$0x0], $0xffff;
	_ =	sdelay $0x1  }
0x144: {  	v31 =	vunpack.i.l.bf16.f32 v25;
	v32 =	vunpack.i.l.bf16.f32 v24;
	v25 =	vunpack.i.u.bf16.f32 v25  }
0x145: {  	v30 =	vld.idx.msk [tilespmem:v13+s16+$0x0], $0xffff;
	v24 =	vunpack.i.u.bf16.f32 v24;
	v35 =	vunpack.i.l.bf16.f32 v27;
	v37 =	vunpack.i.l.bf16.f32 v33  }
0x146: {  	v38 =	vunpack.i.l.bf16.f32 v29;
	v27 =	vunpack.i.u.bf16.f32 v27;
	v42 =	vunpack.i.u.bf16.f32 v33  }
0x147: {  	v36 =	vld.idx.msk [tilespmem:v13+s18+$0x0], $0xffff;
	v29 =	vunpack.i.u.bf16.f32 v29;
	v48 =	vunpack.i.l.bf16.f32 v63;
	v31 =	vadd.f32 v32, v31  }
0x148: {  	v52 =	vunpack.i.u.bf16.f32 v63;
	v24 =	vadd.f32 v24, v25;
	v32 =	vunpack.i.u.bf16.f32 v61  }
0x149: {  	v37 =	vadd.f32 v38, v37;
	v29 =	vadd.f32 v29, v42;
	v31 =	vmax.f32 v31, $0.0e+00  }
0x14a: {  	v25 =	vld.idx.msk [tilespmem:v62+s28+$0x0], $0xffff;
	v27 =	vadd.f32 v27, v32;
	v24 =	vmax.f32 v24, $0.0e+00;
	v31 =	vmul.f32 v31, v30  }
0x14b: {  	v44 =	vmax.f32 v37, $0.0e+00;
	v29 =	vmax.f32 v29, $0.0e+00;
	v37 =	vadd.s32 v6, v21  }
0x14c: {  	v24 =	vmul.f32 v24, v36;
	v31 =	vadd.f32 v31, v19;
	v19 =	vunpack.i.l.bf16.f32 v61  }
0x14d: {  	v51 =	vor.u32 v22, v37;
	v35 =	vadd.f32 v35, v19;
	v19 =	vadd.s32 v4, v21  }
0x14e: {  	v27 =	vmax.f32 v27, $0.0e+00;
	v45 =	vmul.f32 v44, v30;
	v39 =	vor.u32 v22, v19  }
0x14f: {  	v29 =	vmul.f32 v29, v36;
	v49 =	vunpack.i.l.bf16.f32 v25;
	v35 =	vmax.f32 v35, $0.0e+00  }
0x150: {  	v50 =	vadd.f32 v49, v48;
	v43 =	vmul.f32 v35, v30;
	v35 =	vadd.s32 v5, v21  }
0x151: {  	v27 =	vmul.f32 v27, v36;
	v25 =	vunpack.i.u.bf16.f32 v25;
	v40 =	vor.u32 v22, v35  }
0x152: {  	v25 =	vadd.f32 v25, v52;
	v24 =	vadd.f32 v31, v24;
	v31 =	vmax.f32 v50, $0.0e+00;
	v59 =	vld.idx.msk [tilespmem:v51+s25+$0x0], $0xffff  }
0x153: {  	v31 =	vmul.f32 v31, v30;
	v21 =	vadd.s32 v7, v21;
	v20 =	vadd.f32 v43, v20;
	v46 =	vld.idx.msk [tilespmem:v39+s25+$0x0], $0xffff  }
0x154: {  	v18 =	vadd.f32 v45, v18;
	v25 =	vmax.f32 v25, $0.0e+00;
	v22 =	vor.u32 v22, v21;
	v47 =	vld.idx.msk [tilespmem:v39+s28+$0x0], $0xffff  }
0x155: {  	v25 =	vmul.f32 v25, v36;
	v16 =	vadd.f32 v31, v16;
	v20 =	vadd.f32 v20, v27;
	v27 =	vld.idx.msk [tilespmem:v51+s28+$0x0], $0xffff  }
0x156: {  	v60 =	vor.u32 $0x1, v13;
	v18 =	vadd.f32 v18, v29;
	v56 =	vld.idx.msk [tilespmem:v40+s25+$0x0], $0xffff  }
0x157: {  	v16 =	vadd.f32 v16, v25;
	v44 =	vunpack.i.l.bf16.f32 v59;
	v57 =	vld.idx.msk [tilespmem:v40+s28+$0x0], $0xffff;
	v40 =	vand.u32 $0x7, v60  }
0x158: {  	v23 =	vor.u32 v40, v23;
	v26 =	vor.u32 v40, v26;
	v53 =	vunpack.i.l.bf16.f32 v46  }
0x159: {  	v41 =	vld.idx.msk [tilespmem:v22+s25+$0x0], $0xffff;
	v54 =	vunpack.i.l.bf16.f32 v47;
	v33 =	vunpack.i.u.bf16.f32 v46;
	v32 =	vunpack.i.u.bf16.f32 v47  }
0x15a: {  	v22 =	vld.idx.msk [tilespmem:v22+s28+$0x0], $0xffff;
	v28 =	vor.u32 v40, v28;
	v55 =	vadd.f32 v54, v53;
	v58 =	vadd.f32 v32, v33  }
0x15b: {  	v45 =	vunpack.i.l.bf16.f32 v27;
	v32 =	vunpack.i.u.bf16.f32 v59;
	v27 =	vunpack.i.u.bf16.f32 v27  }
0x15c: {  	v34 =	vor.u32 v40, v34;
	v21 =	vor.u32 v40, v21;
	v27 =	vadd.f32 v27, v32  }
0x15d: {  	v29 =	vmax.f32 v55, $0.0e+00;
	v31 =	vmax.f32 v58, $0.0e+00;
	v62 =	vunpack.i.l.bf16.f32 v56  }
0x15e: {  	v63 =	vunpack.i.l.bf16.f32 v57;
	v43 =	vunpack.i.u.bf16.f32 v56;
	v39 =	vunpack.i.u.bf16.f32 v57  }
0x15f: {  	v47 =	vunpack.i.l.bf16.f32 v41;
	v48 =	vunpack.i.l.bf16.f32 v22;
	v53 =	vunpack.i.u.bf16.f32 v41  }
0x160: {  	v22 =	vunpack.i.u.bf16.f32 v22;
	v41 =	vor.u32 v40, v35;
	v29 =	vmul.f32 v29, v30  }
0x161: {  	v61 =	vmul.f32 v31, v36;
	v25 =	vadd.f32 v63, v62;
	v31 =	vadd.f32 v45, v44  }
0x162: {  	v46 =	vld.idx.msk [tilespmem:v23+s25+$0x0], $0xffff;
	v32 =	vadd.f32 v48, v47;
	v27 =	vmax.f32 v27, $0.0e+00;
	v22 =	vadd.f32 v22, v53  }
0x163: {  	v23 =	vld.idx.msk [tilespmem:v23+s28+$0x0], $0xffff;
	v44 =	vor.u32 v40, v37;
	v27 =	vmul.f32 v27, v36;
	v17 =	vadd.f32 v29, v17  }
0x164: {  	v54 =	vld.idx.msk [tilespmem:v26+s25+$0x0], $0xffff;
	v25 =	vmax.f32 v25, $0.0e+00;
	v29 =	vadd.f32 v39, v43;
	v31 =	vmax.f32 v31, $0.0e+00  }
0x165: {  	v26 =	vld.idx.msk [tilespmem:v26+s28+$0x0], $0xffff;
	v50 =	vmax.f32 v32, $0.0e+00;
	v22 =	vmax.f32 v22, $0.0e+00;
	v25 =	vmul.f32 v25, v30  }
0x166: {  	v55 =	vld.idx.msk [tilespmem:v28+s25+$0x0], $0xffff;
	v31 =	vmul.f32 v31, v30;
	v22 =	vmul.f32 v22, v36;
	v17 =	vadd.f32 v17, v61  }
0x167: {  	v28 =	vld.idx.msk [tilespmem:v28+s28+$0x0], $0xffff;
	v29 =	vmax.f32 v29, $0.0e+00;
	v61 =	vor.u32 v40, v19;
	v15 =	vadd.f32 v25, v15  }
0x168: {  	v49 =	vmul.f32 v29, v36;
	v14 =	vadd.f32 v31, v14;
	v29 =	vmul.f32 v50, v30  }
0x169: {  	v51 =	vunpack.i.l.bf16.f32 v46;
	v52 =	vunpack.i.l.bf16.f32 v23;
	v38 =	vunpack.i.u.bf16.f32 v46  }
0x16a: {  	v31 =	vld.idx.msk [tilespmem:v60+s16+$0x0], $0xffff;
	v23 =	vunpack.i.u.bf16.f32 v23;
	v57 =	vunpack.i.l.bf16.f32 v54;
	v58 =	vunpack.i.l.bf16.f32 v26  }
0x16b: {  	v59 =	vunpack.i.u.bf16.f32 v54;
	v19 =	vunpack.i.u.bf16.f32 v26;
	v62 =	vunpack.i.l.bf16.f32 v55  }
0x16c: {  	v30 =	vld.idx.msk [tilespmem:v60+s18+$0x0], $0xffff;
	v63 =	vunpack.i.l.bf16.f32 v28;
	v32 =	vadd.f32 v52, v51;
	v23 =	vadd.f32 v23, v38  }
0x16d: {  	v60 =	vld.idx.msk [tilespmem:v34+s25+$0x0], $0xffff;
	v33 =	vunpack.i.u.bf16.f32 v55;
	v25 =	vadd.f32 v58, v57;
	v26 =	vadd.f32 v63, v62  }
0x16e: {  	v34 =	vld.idx.msk [tilespmem:v34+s28+$0x0], $0xffff;
	v38 =	vunpack.i.u.bf16.f32 v28;
	v15 =	vadd.f32 v15, v49;
	v32 =	vmax.f32 v32, $0.0e+00  }
0x16f: {  	v14 =	vadd.f32 v14, v27;
	v12 =	vadd.f32 v29, v12;
	v56 =	vmul.f32 v32, v31  }
0x170: {  	v47 =	vld.idx.msk [tilespmem:v41+s25+$0x0], $0xffff;
	v29 =	vadd.f32 v19, v59;
	v23 =	vmax.f32 v23, $0.0e+00;
	v25 =	vmax.f32 v25, $0.0e+00  }
0x171: {  	v36 =	vmax.f32 v26, $0.0e+00;
	v23 =	vmul.f32 v23, v30;
	v24 =	vadd.f32 v56, v24  }
0x172: {  	v51 =	vld.idx.msk [tilespmem:v44+s25+$0x0], $0xffff;
	v12 =	vadd.f32 v12, v22;
	v22 =	vmul.f32 v25, v31;
	v42 =	vunpack.i.l.bf16.f32 v60  }
0x173: {  	v43 =	vunpack.i.l.bf16.f32 v34;
	v19 =	vadd.f32 v24, v23;
	v23 =	vmax.f32 v29, $0.0e+00  }
0x174: {  	v39 =	vld.idx.msk [tilespmem:v61+s25+$0x0], $0xffff;
	v20 =	vadd.f32 v22, v20;
	v22 =	vmul.f32 v23, v30;
	v23 =	vadd.f32 v43, v42  }
0x175: {  	v54 =	vunpack.i.l.bf16.f32 v47;
	v27 =	vunpack.i.u.bf16.f32 v47;
	v25 =	vmul.f32 v36, v31;
	v32 =	vld.idx.msk [tilespmem:v61+s28+$0x0], $0xffff  }
0x176: {  	v45 =	vunpack.i.u.bf16.f32 v60;
	v46 =	vunpack.i.u.bf16.f32 v34;
	v23 =	vmax.f32 v23, $0.0e+00  }
0x177: {  	v26 =	vadd.f32 v46, v45;
	v57 =	vunpack.i.l.bf16.f32 v51;
	v23 =	vmul.f32 v23, v31  }
0x178: {  	v59 =	vunpack.i.u.bf16.f32 v51;
	v18 =	vadd.f32 v25, v18;
	v25 =	vld.idx.msk [tilespmem:v44+s28+$0x0], $0xffff;
	v24 =	vadd.f32 v38, v33  }
0x179: {  	v48 =	vunpack.i.l.bf16.f32 v39;
	v16 =	vadd.f32 v23, v16;
	v23 =	vmax.f32 v26, $0.0e+00  }
0x17a: {  	v29 =	vld.idx.msk [tilespmem:v41+s28+$0x0], $0xffff;
	v28 =	vunpack.i.u.bf16.f32 v39;
	v49 =	vunpack.i.l.bf16.f32 v32;
	v23 =	vmul.f32 v23, v30  }
0x17b: {  	v32 =	vunpack.i.u.bf16.f32 v32;
	v24 =	vmax.f32 v24, $0.0e+00;
	v50 =	vadd.f32 v49, v48  }
0x17c: {  	v52 =	vadd.f32 v32, v28;
	v24 =	vmul.f32 v24, v30;
	v16 =	vadd.f32 v16, v23;
	v23 =	vld.idx.msk [tilespmem:v21+s25+$0x0], $0xffff  }
0x17d: {  	v20 =	vadd.f32 v20, v22;
	v58 =	vunpack.i.l.bf16.f32 v25;
	v25 =	vunpack.i.u.bf16.f32 v25;
	v21 =	vld.idx.msk [tilespmem:v21+s28+$0x0], $0xffff  }
0x17e: {  	v22 =	vmax.f32 v50, $0.0e+00;
	v25 =	vadd.f32 v25, v59;
	v18 =	vadd.f32 v18, v24  }
0x17f: {  	v22 =	vmul.f32 v22, v31;
	v55 =	vunpack.i.l.bf16.f32 v29;
	v29 =	vunpack.i.u.bf16.f32 v29  }
0x180: {  	v53 =	vmax.f32 v52, $0.0e+00;
	v26 =	vadd.f32 v55, v54;
	v56 =	vadd.f32 v29, v27  }
0x181: {  	v27 =	vadd.f32 v58, v57;
	v25 =	vmax.f32 v25, $0.0e+00;
	v17 =	vadd.f32 v22, v17  }
0x182: {  	v22 =	vmul.f32 v53, v30;
	v60 =	vunpack.i.l.bf16.f32 v23;
	v61 =	vunpack.i.l.bf16.f32 v21  }
0x183: {  	v26 =	vmax.f32 v26, $0.0e+00;
	v27 =	vmax.f32 v27, $0.0e+00;
	v29 =	vadd.f32 v61, v60  }
0x184: {  	s7 =	sadd.s32 $0x2, s7;
	v26 =	vmul.f32 v26, v31;
	v23 =	vunpack.i.u.bf16.f32 v23;
	v21 =	vunpack.i.u.bf16.f32 v21  }
0x185: {  	p0 =	slt.u32 s7, $0x7E;
	v27 =	vmul.f32 v27, v31;
	v21 =	vadd.f32 v21, v23;
	v62 =	vmax.f32 v29, $0.0e+00  }
.Ltmp1:
0x186: {  	v25 =	vmul.f32 v25, v30;
	v24 =	vmax.f32 v56, $0.0e+00;
	v63 =	vmul.f32 v62, v31;
	(pc) =	sbr.rel @p0 .LBB2_5-.Ltmp1, $4  }
0x187: {  	v15 =	vadd.f32 v26, v15;
	v14 =	vadd.f32 v27, v14;
	v21 =	vmax.f32 v21, $0.0e+00  }
0x188: {  	v23 =	vmul.f32 v24, v30;
	v21 =	vmul.f32 v21, v30;
	v12 =	vadd.f32 v63, v12  }
0x189: {  	v17 =	vadd.f32 v17, v22;
	v14 =	vadd.f32 v14, v25  }
0x18a: {  	v13 =	vadd.s32 $0x2, v13;
	v15 =	vadd.f32 v15, v23;
	v12 =	vadd.f32 v12, v21  }
0x18b: {  	v13 =	vadd.f32 v19, v9;
	_ =	sdelay $0x1  }
0x18c: {  	v13 =	vsub.f32 $0.0e+00, v13;
	_ =	sdelay $0x1  }
0x18d: {  	v13 =	vmul.f32 $1.442695020e+00, v13;
	_ =	sdelay $0x1  }
0x18e: {  	(erf) = vpow2.f32 v13;
	_ =	sdelay $0x8  }
0x18f: {  	v13 =	vpop (erf)  }
0x190: {  	v13 =	vadd.f32 $1.000000000e+00, v13;
	_ =	sdelay $0x1  }
0x191: {  	(erf) = vrcp.f32 v13;
	_ =	sdelay $0x8  }
0x192: {  	v13 =	vpop (erf)  }
0x193: {  	v13 =	vadd.f32 $-5.000000000e-01, v13;
	_ =	sdelay $0x1  }
0x194: {  	v13 =	vsub.f32 $0.0e+00, v13;
	_ =	sdelay $0x1  }
0x195: {  	v13 =	vmul.f32 v13, v10;
	_ =	sdelay $0x1  }
0x196: {  	v13 =	vmul.f32 $1.442695020e+00, v13;
	_ =	sdelay $0x1  }
0x197: {  	(erf) = vpow2.f32 v13;
	_ =	sdelay $0x6  }
0x198: {  	v38 =	vadd.f32 v20, v9;
	_ =	sdelay $0x1  }
0x199: {  	v13 =	vsub.f32 $0.0e+00, v38;
	v39 =	vpop (erf)  }
0x19a: {  	v19 =	vadd.f32 $1.000000000e+00, v39  }
0x19b: {  	v13 =	vmul.f32 $1.442695020e+00, v13  }
0x19c: {  	(erf) = vrcp.f32 v19  }
0x19d: {  	(erf) = vpow2.f32 v13;
	_ =	sdelay $0x7  }
0x19e: {  	v40 =	vpop (erf)  }
0x19f: {  	v41 =	vpop (erf)  }
0x1a0: {  	v19 =	vadd.f32 $1.000000000e+00, v41;
	_ =	sdelay $0x1  }
0x1a1: {  	(erf) = vrcp.f32 v19;
	_ =	sdelay $0x8  }
0x1a2: {  	v19 =	vpop (erf)  }
0x1a3: {  	v19 =	vadd.f32 $-5.000000000e-01, v19;
	_ =	sdelay $0x1  }
0x1a4: {  	v19 =	vsub.f32 $0.0e+00, v19;
	_ =	sdelay $0x1  }
0x1a5: {  	v19 =	vmul.f32 v19, v10;
	_ =	sdelay $0x1  }
0x1a6: {  	v19 =	vmul.f32 $1.442695020e+00, v19;
	_ =	sdelay $0x1  }
0x1a7: {  	(erf) = vpow2.f32 v19;
	_ =	sdelay $0x6  }
0x1a8: {  	v18 =	vadd.f32 v18, v9;
	_ =	sdelay $0x1  }
0x1a9: {  	v18 =	vsub.f32 $0.0e+00, v18;
	v19 =	vpop (erf)  }
0x1aa: {  	v19 =	vadd.f32 $1.000000000e+00, v19  }
0x1ab: {  	v18 =	vmul.f32 $1.442695020e+00, v18  }
0x1ac: {  	(erf) = vrcp.f32 v19  }
0x1ad: {  	(erf) = vpow2.f32 v18;
	_ =	sdelay $0x7  }
0x1ae: {  	v42 =	vpop (erf)  }
0x1af: {  	v43 =	vpop (erf)  }
0x1b0: {  	v19 =	vadd.f32 $1.000000000e+00, v43;
	_ =	sdelay $0x1  }
0x1b1: {  	(erf) = vrcp.f32 v19;
	_ =	sdelay $0x8  }
0x1b2: {  	v19 =	vpop (erf)  }
0x1b3: {  	v19 =	vadd.f32 $-5.000000000e-01, v19;
	_ =	sdelay $0x1  }
0x1b4: {  	v19 =	vsub.f32 $0.0e+00, v19;
	_ =	sdelay $0x1  }
0x1b5: {  	v19 =	vmul.f32 v19, v10;
	_ =	sdelay $0x1  }
0x1b6: {  	v19 =	vmul.f32 $1.442695020e+00, v19;
	_ =	sdelay $0x1  }
0x1b7: {  	(erf) = vpow2.f32 v19;
	_ =	sdelay $0x6  }
0x1b8: {  	v16 =	vadd.f32 v16, v9;
	_ =	sdelay $0x1  }
0x1b9: {  	v16 =	vsub.f32 $0.0e+00, v16;
	v19 =	vpop (erf)  }
0x1ba: {  	v19 =	vadd.f32 $1.000000000e+00, v19  }
0x1bb: {  	v16 =	vmul.f32 $1.442695020e+00, v16  }
0x1bc: {  	(erf) = vrcp.f32 v19  }
0x1bd: {  	(erf) = vpow2.f32 v16;
	_ =	sdelay $0x7  }
0x1be: {  	v44 =	vpop (erf)  }
0x1bf: {  	v45 =	vpop (erf)  }
0x1c0: {  	v19 =	vadd.f32 $1.000000000e+00, v45;
	_ =	sdelay $0x1  }
0x1c1: {  	(erf) = vrcp.f32 v19;
	_ =	sdelay $0x8  }
0x1c2: {  	v19 =	vpop (erf)  }
0x1c3: {  	v19 =	vadd.f32 $-5.000000000e-01, v19;
	_ =	sdelay $0x1  }
0x1c4: {  	v19 =	vsub.f32 $0.0e+00, v19;
	_ =	sdelay $0x1  }
0x1c5: {  	v19 =	vmul.f32 v19, v10;
	_ =	sdelay $0x1  }
0x1c6: {  	v19 =	vmul.f32 $1.442695020e+00, v19;
	_ =	sdelay $0x1  }
0x1c7: {  	(erf) = vpow2.f32 v19;
	_ =	sdelay $0x6  }
0x1c8: {  	v17 =	vadd.f32 v17, v9;
	_ =	sdelay $0x1  }
0x1c9: {  	v17 =	vsub.f32 $0.0e+00, v17;
	v19 =	vpop (erf)  }
0x1ca: {  	v19 =	vadd.f32 $1.000000000e+00, v19  }
0x1cb: {  	v17 =	vmul.f32 $1.442695020e+00, v17  }
0x1cc: {  	(erf) = vrcp.f32 v19  }
0x1cd: {  	(erf) = vpow2.f32 v17;
	_ =	sdelay $0x7  }
0x1ce: {  	v46 =	vpop (erf)  }
0x1cf: {  	v47 =	vpop (erf)  }
0x1d0: {  	v19 =	vadd.f32 $1.000000000e+00, v47;
	_ =	sdelay $0x1  }
0x1d1: {  	(erf) = vrcp.f32 v19;
	_ =	sdelay $0x8  }
0x1d2: {  	v19 =	vpop (erf)  }
0x1d3: {  	v19 =	vadd.f32 $-5.000000000e-01, v19;
	_ =	sdelay $0x1  }
0x1d4: {  	v19 =	vsub.f32 $0.0e+00, v19;
	_ =	sdelay $0x1  }
0x1d5: {  	v19 =	vmul.f32 v19, v10;
	_ =	sdelay $0x1  }
0x1d6: {  	v19 =	vmul.f32 $1.442695020e+00, v19;
	_ =	sdelay $0x1  }
0x1d7: {  	(erf) = vpow2.f32 v19;
	_ =	sdelay $0x6  }
0x1d8: {  	v15 =	vadd.f32 v15, v9;
	_ =	sdelay $0x1  }
0x1d9: {  	v15 =	vsub.f32 $0.0e+00, v15;
	v19 =	vpop (erf)  }
0x1da: {  	v19 =	vadd.f32 $1.000000000e+00, v19  }
0x1db: {  	v15 =	vmul.f32 $1.442695020e+00, v15  }
0x1dc: {  	(erf) = vrcp.f32 v19  }
0x1dd: {  	(erf) = vpow2.f32 v15;
	_ =	sdelay $0x7  }
0x1de: {  	v48 =	vpop (erf)  }
0x1df: {  	v49 =	vpop (erf)  }
0x1e0: {  	v19 =	vadd.f32 $1.000000000e+00, v49;
	_ =	sdelay $0x1  }
0x1e1: {  	(erf) = vrcp.f32 v19;
	_ =	sdelay $0x8  }
0x1e2: {  	v19 =	vpop (erf)  }
0x1e3: {  	v19 =	vadd.f32 $-5.000000000e-01, v19;
	_ =	sdelay $0x1  }
0x1e4: {  	v19 =	vsub.f32 $0.0e+00, v19;
	_ =	sdelay $0x1  }
0x1e5: {  	v19 =	vmul.f32 v19, v10;
	_ =	sdelay $0x1  }
0x1e6: {  	v19 =	vmul.f32 $1.442695020e+00, v19;
	_ =	sdelay $0x1  }
0x1e7: {  	(erf) = vpow2.f32 v19;
	_ =	sdelay $0x6  }
0x1e8: {  	v14 =	vadd.f32 v14, v9;
	_ =	sdelay $0x1  }
0x1e9: {  	v14 =	vsub.f32 $0.0e+00, v14;
	v19 =	vpop (erf)  }
0x1ea: {  	v19 =	vadd.f32 $1.000000000e+00, v19  }
0x1eb: {  	v14 =	vmul.f32 $1.442695020e+00, v14  }
0x1ec: {  	(erf) = vrcp.f32 v19  }
0x1ed: {  	(erf) = vpow2.f32 v14;
	_ =	sdelay $0x7  }
0x1ee: {  	v50 =	vpop (erf)  }
0x1ef: {  	v51 =	vpop (erf)  }
0x1f0: {  	v19 =	vadd.f32 $1.000000000e+00, v51;
	_ =	sdelay $0x1  }
0x1f1: {  	(erf) = vrcp.f32 v19;
	_ =	sdelay $0x8  }
0x1f2: {  	v19 =	vpop (erf)  }
0x1f3: {  	v19 =	vadd.f32 $-5.000000000e-01, v19;
	_ =	sdelay $0x1  }
0x1f4: {  	v19 =	vsub.f32 $0.0e+00, v19;
	_ =	sdelay $0x1  }
0x1f5: {  	v19 =	vmul.f32 v19, v10;
	_ =	sdelay $0x1  }
0x1f6: {  	v19 =	vmul.f32 $1.442695020e+00, v19;
	_ =	sdelay $0x1  }
0x1f7: {  	(erf) = vpow2.f32 v19;
	_ =	sdelay $0x6  }
0x1f8: {  	v12 =	vadd.f32 v12, v9;
	_ =	sdelay $0x1  }
0x1f9: {  	v12 =	vsub.f32 $0.0e+00, v12;
	v19 =	vpop (erf)  }
0x1fa: {  	v19 =	vadd.f32 $1.000000000e+00, v19  }
0x1fb: {  	v12 =	vmul.f32 $1.442695020e+00, v12  }
0x1fc: {  	(erf) = vrcp.f32 v19  }
0x1fd: {  	(erf) = vpow2.f32 v12;
	_ =	sdelay $0x7  }
0x1fe: {  	v52 =	vpop (erf)  }
0x1ff: {  	v53 =	vpop (erf)  }
0x200: {  	v19 =	vadd.f32 $1.000000000e+00, v53;
	_ =	sdelay $0x1  }
0x201: {  	(erf) = vrcp.f32 v19;
	_ =	sdelay $0x8  }
0x202: {  	v19 =	vpop (erf)  }
0x203: {  	v19 =	vadd.f32 $-5.000000000e-01, v19;
	_ =	sdelay $0x1  }
0x204: {  	v19 =	vsub.f32 $0.0e+00, v19;
	_ =	sdelay $0x1  }
0x205: {  	v19 =	vmul.f32 v19, v10;
	_ =	sdelay $0x1  }
0x206: {  	v19 =	vmul.f32 $1.442695020e+00, v19;
	_ =	sdelay $0x1  }
0x207: {  	(erf) = vpow2.f32 v19;
	_ =	sdelay $0x5  }
0x208: {  	p0 =	slt.u32 s1, $0x27100;
	vm1 =	vmmov vm0;
	s7 =	sor.u32 $0x10, s1;
	vm2 =	vmmov vm0;
	s9 =	sor.u32 $0x20, s1  }
0x209: {  	vm3 =	vmmov vm0;
	vm1 =	vmneg @p0 vm1;
	p1 =	slt.u32 s9, $0x27100;
	v13 =	vpsel !p0, $0x0, v40;
	p0 =	slt.u32 s7, $0x27100  }
0x20a: {  	vm3 =	vmneg @p1 vm3;
	vm2 =	vmneg @p0 vm2;
	vm4 =	vlt.f32 v13, $5.000000000e-01  }
0x20b: {  	vm1 =	vmand vm1, vm4;
	vm4 =	vmmov vm0;
	v18 =	vpsel !p0, $0x0, v42;
	v19 =	vpop (erf)  }
0x20c: {  	v54 =	vsel vm1, $0x3F800000, v8;
	vm1 =	vlt.f32 v18, $5.000000000e-01;
	v19 =	vadd.f32 $1.000000000e+00, v19  }
0x20d: {  	s8 =	sor.u32 $0x30, s1;
	v11 =	vadd.f32 v54, v11;
	vm1 =	vmand vm2, vm1;
	v16 =	vpsel !p1, $0x0, v44  }
0x20e: {  	p0 =	slt.u32 s8, $0x27100;
	v55 =	vsel vm1, $0x3F800000, v8;
	vm1 =	vlt.f32 v16, $5.000000000e-01;
	(erf) = vrcp.f32 v19  }
0x20f: {  	vm4 =	vmneg @p0 vm4;
	v11 =	vadd.f32 v55, v11;
	vm1 =	vmand vm3, vm1  }
0x210: {  	s9 =	sor.u32 $0x40, s1;
	vm2 =	vmmov vm0;
	v56 =	vsel vm1, $0x3F800000, v8;
	v17 =	vpsel !p0, $0x0, v46  }
0x211: {  	vm3 =	vmmov vm0;
	v11 =	vadd.f32 v56, v11;
	p0 =	slt.u32 s9, $0x27100;
	vm1 =	vlt.f32 v17, $5.000000000e-01  }
0x212: {  	[tilespmem:$0x10320] =	vst v13;
	s8 =	sor.u32 $0x50, s1;
	vm2 =	vmneg @p0 vm2;
	vm1 =	vmand vm4, vm1;
	v15 =	vpsel !p0, $0x0, v48  }
0x213: {  	[tilespmem:$0x10330] =	vst v18;
	vm4 =	vmmov vm0;
	v57 =	vsel vm1, $0x3F800000, v8;
	p0 =	slt.u32 s8, $0x27100;
	vm1 =	vlt.f32 v15, $5.000000000e-01  }
0x214: {  	[tilespmem:$0x10340] =	vst v16;
	v11 =	vadd.f32 v57, v11;
	vm1 =	vmand vm2, vm1;
	v14 =	vpsel !p0, $0x0, v50  }
0x215: {  	s9 =	sor.u32 $0x60, s1;
	[tilespmem:$0x10350] =	vst v17;
	vm3 =	vmneg @p0 vm3;
	v58 =	vsel vm1, $0x3F800000, v8;
	vm1 =	vlt.f32 v14, $5.000000000e-01  }
0x216: {  	s8 =	sor.u32 $0x70, s1;
	[tilespmem:$0x10360] =	vst v15;
	vm2 =	vmmov vm0;
	v11 =	vadd.f32 v58, v11;
	p0 =	slt.u32 s9, $0x27100;
	vm1 =	vmand vm3, vm1  }
0x217: {  	s20 =	sadd.s32 $0x1, s20;
	vm4 =	vmneg @p0 vm4;
	[tilespmem:$0x10370] =	vst v14;
	v61 =	vsel vm1, $0x3F800000, v8;
	v12 =	vpsel !p0, $0x0, v52;
	p0 =	slt.u32 s8, $0x27100;
	v59 =	vpop (erf)  }
0x218: {  	s9 =	sshrl.u32 s1, $0x3;
	[tilespmem:$0x10380] =	vst v12;
	vm1 =	vlt.f32 v12, $5.000000000e-01;
	vm2 =	vmneg @p0 vm2;
	v60 =	vpsel !p0, $0x0, v59;
	p0 =	sne.s32 s20, $0x14  }
.Ltmp2:
0x219: {  	s1 =	sadd.s32 s10, s9;
	v11 =	vadd.f32 v61, v11;
	vm1 =	vmand vm4, vm1;
	[tilespmem:$0x10390] =	vst v60;
	(pc) =	sbr.rel @p0 .LBB2_2-.Ltmp2, $4  }
0x21a: {  	v62 =	vsel vm1, $0x3F800000, v8;
	vm1 =	vlt.f32 v60, $5.000000000e-01;
	[hbm4b:s1+s2] =	stream.linear.scatter [tilespmem:s31], [sflag:$0x5], $0x80, $0x38;
	[tilespmem:$0x103B0] =	vst v63  }
0x21b: {  	v11 =	vadd.f32 v62, v11;
	vm1 =	vmand vm2, vm1;
	_ =	swait.ge [sflag:s17], $0x80  }
0x21c: {  	v63 =	vsel vm1, $0x3F800000, v8;
	[sflag:s17] =	ssyncset.done $0x0  }
0x21d: {  	v11 =	vadd.f32 v63, v11;
	[sflag:s17] =	ssyncadd.s32 $0xFFFFFF80  }
0x21e: {  	s19 =	sadd.s32 $0x1, s19  }
0x21f: {  	p0 =	sne.s32 s19, s15  }
.Ltmp3:
0x220: {  	s1 =	simm.s32 $0x103A0;
	[tilespmem:$0x103A0] =	vst v11;
	(pc) =	sbr.rel @p0 .LBB2_1-.Ltmp3, $4  }
0x221: {  	[hbm4b:s14+s2] =	stream.linear.scatter [tilespmem:s1], [sflag:$0x5], $0x10, $0x38;
	[tilespmem:$0x103B0] =	vst v63  }
0x222: {  	_ =	swait.ge [sflag:s17], $0x10  }
0x223: {  	[sflag:s17] =	ssyncset.done $0x0  }
0x224: {  	[sflag:s17] =	ssyncadd.s32 $0xFFFFFFF0  }
0x225: {  	_ =	sfence.sel $0x180000  }
0x226: {  	[bflag:$0x0] =	sbarrier.arrive $0xFFFF  }
0x227: {  	_ =	strace $0x90000047  }
0x228: {  	s0 =	stileid.u32;
	[bflag:$0x2] =	sbarrier.arrive $0xFFFF  }
0x229: {  	p0 =	sne.s32 s0, $0x0;
	s0 =	rddreg [dreg:$0x3]  }
0x22a: {  	s0 =	sadd.s32 @!p0 $0x100000, s0  }
0x22b: {  	[sflag:s0] =	ssyncadd.tile.s32 @!p0 $0x1;
	_ =	shalt  }
.Lfunc_end2:
_tile_overlayer_lowered:
.L_overlay_start_2:
0x22c: {  	(tag) =	ssettag $0x2  }
0x22d: {  	s0 =	rddreg [dreg:$0x0];
	s2 =	stileid.u32  }
0x22e: {  	s1 =	rddreg [dreg:$0x1];
	p0 =	sne.s32 s2, $0x0  }
0x22f: {  	s3 =	rddreg [dreg:$0x2];
	[bflag:$0x3] =	sbarrier.arrive $0xFFFF;
	s2 =	simm.s32 @!p0 $0x1C05  }
0x230: {  	[timem:s3], [sflag:s2] =	dma.local @!p0 [hbm:s0], s1  }
0x231: {  	s0 =	simm.s32 @!p0 $0x5  }
0x232: {  	_ =	swait.ge @!p0 [sflag:s0], s1  }
0x233: {  	s1 =	ssub.s32 @!p0 $0x0, s1;
	[sflag:s0] =	ssyncset.done @!p0 $0x0  }
0x234: {  	[sflag:s0] =	ssyncadd.s32 @!p0 s1  }
0x235: {  	[bflag:$0x3] =	sbarrier.arrive $0xFFFF  }
0x236: {  	_ =	shalt  }

</sc_bundles>
